<compile_context>
chip_gen: v7x
topology: tpu7x:2x2x1
jax: 0.10.2.dev20260603
libtpu: 0.0.44.dev20260713+nightly
codegen_flags: <defaults>
</compile_context>

<pallas_src>
import functools

import jax
import jax.numpy as jnp
from jax import lax
from jax.experimental import pallas as pl
from jax.experimental.pallas import tpu as pltpu
import jax.experimental.pallas.tpu_sc as plsc

_N = 10000
_E = 320000
_H = 8
_NP = 10240
_BK = 128
_NBLK = _E // _BK
_NC = 2
_NS = 16
_NW = _NC * _NS

_ROWS_PER_TILE = _NP // _NS
_SKIP_MUL = False
_NO_GATHER = False


def _aexp(a_s, a_d):
    h, c = a_s.shape
    eye = jnp.eye(h, dtype=a_s.dtype)
    blk_s = (a_s[:, :, None] * eye[:, None, :]).reshape(h * c, h)
    blk_d = (a_d[:, :, None] * eye[:, None, :]).reshape(h * c, h)
    return jnp.concatenate([blk_s, blk_d], axis=1)




def _t1_body(x_ref, w_ref, aexp_ref, xs_ref, al_ref):
    xs = jnp.dot(x_ref[...], w_ref[...], preferred_element_type=jnp.float32)
    xs_ref[...] = xs
    al_ref[...] = jnp.dot(xs, aexp_ref[...], preferred_element_type=jnp.float32)


def _t1_call(x, w, aexp, br=1000):
    n, f = x.shape
    m = w.shape[1]
    grid = n // br
    return pl.pallas_call(
        _t1_body,
        grid=(grid,),
        in_specs=[
            pl.BlockSpec((br, f), lambda i: (i, 0)),
            pl.BlockSpec((f, m), lambda i: (0, 0)),
            pl.BlockSpec((m, 2 * _H), lambda i: (0, 0)),
        ],
        out_specs=[
            pl.BlockSpec((br, m), lambda i: (i, 0)),
            pl.BlockSpec((br, 2 * _H), lambda i: (i, 0)),
        ],
        out_shape=[
            jax.ShapeDtypeStruct((n, m), jnp.float32),
            jax.ShapeDtypeStruct((n, 2 * _H), jnp.float32),
        ],
    )(x, w, aexp)


def _t2_body(a0_ref, a1_ref, xs_ref, d0_ref, d1_ref, e4_ref, w1a_ref,
             w1b_ref, w1c_ref, b1_ref, w2_ref, b2_ref, out_ref, *, final_gelu):
    invd = 1.0 / (d0_ref[:, :8] + d1_ref[:, :8] + 1e-16)
    s0 = jnp.dot(invd[:, :4], e4_ref[...], preferred_element_type=jnp.float32)
    s1 = jnp.dot(invd[:, 4:], e4_ref[...], preferred_element_type=jnp.float32)
    a0 = a0_ref[...] * s0
    a1 = a1_ref[...] * s1
    h = (jnp.dot(a0, w1a_ref[...], preferred_element_type=jnp.float32)
         + jnp.dot(a1, w1b_ref[...], preferred_element_type=jnp.float32)
         + jnp.dot(xs_ref[...], w1c_ref[...], preferred_element_type=jnp.float32)
         + b1_ref[...])
    h = jax.nn.gelu(h)
    o = jnp.dot(h, w2_ref[...], preferred_element_type=jnp.float32) + b2_ref[...]
    out_ref[...] = jax.nn.gelu(o) if final_gelu else o


def _t2_call(a0, a1, xs, d0, d1, e4, w1a, w1b, w1c, b1, w2, b2, final_gelu,
             br=1000):
    n, hcs = a0.shape
    hc = xs.shape[1]
    m1 = w1a.shape[1]
    mo = w2.shape[1]
    grid = n // br
    return pl.pallas_call(
        functools.partial(_t2_body, final_gelu=final_gelu),
        grid=(grid,),
        in_specs=[
            pl.BlockSpec((br, hcs), lambda i: (i, 0)),
            pl.BlockSpec((br, hcs), lambda i: (i, 0)),
            pl.BlockSpec((br, hc), lambda i: (i, 0)),
            pl.BlockSpec((br, 16), lambda i: (i, 0)),
            pl.BlockSpec((br, 16), lambda i: (i, 0)),
            pl.BlockSpec((4, hcs), lambda i: (0, 0)),
            pl.BlockSpec((hcs, m1), lambda i: (0, 0)),
            pl.BlockSpec((hcs, m1), lambda i: (0, 0)),
            pl.BlockSpec((hc, m1), lambda i: (0, 0)),
            pl.BlockSpec((1, m1), lambda i: (0, 0)),
            pl.BlockSpec((m1, mo), lambda i: (0, 0)),
            pl.BlockSpec((1, mo), lambda i: (0, 0)),
        ],
        out_specs=pl.BlockSpec((br, mo), lambda i: (i, 0)),
        out_shape=jax.ShapeDtypeStruct((n, mo), jnp.float32),
    )(a0, a1, xs, d0, d1, e4, w1a, w1b, w1c, b1, w2, b2)




def _tile_blocks(wid, nparts):
    per = _NBLK // nparts
    rem = _NBLK - per * nparts
    base = wid * per + jnp.minimum(wid, rem)
    cnt = per + jnp.where(wid < rem, 1, 0)
    return base, cnt


def _attn_body(al2, al2r, srcb, dstb, exh, denh, sidx, didx, aev, exv, zb, dens):
    cc = lax.axis_index("c")
    ss = lax.axis_index("s")
    wid = cc * _NS + ss

    def _z(i, _):
        zb[i, :] = jnp.zeros((16,), jnp.float32)
        return 0
    lax.fori_loop(0, _BK, _z, 0)
    row0 = ss * _ROWS_PER_TILE
    for k in range(_ROWS_PER_TILE // _BK):
        pltpu.sync_copy(zb, dens.at[pl.ds(row0 + k * _BK, _BK)])
    plsc.subcore_barrier()

    base, cnt = _tile_blocks(wid, _NW)

    def _blk(b, _):
        blk = base + b
        pltpu.sync_copy(srcb.at[blk], sidx)
        pltpu.sync_copy(dstb.at[blk], didx)
        pltpu.sync_copy(al2.at[sidx], aev)
        pltpu.sync_copy(al2r.at[didx], aev, add=True)

        def _e(i, _):
            v = aev[i, :]
            v = jnp.where(v > 0, v, 0.2 * v)
            exv[i, :] = jnp.exp(v)
            return 0
        lax.fori_loop(0, _BK, _e, 0)

        pltpu.sync_copy(exv, exh.at[pl.ds(blk * _BK, _BK)])
        pltpu.sync_copy(exv, dens.at[didx], add=True)
        return 0

    lax.fori_loop(0, cnt, _blk, 0)
    plsc.subcore_barrier()
    pltpu.sync_copy(dens.at[pl.ds(row0, _ROWS_PER_TILE)],
                    denh.at[pl.ds(cc * _NP + row0, _ROWS_PER_TILE)])


def _attn_call(al2, al2r, srcb, dstb):
    mesh = plsc.VectorSubcoreMesh(core_axis_name="c", subcore_axis_name="s")
    f = pl.kernel(
        _attn_body,
        out_type=[
            jax.ShapeDtypeStruct((_E, 16), jnp.float32),
            jax.ShapeDtypeStruct((_NC * _NP, 16), jnp.float32),
        ],
        mesh=mesh,
        scratch_types=[
            pltpu.VMEM((_BK,), jnp.int32),
            pltpu.VMEM((_BK,), jnp.int32),
            pltpu.VMEM((_BK, 16), jnp.float32),
            pltpu.VMEM((_BK, 16), jnp.float32),
            pltpu.VMEM((_BK, 16), jnp.float32),
            pltpu.VMEM_SHARED((_NP, 16), jnp.float32),
        ],
        compiler_params=pltpu.CompilerParams(use_tc_tiling_on_sc=False),
    )
    return f(al2, al2r, srcb, dstb)


def _agg_body(xs2, exh1, srcb2, dstb, aggh, sidx, didx, alf, xsv,
              aggs, *, hcs, c):
    cc = lax.axis_index("c")
    ss = lax.axis_index("s")
    wid = cc * _NS + ss
    nvr = hcs // 16

    def _z(i, _):
        for v in range(nvr):
            xsv[i, pl.ds(v * 16, 16)] = jnp.zeros((16,), jnp.float32)
        return 0
    lax.fori_loop(0, _BK, _z, 0)
    row0 = ss * _ROWS_PER_TILE
    for k in range(_ROWS_PER_TILE // _BK):
        pltpu.sync_copy(xsv, aggs.at[pl.ds(row0 + k * _BK, _BK)])
    plsc.subcore_barrier()

    base, cnt = _tile_blocks(ss, _NS)
    iota = lax.iota(jnp.int32, 16)
    heads = [((v * 16) // c, (v * 16 + 15) // c) for v in range(nvr)]
    masks = [iota < ((heads[v][0] + 1) * c - v * 16) for v in range(nvr)]

    def _blk(b, _):
        blk = base + b
        pltpu.sync_copy(srcb2.at[cc * _NBLK + blk], sidx)
        pltpu.sync_copy(dstb.at[blk], didx)

        pltpu.sync_copy(exh1.at[pl.ds(blk * _BK * 16, _BK * 16)], alf)
        pltpu.sync_copy(xs2.at[sidx], xsv)

        def _mul_loop(cc4):
            def _m(e, _):
                av = alf[pl.ds(e * 16, 16)]
                for v in range(nvr):
                    h_lo, h_hi = heads[v]
                    lo = jnp.full((16,), av[h_lo + cc4], jnp.float32)
                    if h_hi == h_lo:
                        mul = lo
                    else:
                        hi = jnp.full((16,), av[h_hi + cc4], jnp.float32)
                        mul = jnp.where(masks[v], lo, hi)
                    xsv[e, pl.ds(v * 16, 16)] = xsv[e, pl.ds(v * 16, 16)] * mul
                return 0
            lax.fori_loop(0, _BK, _m, 0)

        @pl.when(cc == 0)
        def _c0():
            _mul_loop(0)

        @pl.when(cc == 1)
        def _c1():
            _mul_loop(_H // _NC)

        pltpu.sync_copy(xsv, aggs.at[didx], add=True)
        return 0

    lax.fori_loop(0, cnt, _blk, 0)
    plsc.subcore_barrier()
    pltpu.sync_copy(aggs.at[pl.ds(row0, _ROWS_PER_TILE)],
                    aggh.at[pl.ds(cc * _NP + row0, _ROWS_PER_TILE)])


def _agg_call(xs2, exh1, srcb2, dstb, hcs, c):
    mesh = plsc.VectorSubcoreMesh(core_axis_name="c", subcore_axis_name="s")
    f = pl.kernel(
        functools.partial(_agg_body, hcs=hcs, c=c),
        out_type=jax.ShapeDtypeStruct((_NC * _NP, hcs), jnp.float32),
        mesh=mesh,
        scratch_types=[
            pltpu.VMEM((_BK,), jnp.int32),
            pltpu.VMEM((_BK,), jnp.int32),
            pltpu.VMEM((_BK * 16,), jnp.float32),
            pltpu.VMEM((_BK, hcs), jnp.float32),
            pltpu.VMEM_SHARED((_NP, hcs), jnp.float32),
        ],
        compiler_params=pltpu.CompilerParams(use_tc_tiling_on_sc=False),
    )
    return f(xs2, exh1, srcb2, dstb)




def _layer(x, srcb, dstb, w, a_s, a_d, pw1, pb1, pw2, pb2, b, concat):
    n = x.shape[0]
    h, c = a_s.shape
    hc = h * c
    hcs = hc // _NC

    xs, al = _t1_call(x, w, _aexp(a_s, a_d))
    al2r = jnp.concatenate([al[:, h:], al[:, :h]], axis=1)

    ex, den2 = _attn_call(al, al2r, srcb, dstb)
    exf = ex.reshape(_E * 16)

    xs2 = jnp.concatenate([xs[:, :hcs], xs[:, hcs:]], axis=0)
    srcb2 = jnp.concatenate([srcb, srcb + _N], axis=0)
    agg2 = _agg_call(xs2, exf, srcb2, dstb, hcs, c)
    agg0 = agg2[:n]
    agg1 = agg2[_NP:_NP + n]
    d0 = den2[:n]
    d1 = den2[_NP:_NP + n]
    e4 = jnp.repeat(jnp.eye(4, dtype=jnp.float32), c, axis=1)

    w1a = pw1[:hcs]
    w1b = pw1[hcs:hc]
    w1c = pw1[hc:]
    if concat:
        b2 = (pb2 + b).reshape(1, hc)
        return _t2_call(agg0, agg1, xs, d0, d1, e4, w1a, w1b, w1c,
                        pb1.reshape(1, hc), pw2, b2, final_gelu=True)
    w2 = pw2.reshape(hc, h, c).mean(axis=1)
    b2 = (pb2.reshape(h, c).mean(axis=0) + b).reshape(1, c)
    return _t2_call(agg0, agg1, xs, d0, d1, e4, w1a, w1b, w1c,
                    pb1.reshape(1, hc), w2, b2, final_gelu=False)


def kernel(x, edge_index, W_src0, att_src0, att_dst0, phiW1_0, phib1_0,
           phiW2_0, phib2_0, bias0, W_src1, att_src1, att_dst1, phiW1_1,
           phib1_1, phiW2_1, phib2_1, bias1):
    srcb = edge_index[0].reshape(_NBLK, _BK)
    dstb = edge_index[1].reshape(_NBLK, _BK)
    h0 = _layer(x, srcb, dstb, W_src0, att_src0, att_dst0, phiW1_0, phib1_0,
                phiW2_0, phib2_0, bias0, True)
    out = _layer(h0, srcb, dstb, W_src1, att_src1, att_dst1, phiW1_1,
                 phib1_1, phiW2_1, phib2_1, bias1, False)
    return out

# --- scband reference (transcript-rebuilt; emitter-appended) ---
"""Pipeline reference for scband-simple-model-26414048870998 (READ-ONLY COPY).

The authoritative reference and input builder live on the scoring server;
editing this copy changes nothing except your own understanding.
"""

import jax, jax.numpy as jnp
import numpy as np

N = 10000
E = 320000
NFEAT = 128
H = 8
C0 = 16
NLABEL = 40

def _glorot(key, shape):
    fan_in, fan_out = shape[0], shape[-1]
    s = np.sqrt(6.0 / (fan_in + fan_out))
    return jax.random.uniform(key, shape, dtype=jnp.float32, minval=-s, maxval=s)

def setup_inputs(seed: int = 0):
    key = jax.random.key(seed)
    ks = jax.random.split(key, 20)
    HC0 = H * C0
    HC1 = H * NLABEL
    return {
        "x": jax.random.normal(ks[0], (N, NFEAT), dtype=jnp.float32),
        "edge_index": jax.random.randint(ks[1], (2, E), 0, N, dtype=jnp.int32),
        "W_src0": _glorot(ks[2], (NFEAT, HC0)),
        "att_src0": _glorot(ks[3], (H, C0)),
        "att_dst0": _glorot(ks[4], (H, C0)),
        "phiW1_0": _glorot(ks[5], (2 * HC0, HC0)),
        "phib1_0": jnp.zeros((HC0,), jnp.float32),
        "phiW2_0": _glorot(ks[6], (HC0, HC0)),
        "phib2_0": jnp.zeros((HC0,), jnp.float32),
        "bias0": jnp.zeros((HC0,), jnp.float32),
        "W_src1": _glorot(ks[7], (HC0, HC1)),
        "att_src1": _glorot(ks[8], (H, NLABEL)),
        "att_dst1": _glorot(ks[9], (H, NLABEL)),
        "phiW1_1": _glorot(ks[10], (2 * HC1, HC1)),
        "phib1_1": jnp.zeros((HC1,), jnp.float32),
        "phiW2_1": _glorot(ks[11], (HC1, HC1)),
        "phib2_1": jnp.zeros((HC1,), jnp.float32),
        "bias1": jnp.zeros((NLABEL,), jnp.float32),
    }

def _gatsep_layer(x, edge_index, W, a_s, a_d, pw1, pb1, pw2, pb2, b, concat):
    n = x.shape[0]
    h, c = a_s.shape
    xs = (x @ W).reshape(n, h, c)
    src = edge_index[0]
    dst = edge_index[1]
    al_s = (xs * a_s[None]).sum(-1)
    al_d = (xs * a_d[None]).sum(-1)
    ae = al_s[src] + al_d[dst]
    ae = jnp.where(ae > 0, ae, 0.2 * ae)
    m = jax.ops.segment_max(ae, dst, num_segments=n)
    m = jnp.where(jnp.isfinite(m), m, 0.0)
    ex = jnp.exp(ae - m[dst])
    den = jax.ops.segment_sum(ex, dst, num_segments=n)
    alpha = ex / (den[dst] + 1e-16)
    msg = alpha[:, :, None] * xs[src]
    agg = jax.ops.segment_sum(msg, dst, num_segments=n)
    emb = jnp.concatenate([agg.reshape(n, h * c), xs.reshape(n, h * c)], axis=-1)
    hid = jax.nn.gelu(emb @ pw1 + pb1)
    out = (hid @ pw2 + pb2).reshape(n, h, c)
    if concat:
        return out.reshape(n, h * c) + b
    return out.mean(axis=1) + b

def reference(x, edge_index, W_src0, att_src0, att_dst0, phiW1_0, phib1_0, phiW2_0, phib2_0, bias0, W_src1, att_src1, att_dst1, phiW1_1, phib1_1, phiW2_1, phib2_1, bias1):
    h0 = _gatsep_layer(x, edge_index, W_src0, att_src0, att_dst0, phiW1_0, phib1_0, phiW2_0, phib2_0, bias0, True)
    h0 = jax.nn.gelu(h0)
    out = _gatsep_layer(h0, edge_index, W_src1, att_src1, att_dst1, phiW1_1, phib1_1, phiW2_1, phib2_1, bias1, False)
    return out

if __name__ == "__main__":
    import jax
    _d = setup_inputs()
    print(jax.jit(kernel)(*tuple(_d.values())))

</pallas_src>

<mosaic_0001>
#map = affine_map<(d0, d1) -> (0, 0)>
module attributes {stable_mosaic.version = 14 : i64} {
  func.func @_attn_body(%arg0: i32, %arg1: i32, %arg2: memref<10000x16xf32, #tpu.memory_space<hbm>>, %arg3: memref<10000x16xf32, #tpu.memory_space<hbm>>, %arg4: memref<2500x128xi32, #tpu.memory_space<hbm>>, %arg5: memref<2500x128xi32, #tpu.memory_space<hbm>>, %arg6: memref<320000x16xf32, #tpu.memory_space<hbm>>, %arg7: memref<20480x16xf32, #tpu.memory_space<hbm>>, %arg8: memref<128xi32, #tpu.memory_space<vmem>>, %arg9: memref<128xi32, #tpu.memory_space<vmem>>, %arg10: memref<128x16xf32, #tpu.memory_space<vmem>>, %arg11: memref<128x16xf32, #tpu.memory_space<vmem>>, %arg12: memref<128x16xf32, #tpu.memory_space<vmem>>, %arg13: memref<10240x16xf32, #tpu.memory_space<vmem_shared>>) attributes {dimension_semantics = [#tpu.dimension_semantics<core_parallel>, #tpu.dimension_semantics<subcore_parallel>], iteration_bounds = array<i64: 2, 16>, scalar_prefetch = 0 : i64, scratch_operands = 6 : i64, tpu.core_type = #tpu.core_type<sc_vector_subcore>, window_params = [{transform_indices = #map}, {transform_indices = #map}, {transform_indices = #map}, {transform_indices = #map}, {transform_indices = #map}, {transform_indices = #map}]} {
    %mul3A = arith.constant 16 : i32
    %mul3A_0 = arith.muli %arg0, %mul3A : i32
    %add3A = arith.addi %mul3A_0, %arg1 : i32
    %scan3A = arith.constant 0 : i32
    %scan3A_1 = arith.constant 0 : i32
    %scan3A_2 = arith.constant 128 : i32
    %scan3A_3 = arith.addi %scan3A_1, %scan3A_2 : i32
    %scan3A_4 = arith.constant 1 : i32
    %scan3A_5 = scf.for %scan3A_42 = %scan3A_1 to %scan3A_3 step %scan3A_4 iter_args(%scan3A_43 = %scan3A) -> (i32)  : i32 {
      %broadcast_in_dim3A = arith.constant 0.000000e+00 : f32
      %broadcast_in_dim3A_44 = vector.broadcast %broadcast_in_dim3A : f32 to vector<16xf32>
      %swap3A = arith.index_cast %scan3A_42 : i32 to index
      %swap3A_45 = arith.constant 0 : index
      %swap3A_46 = tpu.vector_load %arg12[%swap3A, %swap3A_45] {strides = array<i32>} : memref<128x16xf32, #tpu.memory_space<vmem>>, vector<1x16xf32>,
      %swap3A_47 = vector.shape_cast %swap3A_46 : vector<1x16xf32> to vector<16xf32>
      %swap3A_48 = vector.shape_cast %broadcast_in_dim3A_44 : vector<16xf32> to vector<1x16xf32>
      tpu.vector_store %arg12[%swap3A, %swap3A_45], %swap3A_48 {strides = array<i32>} : memref<128x16xf32, #tpu.memory_space<vmem>>, vector<1x16xf32>,
      %scan3A_49 = arith.constant 0 : i32
      scf.yield %scan3A_49 : i32
    }
    %scan3A_6 = arith.constant 128 : i32
    %mul3A_7 = arith.constant 640 : i32
    %mul3A_8 = arith.muli %arg1, %mul3A_7 : i32
    %add3A_9 = arith.constant 0 : i32
    %add3A_10 = arith.addi %mul3A_8, %add3A_9 : i32
    "tpu.region"() ({
      %run_scoped3A = tpu.sem_alloc : memref<!tpu.dma_semaphore, #tpu.memory_space<semaphore_mem>>
      %dma_start3A = arith.constant 0 : i32
      %dma_start3A_42 = tpu.memref_slice %arg13[%add3A_10, %dma_start3A] : memref<10240x16xf32, #tpu.memory_space<vmem_shared>> -> memref<128x16xf32, #tpu.memory_space<vmem_shared>>
      %dma_start3A_43 = arith.constant 0 : i32
      %dma_start3A_44 = tpu.memref_slice %arg13[%add3A_10, %dma_start3A_43] : memref<10240x16xf32, #tpu.memory_space<vmem_shared>> -> memref<128x16xf32, #tpu.memory_space<vmem_shared>>
      tpu.enqueue_dma source(%arg12 : memref<128x16xf32, #tpu.memory_space<vmem>>) target(%dma_start3A_44 : memref<128x16xf32, #tpu.memory_space<vmem_shared>>) target_semaphore(%run_scoped3A : memref<!tpu.dma_semaphore, #tpu.memory_space<semaphore_mem>>)
      %dma_wait3A = arith.constant 0 : i32
      %dma_wait3A_45 = tpu.memref_slice %arg13[%add3A_10, %dma_wait3A] : memref<10240x16xf32, #tpu.memory_space<vmem_shared>> -> memref<128x16xf32, #tpu.memory_space<vmem_shared>>
      %dma_wait3A_46 = arith.constant 0 : i32
      %dma_wait3A_47 = tpu.memref_slice %arg13[%add3A_10, %dma_wait3A_46] : memref<10240x16xf32, #tpu.memory_space<vmem_shared>> -> memref<128x16xf32, #tpu.memory_space<vmem_shared>>
      tpu.wait_dma2 semaphore(%run_scoped3A : memref<!tpu.dma_semaphore, #tpu.memory_space<semaphore_mem>>) src(%arg12 : memref<128x16xf32, #tpu.memory_space<vmem>>) dst(%dma_wait3A_47 : memref<128x16xf32, #tpu.memory_space<vmem_shared>>)
      tpu.yield
    }) : () -> ()
    %add3A_11 = arith.constant 128 : i32
    %add3A_12 = arith.addi %mul3A_8, %add3A_11 : i32
    "tpu.region"() ({
      %run_scoped3A = tpu.sem_alloc : memref<!tpu.dma_semaphore, #tpu.memory_space<semaphore_mem>>
      %dma_start3A = arith.constant 0 : i32
      %dma_start3A_42 = tpu.memref_slice %arg13[%add3A_12, %dma_start3A] : memref<10240x16xf32, #tpu.memory_space<vmem_shared>> -> memref<128x16xf32, #tpu.memory_space<vmem_shared>>
      %dma_start3A_43 = arith.constant 0 : i32
      %dma_start3A_44 = tpu.memref_slice %arg13[%add3A_12, %dma_start3A_43] : memref<10240x16xf32, #tpu.memory_space<vmem_shared>> -> memref<128x16xf32, #tpu.memory_space<vmem_shared>>
      tpu.enqueue_dma source(%arg12 : memref<128x16xf32, #tpu.memory_space<vmem>>) target(%dma_start3A_44 : memref<128x16xf32, #tpu.memory_space<vmem_shared>>) target_semaphore(%run_scoped3A : memref<!tpu.dma_semaphore, #tpu.memory_space<semaphore_mem>>)
      %dma_wait3A = arith.constant 0 : i32
      %dma_wait3A_45 = tpu.memref_slice %arg13[%add3A_12, %dma_wait3A] : memref<10240x16xf32, #tpu.memory_space<vmem_shared>> -> memref<128x16xf32, #tpu.memory_space<vmem_shared>>
      %dma_wait3A_46 = arith.constant 0 : i32
      %dma_wait3A_47 = tpu.memref_slice %arg13[%add3A_12, %dma_wait3A_46] : memref<10240x16xf32, #tpu.memory_space<vmem_shared>> -> memref<128x16xf32, #tpu.memory_space<vmem_shared>>
      tpu.wait_dma2 semaphore(%run_scoped3A : memref<!tpu.dma_semaphore, #tpu.memory_space<semaphore_mem>>) src(%arg12 : memref<128x16xf32, #tpu.memory_space<vmem>>) dst(%dma_wait3A_47 : memref<128x16xf32, #tpu.memory_space<vmem_shared>>)
      tpu.yield
    }) : () -> ()
    %add3A_13 = arith.constant 256 : i32
    %add3A_14 = arith.addi %mul3A_8, %add3A_13 : i32
    "tpu.region"() ({
      %run_scoped3A = tpu.sem_alloc : memref<!tpu.dma_semaphore, #tpu.memory_space<semaphore_mem>>
      %dma_start3A = arith.constant 0 : i32
      %dma_start3A_42 = tpu.memref_slice %arg13[%add3A_14, %dma_start3A] : memref<10240x16xf32, #tpu.memory_space<vmem_shared>> -> memref<128x16xf32, #tpu.memory_space<vmem_shared>>
      %dma_start3A_43 = arith.constant 0 : i32
      %dma_start3A_44 = tpu.memref_slice %arg13[%add3A_14, %dma_start3A_43] : memref<10240x16xf32, #tpu.memory_space<vmem_shared>> -> memref<128x16xf32, #tpu.memory_space<vmem_shared>>
      tpu.enqueue_dma source(%arg12 : memref<128x16xf32, #tpu.memory_space<vmem>>) target(%dma_start3A_44 : memref<128x16xf32, #tpu.memory_space<vmem_shared>>) target_semaphore(%run_scoped3A : memref<!tpu.dma_semaphore, #tpu.memory_space<semaphore_mem>>)
      %dma_wait3A = arith.constant 0 : i32
      %dma_wait3A_45 = tpu.memref_slice %arg13[%add3A_14, %dma_wait3A] : memref<10240x16xf32, #tpu.memory_space<vmem_shared>> -> memref<128x16xf32, #tpu.memory_space<vmem_shared>>
      %dma_wait3A_46 = arith.constant 0 : i32
      %dma_wait3A_47 = tpu.memref_slice %arg13[%add3A_14, %dma_wait3A_46] : memref<10240x16xf32, #tpu.memory_space<vmem_shared>> -> memref<128x16xf32, #tpu.memory_space<vmem_shared>>
      tpu.wait_dma2 semaphore(%run_scoped3A : memref<!tpu.dma_semaphore, #tpu.memory_space<semaphore_mem>>) src(%arg12 : memref<128x16xf32, #tpu.memory_space<vmem>>) dst(%dma_wait3A_47 : memref<128x16xf32, #tpu.memory_space<vmem_shared>>)
      tpu.yield
    }) : () -> ()
    %add3A_15 = arith.constant 384 : i32
    %add3A_16 = arith.addi %mul3A_8, %add3A_15 : i32
    "tpu.region"() ({
      %run_scoped3A = tpu.sem_alloc : memref<!tpu.dma_semaphore, #tpu.memory_space<semaphore_mem>>
      %dma_start3A = arith.constant 0 : i32
      %dma_start3A_42 = tpu.memref_slice %arg13[%add3A_16, %dma_start3A] : memref<10240x16xf32, #tpu.memory_space<vmem_shared>> -> memref<128x16xf32, #tpu.memory_space<vmem_shared>>
      %dma_start3A_43 = arith.constant 0 : i32
      %dma_start3A_44 = tpu.memref_slice %arg13[%add3A_16, %dma_start3A_43] : memref<10240x16xf32, #tpu.memory_space<vmem_shared>> -> memref<128x16xf32, #tpu.memory_space<vmem_shared>>
      tpu.enqueue_dma source(%arg12 : memref<128x16xf32, #tpu.memory_space<vmem>>) target(%dma_start3A_44 : memref<128x16xf32, #tpu.memory_space<vmem_shared>>) target_semaphore(%run_scoped3A : memref<!tpu.dma_semaphore, #tpu.memory_space<semaphore_mem>>)
      %dma_wait3A = arith.constant 0 : i32
      %dma_wait3A_45 = tpu.memref_slice %arg13[%add3A_16, %dma_wait3A] : memref<10240x16xf32, #tpu.memory_space<vmem_shared>> -> memref<128x16xf32, #tpu.memory_space<vmem_shared>>
      %dma_wait3A_46 = arith.constant 0 : i32
      %dma_wait3A_47 = tpu.memref_slice %arg13[%add3A_16, %dma_wait3A_46] : memref<10240x16xf32, #tpu.memory_space<vmem_shared>> -> memref<128x16xf32, #tpu.memory_space<vmem_shared>>
      tpu.wait_dma2 semaphore(%run_scoped3A : memref<!tpu.dma_semaphore, #tpu.memory_space<semaphore_mem>>) src(%arg12 : memref<128x16xf32, #tpu.memory_space<vmem>>) dst(%dma_wait3A_47 : memref<128x16xf32, #tpu.memory_space<vmem_shared>>)
      tpu.yield
    }) : () -> ()
    %add3A_17 = arith.constant 512 : i32
    %add3A_18 = arith.addi %mul3A_8, %add3A_17 : i32
    "tpu.region"() ({
      %run_scoped3A = tpu.sem_alloc : memref<!tpu.dma_semaphore, #tpu.memory_space<semaphore_mem>>
      %dma_start3A = arith.constant 0 : i32
      %dma_start3A_42 = tpu.memref_slice %arg13[%add3A_18, %dma_start3A] : memref<10240x16xf32, #tpu.memory_space<vmem_shared>> -> memref<128x16xf32, #tpu.memory_space<vmem_shared>>
      %dma_start3A_43 = arith.constant 0 : i32
      %dma_start3A_44 = tpu.memref_slice %arg13[%add3A_18, %dma_start3A_43] : memref<10240x16xf32, #tpu.memory_space<vmem_shared>> -> memref<128x16xf32, #tpu.memory_space<vmem_shared>>
      tpu.enqueue_dma source(%arg12 : memref<128x16xf32, #tpu.memory_space<vmem>>) target(%dma_start3A_44 : memref<128x16xf32, #tpu.memory_space<vmem_shared>>) target_semaphore(%run_scoped3A : memref<!tpu.dma_semaphore, #tpu.memory_space<semaphore_mem>>)
      %dma_wait3A = arith.constant 0 : i32
      %dma_wait3A_45 = tpu.memref_slice %arg13[%add3A_18, %dma_wait3A] : memref<10240x16xf32, #tpu.memory_space<vmem_shared>> -> memref<128x16xf32, #tpu.memory_space<vmem_shared>>
      %dma_wait3A_46 = arith.constant 0 : i32
      %dma_wait3A_47 = tpu.memref_slice %arg13[%add3A_18, %dma_wait3A_46] : memref<10240x16xf32, #tpu.memory_space<vmem_shared>> -> memref<128x16xf32, #tpu.memory_space<vmem_shared>>
      tpu.wait_dma2 semaphore(%run_scoped3A : memref<!tpu.dma_semaphore, #tpu.memory_space<semaphore_mem>>) src(%arg12 : memref<128x16xf32, #tpu.memory_space<vmem>>) dst(%dma_wait3A_47 : memref<128x16xf32, #tpu.memory_space<vmem_shared>>)
      tpu.yield
    }) : () -> ()
    %barrier3A = arith.constant 0 : index
    tpu.barrier barrier_id(%barrier3A)
    %mul3A_19 = arith.constant 78 : i32
    %mul3A_20 = arith.muli %add3A, %mul3A_19 : i32
    %min3A = arith.constant 4 : i32
    %min3A_21 = arith.minsi %add3A, %min3A : i32
    %add3A_22 = arith.addi %mul3A_20, %min3A_21 : i32
    %lt3A = arith.constant 4 : i32
    %lt3A_23 = arith.cmpi slt, %add3A, %lt3A : i32
    %jit3A = arith.constant 1 : i32
    %jit3A_24 = arith.constant 0 : i32
    %select_n3A = arith.select %lt3A_23, %jit3A, %jit3A_24 : i32
    %add3A_25 = arith.constant 78 : i32
    %add3A_26 = arith.addi %add3A_25, %select_n3A : i32
    %while3A = arith.constant 0 : i32
    %while3A_27 = arith.constant 0 : i32
    %while3A_28 = arith.subi %add3A_26, %while3A : i32
    %while3A_29 = arith.addi %while3A, %while3A_28 : i32
    %while3A_30 = arith.constant 1 : i32
    %while3A_31 = arith.divsi %while3A_28, %while3A_30 : i32
    %while3A_32 = arith.muli %while3A_31, %while3A_30 : i32
    %while3A_33 = arith.addi %while3A, %while3A_32 : i32
    %while3A_34 = arith.constant 1 : i32
    %while3A_35 = scf.for %while3A_42 = %while3A to %while3A_33 step %while3A_34 iter_args(%while3A_43 = %while3A_27) -> (i32)  : i32 {
      %add3A_44 = arith.addi %add3A_22, %while3A_42 : i32
      "tpu.region"() ({
        %run_scoped3A = tpu.sem_alloc : memref<!tpu.dma_semaphore, #tpu.memory_space<semaphore_mem>>
        %dma_start3A = arith.constant 0 : i32
        %dma_start3A_55 = tpu.memref_slice %arg4[%add3A_44, %dma_start3A] : memref<2500x128xi32, #tpu.memory_space<hbm>> -> memref<1x128xi32, #tpu.memory_space<hbm>>
        %dma_start3A_56 = tpu.memref_squeeze %dma_start3A_55 : memref<1x128xi32, #tpu.memory_space<hbm>> -> memref<128xi32, #tpu.memory_space<hbm>>
        %dma_start3A_57 = arith.constant 0 : i32
        %dma_start3A_58 = tpu.memref_slice %arg4[%add3A_44, %dma_start3A_57] : memref<2500x128xi32, #tpu.memory_space<hbm>> -> memref<1x128xi32, #tpu.memory_space<hbm>>
        %dma_start3A_59 = tpu.memref_squeeze %dma_start3A_58 : memref<1x128xi32, #tpu.memory_space<hbm>> -> memref<128xi32, #tpu.memory_space<hbm>>
        tpu.enqueue_dma source(%dma_start3A_59 : memref<128xi32, #tpu.memory_space<hbm>>) target(%arg8 : memref<128xi32, #tpu.memory_space<vmem>>) target_semaphore(%run_scoped3A : memref<!tpu.dma_semaphore, #tpu.memory_space<semaphore_mem>>)
        %dma_wait3A = arith.constant 0 : i32
        %dma_wait3A_60 = tpu.memref_slice %arg4[%add3A_44, %dma_wait3A] : memref<2500x128xi32, #tpu.memory_space<hbm>> -> memref<1x128xi32, #tpu.memory_space<hbm>>
        %dma_wait3A_61 = tpu.memref_squeeze %dma_wait3A_60 : memref<1x128xi32, #tpu.memory_space<hbm>> -> memref<128xi32, #tpu.memory_space<hbm>>
        %dma_wait3A_62 = arith.constant 0 : i32
        %dma_wait3A_63 = tpu.memref_slice %arg4[%add3A_44, %dma_wait3A_62] : memref<2500x128xi32, #tpu.memory_space<hbm>> -> memref<1x128xi32, #tpu.memory_space<hbm>>
        %dma_wait3A_64 = tpu.memref_squeeze %dma_wait3A_63 : memref<1x128xi32, #tpu.memory_space<hbm>> -> memref<128xi32, #tpu.memory_space<hbm>>
        tpu.wait_dma2 semaphore(%run_scoped3A : memref<!tpu.dma_semaphore, #tpu.memory_space<semaphore_mem>>) src(%dma_wait3A_64 : memref<128xi32, #tpu.memory_space<hbm>>) dst(%arg8 : memref<128xi32, #tpu.memory_space<vmem>>)
        tpu.yield
      }) : () -> ()
      "tpu.region"() ({
        %run_scoped3A = tpu.sem_alloc : memref<!tpu.dma_semaphore, #tpu.memory_space<semaphore_mem>>
        %dma_start3A = arith.constant 0 : i32
        %dma_start3A_55 = tpu.memref_slice %arg5[%add3A_44, %dma_start3A] : memref<2500x128xi32, #tpu.memory_space<hbm>> -> memref<1x128xi32, #tpu.memory_space<hbm>>
        %dma_start3A_56 = tpu.memref_squeeze %dma_start3A_55 : memref<1x128xi32, #tpu.memory_space<hbm>> -> memref<128xi32, #tpu.memory_space<hbm>>
        %dma_start3A_57 = arith.constant 0 : i32
        %dma_start3A_58 = tpu.memref_slice %arg5[%add3A_44, %dma_start3A_57] : memref<2500x128xi32, #tpu.memory_space<hbm>> -> memref<1x128xi32, #tpu.memory_space<hbm>>
        %dma_start3A_59 = tpu.memref_squeeze %dma_start3A_58 : memref<1x128xi32, #tpu.memory_space<hbm>> -> memref<128xi32, #tpu.memory_space<hbm>>
        tpu.enqueue_dma source(%dma_start3A_59 : memref<128xi32, #tpu.memory_space<hbm>>) target(%arg9 : memref<128xi32, #tpu.memory_space<vmem>>) target_semaphore(%run_scoped3A : memref<!tpu.dma_semaphore, #tpu.memory_space<semaphore_mem>>)
        %dma_wait3A = arith.constant 0 : i32
        %dma_wait3A_60 = tpu.memref_slice %arg5[%add3A_44, %dma_wait3A] : memref<2500x128xi32, #tpu.memory_space<hbm>> -> memref<1x128xi32, #tpu.memory_space<hbm>>
        %dma_wait3A_61 = tpu.memref_squeeze %dma_wait3A_60 : memref<1x128xi32, #tpu.memory_space<hbm>> -> memref<128xi32, #tpu.memory_space<hbm>>
        %dma_wait3A_62 = arith.constant 0 : i32
        %dma_wait3A_63 = tpu.memref_slice %arg5[%add3A_44, %dma_wait3A_62] : memref<2500x128xi32, #tpu.memory_space<hbm>> -> memref<1x128xi32, #tpu.memory_space<hbm>>
        %dma_wait3A_64 = tpu.memref_squeeze %dma_wait3A_63 : memref<1x128xi32, #tpu.memory_space<hbm>> -> memref<128xi32, #tpu.memory_space<hbm>>
        tpu.wait_dma2 semaphore(%run_scoped3A : memref<!tpu.dma_semaphore, #tpu.memory_space<semaphore_mem>>) src(%dma_wait3A_64 : memref<128xi32, #tpu.memory_space<hbm>>) dst(%arg9 : memref<128xi32, #tpu.memory_space<vmem>>)
        tpu.yield
      }) : () -> ()
      "tpu.region"() ({
        %run_scoped3A = tpu.sem_alloc : memref<!tpu.dma_semaphore, #tpu.memory_space<semaphore_mem>>
        %dma_start3A = arith.constant 0 : i32
        %dma_start3A_55 = arith.constant 0 : i32
        %dma_start3A_56 = tpu.memref_slice %arg2[%dma_start3A, %dma_start3A_55] : memref<10000x16xf32, #tpu.memory_space<hbm>> -> memref<10000x16xf32, #tpu.memory_space<hbm>>
        tpu.enqueue_indirect_dma source(%dma_start3A_56 : memref<10000x16xf32, #tpu.memory_space<hbm>>) target(%arg10 : memref<128x16xf32, #tpu.memory_space<vmem>>) offsets(%arg8 : memref<128xi32, #tpu.memory_space<vmem>>) semaphore(%run_scoped3A : memref<!tpu.dma_semaphore, #tpu.memory_space<semaphore_mem>>)
        %dma_wait3A = arith.constant 0 : i32
        %dma_wait3A_57 = arith.constant 0 : i32
        %dma_wait3A_58 = tpu.memref_slice %arg2[%dma_wait3A, %dma_wait3A_57] : memref<10000x16xf32, #tpu.memory_space<hbm>> -> memref<10000x16xf32, #tpu.memory_space<hbm>>
        tpu.wait_indirect_dma semaphore(%run_scoped3A : memref<!tpu.dma_semaphore, #tpu.memory_space<semaphore_mem>>) src(%dma_wait3A_58 : memref<10000x16xf32, #tpu.memory_space<hbm>>) dst(%arg10 : memref<128x16xf32, #tpu.memory_space<vmem>>)
        tpu.yield
      }) : () -> ()
      "tpu.region"() ({
        %run_scoped3A = tpu.sem_alloc : memref<!tpu.dma_semaphore, #tpu.memory_space<semaphore_mem>>
        %dma_start3A = arith.constant 0 : i32
        %dma_start3A_55 = arith.constant 0 : i32
        %dma_start3A_56 = tpu.memref_slice %arg3[%dma_start3A, %dma_start3A_55] : memref<10000x16xf32, #tpu.memory_space<hbm>> -> memref<10000x16xf32, #tpu.memory_space<hbm>>
        tpu.enqueue_indirect_dma source(%dma_start3A_56 : memref<10000x16xf32, #tpu.memory_space<hbm>>) target(%arg10 : memref<128x16xf32, #tpu.memory_space<vmem>>) offsets(%arg9 : memref<128xi32, #tpu.memory_space<vmem>>) semaphore(%run_scoped3A : memref<!tpu.dma_semaphore, #tpu.memory_space<semaphore_mem>>) {add = true}
        %dma_wait3A = arith.constant 0 : i32
        %dma_wait3A_57 = arith.constant 0 : i32
        %dma_wait3A_58 = tpu.memref_slice %arg3[%dma_wait3A, %dma_wait3A_57] : memref<10000x16xf32, #tpu.memory_space<hbm>> -> memref<10000x16xf32, #tpu.memory_space<hbm>>
        tpu.wait_indirect_dma semaphore(%run_scoped3A : memref<!tpu.dma_semaphore, #tpu.memory_space<semaphore_mem>>) src(%dma_wait3A_58 : memref<10000x16xf32, #tpu.memory_space<hbm>>) dst(%arg10 : memref<128x16xf32, #tpu.memory_space<vmem>>)
        tpu.yield
      }) : () -> ()
      %scan3A_45 = arith.constant 0 : i32
      %scan3A_46 = arith.constant 0 : i32
      %scan3A_47 = arith.constant 128 : i32
      %scan3A_48 = arith.addi %scan3A_46, %scan3A_47 : i32
      %scan3A_49 = arith.constant 1 : i32
      %scan3A_50 = scf.for %scan3A_55 = %scan3A_46 to %scan3A_48 step %scan3A_49 iter_args(%scan3A_56 = %scan3A_45) -> (i32)  : i32 {
        %get3A = arith.index_cast %scan3A_55 : i32 to index
        %get3A_57 = arith.constant 0 : index
        %get3A_58 = tpu.vector_load %arg10[%get3A, %get3A_57] {strides = array<i32>} : memref<128x16xf32, #tpu.memory_space<vmem>>, vector<1x16xf32>,
        %get3A_59 = vector.shape_cast %get3A_58 : vector<1x16xf32> to vector<16xf32>
        %gt3A = arith.constant 0.000000e+00 : f32
        %gt3A_60 = vector.broadcast %gt3A : f32 to vector<16xf32>
        %gt3A_61 = arith.cmpf ogt, %get3A_59, %gt3A_60 : vector<16xf32>
        %mul3A_62 = arith.constant 2.000000e-01 : f32
        %mul3A_63 = vector.broadcast %mul3A_62 : f32 to vector<16xf32>
        %mul3A_64 = arith.mulf %mul3A_63, %get3A_59 : vector<16xf32>
        %select_n3A_65 = arith.select %gt3A_61, %get3A_59, %mul3A_64 : vector<16xi1>, vector<16xf32>
        %exp3A = math.exp %select_n3A_65 : vector<16xf32>
        %swap3A = arith.index_cast %scan3A_55 : i32 to index
        %swap3A_66 = arith.constant 0 : index
        %swap3A_67 = tpu.vector_load %arg11[%swap3A, %swap3A_66] {strides = array<i32>} : memref<128x16xf32, #tpu.memory_space<vmem>>, vector<1x16xf32>,
        %swap3A_68 = vector.shape_cast %swap3A_67 : vector<1x16xf32> to vector<16xf32>
        %swap3A_69 = vector.shape_cast %exp3A : vector<16xf32> to vector<1x16xf32>
        tpu.vector_store %arg11[%swap3A, %swap3A_66], %swap3A_69 {strides = array<i32>} : memref<128x16xf32, #tpu.memory_space<vmem>>, vector<1x16xf32>,
        %scan3A_70 = arith.constant 0 : i32
        scf.yield %scan3A_70 : i32
      }
      %scan3A_51 = arith.constant 128 : i32
      %mul3A_52 = arith.constant 128 : i32
      %mul3A_53 = arith.muli %add3A_44, %mul3A_52 : i32
      "tpu.region"() ({
        %run_scoped3A = tpu.sem_alloc : memref<!tpu.dma_semaphore, #tpu.memory_space<semaphore_mem>>
        %dma_start3A = arith.constant 0 : i32
        %dma_start3A_55 = tpu.memref_slice %arg6[%mul3A_53, %dma_start3A] : memref<320000x16xf32, #tpu.memory_space<hbm>> -> memref<128x16xf32, #tpu.memory_space<hbm>>
        %dma_start3A_56 = arith.constant 0 : i32
        %dma_start3A_57 = tpu.memref_slice %arg6[%mul3A_53, %dma_start3A_56] : memref<320000x16xf32, #tpu.memory_space<hbm>> -> memref<128x16xf32, #tpu.memory_space<hbm>>
        tpu.enqueue_dma source(%arg11 : memref<128x16xf32, #tpu.memory_space<vmem>>) target(%dma_start3A_57 : memref<128x16xf32, #tpu.memory_space<hbm>>) target_semaphore(%run_scoped3A : memref<!tpu.dma_semaphore, #tpu.memory_space<semaphore_mem>>)
        %dma_wait3A = arith.constant 0 : i32
        %dma_wait3A_58 = tpu.memref_slice %arg6[%mul3A_53, %dma_wait3A] : memref<320000x16xf32, #tpu.memory_space<hbm>> -> memref<128x16xf32, #tpu.memory_space<hbm>>
        %dma_wait3A_59 = arith.constant 0 : i32
        %dma_wait3A_60 = tpu.memref_slice %arg6[%mul3A_53, %dma_wait3A_59] : memref<320000x16xf32, #tpu.memory_space<hbm>> -> memref<128x16xf32, #tpu.memory_space<hbm>>
        tpu.wait_dma2 semaphore(%run_scoped3A : memref<!tpu.dma_semaphore, #tpu.memory_space<semaphore_mem>>) src(%arg11 : memref<128x16xf32, #tpu.memory_space<vmem>>) dst(%dma_wait3A_60 : memref<128x16xf32, #tpu.memory_space<hbm>>)
        tpu.yield
      }) : () -> ()
      "tpu.region"() ({
        %run_scoped3A = tpu.sem_alloc : memref<!tpu.dma_semaphore, #tpu.memory_space<semaphore_mem>>
        %dma_start3A = arith.constant 0 : i32
        %dma_start3A_55 = arith.constant 0 : i32
        %dma_start3A_56 = tpu.memref_slice %arg13[%dma_start3A, %dma_start3A_55] : memref<10240x16xf32, #tpu.memory_space<vmem_shared>> -> memref<10240x16xf32, #tpu.memory_space<vmem_shared>>
        tpu.enqueue_indirect_dma source(%arg11 : memref<128x16xf32, #tpu.memory_space<vmem>>) target(%dma_start3A_56 : memref<10240x16xf32, #tpu.memory_space<vmem_shared>>) offsets(%arg9 : memref<128xi32, #tpu.memory_space<vmem>>) semaphore(%run_scoped3A : memref<!tpu.dma_semaphore, #tpu.memory_space<semaphore_mem>>) {add = true}
        %dma_wait3A = arith.constant 0 : i32
        %dma_wait3A_57 = arith.constant 0 : i32
        %dma_wait3A_58 = tpu.memref_slice %arg13[%dma_wait3A, %dma_wait3A_57] : memref<10240x16xf32, #tpu.memory_space<vmem_shared>> -> memref<10240x16xf32, #tpu.memory_space<vmem_shared>>
        tpu.wait_indirect_dma semaphore(%run_scoped3A : memref<!tpu.dma_semaphore, #tpu.memory_space<semaphore_mem>>) src(%arg11 : memref<128x16xf32, #tpu.memory_space<vmem>>) dst(%dma_wait3A_58 : memref<10240x16xf32, #tpu.memory_space<vmem_shared>>)
        tpu.yield
      }) : () -> ()
      %while3A_54 = arith.constant 0 : i32
      scf.yield %while3A_54 : i32
    }
    %while3A_36 = arith.constant 1 : i32
    %while3A_37 = scf.for %while3A_42 = %while3A_33 to %while3A_29 step %while3A_36 iter_args(%while3A_43 = %while3A_35) -> (i32)  : i32 {
      %add3A_44 = arith.addi %add3A_22, %while3A_42 : i32
      "tpu.region"() ({
        %run_scoped3A = tpu.sem_alloc : memref<!tpu.dma_semaphore, #tpu.memory_space<semaphore_mem>>
        %dma_start3A = arith.constant 0 : i32
        %dma_start3A_55 = tpu.memref_slice %arg4[%add3A_44, %dma_start3A] : memref<2500x128xi32, #tpu.memory_space<hbm>> -> memref<1x128xi32, #tpu.memory_space<hbm>>
        %dma_start3A_56 = tpu.memref_squeeze %dma_start3A_55 : memref<1x128xi32, #tpu.memory_space<hbm>> -> memref<128xi32, #tpu.memory_space<hbm>>
        %dma_start3A_57 = arith.constant 0 : i32
        %dma_start3A_58 = tpu.memref_slice %arg4[%add3A_44, %dma_start3A_57] : memref<2500x128xi32, #tpu.memory_space<hbm>> -> memref<1x128xi32, #tpu.memory_space<hbm>>
        %dma_start3A_59 = tpu.memref_squeeze %dma_start3A_58 : memref<1x128xi32, #tpu.memory_space<hbm>> -> memref<128xi32, #tpu.memory_space<hbm>>
        tpu.enqueue_dma source(%dma_start3A_59 : memref<128xi32, #tpu.memory_space<hbm>>) target(%arg8 : memref<128xi32, #tpu.memory_space<vmem>>) target_semaphore(%run_scoped3A : memref<!tpu.dma_semaphore, #tpu.memory_space<semaphore_mem>>)
        %dma_wait3A = arith.constant 0 : i32
        %dma_wait3A_60 = tpu.memref_slice %arg4[%add3A_44, %dma_wait3A] : memref<2500x128xi32, #tpu.memory_space<hbm>> -> memref<1x128xi32, #tpu.memory_space<hbm>>
        %dma_wait3A_61 = tpu.memref_squeeze %dma_wait3A_60 : memref<1x128xi32, #tpu.memory_space<hbm>> -> memref<128xi32, #tpu.memory_space<hbm>>
        %dma_wait3A_62 = arith.constant 0 : i32
        %dma_wait3A_63 = tpu.memref_slice %arg4[%add3A_44, %dma_wait3A_62] : memref<2500x128xi32, #tpu.memory_space<hbm>> -> memref<1x128xi32, #tpu.memory_space<hbm>>
        %dma_wait3A_64 = tpu.memref_squeeze %dma_wait3A_63 : memref<1x128xi32, #tpu.memory_space<hbm>> -> memref<128xi32, #tpu.memory_space<hbm>>
        tpu.wait_dma2 semaphore(%run_scoped3A : memref<!tpu.dma_semaphore, #tpu.memory_space<semaphore_mem>>) src(%dma_wait3A_64 : memref<128xi32, #tpu.memory_space<hbm>>) dst(%arg8 : memref<128xi32, #tpu.memory_space<vmem>>)
        tpu.yield
      }) : () -> ()
      "tpu.region"() ({
        %run_scoped3A = tpu.sem_alloc : memref<!tpu.dma_semaphore, #tpu.memory_space<semaphore_mem>>
        %dma_start3A = arith.constant 0 : i32
        %dma_start3A_55 = tpu.memref_slice %arg5[%add3A_44, %dma_start3A] : memref<2500x128xi32, #tpu.memory_space<hbm>> -> memref<1x128xi32, #tpu.memory_space<hbm>>
        %dma_start3A_56 = tpu.memref_squeeze %dma_start3A_55 : memref<1x128xi32, #tpu.memory_space<hbm>> -> memref<128xi32, #tpu.memory_space<hbm>>
        %dma_start3A_57 = arith.constant 0 : i32
        %dma_start3A_58 = tpu.memref_slice %arg5[%add3A_44, %dma_start3A_57] : memref<2500x128xi32, #tpu.memory_space<hbm>> -> memref<1x128xi32, #tpu.memory_space<hbm>>
        %dma_start3A_59 = tpu.memref_squeeze %dma_start3A_58 : memref<1x128xi32, #tpu.memory_space<hbm>> -> memref<128xi32, #tpu.memory_space<hbm>>
        tpu.enqueue_dma source(%dma_start3A_59 : memref<128xi32, #tpu.memory_space<hbm>>) target(%arg9 : memref<128xi32, #tpu.memory_space<vmem>>) target_semaphore(%run_scoped3A : memref<!tpu.dma_semaphore, #tpu.memory_space<semaphore_mem>>)
        %dma_wait3A = arith.constant 0 : i32
        %dma_wait3A_60 = tpu.memref_slice %arg5[%add3A_44, %dma_wait3A] : memref<2500x128xi32, #tpu.memory_space<hbm>> -> memref<1x128xi32, #tpu.memory_space<hbm>>
        %dma_wait3A_61 = tpu.memref_squeeze %dma_wait3A_60 : memref<1x128xi32, #tpu.memory_space<hbm>> -> memref<128xi32, #tpu.memory_space<hbm>>
        %dma_wait3A_62 = arith.constant 0 : i32
        %dma_wait3A_63 = tpu.memref_slice %arg5[%add3A_44, %dma_wait3A_62] : memref<2500x128xi32, #tpu.memory_space<hbm>> -> memref<1x128xi32, #tpu.memory_space<hbm>>
        %dma_wait3A_64 = tpu.memref_squeeze %dma_wait3A_63 : memref<1x128xi32, #tpu.memory_space<hbm>> -> memref<128xi32, #tpu.memory_space<hbm>>
        tpu.wait_dma2 semaphore(%run_scoped3A : memref<!tpu.dma_semaphore, #tpu.memory_space<semaphore_mem>>) src(%dma_wait3A_64 : memref<128xi32, #tpu.memory_space<hbm>>) dst(%arg9 : memref<128xi32, #tpu.memory_space<vmem>>)
        tpu.yield
      }) : () -> ()
      "tpu.region"() ({
        %run_scoped3A = tpu.sem_alloc : memref<!tpu.dma_semaphore, #tpu.memory_space<semaphore_mem>>
        %dma_start3A = arith.constant 0 : i32
        %dma_start3A_55 = arith.constant 0 : i32
        %dma_start3A_56 = tpu.memref_slice %arg2[%dma_start3A, %dma_start3A_55] : memref<10000x16xf32, #tpu.memory_space<hbm>> -> memref<10000x16xf32, #tpu.memory_space<hbm>>
        tpu.enqueue_indirect_dma source(%dma_start3A_56 : memref<10000x16xf32, #tpu.memory_space<hbm>>) target(%arg10 : memref<128x16xf32, #tpu.memory_space<vmem>>) offsets(%arg8 : memref<128xi32, #tpu.memory_space<vmem>>) semaphore(%run_scoped3A : memref<!tpu.dma_semaphore, #tpu.memory_space<semaphore_mem>>)
        %dma_wait3A = arith.constant 0 : i32
        %dma_wait3A_57 = arith.constant 0 : i32
        %dma_wait3A_58 = tpu.memref_slice %arg2[%dma_wait3A, %dma_wait3A_57] : memref<10000x16xf32, #tpu.memory_space<hbm>> -> memref<10000x16xf32, #tpu.memory_space<hbm>>
        tpu.wait_indirect_dma semaphore(%run_scoped3A : memref<!tpu.dma_semaphore, #tpu.memory_space<semaphore_mem>>) src(%dma_wait3A_58 : memref<10000x16xf32, #tpu.memory_space<hbm>>) dst(%arg10 : memref<128x16xf32, #tpu.memory_space<vmem>>)
        tpu.yield
      }) : () -> ()
      "tpu.region"() ({
        %run_scoped3A = tpu.sem_alloc : memref<!tpu.dma_semaphore, #tpu.memory_space<semaphore_mem>>
        %dma_start3A = arith.constant 0 : i32
        %dma_start3A_55 = arith.constant 0 : i32
        %dma_start3A_56 = tpu.memref_slice %arg3[%dma_start3A, %dma_start3A_55] : memref<10000x16xf32, #tpu.memory_space<hbm>> -> memref<10000x16xf32, #tpu.memory_space<hbm>>
        tpu.enqueue_indirect_dma source(%dma_start3A_56 : memref<10000x16xf32, #tpu.memory_space<hbm>>) target(%arg10 : memref<128x16xf32, #tpu.memory_space<vmem>>) offsets(%arg9 : memref<128xi32, #tpu.memory_space<vmem>>) semaphore(%run_scoped3A : memref<!tpu.dma_semaphore, #tpu.memory_space<semaphore_mem>>) {add = true}
        %dma_wait3A = arith.constant 0 : i32
        %dma_wait3A_57 = arith.constant 0 : i32
        %dma_wait3A_58 = tpu.memref_slice %arg3[%dma_wait3A, %dma_wait3A_57] : memref<10000x16xf32, #tpu.memory_space<hbm>> -> memref<10000x16xf32, #tpu.memory_space<hbm>>
        tpu.wait_indirect_dma semaphore(%run_scoped3A : memref<!tpu.dma_semaphore, #tpu.memory_space<semaphore_mem>>) src(%dma_wait3A_58 : memref<10000x16xf32, #tpu.memory_space<hbm>>) dst(%arg10 : memref<128x16xf32, #tpu.memory_space<vmem>>)
        tpu.yield
      }) : () -> ()
      %scan3A_45 = arith.constant 0 : i32
      %scan3A_46 = arith.constant 0 : i32
      %scan3A_47 = arith.constant 128 : i32
      %scan3A_48 = arith.addi %scan3A_46, %scan3A_47 : i32
      %scan3A_49 = arith.constant 1 : i32
      %scan3A_50 = scf.for %scan3A_55 = %scan3A_46 to %scan3A_48 step %scan3A_49 iter_args(%scan3A_56 = %scan3A_45) -> (i32)  : i32 {
        %get3A = arith.index_cast %scan3A_55 : i32 to index
        %get3A_57 = arith.constant 0 : index
        %get3A_58 = tpu.vector_load %arg10[%get3A, %get3A_57] {strides = array<i32>} : memref<128x16xf32, #tpu.memory_space<vmem>>, vector<1x16xf32>,
        %get3A_59 = vector.shape_cast %get3A_58 : vector<1x16xf32> to vector<16xf32>
        %gt3A = arith.constant 0.000000e+00 : f32
        %gt3A_60 = vector.broadcast %gt3A : f32 to vector<16xf32>
        %gt3A_61 = arith.cmpf ogt, %get3A_59, %gt3A_60 : vector<16xf32>
        %mul3A_62 = arith.constant 2.000000e-01 : f32
        %mul3A_63 = vector.broadcast %mul3A_62 : f32 to vector<16xf32>
        %mul3A_64 = arith.mulf %mul3A_63, %get3A_59 : vector<16xf32>
        %select_n3A_65 = arith.select %gt3A_61, %get3A_59, %mul3A_64 : vector<16xi1>, vector<16xf32>
        %exp3A = math.exp %select_n3A_65 : vector<16xf32>
        %swap3A = arith.index_cast %scan3A_55 : i32 to index
        %swap3A_66 = arith.constant 0 : index
        %swap3A_67 = tpu.vector_load %arg11[%swap3A, %swap3A_66] {strides = array<i32>} : memref<128x16xf32, #tpu.memory_space<vmem>>, vector<1x16xf32>,
        %swap3A_68 = vector.shape_cast %swap3A_67 : vector<1x16xf32> to vector<16xf32>
        %swap3A_69 = vector.shape_cast %exp3A : vector<16xf32> to vector<1x16xf32>
        tpu.vector_store %arg11[%swap3A, %swap3A_66], %swap3A_69 {strides = array<i32>} : memref<128x16xf32, #tpu.memory_space<vmem>>, vector<1x16xf32>,
        %scan3A_70 = arith.constant 0 : i32
        scf.yield %scan3A_70 : i32
      }
      %scan3A_51 = arith.constant 128 : i32
      %mul3A_52 = arith.constant 128 : i32
      %mul3A_53 = arith.muli %add3A_44, %mul3A_52 : i32
      "tpu.region"() ({
        %run_scoped3A = tpu.sem_alloc : memref<!tpu.dma_semaphore, #tpu.memory_space<semaphore_mem>>
        %dma_start3A = arith.constant 0 : i32
        %dma_start3A_55 = tpu.memref_slice %arg6[%mul3A_53, %dma_start3A] : memref<320000x16xf32, #tpu.memory_space<hbm>> -> memref<128x16xf32, #tpu.memory_space<hbm>>
        %dma_start3A_56 = arith.constant 0 : i32
        %dma_start3A_57 = tpu.memref_slice %arg6[%mul3A_53, %dma_start3A_56] : memref<320000x16xf32, #tpu.memory_space<hbm>> -> memref<128x16xf32, #tpu.memory_space<hbm>>
        tpu.enqueue_dma source(%arg11 : memref<128x16xf32, #tpu.memory_space<vmem>>) target(%dma_start3A_57 : memref<128x16xf32, #tpu.memory_space<hbm>>) target_semaphore(%run_scoped3A : memref<!tpu.dma_semaphore, #tpu.memory_space<semaphore_mem>>)
        %dma_wait3A = arith.constant 0 : i32
        %dma_wait3A_58 = tpu.memref_slice %arg6[%mul3A_53, %dma_wait3A] : memref<320000x16xf32, #tpu.memory_space<hbm>> -> memref<128x16xf32, #tpu.memory_space<hbm>>
        %dma_wait3A_59 = arith.constant 0 : i32
        %dma_wait3A_60 = tpu.memref_slice %arg6[%mul3A_53, %dma_wait3A_59] : memref<320000x16xf32, #tpu.memory_space<hbm>> -> memref<128x16xf32, #tpu.memory_space<hbm>>
        tpu.wait_dma2 semaphore(%run_scoped3A : memref<!tpu.dma_semaphore, #tpu.memory_space<semaphore_mem>>) src(%arg11 : memref<128x16xf32, #tpu.memory_space<vmem>>) dst(%dma_wait3A_60 : memref<128x16xf32, #tpu.memory_space<hbm>>)
        tpu.yield
      }) : () -> ()
      "tpu.region"() ({
        %run_scoped3A = tpu.sem_alloc : memref<!tpu.dma_semaphore, #tpu.memory_space<semaphore_mem>>
        %dma_start3A = arith.constant 0 : i32
        %dma_start3A_55 = arith.constant 0 : i32
        %dma_start3A_56 = tpu.memref_slice %arg13[%dma_start3A, %dma_start3A_55] : memref<10240x16xf32, #tpu.memory_space<vmem_shared>> -> memref<10240x16xf32, #tpu.memory_space<vmem_shared>>
        tpu.enqueue_indirect_dma source(%arg11 : memref<128x16xf32, #tpu.memory_space<vmem>>) target(%dma_start3A_56 : memref<10240x16xf32, #tpu.memory_space<vmem_shared>>) offsets(%arg9 : memref<128xi32, #tpu.memory_space<vmem>>) semaphore(%run_scoped3A : memref<!tpu.dma_semaphore, #tpu.memory_space<semaphore_mem>>) {add = true}
        %dma_wait3A = arith.constant 0 : i32
        %dma_wait3A_57 = arith.constant 0 : i32
        %dma_wait3A_58 = tpu.memref_slice %arg13[%dma_wait3A, %dma_wait3A_57] : memref<10240x16xf32, #tpu.memory_space<vmem_shared>> -> memref<10240x16xf32, #tpu.memory_space<vmem_shared>>
        tpu.wait_indirect_dma semaphore(%run_scoped3A : memref<!tpu.dma_semaphore, #tpu.memory_space<semaphore_mem>>) src(%arg11 : memref<128x16xf32, #tpu.memory_space<vmem>>) dst(%dma_wait3A_58 : memref<10240x16xf32, #tpu.memory_space<vmem_shared>>)
        tpu.yield
      }) : () -> ()
      %while3A_54 = arith.constant 0 : i32
      scf.yield %while3A_54 : i32
    }
    %barrier3A_38 = arith.constant 0 : index
    tpu.barrier barrier_id(%barrier3A_38)
    %mul3A_39 = arith.constant 10240 : i32
    %mul3A_40 = arith.muli %arg0, %mul3A_39 : i32
    %add3A_41 = arith.addi %mul3A_40, %mul3A_8 : i32
    "tpu.region"() ({
      %run_scoped3A = tpu.sem_alloc : memref<!tpu.dma_semaphore, #tpu.memory_space<semaphore_mem>>
      %dma_start3A = arith.constant 0 : i32
      %dma_start3A_42 = tpu.memref_slice %arg7[%add3A_41, %dma_start3A] : memref<20480x16xf32, #tpu.memory_space<hbm>> -> memref<640x16xf32, #tpu.memory_space<hbm>>
      %dma_start3A_43 = arith.constant 0 : i32
      %dma_start3A_44 = tpu.memref_slice %arg13[%mul3A_8, %dma_start3A_43] : memref<10240x16xf32, #tpu.memory_space<vmem_shared>> -> memref<640x16xf32, #tpu.memory_space<vmem_shared>>
      tpu.enqueue_dma source(%dma_start3A_44 : memref<640x16xf32, #tpu.memory_space<vmem_shared>>) target(%dma_start3A_42 : memref<640x16xf32, #tpu.memory_space<hbm>>) target_semaphore(%run_scoped3A : memref<!tpu.dma_semaphore, #tpu.memory_space<semaphore_mem>>)
      %dma_wait3A = arith.constant 0 : i32
      %dma_wait3A_45 = tpu.memref_slice %arg7[%add3A_41, %dma_wait3A] : memref<20480x16xf32, #tpu.memory_space<hbm>> -> memref<640x16xf32, #tpu.memory_space<hbm>>
      %dma_wait3A_46 = arith.constant 0 : i32
      %dma_wait3A_47 = tpu.memref_slice %arg13[%mul3A_8, %dma_wait3A_46] : memref<10240x16xf32, #tpu.memory_space<vmem_shared>> -> memref<640x16xf32, #tpu.memory_space<vmem_shared>>
      tpu.wait_dma2 semaphore(%run_scoped3A : memref<!tpu.dma_semaphore, #tpu.memory_space<semaphore_mem>>) src(%dma_wait3A_47 : memref<640x16xf32, #tpu.memory_space<vmem_shared>>) dst(%dma_wait3A_45 : memref<640x16xf32, #tpu.memory_space<hbm>>)
      tpu.yield
    }) : () -> ()
    return
  }
}

#map = affine_map<(d0, d1) -> (0, 0)>
module attributes {stable_mosaic.version = 14 : i64} {
  func.func @_attn_body(%arg0: i32, %arg1: i32, %arg2: memref<10000x16xf32, #tpu.memory_space<hbm>>, %arg3: memref<10000x16xf32, #tpu.memory_space<hbm>>, %arg4: memref<2500x128xi32, #tpu.memory_space<hbm>>, %arg5: memref<2500x128xi32, #tpu.memory_space<hbm>>, %arg6: memref<320000x16xf32, #tpu.memory_space<hbm>>, %arg7: memref<20480x16xf32, #tpu.memory_space<hbm>>, %arg8: memref<128xi32, #tpu.memory_space<vmem>>, %arg9: memref<128xi32, #tpu.memory_space<vmem>>, %arg10: memref<128x16xf32, #tpu.memory_space<vmem>>, %arg11: memref<128x16xf32, #tpu.memory_space<vmem>>, %arg12: memref<128x16xf32, #tpu.memory_space<vmem>>, %arg13: memref<10240x16xf32, #tpu.memory_space<vmem_shared>>) attributes {dimension_semantics = [#tpu.dimension_semantics<core_parallel>, #tpu.dimension_semantics<subcore_parallel>], iteration_bounds = array<i64: 2, 16>, scalar_prefetch = 0 : i64, scratch_operands = 6 : i64, tpu.core_type = #tpu.core_type<sc_vector_subcore>, window_params = [{transform_indices = #map}, {transform_indices = #map}, {transform_indices = #map}, {transform_indices = #map}, {transform_indices = #map}, {transform_indices = #map}]} {
    %mul3A = arith.constant 16 : i32
    %mul3A_0 = arith.muli %arg0, %mul3A : i32
    %add3A = arith.addi %mul3A_0, %arg1 : i32
    %scan3A = arith.constant 0 : i32
    %scan3A_1 = arith.constant 0 : i32
    %scan3A_2 = arith.constant 128 : i32
    %scan3A_3 = arith.addi %scan3A_1, %scan3A_2 : i32
    %scan3A_4 = arith.constant 1 : i32
    %scan3A_5 = scf.for %scan3A_42 = %scan3A_1 to %scan3A_3 step %scan3A_4 iter_args(%scan3A_43 = %scan3A) -> (i32)  : i32 {
      %broadcast_in_dim3A = arith.constant 0.000000e+00 : f32
      %broadcast_in_dim3A_44 = vector.broadcast %broadcast_in_dim3A : f32 to vector<16xf32>
      %swap3A = arith.index_cast %scan3A_42 : i32 to index
      %swap3A_45 = arith.constant 0 : index
      %swap3A_46 = tpu.vector_load %arg12[%swap3A, %swap3A_45] {strides = array<i32>} : memref<128x16xf32, #tpu.memory_space<vmem>>, vector<1x16xf32>,
      %swap3A_47 = vector.shape_cast %swap3A_46 : vector<1x16xf32> to vector<16xf32>
      %swap3A_48 = vector.shape_cast %broadcast_in_dim3A_44 : vector<16xf32> to vector<1x16xf32>
      tpu.vector_store %arg12[%swap3A, %swap3A_45], %swap3A_48 {strides = array<i32>} : memref<128x16xf32, #tpu.memory_space<vmem>>, vector<1x16xf32>,
      %scan3A_49 = arith.constant 0 : i32
      scf.yield %scan3A_49 : i32
    }
    %scan3A_6 = arith.constant 128 : i32
    %mul3A_7 = arith.constant 640 : i32
    %mul3A_8 = arith.muli %arg1, %mul3A_7 : i32
    %add3A_9 = arith.constant 0 : i32
    %add3A_10 = arith.addi %mul3A_8, %add3A_9 : i32
    "tpu.region"() ({
      %run_scoped3A = tpu.sem_alloc : memref<!tpu.dma_semaphore, #tpu.memory_space<semaphore_mem>>
      %dma_start3A = arith.constant 0 : i32
      %dma_start3A_42 = tpu.memref_slice %arg13[%add3A_10, %dma_start3A] : memref<10240x16xf32, #tpu.memory_space<vmem_shared>> -> memref<128x16xf32, #tpu.memory_space<vmem_shared>>
      %dma_start3A_43 = arith.constant 0 : i32
      %dma_start3A_44 = tpu.memref_slice %arg13[%add3A_10, %dma_start3A_43] : memref<10240x16xf32, #tpu.memory_space<vmem_shared>> -> memref<128x16xf32, #tpu.memory_space<vmem_shared>>
      tpu.enqueue_dma source(%arg12 : memref<128x16xf32, #tpu.memory_space<vmem>>) target(%dma_start3A_44 : memref<128x16xf32, #tpu.memory_space<vmem_shared>>) target_semaphore(%run_scoped3A : memref<!tpu.dma_semaphore, #tpu.memory_space<semaphore_mem>>)
      %dma_wait3A = arith.constant 0 : i32
      %dma_wait3A_45 = tpu.memref_slice %arg13[%add3A_10, %dma_wait3A] : memref<10240x16xf32, #tpu.memory_space<vmem_shared>> -> memref<128x16xf32, #tpu.memory_space<vmem_shared>>
      %dma_wait3A_46 = arith.constant 0 : i32
      %dma_wait3A_47 = tpu.memref_slice %arg13[%add3A_10, %dma_wait3A_46] : memref<10240x16xf32, #tpu.memory_space<vmem_shared>> -> memref<128x16xf32, #tpu.memory_space<vmem_shared>>
      tpu.wait_dma2 semaphore(%run_scoped3A : memref<!tpu.dma_semaphore, #tpu.memory_space<semaphore_mem>>) src(%arg12 : memref<128x16xf32, #tpu.memory_space<vmem>>) dst(%dma_wait3A_47 : memref<128x16xf32, #tpu.memory_space<vmem_shared>>)
      tpu.yield
    }) : () -> ()
    %add3A_11 = arith.constant 128 : i32
    %add3A_12 = arith.addi %mul3A_8, %add3A_11 : i32
    "tpu.region"() ({
      %run_scoped3A = tpu.sem_alloc : memref<!tpu.dma_semaphore, #tpu.memory_space<semaphore_mem>>
      %dma_start3A = arith.constant 0 : i32
      %dma_start3A_42 = tpu.memref_slice %arg13[%add3A_12, %dma_start3A] : memref<10240x16xf32, #tpu.memory_space<vmem_shared>> -> memref<128x16xf32, #tpu.memory_space<vmem_shared>>
      %dma_start3A_43 = arith.constant 0 : i32
      %dma_start3A_44 = tpu.memref_slice %arg13[%add3A_12, %dma_start3A_43] : memref<10240x16xf32, #tpu.memory_space<vmem_shared>> -> memref<128x16xf32, #tpu.memory_space<vmem_shared>>
      tpu.enqueue_dma source(%arg12 : memref<128x16xf32, #tpu.memory_space<vmem>>) target(%dma_start3A_44 : memref<128x16xf32, #tpu.memory_space<vmem_shared>>) target_semaphore(%run_scoped3A : memref<!tpu.dma_semaphore, #tpu.memory_space<semaphore_mem>>)
      %dma_wait3A = arith.constant 0 : i32
      %dma_wait3A_45 = tpu.memref_slice %arg13[%add3A_12, %dma_wait3A] : memref<10240x16xf32, #tpu.memory_space<vmem_shared>> -> memref<128x16xf32, #tpu.memory_space<vmem_shared>>
      %dma_wait3A_46 = arith.constant 0 : i32
      %dma_wait3A_47 = tpu.memref_slice %arg13[%add3A_12, %dma_wait3A_46] : memref<10240x16xf32, #tpu.memory_space<vmem_shared>> -> memref<128x16xf32, #tpu.memory_space<vmem_shared>>
      tpu.wait_dma2 semaphore(%run_scoped3A : memref<!tpu.dma_semaphore, #tpu.memory_space<semaphore_mem>>) src(%arg12 : memref<128x16xf32, #tpu.memory_space<vmem>>) dst(%dma_wait3A_47 : memref<128x16xf32, #tpu.memory_space<vmem_shared>>)
      tpu.yield
    }) : () -> ()
    %add3A_13 = arith.constant 256 : i32
    %add3A_14 = arith.addi %mul3A_8, %add3A_13 : i32
    "tpu.region"() ({
      %run_scoped3A = tpu.sem_alloc : memref<!tpu.dma_semaphore, #tpu.memory_space<semaphore_mem>>
      %dma_start3A = arith.constant 0 : i32
      %dma_start3A_42 = tpu.memref_slice %arg13[%add3A_14, %dma_start3A] : memref<10240x16xf32, #tpu.memory_space<vmem_shared>> -> memref<128x16xf32, #tpu.memory_space<vmem_shared>>
      %dma_start3A_43 = arith.constant 0 : i32
      %dma_start3A_44 = tpu.memref_slice %arg13[%add3A_14, %dma_start3A_43] : memref<10240x16xf32, #tpu.memory_space<vmem_shared>> -> memref<128x16xf32, #tpu.memory_space<vmem_shared>>
      tpu.enqueue_dma source(%arg12 : memref<128x16xf32, #tpu.memory_space<vmem>>) target(%dma_start3A_44 : memref<128x16xf32, #tpu.memory_space<vmem_shared>>) target_semaphore(%run_scoped3A : memref<!tpu.dma_semaphore, #tpu.memory_space<semaphore_mem>>)
      %dma_wait3A = arith.constant 0 : i32
      %dma_wait3A_45 = tpu.memref_slice %arg13[%add3A_14, %dma_wait3A] : memref<10240x16xf32, #tpu.memory_space<vmem_shared>> -> memref<128x16xf32, #tpu.memory_space<vmem_shared>>
      %dma_wait3A_46 = arith.constant 0 : i32
      %dma_wait3A_47 = tpu.memref_slice %arg13[%add3A_14, %dma_wait3A_46] : memref<10240x16xf32, #tpu.memory_space<vmem_shared>> -> memref<128x16xf32, #tpu.memory_space<vmem_shared>>
      tpu.wait_dma2 semaphore(%run_scoped3A : memref<!tpu.dma_semaphore, #tpu.memory_space<semaphore_mem>>) src(%arg12 : memref<128x16xf32, #tpu.memory_space<vmem>>) dst(%dma_wait3A_47 : memref<128x16xf32, #tpu.memory_space<vmem_shared>>)
      tpu.yield
    }) : () -> ()
    %add3A_15 = arith.constant 384 : i32
    %add3A_16 = arith.addi %mul3A_8, %add3A_15 : i32
    "tpu.region"() ({
      %run_scoped3A = tpu.sem_alloc : memref<!tpu.dma_semaphore, #tpu.memory_space<semaphore_mem>>
      %dma_start3A = arith.constant 0 : i32
      %dma_start3A_42 = tpu.memref_slice %arg13[%add3A_16, %dma_start3A] : memref<10240x16xf32, #tpu.memory_space<vmem_shared>> -> memref<128x16xf32, #tpu.memory_space<vmem_shared>>
      %dma_start3A_43 = arith.constant 0 : i32
      %dma_start3A_44 = tpu.memref_slice %arg13[%add3A_16, %dma_start3A_43] : memref<10240x16xf32, #tpu.memory_space<vmem_shared>> -> memref<128x16xf32, #tpu.memory_space<vmem_shared>>
      tpu.enqueue_dma source(%arg12 : memref<128x16xf32, #tpu.memory_space<vmem>>) target(%dma_start3A_44 : memref<128x16xf32, #tpu.memory_space<vmem_shared>>) target_semaphore(%run_scoped3A : memref<!tpu.dma_semaphore, #tpu.memory_space<semaphore_mem>>)
      %dma_wait3A = arith.constant 0 : i32
      %dma_wait3A_45 = tpu.memref_slice %arg13[%add3A_16, %dma_wait3A] : memref<10240x16xf32, #tpu.memory_space<vmem_shared>> -> memref<128x16xf32, #tpu.memory_space<vmem_shared>>
      %dma_wait3A_46 = arith.constant 0 : i32
      %dma_wait3A_47 = tpu.memref_slice %arg13[%add3A_16, %dma_wait3A_46] : memref<10240x16xf32, #tpu.memory_space<vmem_shared>> -> memref<128x16xf32, #tpu.memory_space<vmem_shared>>
      tpu.wait_dma2 semaphore(%run_scoped3A : memref<!tpu.dma_semaphore, #tpu.memory_space<semaphore_mem>>) src(%arg12 : memref<128x16xf32, #tpu.memory_space<vmem>>) dst(%dma_wait3A_47 : memref<128x16xf32, #tpu.memory_space<vmem_shared>>)
      tpu.yield
    }) : () -> ()
    %add3A_17 = arith.constant 512 : i32
    %add3A_18 = arith.addi %mul3A_8, %add3A_17 : i32
    "tpu.region"() ({
      %run_scoped3A = tpu.sem_alloc : memref<!tpu.dma_semaphore, #tpu.memory_space<semaphore_mem>>
      %dma_start3A = arith.constant 0 : i32
      %dma_start3A_42 = tpu.memref_slice %arg13[%add3A_18, %dma_start3A] : memref<10240x16xf32, #tpu.memory_space<vmem_shared>> -> memref<128x16xf32, #tpu.memory_space<vmem_shared>>
      %dma_start3A_43 = arith.constant 0 : i32
      %dma_start3A_44 = tpu.memref_slice %arg13[%add3A_18, %dma_start3A_43] : memref<10240x16xf32, #tpu.memory_space<vmem_shared>> -> memref<128x16xf32, #tpu.memory_space<vmem_shared>>
      tpu.enqueue_dma source(%arg12 : memref<128x16xf32, #tpu.memory_space<vmem>>) target(%dma_start3A_44 : memref<128x16xf32, #tpu.memory_space<vmem_shared>>) target_semaphore(%run_scoped3A : memref<!tpu.dma_semaphore, #tpu.memory_space<semaphore_mem>>)
      %dma_wait3A = arith.constant 0 : i32
      %dma_wait3A_45 = tpu.memref_slice %arg13[%add3A_18, %dma_wait3A] : memref<10240x16xf32, #tpu.memory_space<vmem_shared>> -> memref<128x16xf32, #tpu.memory_space<vmem_shared>>
      %dma_wait3A_46 = arith.constant 0 : i32
      %dma_wait3A_47 = tpu.memref_slice %arg13[%add3A_18, %dma_wait3A_46] : memref<10240x16xf32, #tpu.memory_space<vmem_shared>> -> memref<128x16xf32, #tpu.memory_space<vmem_shared>>
      tpu.wait_dma2 semaphore(%run_scoped3A : memref<!tpu.dma_semaphore, #tpu.memory_space<semaphore_mem>>) src(%arg12 : memref<128x16xf32, #tpu.memory_space<vmem>>) dst(%dma_wait3A_47 : memref<128x16xf32, #tpu.memory_space<vmem_shared>>)
      tpu.yield
    }) : () -> ()
    %barrier3A = arith.constant 0 : index
    tpu.barrier barrier_id(%barrier3A)
    %mul3A_19 = arith.constant 78 : i32
    %mul3A_20 = arith.muli %add3A, %mul3A_19 : i32
    %min3A = arith.constant 4 : i32
    %min3A_21 = arith.minsi %add3A, %min3A : i32
    %add3A_22 = arith.addi %mul3A_20, %min3A_21 : i32
    %lt3A = arith.constant 4 : i32
    %lt3A_23 = arith.cmpi slt, %add3A, %lt3A : i32
    %jit3A = arith.constant 1 : i32
    %jit3A_24 = arith.constant 0 : i32
    %select_n3A = arith.select %lt3A_23, %jit3A, %jit3A_24 : i32
    %add3A_25 = arith.constant 78 : i32
    %add3A_26 = arith.addi %add3A_25, %select_n3A : i32
    %while3A = arith.constant 0 : i32
    %while3A_27 = arith.constant 0 : i32
    %while3A_28 = arith.subi %add3A_26, %while3A : i32
    %while3A_29 = arith.addi %while3A, %while3A_28 : i32
    %while3A_30 = arith.constant 1 : i32
    %while3A_31 = arith.divsi %while3A_28, %while3A_30 : i32
    %while3A_32 = arith.muli %while3A_31, %while3A_30 : i32
    %while3A_33 = arith.addi %while3A, %while3A_32 : i32
    %while3A_34 = arith.constant 1 : i32
    %while3A_35 = scf.for %while3A_42 = %while3A to %while3A_33 step %while3A_34 iter_args(%while3A_43 = %while3A_27) -> (i32)  : i32 {
      %add3A_44 = arith.addi %add3A_22, %while3A_42 : i32
      "tpu.region"() ({
        %run_scoped3A = tpu.sem_alloc : memref<!tpu.dma_semaphore, #tpu.memory_space<semaphore_mem>>
        %dma_start3A = arith.constant 0 : i32
        %dma_start3A_55 = tpu.memref_slice %arg4[%add3A_44, %dma_start3A] : memref<2500x128xi32, #tpu.memory_space<hbm>> -> memref<1x128xi32, #tpu.memory_space<hbm>>
        %dma_start3A_56 = tpu.memref_squeeze %dma_start3A_55 : memref<1x128xi32, #tpu.memory_space<hbm>> -> memref<128xi32, #tpu.memory_space<hbm>>
        %dma_start3A_57 = arith.constant 0 : i32
        %dma_start3A_58 = tpu.memref_slice %arg4[%add3A_44, %dma_start3A_57] : memref<2500x128xi32, #tpu.memory_space<hbm>> -> memref<1x128xi32, #tpu.memory_space<hbm>>
        %dma_start3A_59 = tpu.memref_squeeze %dma_start3A_58 : memref<1x128xi32, #tpu.memory_space<hbm>> -> memref<128xi32, #tpu.memory_space<hbm>>
        tpu.enqueue_dma source(%dma_start3A_59 : memref<128xi32, #tpu.memory_space<hbm>>) target(%arg8 : memref<128xi32, #tpu.memory_space<vmem>>) target_semaphore(%run_scoped3A : memref<!tpu.dma_semaphore, #tpu.memory_space<semaphore_mem>>)
        %dma_wait3A = arith.constant 0 : i32
        %dma_wait3A_60 = tpu.memref_slice %arg4[%add3A_44, %dma_wait3A] : memref<2500x128xi32, #tpu.memory_space<hbm>> -> memref<1x128xi32, #tpu.memory_space<hbm>>
        %dma_wait3A_61 = tpu.memref_squeeze %dma_wait3A_60 : memref<1x128xi32, #tpu.memory_space<hbm>> -> memref<128xi32, #tpu.memory_space<hbm>>
        %dma_wait3A_62 = arith.constant 0 : i32
        %dma_wait3A_63 = tpu.memref_slice %arg4[%add3A_44, %dma_wait3A_62] : memref<2500x128xi32, #tpu.memory_space<hbm>> -> memref<1x128xi32, #tpu.memory_space<hbm>>
        %dma_wait3A_64 = tpu.memref_squeeze %dma_wait3A_63 : memref<1x128xi32, #tpu.memory_space<hbm>> -> memref<128xi32, #tpu.memory_space<hbm>>
        tpu.wait_dma2 semaphore(%run_scoped3A : memref<!tpu.dma_semaphore, #tpu.memory_space<semaphore_mem>>) src(%dma_wait3A_64 : memref<128xi32, #tpu.memory_space<hbm>>) dst(%arg8 : memref<128xi32, #tpu.memory_space<vmem>>)
        tpu.yield
      }) : () -> ()
      "tpu.region"() ({
        %run_scoped3A = tpu.sem_alloc : memref<!tpu.dma_semaphore, #tpu.memory_space<semaphore_mem>>
        %dma_start3A = arith.constant 0 : i32
        %dma_start3A_55 = tpu.memref_slice %arg5[%add3A_44, %dma_start3A] : memref<2500x128xi32, #tpu.memory_space<hbm>> -> memref<1x128xi32, #tpu.memory_space<hbm>>
        %dma_start3A_56 = tpu.memref_squeeze %dma_start3A_55 : memref<1x128xi32, #tpu.memory_space<hbm>> -> memref<128xi32, #tpu.memory_space<hbm>>
        %dma_start3A_57 = arith.constant 0 : i32
        %dma_start3A_58 = tpu.memref_slice %arg5[%add3A_44, %dma_start3A_57] : memref<2500x128xi32, #tpu.memory_space<hbm>> -> memref<1x128xi32, #tpu.memory_space<hbm>>
        %dma_start3A_59 = tpu.memref_squeeze %dma_start3A_58 : memref<1x128xi32, #tpu.memory_space<hbm>> -> memref<128xi32, #tpu.memory_space<hbm>>
        tpu.enqueue_dma source(%dma_start3A_59 : memref<128xi32, #tpu.memory_space<hbm>>) target(%arg9 : memref<128xi32, #tpu.memory_space<vmem>>) target_semaphore(%run_scoped3A : memref<!tpu.dma_semaphore, #tpu.memory_space<semaphore_mem>>)
        %dma_wait3A = arith.constant 0 : i32
        %dma_wait3A_60 = tpu.memref_slice %arg5[%add3A_44, %dma_wait3A] : memref<2500x128xi32, #tpu.memory_space<hbm>> -> memref<1x128xi32, #tpu.memory_space<hbm>>
        %dma_wait3A_61 = tpu.memref_squeeze %dma_wait3A_60 : memref<1x128xi32, #tpu.memory_space<hbm>> -> memref<128xi32, #tpu.memory_space<hbm>>
        %dma_wait3A_62 = arith.constant 0 : i32
        %dma_wait3A_63 = tpu.memref_slice %arg5[%add3A_44, %dma_wait3A_62] : memref<2500x128xi32, #tpu.memory_space<hbm>> -> memref<1x128xi32, #tpu.memory_space<hbm>>
        %dma_wait3A_64 = tpu.memref_squeeze %dma_wait3A_63 : memref<1x128xi32, #tpu.memory_space<hbm>> -> memref<128xi32, #tpu.memory_space<hbm>>
        tpu.wait_dma2 semaphore(%run_scoped3A : memref<!tpu.dma_semaphore, #tpu.memory_space<semaphore_mem>>) src(%dma_wait3A_64 : memref<128xi32, #tpu.memory_space<hbm>>) dst(%arg9 : memref<128xi32, #tpu.memory_space<vmem>>)
        tpu.yield
      }) : () -> ()
      "tpu.region"() ({
        %run_scoped3A = tpu.sem_alloc : memref<!tpu.dma_semaphore, #tpu.memory_space<semaphore_mem>>
        %dma_start3A = arith.constant 0 : i32
        %dma_start3A_55 = arith.constant 0 : i32
        %dma_start3A_56 = tpu.memref_slice %arg2[%dma_start3A, %dma_start3A_55] : memref<10000x16xf32, #tpu.memory_space<hbm>> -> memref<10000x16xf32, #tpu.memory_space<hbm>>
        tpu.enqueue_indirect_dma source(%dma_start3A_56 : memref<10000x16xf32, #tpu.memory_space<hbm>>) target(%arg10 : memref<128x16xf32, #tpu.memory_space<vmem>>) offsets(%arg8 : memref<128xi32, #tpu.memory_space<vmem>>) semaphore(%run_scoped3A : memref<!tpu.dma_semaphore, #tpu.memory_space<semaphore_mem>>)
        %dma_wait3A = arith.constant 0 : i32
        %dma_wait3A_57 = arith.constant 0 : i32
        %dma_wait3A_58 = tpu.memref_slice %arg2[%dma_wait3A, %dma_wait3A_57] : memref<10000x16xf32, #tpu.memory_space<hbm>> -> memref<10000x16xf32, #tpu.memory_space<hbm>>
        tpu.wait_indirect_dma semaphore(%run_scoped3A : memref<!tpu.dma_semaphore, #tpu.memory_space<semaphore_mem>>) src(%dma_wait3A_58 : memref<10000x16xf32, #tpu.memory_space<hbm>>) dst(%arg10 : memref<128x16xf32, #tpu.memory_space<vmem>>)
        tpu.yield
      }) : () -> ()
      "tpu.region"() ({
        %run_scoped3A = tpu.sem_alloc : memref<!tpu.dma_semaphore, #tpu.memory_space<semaphore_mem>>
        %dma_start3A = arith.constant 0 : i32
        %dma_start3A_55 = arith.constant 0 : i32
        %dma_start3A_56 = tpu.memref_slice %arg3[%dma_start3A, %dma_start3A_55] : memref<10000x16xf32, #tpu.memory_space<hbm>> -> memref<10000x16xf32, #tpu.memory_space<hbm>>
        tpu.enqueue_indirect_dma source(%dma_start3A_56 : memref<10000x16xf32, #tpu.memory_space<hbm>>) target(%arg10 : memref<128x16xf32, #tpu.memory_space<vmem>>) offsets(%arg9 : memref<128xi32, #tpu.memory_space<vmem>>) semaphore(%run_scoped3A : memref<!tpu.dma_semaphore, #tpu.memory_space<semaphore_mem>>) {add = true}
        %dma_wait3A = arith.constant 0 : i32
        %dma_wait3A_57 = arith.constant 0 : i32
        %dma_wait3A_58 = tpu.memref_slice %arg3[%dma_wait3A, %dma_wait3A_57] : memref<10000x16xf32, #tpu.memory_space<hbm>> -> memref<10000x16xf32, #tpu.memory_space<hbm>>
        tpu.wait_indirect_dma semaphore(%run_scoped3A : memref<!tpu.dma_semaphore, #tpu.memory_space<semaphore_mem>>) src(%dma_wait3A_58 : memref<10000x16xf32, #tpu.memory_space<hbm>>) dst(%arg10 : memref<128x16xf32, #tpu.memory_space<vmem>>)
        tpu.yield
      }) : () -> ()
      %scan3A_45 = arith.constant 0 : i32
      %scan3A_46 = arith.constant 0 : i32
      %scan3A_47 = arith.constant 128 : i32
      %scan3A_48 = arith.addi %scan3A_46, %scan3A_47 : i32
      %scan3A_49 = arith.constant 1 : i32
      %scan3A_50 = scf.for %scan3A_55 = %scan3A_46 to %scan3A_48 step %scan3A_49 iter_args(%scan3A_56 = %scan3A_45) -> (i32)  : i32 {
        %get3A = arith.index_cast %scan3A_55 : i32 to index
        %get3A_57 = arith.constant 0 : index
        %get3A_58 = tpu.vector_load %arg10[%get3A, %get3A_57] {strides = array<i32>} : memref<128x16xf32, #tpu.memory_space<vmem>>, vector<1x16xf32>,
        %get3A_59 = vector.shape_cast %get3A_58 : vector<1x16xf32> to vector<16xf32>
        %gt3A = arith.constant 0.000000e+00 : f32
        %gt3A_60 = vector.broadcast %gt3A : f32 to vector<16xf32>
        %gt3A_61 = arith.cmpf ogt, %get3A_59, %gt3A_60 : vector<16xf32>
        %mul3A_62 = arith.constant 2.000000e-01 : f32
        %mul3A_63 = vector.broadcast %mul3A_62 : f32 to vector<16xf32>
        %mul3A_64 = arith.mulf %mul3A_63, %get3A_59 : vector<16xf32>
        %select_n3A_65 = arith.select %gt3A_61, %get3A_59, %mul3A_64 : vector<16xi1>, vector<16xf32>
        %exp3A = math.exp %select_n3A_65 : vector<16xf32>
        %swap3A = arith.index_cast %scan3A_55 : i32 to index
        %swap3A_66 = arith.constant 0 : index
        %swap3A_67 = tpu.vector_load %arg11[%swap3A, %swap3A_66] {strides = array<i32>} : memref<128x16xf32, #tpu.memory_space<vmem>>, vector<1x16xf32>,
        %swap3A_68 = vector.shape_cast %swap3A_67 : vector<1x16xf32> to vector<16xf32>
        %swap3A_69 = vector.shape_cast %exp3A : vector<16xf32> to vector<1x16xf32>
        tpu.vector_store %arg11[%swap3A, %swap3A_66], %swap3A_69 {strides = array<i32>} : memref<128x16xf32, #tpu.memory_space<vmem>>, vector<1x16xf32>,
        %scan3A_70 = arith.constant 0 : i32
        scf.yield %scan3A_70 : i32
      }
      %scan3A_51 = arith.constant 128 : i32
      %mul3A_52 = arith.constant 128 : i32
      %mul3A_53 = arith.muli %add3A_44, %mul3A_52 : i32
      "tpu.region"() ({
        %run_scoped3A = tpu.sem_alloc : memref<!tpu.dma_semaphore, #tpu.memory_space<semaphore_mem>>
        %dma_start3A = arith.constant 0 : i32
        %dma_start3A_55 = tpu.memref_slice %arg6[%mul3A_53, %dma_start3A] : memref<320000x16xf32, #tpu.memory_space<hbm>> -> memref<128x16xf32, #tpu.memory_space<hbm>>
        %dma_start3A_56 = arith.constant 0 : i32
        %dma_start3A_57 = tpu.memref_slice %arg6[%mul3A_53, %dma_start3A_56] : memref<320000x16xf32, #tpu.memory_space<hbm>> -> memref<128x16xf32, #tpu.memory_space<hbm>>
        tpu.enqueue_dma source(%arg11 : memref<128x16xf32, #tpu.memory_space<vmem>>) target(%dma_start3A_57 : memref<128x16xf32, #tpu.memory_space<hbm>>) target_semaphore(%run_scoped3A : memref<!tpu.dma_semaphore, #tpu.memory_space<semaphore_mem>>)
        %dma_wait3A = arith.constant 0 : i32
        %dma_wait3A_58 = tpu.memref_slice %arg6[%mul3A_53, %dma_wait3A] : memref<320000x16xf32, #tpu.memory_space<hbm>> -> memref<128x16xf32, #tpu.memory_space<hbm>>
        %dma_wait3A_59 = arith.constant 0 : i32
        %dma_wait3A_60 = tpu.memref_slice %arg6[%mul3A_53, %dma_wait3A_59] : memref<320000x16xf32, #tpu.memory_space<hbm>> -> memref<128x16xf32, #tpu.memory_space<hbm>>
        tpu.wait_dma2 semaphore(%run_scoped3A : memref<!tpu.dma_semaphore, #tpu.memory_space<semaphore_mem>>) src(%arg11 : memref<128x16xf32, #tpu.memory_space<vmem>>) dst(%dma_wait3A_60 : memref<128x16xf32, #tpu.memory_space<hbm>>)
        tpu.yield
      }) : () -> ()
      "tpu.region"() ({
        %run_scoped3A = tpu.sem_alloc : memref<!tpu.dma_semaphore, #tpu.memory_space<semaphore_mem>>
        %dma_start3A = arith.constant 0 : i32
        %dma_start3A_55 = arith.constant 0 : i32
        %dma_start3A_56 = tpu.memref_slice %arg13[%dma_start3A, %dma_start3A_55] : memref<10240x16xf32, #tpu.memory_space<vmem_shared>> -> memref<10240x16xf32, #tpu.memory_space<vmem_shared>>
        tpu.enqueue_indirect_dma source(%arg11 : memref<128x16xf32, #tpu.memory_space<vmem>>) target(%dma_start3A_56 : memref<10240x16xf32, #tpu.memory_space<vmem_shared>>) offsets(%arg9 : memref<128xi32, #tpu.memory_space<vmem>>) semaphore(%run_scoped3A : memref<!tpu.dma_semaphore, #tpu.memory_space<semaphore_mem>>) {add = true}
        %dma_wait3A = arith.constant 0 : i32
        %dma_wait3A_57 = arith.constant 0 : i32
        %dma_wait3A_58 = tpu.memref_slice %arg13[%dma_wait3A, %dma_wait3A_57] : memref<10240x16xf32, #tpu.memory_space<vmem_shared>> -> memref<10240x16xf32, #tpu.memory_space<vmem_shared>>
        tpu.wait_indirect_dma semaphore(%run_scoped3A : memref<!tpu.dma_semaphore, #tpu.memory_space<semaphore_mem>>) src(%arg11 : memref<128x16xf32, #tpu.memory_space<vmem>>) dst(%dma_wait3A_58 : memref<10240x16xf32, #tpu.memory_space<vmem_shared>>)
        tpu.yield
      }) : () -> ()
      %while3A_54 = arith.constant 0 : i32
      scf.yield %while3A_54 : i32
    }
    %while3A_36 = arith.constant 1 : i32
    %while3A_37 = scf.for %while3A_42 = %while3A_33 to %while3A_29 step %while3A_36 iter_args(%while3A_43 = %while3A_35) -> (i32)  : i32 {
      %add3A_44 = arith.addi %add3A_22, %while3A_42 : i32
      "tpu.region"() ({
        %run_scoped3A = tpu.sem_alloc : memref<!tpu.dma_semaphore, #tpu.memory_space<semaphore_mem>>
        %dma_start3A = arith.constant 0 : i32
        %dma_start3A_55 = tpu.memref_slice %arg4[%add3A_44, %dma_start3A] : memref<2500x128xi32, #tpu.memory_space<hbm>> -> memref<1x128xi32, #tpu.memory_space<hbm>>
        %dma_start3A_56 = tpu.memref_squeeze %dma_start3A_55 : memref<1x128xi32, #tpu.memory_space<hbm>> -> memref<128xi32, #tpu.memory_space<hbm>>
        %dma_start3A_57 = arith.constant 0 : i32
        %dma_start3A_58 = tpu.memref_slice %arg4[%add3A_44, %dma_start3A_57] : memref<2500x128xi32, #tpu.memory_space<hbm>> -> memref<1x128xi32, #tpu.memory_space<hbm>>
        %dma_start3A_59 = tpu.memref_squeeze %dma_start3A_58 : memref<1x128xi32, #tpu.memory_space<hbm>> -> memref<128xi32, #tpu.memory_space<hbm>>
        tpu.enqueue_dma source(%dma_start3A_59 : memref<128xi32, #tpu.memory_space<hbm>>) target(%arg8 : memref<128xi32, #tpu.memory_space<vmem>>) target_semaphore(%run_scoped3A : memref<!tpu.dma_semaphore, #tpu.memory_space<semaphore_mem>>)
        %dma_wait3A = arith.constant 0 : i32
        %dma_wait3A_60 = tpu.memref_slice %arg4[%add3A_44, %dma_wait3A] : memref<2500x128xi32, #tpu.memory_space<hbm>> -> memref<1x128xi32, #tpu.memory_space<hbm>>
        %dma_wait3A_61 = tpu.memref_squeeze %dma_wait3A_60 : memref<1x128xi32, #tpu.memory_space<hbm>> -> memref<128xi32, #tpu.memory_space<hbm>>
        %dma_wait3A_62 = arith.constant 0 : i32
        %dma_wait3A_63 = tpu.memref_slice %arg4[%add3A_44, %dma_wait3A_62] : memref<2500x128xi32, #tpu.memory_space<hbm>> -> memref<1x128xi32, #tpu.memory_space<hbm>>
        %dma_wait3A_64 = tpu.memref_squeeze %dma_wait3A_63 : memref<1x128xi32, #tpu.memory_space<hbm>> -> memref<128xi32, #tpu.memory_space<hbm>>
        tpu.wait_dma2 semaphore(%run_scoped3A : memref<!tpu.dma_semaphore, #tpu.memory_space<semaphore_mem>>) src(%dma_wait3A_64 : memref<128xi32, #tpu.memory_space<hbm>>) dst(%arg8 : memref<128xi32, #tpu.memory_space<vmem>>)
        tpu.yield
      }) : () -> ()
      "tpu.region"() ({
        %run_scoped3A = tpu.sem_alloc : memref<!tpu.dma_semaphore, #tpu.memory_space<semaphore_mem>>
        %dma_start3A = arith.constant 0 : i32
        %dma_start3A_55 = tpu.memref_slice %arg5[%add3A_44, %dma_start3A] : memref<2500x128xi32, #tpu.memory_space<hbm>> -> memref<1x128xi32, #tpu.memory_space<hbm>>
        %dma_start3A_56 = tpu.memref_squeeze %dma_start3A_55 : memref<1x128xi32, #tpu.memory_space<hbm>> -> memref<128xi32, #tpu.memory_space<hbm>>
        %dma_start3A_57 = arith.constant 0 : i32
        %dma_start3A_58 = tpu.memref_slice %arg5[%add3A_44, %dma_start3A_57] : memref<2500x128xi32, #tpu.memory_space<hbm>> -> memref<1x128xi32, #tpu.memory_space<hbm>>
        %dma_start3A_59 = tpu.memref_squeeze %dma_start3A_58 : memref<1x128xi32, #tpu.memory_space<hbm>> -> memref<128xi32, #tpu.memory_space<hbm>>
        tpu.enqueue_dma source(%dma_start3A_59 : memref<128xi32, #tpu.memory_space<hbm>>) target(%arg9 : memref<128xi32, #tpu.memory_space<vmem>>) target_semaphore(%run_scoped3A : memref<!tpu.dma_semaphore, #tpu.memory_space<semaphore_mem>>)
        %dma_wait3A = arith.constant 0 : i32
        %dma_wait3A_60 = tpu.memref_slice %arg5[%add3A_44, %dma_wait3A] : memref<2500x128xi32, #tpu.memory_space<hbm>> -> memref<1x128xi32, #tpu.memory_space<hbm>>
        %dma_wait3A_61 = tpu.memref_squeeze %dma_wait3A_60 : memref<1x128xi32, #tpu.memory_space<hbm>> -> memref<128xi32, #tpu.memory_space<hbm>>
        %dma_wait3A_62 = arith.constant 0 : i32
        %dma_wait3A_63 = tpu.memref_slice %arg5[%add3A_44, %dma_wait3A_62] : memref<2500x128xi32, #tpu.memory_space<hbm>> -> memref<1x128xi32, #tpu.memory_space<hbm>>
        %dma_wait3A_64 = tpu.memref_squeeze %dma_wait3A_63 : memref<1x128xi32, #tpu.memory_space<hbm>> -> memref<128xi32, #tpu.memory_space<hbm>>
        tpu.wait_dma2 semaphore(%run_scoped3A : memref<!tpu.dma_semaphore, #tpu.memory_space<semaphore_mem>>) src(%dma_wait3A_64 : memref<128xi32, #tpu.memory_space<hbm>>) dst(%arg9 : memref<128xi32, #tpu.memory_space<vmem>>)
        tpu.yield
      }) : () -> ()
      "tpu.region"() ({
        %run_scoped3A = tpu.sem_alloc : memref<!tpu.dma_semaphore, #tpu.memory_space<semaphore_mem>>
        %dma_start3A = arith.constant 0 : i32
        %dma_start3A_55 = arith.constant 0 : i32
        %dma_start3A_56 = tpu.memref_slice %arg2[%dma_start3A, %dma_start3A_55] : memref<10000x16xf32, #tpu.memory_space<hbm>> -> memref<10000x16xf32, #tpu.memory_space<hbm>>
        tpu.enqueue_indirect_dma source(%dma_start3A_56 : memref<10000x16xf32, #tpu.memory_space<hbm>>) target(%arg10 : memref<128x16xf32, #tpu.memory_space<vmem>>) offsets(%arg8 : memref<128xi32, #tpu.memory_space<vmem>>) semaphore(%run_scoped3A : memref<!tpu.dma_semaphore, #tpu.memory_space<semaphore_mem>>)
        %dma_wait3A = arith.constant 0 : i32
        %dma_wait3A_57 = arith.constant 0 : i32
        %dma_wait3A_58 = tpu.memref_slice %arg2[%dma_wait3A, %dma_wait3A_57] : memref<10000x16xf32, #tpu.memory_space<hbm>> -> memref<10000x16xf32, #tpu.memory_space<hbm>>
        tpu.wait_indirect_dma semaphore(%run_scoped3A : memref<!tpu.dma_semaphore, #tpu.memory_space<semaphore_mem>>) src(%dma_wait3A_58 : memref<10000x16xf32, #tpu.memory_space<hbm>>) dst(%arg10 : memref<128x16xf32, #tpu.memory_space<vmem>>)
        tpu.yield
      }) : () -> ()
      "tpu.region"() ({
        %run_scoped3A = tpu.sem_alloc : memref<!tpu.dma_semaphore, #tpu.memory_space<semaphore_mem>>
        %dma_start3A = arith.constant 0 : i32
        %dma_start3A_55 = arith.constant 0 : i32
        %dma_start3A_56 = tpu.memref_slice %arg3[%dma_start3A, %dma_start3A_55] : memref<10000x16xf32, #tpu.memory_space<hbm>> -> memref<10000x16xf32, #tpu.memory_space<hbm>>
        tpu.enqueue_indirect_dma source(%dma_start3A_56 : memref<10000x16xf32, #tpu.memory_space<hbm>>) target(%arg10 : memref<128x16xf32, #tpu.memory_space<vmem>>) offsets(%arg9 : memref<128xi32, #tpu.memory_space<vmem>>) semaphore(%run_scoped3A : memref<!tpu.dma_semaphore, #tpu.memory_space<semaphore_mem>>) {add = true}
        %dma_wait3A = arith.constant 0 : i32
        %dma_wait3A_57 = arith.constant 0 : i32
        %dma_wait3A_58 = tpu.memref_slice %arg3[%dma_wait3A, %dma_wait3A_57] : memref<10000x16xf32, #tpu.memory_space<hbm>> -> memref<10000x16xf32, #tpu.memory_space<hbm>>
        tpu.wait_indirect_dma semaphore(%run_scoped3A : memref<!tpu.dma_semaphore, #tpu.memory_space<semaphore_mem>>) src(%dma_wait3A_58 : memref<10000x16xf32, #tpu.memory_space<hbm>>) dst(%arg10 : memref<128x16xf32, #tpu.memory_space<vmem>>)
        tpu.yield
      }) : () -> ()
      %scan3A_45 = arith.constant 0 : i32
      %scan3A_46 = arith.constant 0 : i32
      %scan3A_47 = arith.constant 128 : i32
      %scan3A_48 = arith.addi %scan3A_46, %scan3A_47 : i32
      %scan3A_49 = arith.constant 1 : i32
      %scan3A_50 = scf.for %scan3A_55 = %scan3A_46 to %scan3A_48 step %scan3A_49 iter_args(%scan3A_56 = %scan3A_45) -> (i32)  : i32 {
        %get3A = arith.index_cast %scan3A_55 : i32 to index
        %get3A_57 = arith.constant 0 : index
        %get3A_58 = tpu.vector_load %arg10[%get3A, %get3A_57] {strides = array<i32>} : memref<128x16xf32, #tpu.memory_space<vmem>>, vector<1x16xf32>,
        %get3A_59 = vector.shape_cast %get3A_58 : vector<1x16xf32> to vector<16xf32>
        %gt3A = arith.constant 0.000000e+00 : f32
        %gt3A_60 = vector.broadcast %gt3A : f32 to vector<16xf32>
        %gt3A_61 = arith.cmpf ogt, %get3A_59, %gt3A_60 : vector<16xf32>
        %mul3A_62 = arith.constant 2.000000e-01 : f32
        %mul3A_63 = vector.broadcast %mul3A_62 : f32 to vector<16xf32>
        %mul3A_64 = arith.mulf %mul3A_63, %get3A_59 : vector<16xf32>
        %select_n3A_65 = arith.select %gt3A_61, %get3A_59, %mul3A_64 : vector<16xi1>, vector<16xf32>
        %exp3A = math.exp %select_n3A_65 : vector<16xf32>
        %swap3A = arith.index_cast %scan3A_55 : i32 to index
        %swap3A_66 = arith.constant 0 : index
        %swap3A_67 = tpu.vector_load %arg11[%swap3A, %swap3A_66] {strides = array<i32>} : memref<128x16xf32, #tpu.memory_space<vmem>>, vector<1x16xf32>,
        %swap3A_68 = vector.shape_cast %swap3A_67 : vector<1x16xf32> to vector<16xf32>
        %swap3A_69 = vector.shape_cast %exp3A : vector<16xf32> to vector<1x16xf32>
        tpu.vector_store %arg11[%swap3A, %swap3A_66], %swap3A_69 {strides = array<i32>} : memref<128x16xf32, #tpu.memory_space<vmem>>, vector<1x16xf32>,
        %scan3A_70 = arith.constant 0 : i32
        scf.yield %scan3A_70 : i32
      }
      %scan3A_51 = arith.constant 128 : i32
      %mul3A_52 = arith.constant 128 : i32
      %mul3A_53 = arith.muli %add3A_44, %mul3A_52 : i32
      "tpu.region"() ({
        %run_scoped3A = tpu.sem_alloc : memref<!tpu.dma_semaphore, #tpu.memory_space<semaphore_mem>>
        %dma_start3A = arith.constant 0 : i32
        %dma_start3A_55 = tpu.memref_slice %arg6[%mul3A_53, %dma_start3A] : memref<320000x16xf32, #tpu.memory_space<hbm>> -> memref<128x16xf32, #tpu.memory_space<hbm>>
        %dma_start3A_56 = arith.constant 0 : i32
        %dma_start3A_57 = tpu.memref_slice %arg6[%mul3A_53, %dma_start3A_56] : memref<320000x16xf32, #tpu.memory_space<hbm>> -> memref<128x16xf32, #tpu.memory_space<hbm>>
        tpu.enqueue_dma source(%arg11 : memref<128x16xf32, #tpu.memory_space<vmem>>) target(%dma_start3A_57 : memref<128x16xf32, #tpu.memory_space<hbm>>) target_semaphore(%run_scoped3A : memref<!tpu.dma_semaphore, #tpu.memory_space<semaphore_mem>>)
        %dma_wait3A = arith.constant 0 : i32
        %dma_wait3A_58 = tpu.memref_slice %arg6[%mul3A_53, %dma_wait3A] : memref<320000x16xf32, #tpu.memory_space<hbm>> -> memref<128x16xf32, #tpu.memory_space<hbm>>
        %dma_wait3A_59 = arith.constant 0 : i32
        %dma_wait3A_60 = tpu.memref_slice %arg6[%mul3A_53, %dma_wait3A_59] : memref<320000x16xf32, #tpu.memory_space<hbm>> -> memref<128x16xf32, #tpu.memory_space<hbm>>
        tpu.wait_dma2 semaphore(%run_scoped3A : memref<!tpu.dma_semaphore, #tpu.memory_space<semaphore_mem>>) src(%arg11 : memref<128x16xf32, #tpu.memory_space<vmem>>) dst(%dma_wait3A_60 : memref<128x16xf32, #tpu.memory_space<hbm>>)
        tpu.yield
      }) : () -> ()
      "tpu.region"() ({
        %run_scoped3A = tpu.sem_alloc : memref<!tpu.dma_semaphore, #tpu.memory_space<semaphore_mem>>
        %dma_start3A = arith.constant 0 : i32
        %dma_start3A_55 = arith.constant 0 : i32
        %dma_start3A_56 = tpu.memref_slice %arg13[%dma_start3A, %dma_start3A_55] : memref<10240x16xf32, #tpu.memory_space<vmem_shared>> -> memref<10240x16xf32, #tpu.memory_space<vmem_shared>>
        tpu.enqueue_indirect_dma source(%arg11 : memref<128x16xf32, #tpu.memory_space<vmem>>) target(%dma_start3A_56 : memref<10240x16xf32, #tpu.memory_space<vmem_shared>>) offsets(%arg9 : memref<128xi32, #tpu.memory_space<vmem>>) semaphore(%run_scoped3A : memref<!tpu.dma_semaphore, #tpu.memory_space<semaphore_mem>>) {add = true}
        %dma_wait3A = arith.constant 0 : i32
        %dma_wait3A_57 = arith.constant 0 : i32
        %dma_wait3A_58 = tpu.memref_slice %arg13[%dma_wait3A, %dma_wait3A_57] : memref<10240x16xf32, #tpu.memory_space<vmem_shared>> -> memref<10240x16xf32, #tpu.memory_space<vmem_shared>>
        tpu.wait_indirect_dma semaphore(%run_scoped3A : memref<!tpu.dma_semaphore, #tpu.memory_space<semaphore_mem>>) src(%arg11 : memref<128x16xf32, #tpu.memory_space<vmem>>) dst(%dma_wait3A_58 : memref<10240x16xf32, #tpu.memory_space<vmem_shared>>)
        tpu.yield
      }) : () -> ()
      %while3A_54 = arith.constant 0 : i32
      scf.yield %while3A_54 : i32
    }
    %barrier3A_38 = arith.constant 0 : index
    tpu.barrier barrier_id(%barrier3A_38)
    %mul3A_39 = arith.constant 10240 : i32
    %mul3A_40 = arith.muli %arg0, %mul3A_39 : i32
    %add3A_41 = arith.addi %mul3A_40, %mul3A_8 : i32
    "tpu.region"() ({
      %run_scoped3A = tpu.sem_alloc : memref<!tpu.dma_semaphore, #tpu.memory_space<semaphore_mem>>
      %dma_start3A = arith.constant 0 : i32
      %dma_start3A_42 = tpu.memref_slice %arg7[%add3A_41, %dma_start3A] : memref<20480x16xf32, #tpu.memory_space<hbm>> -> memref<640x16xf32, #tpu.memory_space<hbm>>
      %dma_start3A_43 = arith.constant 0 : i32
      %dma_start3A_44 = tpu.memref_slice %arg13[%mul3A_8, %dma_start3A_43] : memref<10240x16xf32, #tpu.memory_space<vmem_shared>> -> memref<640x16xf32, #tpu.memory_space<vmem_shared>>
      tpu.enqueue_dma source(%dma_start3A_44 : memref<640x16xf32, #tpu.memory_space<vmem_shared>>) target(%dma_start3A_42 : memref<640x16xf32, #tpu.memory_space<hbm>>) target_semaphore(%run_scoped3A : memref<!tpu.dma_semaphore, #tpu.memory_space<semaphore_mem>>)
      %dma_wait3A = arith.constant 0 : i32
      %dma_wait3A_45 = tpu.memref_slice %arg7[%add3A_41, %dma_wait3A] : memref<20480x16xf32, #tpu.memory_space<hbm>> -> memref<640x16xf32, #tpu.memory_space<hbm>>
      %dma_wait3A_46 = arith.constant 0 : i32
      %dma_wait3A_47 = tpu.memref_slice %arg13[%mul3A_8, %dma_wait3A_46] : memref<10240x16xf32, #tpu.memory_space<vmem_shared>> -> memref<640x16xf32, #tpu.memory_space<vmem_shared>>
      tpu.wait_dma2 semaphore(%run_scoped3A : memref<!tpu.dma_semaphore, #tpu.memory_space<semaphore_mem>>) src(%dma_wait3A_47 : memref<640x16xf32, #tpu.memory_space<vmem_shared>>) dst(%dma_wait3A_45 : memref<640x16xf32, #tpu.memory_space<hbm>>)
      tpu.yield
    }) : () -> ()
    return
  }
}

#map = affine_map<(d0, d1) -> (0, 0)>
#map1 = affine_map<(d0, d1) -> (0)>
module attributes {stable_mosaic.version = 14 : i64} {
  func.func @_agg_body(%arg0: i32, %arg1: i32, %arg2: memref<20000x64xf32, #tpu.memory_space<hbm>>, %arg3: memref<5120000xf32, #tpu.memory_space<hbm>>, %arg4: memref<5000x128xi32, #tpu.memory_space<hbm>>, %arg5: memref<2500x128xi32, #tpu.memory_space<hbm>>, %arg6: memref<20480x64xf32, #tpu.memory_space<hbm>>, %arg7: memref<128xi32, #tpu.memory_space<vmem>>, %arg8: memref<128xi32, #tpu.memory_space<vmem>>, %arg9: memref<2048xf32, #tpu.memory_space<vmem>>, %arg10: memref<128x64xf32, #tpu.memory_space<vmem>>, %arg11: memref<10240x64xf32, #tpu.memory_space<vmem_shared>>) attributes {dimension_semantics = [#tpu.dimension_semantics<core_parallel>, #tpu.dimension_semantics<subcore_parallel>], iteration_bounds = array<i64: 2, 16>, scalar_prefetch = 0 : i64, scratch_operands = 5 : i64, tpu.core_type = #tpu.core_type<sc_vector_subcore>, window_params = [{transform_indices = #map}, {transform_indices = #map1}, {transform_indices = #map}, {transform_indices = #map}, {transform_indices = #map}]} {
    %mul3A = arith.constant 16 : i32
    %mul3A_0 = arith.muli %arg0, %mul3A : i32
    %add3A = arith.addi %mul3A_0, %arg1 : i32
    %scan3A = arith.constant 0 : i32
    %scan3A_1 = arith.constant 0 : i32
    %scan3A_2 = arith.constant 128 : i32
    %scan3A_3 = arith.addi %scan3A_1, %scan3A_2 : i32
    %scan3A_4 = arith.constant 1 : i32
    %scan3A_5 = scf.for %scan3A_54 = %scan3A_1 to %scan3A_3 step %scan3A_4 iter_args(%scan3A_55 = %scan3A) -> (i32)  : i32 {
      %broadcast_in_dim3A = arith.constant 0.000000e+00 : f32
      %broadcast_in_dim3A_56 = vector.broadcast %broadcast_in_dim3A : f32 to vector<16xf32>
      %swap3A = arith.index_cast %scan3A_54 : i32 to index
      %swap3A_57 = arith.constant 0 : index
      %swap3A_58 = tpu.vector_load %arg10[%swap3A, %swap3A_57] {strides = array<i32>} : memref<128x64xf32, #tpu.memory_space<vmem>>, vector<1x16xf32>,
      %swap3A_59 = vector.shape_cast %swap3A_58 : vector<1x16xf32> to vector<16xf32>
      %swap3A_60 = vector.shape_cast %broadcast_in_dim3A_56 : vector<16xf32> to vector<1x16xf32>
      tpu.vector_store %arg10[%swap3A, %swap3A_57], %swap3A_60 {strides = array<i32>} : memref<128x64xf32, #tpu.memory_space<vmem>>, vector<1x16xf32>,
      %broadcast_in_dim3A_61 = arith.constant 0.000000e+00 : f32
      %broadcast_in_dim3A_62 = vector.broadcast %broadcast_in_dim3A_61 : f32 to vector<16xf32>
      %swap3A_63 = arith.index_cast %scan3A_54 : i32 to index
      %swap3A_64 = arith.constant 16 : index
      %swap3A_65 = tpu.vector_load %arg10[%swap3A_63, %swap3A_64] {strides = array<i32>} : memref<128x64xf32, #tpu.memory_space<vmem>>, vector<1x16xf32>,
      %swap3A_66 = vector.shape_cast %swap3A_65 : vector<1x16xf32> to vector<16xf32>
      %swap3A_67 = vector.shape_cast %broadcast_in_dim3A_62 : vector<16xf32> to vector<1x16xf32>
      tpu.vector_store %arg10[%swap3A_63, %swap3A_64], %swap3A_67 {strides = array<i32>} : memref<128x64xf32, #tpu.memory_space<vmem>>, vector<1x16xf32>,
      %broadcast_in_dim3A_68 = arith.constant 0.000000e+00 : f32
      %broadcast_in_dim3A_69 = vector.broadcast %broadcast_in_dim3A_68 : f32 to vector<16xf32>
      %swap3A_70 = arith.index_cast %scan3A_54 : i32 to index
      %swap3A_71 = arith.constant 32 : index
      %swap3A_72 = tpu.vector_load %arg10[%swap3A_70, %swap3A_71] {strides = array<i32>} : memref<128x64xf32, #tpu.memory_space<vmem>>, vector<1x16xf32>,
      %swap3A_73 = vector.shape_cast %swap3A_72 : vector<1x16xf32> to vector<16xf32>
      %swap3A_74 = vector.shape_cast %broadcast_in_dim3A_69 : vector<16xf32> to vector<1x16xf32>
      tpu.vector_store %arg10[%swap3A_70, %swap3A_71], %swap3A_74 {strides = array<i32>} : memref<128x64xf32, #tpu.memory_space<vmem>>, vector<1x16xf32>,
      %broadcast_in_dim3A_75 = arith.constant 0.000000e+00 : f32
      %broadcast_in_dim3A_76 = vector.broadcast %broadcast_in_dim3A_75 : f32 to vector<16xf32>
      %swap3A_77 = arith.index_cast %scan3A_54 : i32 to index
      %swap3A_78 = arith.constant 48 : index
      %swap3A_79 = tpu.vector_load %arg10[%swap3A_77, %swap3A_78] {strides = array<i32>} : memref<128x64xf32, #tpu.memory_space<vmem>>, vector<1x16xf32>,
      %swap3A_80 = vector.shape_cast %swap3A_79 : vector<1x16xf32> to vector<16xf32>
      %swap3A_81 = vector.shape_cast %broadcast_in_dim3A_76 : vector<16xf32> to vector<1x16xf32>
      tpu.vector_store %arg10[%swap3A_77, %swap3A_78], %swap3A_81 {strides = array<i32>} : memref<128x64xf32, #tpu.memory_space<vmem>>, vector<1x16xf32>,
      %scan3A_82 = arith.constant 0 : i32
      scf.yield %scan3A_82 : i32
    }
    %scan3A_6 = arith.constant 128 : i32
    %mul3A_7 = arith.constant 640 : i32
    %mul3A_8 = arith.muli %arg1, %mul3A_7 : i32
    %add3A_9 = arith.constant 0 : i32
    %add3A_10 = arith.addi %mul3A_8, %add3A_9 : i32
    "tpu.region"() ({
      %run_scoped3A = tpu.sem_alloc : memref<!tpu.dma_semaphore, #tpu.memory_space<semaphore_mem>>
      %dma_start3A = arith.constant 0 : i32
      %dma_start3A_54 = tpu.memref_slice %arg11[%add3A_10, %dma_start3A] : memref<10240x64xf32, #tpu.memory_space<vmem_shared>> -> memref<128x64xf32, #tpu.memory_space<vmem_shared>>
      %dma_start3A_55 = arith.constant 0 : i32
      %dma_start3A_56 = tpu.memref_slice %arg11[%add3A_10, %dma_start3A_55] : memref<10240x64xf32, #tpu.memory_space<vmem_shared>> -> memref<128x64xf32, #tpu.memory_space<vmem_shared>>
      tpu.enqueue_dma source(%arg10 : memref<128x64xf32, #tpu.memory_space<vmem>>) target(%dma_start3A_56 : memref<128x64xf32, #tpu.memory_space<vmem_shared>>) target_semaphore(%run_scoped3A : memref<!tpu.dma_semaphore, #tpu.memory_space<semaphore_mem>>)
      %dma_wait3A = arith.constant 0 : i32
      %dma_wait3A_57 = tpu.memref_slice %arg11[%add3A_10, %dma_wait3A] : memref<10240x64xf32, #tpu.memory_space<vmem_shared>> -> memref<128x64xf32, #tpu.memory_space<vmem_shared>>
      %dma_wait3A_58 = arith.constant 0 : i32
      %dma_wait3A_59 = tpu.memref_slice %arg11[%add3A_10, %dma_wait3A_58] : memref<10240x64xf32, #tpu.memory_space<vmem_shared>> -> memref<128x64xf32, #tpu.memory_space<vmem_shared>>
      tpu.wait_dma2 semaphore(%run_scoped3A : memref<!tpu.dma_semaphore, #tpu.memory_space<semaphore_mem>>) src(%arg10 : memref<128x64xf32, #tpu.memory_space<vmem>>) dst(%dma_wait3A_59 : memref<128x64xf32, #tpu.memory_space<vmem_shared>>)
      tpu.yield
    }) : () -> ()
    %add3A_11 = arith.constant 128 : i32
    %add3A_12 = arith.addi %mul3A_8, %add3A_11 : i32
    "tpu.region"() ({
      %run_scoped3A = tpu.sem_alloc : memref<!tpu.dma_semaphore, #tpu.memory_space<semaphore_mem>>
      %dma_start3A = arith.constant 0 : i32
      %dma_start3A_54 = tpu.memref_slice %arg11[%add3A_12, %dma_start3A] : memref<10240x64xf32, #tpu.memory_space<vmem_shared>> -> memref<128x64xf32, #tpu.memory_space<vmem_shared>>
      %dma_start3A_55 = arith.constant 0 : i32
      %dma_start3A_56 = tpu.memref_slice %arg11[%add3A_12, %dma_start3A_55] : memref<10240x64xf32, #tpu.memory_space<vmem_shared>> -> memref<128x64xf32, #tpu.memory_space<vmem_shared>>
      tpu.enqueue_dma source(%arg10 : memref<128x64xf32, #tpu.memory_space<vmem>>) target(%dma_start3A_56 : memref<128x64xf32, #tpu.memory_space<vmem_shared>>) target_semaphore(%run_scoped3A : memref<!tpu.dma_semaphore, #tpu.memory_space<semaphore_mem>>)
      %dma_wait3A = arith.constant 0 : i32
      %dma_wait3A_57 = tpu.memref_slice %arg11[%add3A_12, %dma_wait3A] : memref<10240x64xf32, #tpu.memory_space<vmem_shared>> -> memref<128x64xf32, #tpu.memory_space<vmem_shared>>
      %dma_wait3A_58 = arith.constant 0 : i32
      %dma_wait3A_59 = tpu.memref_slice %arg11[%add3A_12, %dma_wait3A_58] : memref<10240x64xf32, #tpu.memory_space<vmem_shared>> -> memref<128x64xf32, #tpu.memory_space<vmem_shared>>
      tpu.wait_dma2 semaphore(%run_scoped3A : memref<!tpu.dma_semaphore, #tpu.memory_space<semaphore_mem>>) src(%arg10 : memref<128x64xf32, #tpu.memory_space<vmem>>) dst(%dma_wait3A_59 : memref<128x64xf32, #tpu.memory_space<vmem_shared>>)
      tpu.yield
    }) : () -> ()
    %add3A_13 = arith.constant 256 : i32
    %add3A_14 = arith.addi %mul3A_8, %add3A_13 : i32
    "tpu.region"() ({
      %run_scoped3A = tpu.sem_alloc : memref<!tpu.dma_semaphore, #tpu.memory_space<semaphore_mem>>
      %dma_start3A = arith.constant 0 : i32
      %dma_start3A_54 = tpu.memref_slice %arg11[%add3A_14, %dma_start3A] : memref<10240x64xf32, #tpu.memory_space<vmem_shared>> -> memref<128x64xf32, #tpu.memory_space<vmem_shared>>
      %dma_start3A_55 = arith.constant 0 : i32
      %dma_start3A_56 = tpu.memref_slice %arg11[%add3A_14, %dma_start3A_55] : memref<10240x64xf32, #tpu.memory_space<vmem_shared>> -> memref<128x64xf32, #tpu.memory_space<vmem_shared>>
      tpu.enqueue_dma source(%arg10 : memref<128x64xf32, #tpu.memory_space<vmem>>) target(%dma_start3A_56 : memref<128x64xf32, #tpu.memory_space<vmem_shared>>) target_semaphore(%run_scoped3A : memref<!tpu.dma_semaphore, #tpu.memory_space<semaphore_mem>>)
      %dma_wait3A = arith.constant 0 : i32
      %dma_wait3A_57 = tpu.memref_slice %arg11[%add3A_14, %dma_wait3A] : memref<10240x64xf32, #tpu.memory_space<vmem_shared>> -> memref<128x64xf32, #tpu.memory_space<vmem_shared>>
      %dma_wait3A_58 = arith.constant 0 : i32
      %dma_wait3A_59 = tpu.memref_slice %arg11[%add3A_14, %dma_wait3A_58] : memref<10240x64xf32, #tpu.memory_space<vmem_shared>> -> memref<128x64xf32, #tpu.memory_space<vmem_shared>>
      tpu.wait_dma2 semaphore(%run_scoped3A : memref<!tpu.dma_semaphore, #tpu.memory_space<semaphore_mem>>) src(%arg10 : memref<128x64xf32, #tpu.memory_space<vmem>>) dst(%dma_wait3A_59 : memref<128x64xf32, #tpu.memory_space<vmem_shared>>)
      tpu.yield
    }) : () -> ()
    %add3A_15 = arith.constant 384 : i32
    %add3A_16 = arith.addi %mul3A_8, %add3A_15 : i32
    "tpu.region"() ({
      %run_scoped3A = tpu.sem_alloc : memref<!tpu.dma_semaphore, #tpu.memory_space<semaphore_mem>>
      %dma_start3A = arith.constant 0 : i32
      %dma_start3A_54 = tpu.memref_slice %arg11[%add3A_16, %dma_start3A] : memref<10240x64xf32, #tpu.memory_space<vmem_shared>> -> memref<128x64xf32, #tpu.memory_space<vmem_shared>>
      %dma_start3A_55 = arith.constant 0 : i32
      %dma_start3A_56 = tpu.memref_slice %arg11[%add3A_16, %dma_start3A_55] : memref<10240x64xf32, #tpu.memory_space<vmem_shared>> -> memref<128x64xf32, #tpu.memory_space<vmem_shared>>
      tpu.enqueue_dma source(%arg10 : memref<128x64xf32, #tpu.memory_space<vmem>>) target(%dma_start3A_56 : memref<128x64xf32, #tpu.memory_space<vmem_shared>>) target_semaphore(%run_scoped3A : memref<!tpu.dma_semaphore, #tpu.memory_space<semaphore_mem>>)
      %dma_wait3A = arith.constant 0 : i32
      %dma_wait3A_57 = tpu.memref_slice %arg11[%add3A_16, %dma_wait3A] : memref<10240x64xf32, #tpu.memory_space<vmem_shared>> -> memref<128x64xf32, #tpu.memory_space<vmem_shared>>
      %dma_wait3A_58 = arith.constant 0 : i32
      %dma_wait3A_59 = tpu.memref_slice %arg11[%add3A_16, %dma_wait3A_58] : memref<10240x64xf32, #tpu.memory_space<vmem_shared>> -> memref<128x64xf32, #tpu.memory_space<vmem_shared>>
      tpu.wait_dma2 semaphore(%run_scoped3A : memref<!tpu.dma_semaphore, #tpu.memory_space<semaphore_mem>>) src(%arg10 : memref<128x64xf32, #tpu.memory_space<vmem>>) dst(%dma_wait3A_59 : memref<128x64xf32, #tpu.memory_space<vmem_shared>>)
      tpu.yield
    }) : () -> ()
    %add3A_17 = arith.constant 512 : i32
    %add3A_18 = arith.addi %mul3A_8, %add3A_17 : i32
    "tpu.region"() ({
      %run_scoped3A = tpu.sem_alloc : memref<!tpu.dma_semaphore, #tpu.memory_space<semaphore_mem>>
      %dma_start3A = arith.constant 0 : i32
      %dma_start3A_54 = tpu.memref_slice %arg11[%add3A_18, %dma_start3A] : memref<10240x64xf32, #tpu.memory_space<vmem_shared>> -> memref<128x64xf32, #tpu.memory_space<vmem_shared>>
      %dma_start3A_55 = arith.constant 0 : i32
      %dma_start3A_56 = tpu.memref_slice %arg11[%add3A_18, %dma_start3A_55] : memref<10240x64xf32, #tpu.memory_space<vmem_shared>> -> memref<128x64xf32, #tpu.memory_space<vmem_shared>>
      tpu.enqueue_dma source(%arg10 : memref<128x64xf32, #tpu.memory_space<vmem>>) target(%dma_start3A_56 : memref<128x64xf32, #tpu.memory_space<vmem_shared>>) target_semaphore(%run_scoped3A : memref<!tpu.dma_semaphore, #tpu.memory_space<semaphore_mem>>)
      %dma_wait3A = arith.constant 0 : i32
      %dma_wait3A_57 = tpu.memref_slice %arg11[%add3A_18, %dma_wait3A] : memref<10240x64xf32, #tpu.memory_space<vmem_shared>> -> memref<128x64xf32, #tpu.memory_space<vmem_shared>>
      %dma_wait3A_58 = arith.constant 0 : i32
      %dma_wait3A_59 = tpu.memref_slice %arg11[%add3A_18, %dma_wait3A_58] : memref<10240x64xf32, #tpu.memory_space<vmem_shared>> -> memref<128x64xf32, #tpu.memory_space<vmem_shared>>
      tpu.wait_dma2 semaphore(%run_scoped3A : memref<!tpu.dma_semaphore, #tpu.memory_space<semaphore_mem>>) src(%arg10 : memref<128x64xf32, #tpu.memory_space<vmem>>) dst(%dma_wait3A_59 : memref<128x64xf32, #tpu.memory_space<vmem_shared>>)
      tpu.yield
    }) : () -> ()
    %barrier3A = arith.constant 0 : index
    tpu.barrier barrier_id(%barrier3A)
    %mul3A_19 = arith.constant 156 : i32
    %mul3A_20 = arith.muli %arg1, %mul3A_19 : i32
    %min3A = arith.constant 4 : i32
    %min3A_21 = arith.minsi %arg1, %min3A : i32
    %add3A_22 = arith.addi %mul3A_20, %min3A_21 : i32
    %lt3A = arith.constant 4 : i32
    %lt3A_23 = arith.cmpi slt, %arg1, %lt3A : i32
    %jit3A = arith.constant 1 : i32
    %jit3A_24 = arith.constant 0 : i32
    %select_n3A = arith.select %lt3A_23, %jit3A, %jit3A_24 : i32
    %add3A_25 = arith.constant 156 : i32
    %add3A_26 = arith.addi %add3A_25, %select_n3A : i32
    %iota3A = tpu.iota {dimensions = array<i32: 0>} : vector<16xi32>
    %lt3A_27 = arith.constant 16 : i32
    %lt3A_28 = vector.broadcast %lt3A_27 : i32 to vector<16xi32>
    %lt3A_29 = arith.cmpi slt, %iota3A, %lt3A_28 : vector<16xi32>
    %lt3A_30 = arith.constant 16 : i32
    %lt3A_31 = vector.broadcast %lt3A_30 : i32 to vector<16xi32>
    %lt3A_32 = arith.cmpi slt, %iota3A, %lt3A_31 : vector<16xi32>
    %lt3A_33 = arith.constant 16 : i32
    %lt3A_34 = vector.broadcast %lt3A_33 : i32 to vector<16xi32>
    %lt3A_35 = arith.cmpi slt, %iota3A, %lt3A_34 : vector<16xi32>
    %lt3A_36 = arith.constant 16 : i32
    %lt3A_37 = vector.broadcast %lt3A_36 : i32 to vector<16xi32>
    %lt3A_38 = arith.cmpi slt, %iota3A, %lt3A_37 : vector<16xi32>
    %while3A = arith.constant 0 : i32
    %while3A_39 = arith.constant 0 : i32
    %while3A_40 = arith.subi %add3A_26, %while3A : i32
    %while3A_41 = arith.addi %while3A, %while3A_40 : i32
    %while3A_42 = arith.constant 1 : i32
    %while3A_43 = arith.divsi %while3A_40, %while3A_42 : i32
    %while3A_44 = arith.muli %while3A_43, %while3A_42 : i32
    %while3A_45 = arith.addi %while3A, %while3A_44 : i32
    %while3A_46 = arith.constant 1 : i32
    %while3A_47 = scf.for %while3A_54 = %while3A to %while3A_45 step %while3A_46 iter_args(%while3A_55 = %while3A_39) -> (i32)  : i32 {
      %add3A_56 = arith.addi %add3A_22, %while3A_54 : i32
      %mul3A_57 = arith.constant 2500 : i32
      %mul3A_58 = arith.muli %arg0, %mul3A_57 : i32
      %add3A_59 = arith.addi %mul3A_58, %add3A_56 : i32
      "tpu.region"() ({
        %run_scoped3A = tpu.sem_alloc : memref<!tpu.dma_semaphore, #tpu.memory_space<semaphore_mem>>
        %dma_start3A = arith.constant 0 : i32
        %dma_start3A_72 = tpu.memref_slice %arg4[%add3A_59, %dma_start3A] : memref<5000x128xi32, #tpu.memory_space<hbm>> -> memref<1x128xi32, #tpu.memory_space<hbm>>
        %dma_start3A_73 = tpu.memref_squeeze %dma_start3A_72 : memref<1x128xi32, #tpu.memory_space<hbm>> -> memref<128xi32, #tpu.memory_space<hbm>>
        %dma_start3A_74 = arith.constant 0 : i32
        %dma_start3A_75 = tpu.memref_slice %arg4[%add3A_59, %dma_start3A_74] : memref<5000x128xi32, #tpu.memory_space<hbm>> -> memref<1x128xi32, #tpu.memory_space<hbm>>
        %dma_start3A_76 = tpu.memref_squeeze %dma_start3A_75 : memref<1x128xi32, #tpu.memory_space<hbm>> -> memref<128xi32, #tpu.memory_space<hbm>>
        tpu.enqueue_dma source(%dma_start3A_76 : memref<128xi32, #tpu.memory_space<hbm>>) target(%arg7 : memref<128xi32, #tpu.memory_space<vmem>>) target_semaphore(%run_scoped3A : memref<!tpu.dma_semaphore, #tpu.memory_space<semaphore_mem>>)
        %dma_wait3A = arith.constant 0 : i32
        %dma_wait3A_77 = tpu.memref_slice %arg4[%add3A_59, %dma_wait3A] : memref<5000x128xi32, #tpu.memory_space<hbm>> -> memref<1x128xi32, #tpu.memory_space<hbm>>
        %dma_wait3A_78 = tpu.memref_squeeze %dma_wait3A_77 : memref<1x128xi32, #tpu.memory_space<hbm>> -> memref<128xi32, #tpu.memory_space<hbm>>
        %dma_wait3A_79 = arith.constant 0 : i32
        %dma_wait3A_80 = tpu.memref_slice %arg4[%add3A_59, %dma_wait3A_79] : memref<5000x128xi32, #tpu.memory_space<hbm>> -> memref<1x128xi32, #tpu.memory_space<hbm>>
        %dma_wait3A_81 = tpu.memref_squeeze %dma_wait3A_80 : memref<1x128xi32, #tpu.memory_space<hbm>> -> memref<128xi32, #tpu.memory_space<hbm>>
        tpu.wait_dma2 semaphore(%run_scoped3A : memref<!tpu.dma_semaphore, #tpu.memory_space<semaphore_mem>>) src(%dma_wait3A_81 : memref<128xi32, #tpu.memory_space<hbm>>) dst(%arg7 : memref<128xi32, #tpu.memory_space<vmem>>)
        tpu.yield
      }) : () -> ()
      "tpu.region"() ({
        %run_scoped3A = tpu.sem_alloc : memref<!tpu.dma_semaphore, #tpu.memory_space<semaphore_mem>>
        %dma_start3A = arith.constant 0 : i32
        %dma_start3A_72 = tpu.memref_slice %arg5[%add3A_56, %dma_start3A] : memref<2500x128xi32, #tpu.memory_space<hbm>> -> memref<1x128xi32, #tpu.memory_space<hbm>>
        %dma_start3A_73 = tpu.memref_squeeze %dma_start3A_72 : memref<1x128xi32, #tpu.memory_space<hbm>> -> memref<128xi32, #tpu.memory_space<hbm>>
        %dma_start3A_74 = arith.constant 0 : i32
        %dma_start3A_75 = tpu.memref_slice %arg5[%add3A_56, %dma_start3A_74] : memref<2500x128xi32, #tpu.memory_space<hbm>> -> memref<1x128xi32, #tpu.memory_space<hbm>>
        %dma_start3A_76 = tpu.memref_squeeze %dma_start3A_75 : memref<1x128xi32, #tpu.memory_space<hbm>> -> memref<128xi32, #tpu.memory_space<hbm>>
        tpu.enqueue_dma source(%dma_start3A_76 : memref<128xi32, #tpu.memory_space<hbm>>) target(%arg8 : memref<128xi32, #tpu.memory_space<vmem>>) target_semaphore(%run_scoped3A : memref<!tpu.dma_semaphore, #tpu.memory_space<semaphore_mem>>)
        %dma_wait3A = arith.constant 0 : i32
        %dma_wait3A_77 = tpu.memref_slice %arg5[%add3A_56, %dma_wait3A] : memref<2500x128xi32, #tpu.memory_space<hbm>> -> memref<1x128xi32, #tpu.memory_space<hbm>>
        %dma_wait3A_78 = tpu.memref_squeeze %dma_wait3A_77 : memref<1x128xi32, #tpu.memory_space<hbm>> -> memref<128xi32, #tpu.memory_space<hbm>>
        %dma_wait3A_79 = arith.constant 0 : i32
        %dma_wait3A_80 = tpu.memref_slice %arg5[%add3A_56, %dma_wait3A_79] : memref<2500x128xi32, #tpu.memory_space<hbm>> -> memref<1x128xi32, #tpu.memory_space<hbm>>
        %dma_wait3A_81 = tpu.memref_squeeze %dma_wait3A_80 : memref<1x128xi32, #tpu.memory_space<hbm>> -> memref<128xi32, #tpu.memory_space<hbm>>
        tpu.wait_dma2 semaphore(%run_scoped3A : memref<!tpu.dma_semaphore, #tpu.memory_space<semaphore_mem>>) src(%dma_wait3A_81 : memref<128xi32, #tpu.memory_space<hbm>>) dst(%arg8 : memref<128xi32, #tpu.memory_space<vmem>>)
        tpu.yield
      }) : () -> ()
      %mul3A_60 = arith.constant 128 : i32
      %mul3A_61 = arith.muli %add3A_56, %mul3A_60 : i32
      %mul3A_62 = arith.constant 16 : i32
      %mul3A_63 = arith.muli %mul3A_61, %mul3A_62 : i32
      "tpu.region"() ({
        %run_scoped3A = tpu.sem_alloc : memref<!tpu.dma_semaphore, #tpu.memory_space<semaphore_mem>>
        %dma_start3A = tpu.memref_slice %arg3[%mul3A_63] : memref<5120000xf32, #tpu.memory_space<hbm>> -> memref<2048xf32, #tpu.memory_space<hbm>>
        %dma_start3A_72 = tpu.memref_slice %arg3[%mul3A_63] : memref<5120000xf32, #tpu.memory_space<hbm>> -> memref<2048xf32, #tpu.memory_space<hbm>>
        tpu.enqueue_dma source(%dma_start3A_72 : memref<2048xf32, #tpu.memory_space<hbm>>) target(%arg9 : memref<2048xf32, #tpu.memory_space<vmem>>) target_semaphore(%run_scoped3A : memref<!tpu.dma_semaphore, #tpu.memory_space<semaphore_mem>>)
        %dma_wait3A = tpu.memref_slice %arg3[%mul3A_63] : memref<5120000xf32, #tpu.memory_space<hbm>> -> memref<2048xf32, #tpu.memory_space<hbm>>
        %dma_wait3A_73 = tpu.memref_slice %arg3[%mul3A_63] : memref<5120000xf32, #tpu.memory_space<hbm>> -> memref<2048xf32, #tpu.memory_space<hbm>>
        tpu.wait_dma2 semaphore(%run_scoped3A : memref<!tpu.dma_semaphore, #tpu.memory_space<semaphore_mem>>) src(%dma_wait3A_73 : memref<2048xf32, #tpu.memory_space<hbm>>) dst(%arg9 : memref<2048xf32, #tpu.memory_space<vmem>>)
        tpu.yield
      }) : () -> ()
      "tpu.region"() ({
        %run_scoped3A = tpu.sem_alloc : memref<!tpu.dma_semaphore, #tpu.memory_space<semaphore_mem>>
        %dma_start3A = arith.constant 0 : i32
        %dma_start3A_72 = arith.constant 0 : i32
        %dma_start3A_73 = tpu.memref_slice %arg2[%dma_start3A, %dma_start3A_72] : memref<20000x64xf32, #tpu.memory_space<hbm>> -> memref<20000x64xf32, #tpu.memory_space<hbm>>
        tpu.enqueue_indirect_dma source(%dma_start3A_73 : memref<20000x64xf32, #tpu.memory_space<hbm>>) target(%arg10 : memref<128x64xf32, #tpu.memory_space<vmem>>) offsets(%arg7 : memref<128xi32, #tpu.memory_space<vmem>>) semaphore(%run_scoped3A : memref<!tpu.dma_semaphore, #tpu.memory_space<semaphore_mem>>)
        %dma_wait3A = arith.constant 0 : i32
        %dma_wait3A_74 = arith.constant 0 : i32
        %dma_wait3A_75 = tpu.memref_slice %arg2[%dma_wait3A, %dma_wait3A_74] : memref<20000x64xf32, #tpu.memory_space<hbm>> -> memref<20000x64xf32, #tpu.memory_space<hbm>>
        tpu.wait_indirect_dma semaphore(%run_scoped3A : memref<!tpu.dma_semaphore, #tpu.memory_space<semaphore_mem>>) src(%dma_wait3A_75 : memref<20000x64xf32, #tpu.memory_space<hbm>>) dst(%arg10 : memref<128x64xf32, #tpu.memory_space<vmem>>)
        tpu.yield
      }) : () -> ()
      %eq3A = arith.constant 0 : i32
      %eq3A_64 = arith.cmpi eq, %arg0, %eq3A : i32
      %convert_element_type3A = arith.extui %eq3A_64 : i1 to i32
      %cond3A = arith.constant 0 : i32
      %cond3A_65 = arith.cmpi ne, %convert_element_type3A, %cond3A : i32
      scf.if %cond3A_65 {
        %scan3A_72 = arith.constant 0 : i32
        %scan3A_73 = arith.constant 0 : i32
        %scan3A_74 = arith.constant 128 : i32
        %scan3A_75 = arith.addi %scan3A_73, %scan3A_74 : i32
        %scan3A_76 = arith.constant 1 : i32
        %scan3A_77 = scf.for %scan3A_79 = %scan3A_73 to %scan3A_75 step %scan3A_76 iter_args(%scan3A_80 = %scan3A_72) -> (i32)  : i32 {
          %mul3A_81 = arith.constant 16 : i32
          %mul3A_82 = arith.muli %scan3A_79, %mul3A_81 : i32
          %get3A = arith.index_cast %mul3A_82 : i32 to index
          %get3A_83 = tpu.vector_load %arg9[%get3A] {strides = array<i32>} : memref<2048xf32, #tpu.memory_space<vmem>>, vector<16xf32>,
          %get3A_84 = vector.shape_cast %get3A_83 : vector<16xf32> to vector<16xf32>
          %slice3A = vector.extract_strided_slice %get3A_84 {offsets = [0], sizes = [1], strides = [1]} : vector<16xf32> to vector<1xf32>
          %squeeze3A = vector.extract %slice3A[0] : f32 from vector<1xf32>
          %broadcast_in_dim3A = vector.broadcast %squeeze3A : f32 to vector<16xf32>
          %get3A_85 = arith.index_cast %scan3A_79 : i32 to index
          %get3A_86 = arith.constant 0 : index
          %get3A_87 = tpu.vector_load %arg10[%get3A_85, %get3A_86] {strides = array<i32>} : memref<128x64xf32, #tpu.memory_space<vmem>>, vector<1x16xf32>,
          %get3A_88 = vector.shape_cast %get3A_87 : vector<1x16xf32> to vector<16xf32>
          %mul3A_89 = arith.mulf %get3A_88, %broadcast_in_dim3A : vector<16xf32>
          %swap3A = arith.index_cast %scan3A_79 : i32 to index
          %swap3A_90 = arith.constant 0 : index
          %swap3A_91 = tpu.vector_load %arg10[%swap3A, %swap3A_90] {strides = array<i32>} : memref<128x64xf32, #tpu.memory_space<vmem>>, vector<1x16xf32>,
          %swap3A_92 = vector.shape_cast %swap3A_91 : vector<1x16xf32> to vector<16xf32>
          %swap3A_93 = vector.shape_cast %mul3A_89 : vector<16xf32> to vector<1x16xf32>
          tpu.vector_store %arg10[%swap3A, %swap3A_90], %swap3A_93 {strides = array<i32>} : memref<128x64xf32, #tpu.memory_space<vmem>>, vector<1x16xf32>,
          %slice3A_94 = vector.extract_strided_slice %get3A_84 {offsets = [1], sizes = [1], strides = [1]} : vector<16xf32> to vector<1xf32>
          %squeeze3A_95 = vector.extract %slice3A_94[0] : f32 from vector<1xf32>
          %broadcast_in_dim3A_96 = vector.broadcast %squeeze3A_95 : f32 to vector<16xf32>
          %get3A_97 = arith.index_cast %scan3A_79 : i32 to index
          %get3A_98 = arith.constant 16 : index
          %get3A_99 = tpu.vector_load %arg10[%get3A_97, %get3A_98] {strides = array<i32>} : memref<128x64xf32, #tpu.memory_space<vmem>>, vector<1x16xf32>,
          %get3A_100 = vector.shape_cast %get3A_99 : vector<1x16xf32> to vector<16xf32>
          %mul3A_101 = arith.mulf %get3A_100, %broadcast_in_dim3A_96 : vector<16xf32>
          %swap3A_102 = arith.index_cast %scan3A_79 : i32 to index
          %swap3A_103 = arith.constant 16 : index
          %swap3A_104 = tpu.vector_load %arg10[%swap3A_102, %swap3A_103] {strides = array<i32>} : memref<128x64xf32, #tpu.memory_space<vmem>>, vector<1x16xf32>,
          %swap3A_105 = vector.shape_cast %swap3A_104 : vector<1x16xf32> to vector<16xf32>
          %swap3A_106 = vector.shape_cast %mul3A_101 : vector<16xf32> to vector<1x16xf32>
          tpu.vector_store %arg10[%swap3A_102, %swap3A_103], %swap3A_106 {strides = array<i32>} : memref<128x64xf32, #tpu.memory_space<vmem>>, vector<1x16xf32>,
          %slice3A_107 = vector.extract_strided_slice %get3A_84 {offsets = [2], sizes = [1], strides = [1]} : vector<16xf32> to vector<1xf32>
          %squeeze3A_108 = vector.extract %slice3A_107[0] : f32 from vector<1xf32>
          %broadcast_in_dim3A_109 = vector.broadcast %squeeze3A_108 : f32 to vector<16xf32>
          %get3A_110 = arith.index_cast %scan3A_79 : i32 to index
          %get3A_111 = arith.constant 32 : index
          %get3A_112 = tpu.vector_load %arg10[%get3A_110, %get3A_111] {strides = array<i32>} : memref<128x64xf32, #tpu.memory_space<vmem>>, vector<1x16xf32>,
          %get3A_113 = vector.shape_cast %get3A_112 : vector<1x16xf32> to vector<16xf32>
          %mul3A_114 = arith.mulf %get3A_113, %broadcast_in_dim3A_109 : vector<16xf32>
          %swap3A_115 = arith.index_cast %scan3A_79 : i32 to index
          %swap3A_116 = arith.constant 32 : index
          %swap3A_117 = tpu.vector_load %arg10[%swap3A_115, %swap3A_116] {strides = array<i32>} : memref<128x64xf32, #tpu.memory_space<vmem>>, vector<1x16xf32>,
          %swap3A_118 = vector.shape_cast %swap3A_117 : vector<1x16xf32> to vector<16xf32>
          %swap3A_119 = vector.shape_cast %mul3A_114 : vector<16xf32> to vector<1x16xf32>
          tpu.vector_store %arg10[%swap3A_115, %swap3A_116], %swap3A_119 {strides = array<i32>} : memref<128x64xf32, #tpu.memory_space<vmem>>, vector<1x16xf32>,
          %slice3A_120 = vector.extract_strided_slice %get3A_84 {offsets = [3], sizes = [1], strides = [1]} : vector<16xf32> to vector<1xf32>
          %squeeze3A_121 = vector.extract %slice3A_120[0] : f32 from vector<1xf32>
          %broadcast_in_dim3A_122 = vector.broadcast %squeeze3A_121 : f32 to vector<16xf32>
          %get3A_123 = arith.index_cast %scan3A_79 : i32 to index
          %get3A_124 = arith.constant 48 : index
          %get3A_125 = tpu.vector_load %arg10[%get3A_123, %get3A_124] {strides = array<i32>} : memref<128x64xf32, #tpu.memory_space<vmem>>, vector<1x16xf32>,
          %get3A_126 = vector.shape_cast %get3A_125 : vector<1x16xf32> to vector<16xf32>
          %mul3A_127 = arith.mulf %get3A_126, %broadcast_in_dim3A_122 : vector<16xf32>
          %swap3A_128 = arith.index_cast %scan3A_79 : i32 to index
          %swap3A_129 = arith.constant 48 : index
          %swap3A_130 = tpu.vector_load %arg10[%swap3A_128, %swap3A_129] {strides = array<i32>} : memref<128x64xf32, #tpu.memory_space<vmem>>, vector<1x16xf32>,
          %swap3A_131 = vector.shape_cast %swap3A_130 : vector<1x16xf32> to vector<16xf32>
          %swap3A_132 = vector.shape_cast %mul3A_127 : vector<16xf32> to vector<1x16xf32>
          tpu.vector_store %arg10[%swap3A_128, %swap3A_129], %swap3A_132 {strides = array<i32>} : memref<128x64xf32, #tpu.memory_space<vmem>>, vector<1x16xf32>,
          %scan3A_133 = arith.constant 0 : i32
          scf.yield %scan3A_133 : i32
        }
        %scan3A_78 = arith.constant 128 : i32
      } else {
      }
      %eq3A_66 = arith.constant 1 : i32
      %eq3A_67 = arith.cmpi eq, %arg0, %eq3A_66 : i32
      %convert_element_type3A_68 = arith.extui %eq3A_67 : i1 to i32
      %cond3A_69 = arith.constant 0 : i32
      %cond3A_70 = arith.cmpi ne, %convert_element_type3A_68, %cond3A_69 : i32
      scf.if %cond3A_70 {
        %scan3A_72 = arith.constant 0 : i32
        %scan3A_73 = arith.constant 0 : i32
        %scan3A_74 = arith.constant 128 : i32
        %scan3A_75 = arith.addi %scan3A_73, %scan3A_74 : i32
        %scan3A_76 = arith.constant 1 : i32
        %scan3A_77 = scf.for %scan3A_79 = %scan3A_73 to %scan3A_75 step %scan3A_76 iter_args(%scan3A_80 = %scan3A_72) -> (i32)  : i32 {
          %mul3A_81 = arith.constant 16 : i32
          %mul3A_82 = arith.muli %scan3A_79, %mul3A_81 : i32
          %get3A = arith.index_cast %mul3A_82 : i32 to index
          %get3A_83 = tpu.vector_load %arg9[%get3A] {strides = array<i32>} : memref<2048xf32, #tpu.memory_space<vmem>>, vector<16xf32>,
          %get3A_84 = vector.shape_cast %get3A_83 : vector<16xf32> to vector<16xf32>
          %slice3A = vector.extract_strided_slice %get3A_84 {offsets = [4], sizes = [1], strides = [1]} : vector<16xf32> to vector<1xf32>
          %squeeze3A = vector.extract %slice3A[0] : f32 from vector<1xf32>
          %broadcast_in_dim3A = vector.broadcast %squeeze3A : f32 to vector<16xf32>
          %get3A_85 = arith.index_cast %scan3A_79 : i32 to index
          %get3A_86 = arith.constant 0 : index
          %get3A_87 = tpu.vector_load %arg10[%get3A_85, %get3A_86] {strides = array<i32>} : memref<128x64xf32, #tpu.memory_space<vmem>>, vector<1x16xf32>,
          %get3A_88 = vector.shape_cast %get3A_87 : vector<1x16xf32> to vector<16xf32>
          %mul3A_89 = arith.mulf %get3A_88, %broadcast_in_dim3A : vector<16xf32>
          %swap3A = arith.index_cast %scan3A_79 : i32 to index
          %swap3A_90 = arith.constant 0 : index
          %swap3A_91 = tpu.vector_load %arg10[%swap3A, %swap3A_90] {strides = array<i32>} : memref<128x64xf32, #tpu.memory_space<vmem>>, vector<1x16xf32>,
          %swap3A_92 = vector.shape_cast %swap3A_91 : vector<1x16xf32> to vector<16xf32>
          %swap3A_93 = vector.shape_cast %mul3A_89 : vector<16xf32> to vector<1x16xf32>
          tpu.vector_store %arg10[%swap3A, %swap3A_90], %swap3A_93 {strides = array<i32>} : memref<128x64xf32, #tpu.memory_space<vmem>>, vector<1x16xf32>,
          %slice3A_94 = vector.extract_strided_slice %get3A_84 {offsets = [5], sizes = [1], strides = [1]} : vector<16xf32> to vector<1xf32>
          %squeeze3A_95 = vector.extract %slice3A_94[0] : f32 from vector<1xf32>
          %broadcast_in_dim3A_96 = vector.broadcast %squeeze3A_95 : f32 to vector<16xf32>
          %get3A_97 = arith.index_cast %scan3A_79 : i32 to index
          %get3A_98 = arith.constant 16 : index
          %get3A_99 = tpu.vector_load %arg10[%get3A_97, %get3A_98] {strides = array<i32>} : memref<128x64xf32, #tpu.memory_space<vmem>>, vector<1x16xf32>,
          %get3A_100 = vector.shape_cast %get3A_99 : vector<1x16xf32> to vector<16xf32>
          %mul3A_101 = arith.mulf %get3A_100, %broadcast_in_dim3A_96 : vector<16xf32>
          %swap3A_102 = arith.index_cast %scan3A_79 : i32 to index
          %swap3A_103 = arith.constant 16 : index
          %swap3A_104 = tpu.vector_load %arg10[%swap3A_102, %swap3A_103] {strides = array<i32>} : memref<128x64xf32, #tpu.memory_space<vmem>>, vector<1x16xf32>,
          %swap3A_105 = vector.shape_cast %swap3A_104 : vector<1x16xf32> to vector<16xf32>
          %swap3A_106 = vector.shape_cast %mul3A_101 : vector<16xf32> to vector<1x16xf32>
          tpu.vector_store %arg10[%swap3A_102, %swap3A_103], %swap3A_106 {strides = array<i32>} : memref<128x64xf32, #tpu.memory_space<vmem>>, vector<1x16xf32>,
          %slice3A_107 = vector.extract_strided_slice %get3A_84 {offsets = [6], sizes = [1], strides = [1]} : vector<16xf32> to vector<1xf32>
          %squeeze3A_108 = vector.extract %slice3A_107[0] : f32 from vector<1xf32>
          %broadcast_in_dim3A_109 = vector.broadcast %squeeze3A_108 : f32 to vector<16xf32>
          %get3A_110 = arith.index_cast %scan3A_79 : i32 to index
          %get3A_111 = arith.constant 32 : index
          %get3A_112 = tpu.vector_load %arg10[%get3A_110, %get3A_111] {strides = array<i32>} : memref<128x64xf32, #tpu.memory_space<vmem>>, vector<1x16xf32>,
          %get3A_113 = vector.shape_cast %get3A_112 : vector<1x16xf32> to vector<16xf32>
          %mul3A_114 = arith.mulf %get3A_113, %broadcast_in_dim3A_109 : vector<16xf32>
          %swap3A_115 = arith.index_cast %scan3A_79 : i32 to index
          %swap3A_116 = arith.constant 32 : index
          %swap3A_117 = tpu.vector_load %arg10[%swap3A_115, %swap3A_116] {strides = array<i32>} : memref<128x64xf32, #tpu.memory_space<vmem>>, vector<1x16xf32>,
          %swap3A_118 = vector.shape_cast %swap3A_117 : vector<1x16xf32> to vector<16xf32>
          %swap3A_119 = vector.shape_cast %mul3A_114 : vector<16xf32> to vector<1x16xf32>
          tpu.vector_store %arg10[%swap3A_115, %swap3A_116], %swap3A_119 {strides = array<i32>} : memref<128x64xf32, #tpu.memory_space<vmem>>, vector<1x16xf32>,
          %slice3A_120 = vector.extract_strided_slice %get3A_84 {offsets = [7], sizes = [1], strides = [1]} : vector<16xf32> to vector<1xf32>
          %squeeze3A_121 = vector.extract %slice3A_120[0] : f32 from vector<1xf32>
          %broadcast_in_dim3A_122 = vector.broadcast %squeeze3A_121 : f32 to vector<16xf32>
          %get3A_123 = arith.index_cast %scan3A_79 : i32 to index
          %get3A_124 = arith.constant 48 : index
          %get3A_125 = tpu.vector_load %arg10[%get3A_123, %get3A_124] {strides = array<i32>} : memref<128x64xf32, #tpu.memory_space<vmem>>, vector<1x16xf32>,
          %get3A_126 = vector.shape_cast %get3A_125 : vector<1x16xf32> to vector<16xf32>
          %mul3A_127 = arith.mulf %get3A_126, %broadcast_in_dim3A_122 : vector<16xf32>
          %swap3A_128 = arith.index_cast %scan3A_79 : i32 to index
          %swap3A_129 = arith.constant 48 : index
          %swap3A_130 = tpu.vector_load %arg10[%swap3A_128, %swap3A_129] {strides = array<i32>} : memref<128x64xf32, #tpu.memory_space<vmem>>, vector<1x16xf32>,
          %swap3A_131 = vector.shape_cast %swap3A_130 : vector<1x16xf32> to vector<16xf32>
          %swap3A_132 = vector.shape_cast %mul3A_127 : vector<16xf32> to vector<1x16xf32>
          tpu.vector_store %arg10[%swap3A_128, %swap3A_129], %swap3A_132 {strides = array<i32>} : memref<128x64xf32, #tpu.memory_space<vmem>>, vector<1x16xf32>,
          %scan3A_133 = arith.constant 0 : i32
          scf.yield %scan3A_133 : i32
        }
        %scan3A_78 = arith.constant 128 : i32
      } else {
      }
      "tpu.region"() ({
        %run_scoped3A = tpu.sem_alloc : memref<!tpu.dma_semaphore, #tpu.memory_space<semaphore_mem>>
        %dma_start3A = arith.constant 0 : i32
        %dma_start3A_72 = arith.constant 0 : i32
        %dma_start3A_73 = tpu.memref_slice %arg11[%dma_start3A, %dma_start3A_72] : memref<10240x64xf32, #tpu.memory_space<vmem_shared>> -> memref<10240x64xf32, #tpu.memory_space<vmem_shared>>
        tpu.enqueue_indirect_dma source(%arg10 : memref<128x64xf32, #tpu.memory_space<vmem>>) target(%dma_start3A_73 : memref<10240x64xf32, #tpu.memory_space<vmem_shared>>) offsets(%arg8 : memref<128xi32, #tpu.memory_space<vmem>>) semaphore(%run_scoped3A : memref<!tpu.dma_semaphore, #tpu.memory_space<semaphore_mem>>) {add = true}
        %dma_wait3A = arith.constant 0 : i32
        %dma_wait3A_74 = arith.constant 0 : i32
        %dma_wait3A_75 = tpu.memref_slice %arg11[%dma_wait3A, %dma_wait3A_74] : memref<10240x64xf32, #tpu.memory_space<vmem_shared>> -> memref<10240x64xf32, #tpu.memory_space<vmem_shared>>
        tpu.wait_indirect_dma semaphore(%run_scoped3A : memref<!tpu.dma_semaphore, #tpu.memory_space<semaphore_mem>>) src(%arg10 : memref<128x64xf32, #tpu.memory_space<vmem>>) dst(%dma_wait3A_75 : memref<10240x64xf32, #tpu.memory_space<vmem_shared>>)
        tpu.yield
      }) : () -> ()
      %while3A_71 = arith.constant 0 : i32
      scf.yield %while3A_71 : i32
    }
    %while3A_48 = arith.constant 1 : i32
    %while3A_49 = scf.for %while3A_54 = %while3A_45 to %while3A_41 step %while3A_48 iter_args(%while3A_55 = %while3A_47) -> (i32)  : i32 {
      %add3A_56 = arith.addi %add3A_22, %while3A_54 : i32
      %mul3A_57 = arith.constant 2500 : i32
      %mul3A_58 = arith.muli %arg0, %mul3A_57 : i32
      %add3A_59 = arith.addi %mul3A_58, %add3A_56 : i32
      "tpu.region"() ({
        %run_scoped3A = tpu.sem_alloc : memref<!tpu.dma_semaphore, #tpu.memory_space<semaphore_mem>>
        %dma_start3A = arith.constant 0 : i32
        %dma_start3A_72 = tpu.memref_slice %arg4[%add3A_59, %dma_start3A] : memref<5000x128xi32, #tpu.memory_space<hbm>> -> memref<1x128xi32, #tpu.memory_space<hbm>>
        %dma_start3A_73 = tpu.memref_squeeze %dma_start3A_72 : memref<1x128xi32, #tpu.memory_space<hbm>> -> memref<128xi32, #tpu.memory_space<hbm>>
        %dma_start3A_74 = arith.constant 0 : i32
        %dma_start3A_75 = tpu.memref_slice %arg4[%add3A_59, %dma_start3A_74] : memref<5000x128xi32, #tpu.memory_space<hbm>> -> memref<1x128xi32, #tpu.memory_space<hbm>>
        %dma_start3A_76 = tpu.memref_squeeze %dma_start3A_75 : memref<1x128xi32, #tpu.memory_space<hbm>> -> memref<128xi32, #tpu.memory_space<hbm>>
        tpu.enqueue_dma source(%dma_start3A_76 : memref<128xi32, #tpu.memory_space<hbm>>) target(%arg7 : memref<128xi32, #tpu.memory_space<vmem>>) target_semaphore(%run_scoped3A : memref<!tpu.dma_semaphore, #tpu.memory_space<semaphore_mem>>)
        %dma_wait3A = arith.constant 0 : i32
        %dma_wait3A_77 = tpu.memref_slice %arg4[%add3A_59, %dma_wait3A] : memref<5000x128xi32, #tpu.memory_space<hbm>> -> memref<1x128xi32, #tpu.memory_space<hbm>>
        %dma_wait3A_78 = tpu.memref_squeeze %dma_wait3A_77 : memref<1x128xi32, #tpu.memory_space<hbm>> -> memref<128xi32, #tpu.memory_space<hbm>>
        %dma_wait3A_79 = arith.constant 0 : i32
        %dma_wait3A_80 = tpu.memref_slice %arg4[%add3A_59, %dma_wait3A_79] : memref<5000x128xi32, #tpu.memory_space<hbm>> -> memref<1x128xi32, #tpu.memory_space<hbm>>
        %dma_wait3A_81 = tpu.memref_squeeze %dma_wait3A_80 : memref<1x128xi32, #tpu.memory_space<hbm>> -> memref<128xi32, #tpu.memory_space<hbm>>
        tpu.wait_dma2 semaphore(%run_scoped3A : memref<!tpu.dma_semaphore, #tpu.memory_space<semaphore_mem>>) src(%dma_wait3A_81 : memref<128xi32, #tpu.memory_space<hbm>>) dst(%arg7 : memref<128xi32, #tpu.memory_space<vmem>>)
        tpu.yield
      }) : () -> ()
      "tpu.region"() ({
        %run_scoped3A = tpu.sem_alloc : memref<!tpu.dma_semaphore, #tpu.memory_space<semaphore_mem>>
        %dma_start3A = arith.constant 0 : i32
        %dma_start3A_72 = tpu.memref_slice %arg5[%add3A_56, %dma_start3A] : memref<2500x128xi32, #tpu.memory_space<hbm>> -> memref<1x128xi32, #tpu.memory_space<hbm>>
        %dma_start3A_73 = tpu.memref_squeeze %dma_start3A_72 : memref<1x128xi32, #tpu.memory_space<hbm>> -> memref<128xi32, #tpu.memory_space<hbm>>
        %dma_start3A_74 = arith.constant 0 : i32
        %dma_start3A_75 = tpu.memref_slice %arg5[%add3A_56, %dma_start3A_74] : memref<2500x128xi32, #tpu.memory_space<hbm>> -> memref<1x128xi32, #tpu.memory_space<hbm>>
        %dma_start3A_76 = tpu.memref_squeeze %dma_start3A_75 : memref<1x128xi32, #tpu.memory_space<hbm>> -> memref<128xi32, #tpu.memory_space<hbm>>
        tpu.enqueue_dma source(%dma_start3A_76 : memref<128xi32, #tpu.memory_space<hbm>>) target(%arg8 : memref<128xi32, #tpu.memory_space<vmem>>) target_semaphore(%run_scoped3A : memref<!tpu.dma_semaphore, #tpu.memory_space<semaphore_mem>>)
        %dma_wait3A = arith.constant 0 : i32
        %dma_wait3A_77 = tpu.memref_slice %arg5[%add3A_56, %dma_wait3A] : memref<2500x128xi32, #tpu.memory_space<hbm>> -> memref<1x128xi32, #tpu.memory_space<hbm>>
        %dma_wait3A_78 = tpu.memref_squeeze %dma_wait3A_77 : memref<1x128xi32, #tpu.memory_space<hbm>> -> memref<128xi32, #tpu.memory_space<hbm>>
        %dma_wait3A_79 = arith.constant 0 : i32
        %dma_wait3A_80 = tpu.memref_slice %arg5[%add3A_56, %dma_wait3A_79] : memref<2500x128xi32, #tpu.memory_space<hbm>> -> memref<1x128xi32, #tpu.memory_space<hbm>>
        %dma_wait3A_81 = tpu.memref_squeeze %dma_wait3A_80 : memref<1x128xi32, #tpu.memory_space<hbm>> -> memref<128xi32, #tpu.memory_space<hbm>>
        tpu.wait_dma2 semaphore(%run_scoped3A : memref<!tpu.dma_semaphore, #tpu.memory_space<semaphore_mem>>) src(%dma_wait3A_81 : memref<128xi32, #tpu.memory_space<hbm>>) dst(%arg8 : memref<128xi32, #tpu.memory_space<vmem>>)
        tpu.yield
      }) : () -> ()
      %mul3A_60 = arith.constant 128 : i32
      %mul3A_61 = arith.muli %add3A_56, %mul3A_60 : i32
      %mul3A_62 = arith.constant 16 : i32
      %mul3A_63 = arith.muli %mul3A_61, %mul3A_62 : i32
      "tpu.region"() ({
        %run_scoped3A = tpu.sem_alloc : memref<!tpu.dma_semaphore, #tpu.memory_space<semaphore_mem>>
        %dma_start3A = tpu.memref_slice %arg3[%mul3A_63] : memref<5120000xf32, #tpu.memory_space<hbm>> -> memref<2048xf32, #tpu.memory_space<hbm>>
        %dma_start3A_72 = tpu.memref_slice %arg3[%mul3A_63] : memref<5120000xf32, #tpu.memory_space<hbm>> -> memref<2048xf32, #tpu.memory_space<hbm>>
        tpu.enqueue_dma source(%dma_start3A_72 : memref<2048xf32, #tpu.memory_space<hbm>>) target(%arg9 : memref<2048xf32, #tpu.memory_space<vmem>>) target_semaphore(%run_scoped3A : memref<!tpu.dma_semaphore, #tpu.memory_space<semaphore_mem>>)
        %dma_wait3A = tpu.memref_slice %arg3[%mul3A_63] : memref<5120000xf32, #tpu.memory_space<hbm>> -> memref<2048xf32, #tpu.memory_space<hbm>>
        %dma_wait3A_73 = tpu.memref_slice %arg3[%mul3A_63] : memref<5120000xf32, #tpu.memory_space<hbm>> -> memref<2048xf32, #tpu.memory_space<hbm>>
        tpu.wait_dma2 semaphore(%run_scoped3A : memref<!tpu.dma_semaphore, #tpu.memory_space<semaphore_mem>>) src(%dma_wait3A_73 : memref<2048xf32, #tpu.memory_space<hbm>>) dst(%arg9 : memref<2048xf32, #tpu.memory_space<vmem>>)
        tpu.yield
      }) : () -> ()
      "tpu.region"() ({
        %run_scoped3A = tpu.sem_alloc : memref<!tpu.dma_semaphore, #tpu.memory_space<semaphore_mem>>
        %dma_start3A = arith.constant 0 : i32
        %dma_start3A_72 = arith.constant 0 : i32
        %dma_start3A_73 = tpu.memref_slice %arg2[%dma_start3A, %dma_start3A_72] : memref<20000x64xf32, #tpu.memory_space<hbm>> -> memref<20000x64xf32, #tpu.memory_space<hbm>>
        tpu.enqueue_indirect_dma source(%dma_start3A_73 : memref<20000x64xf32, #tpu.memory_space<hbm>>) target(%arg10 : memref<128x64xf32, #tpu.memory_space<vmem>>) offsets(%arg7 : memref<128xi32, #tpu.memory_space<vmem>>) semaphore(%run_scoped3A : memref<!tpu.dma_semaphore, #tpu.memory_space<semaphore_mem>>)
        %dma_wait3A = arith.constant 0 : i32
        %dma_wait3A_74 = arith.constant 0 : i32
        %dma_wait3A_75 = tpu.memref_slice %arg2[%dma_wait3A, %dma_wait3A_74] : memref<20000x64xf32, #tpu.memory_space<hbm>> -> memref<20000x64xf32, #tpu.memory_space<hbm>>
        tpu.wait_indirect_dma semaphore(%run_scoped3A : memref<!tpu.dma_semaphore, #tpu.memory_space<semaphore_mem>>) src(%dma_wait3A_75 : memref<20000x64xf32, #tpu.memory_space<hbm>>) dst(%arg10 : memref<128x64xf32, #tpu.memory_space<vmem>>)
        tpu.yield
      }) : () -> ()
      %eq3A = arith.constant 0 : i32
      %eq3A_64 = arith.cmpi eq, %arg0, %eq3A : i32
      %convert_element_type3A = arith.extui %eq3A_64 : i1 to i32
      %cond3A = arith.constant 0 : i32
      %cond3A_65 = arith.cmpi ne, %convert_element_type3A, %cond3A : i32
      scf.if %cond3A_65 {
        %scan3A_72 = arith.constant 0 : i32
        %scan3A_73 = arith.constant 0 : i32
        %scan3A_74 = arith.constant 128 : i32
        %scan3A_75 = arith.addi %scan3A_73, %scan3A_74 : i32
        %scan3A_76 = arith.constant 1 : i32
        %scan3A_77 = scf.for %scan3A_79 = %scan3A_73 to %scan3A_75 step %scan3A_76 iter_args(%scan3A_80 = %scan3A_72) -> (i32)  : i32 {
          %mul3A_81 = arith.constant 16 : i32
          %mul3A_82 = arith.muli %scan3A_79, %mul3A_81 : i32
          %get3A = arith.index_cast %mul3A_82 : i32 to index
          %get3A_83 = tpu.vector_load %arg9[%get3A] {strides = array<i32>} : memref<2048xf32, #tpu.memory_space<vmem>>, vector<16xf32>,
          %get3A_84 = vector.shape_cast %get3A_83 : vector<16xf32> to vector<16xf32>
          %slice3A = vector.extract_strided_slice %get3A_84 {offsets = [0], sizes = [1], strides = [1]} : vector<16xf32> to vector<1xf32>
          %squeeze3A = vector.extract %slice3A[0] : f32 from vector<1xf32>
          %broadcast_in_dim3A = vector.broadcast %squeeze3A : f32 to vector<16xf32>
          %get3A_85 = arith.index_cast %scan3A_79 : i32 to index
          %get3A_86 = arith.constant 0 : index
          %get3A_87 = tpu.vector_load %arg10[%get3A_85, %get3A_86] {strides = array<i32>} : memref<128x64xf32, #tpu.memory_space<vmem>>, vector<1x16xf32>,
          %get3A_88 = vector.shape_cast %get3A_87 : vector<1x16xf32> to vector<16xf32>
          %mul3A_89 = arith.mulf %get3A_88, %broadcast_in_dim3A : vector<16xf32>
          %swap3A = arith.index_cast %scan3A_79 : i32 to index
          %swap3A_90 = arith.constant 0 : index
          %swap3A_91 = tpu.vector_load %arg10[%swap3A, %swap3A_90] {strides = array<i32>} : memref<128x64xf32, #tpu.memory_space<vmem>>, vector<1x16xf32>,
          %swap3A_92 = vector.shape_cast %swap3A_91 : vector<1x16xf32> to vector<16xf32>
          %swap3A_93 = vector.shape_cast %mul3A_89 : vector<16xf32> to vector<1x16xf32>
          tpu.vector_store %arg10[%swap3A, %swap3A_90], %swap3A_93 {strides = array<i32>} : memref<128x64xf32, #tpu.memory_space<vmem>>, vector<1x16xf32>,
          %slice3A_94 = vector.extract_strided_slice %get3A_84 {offsets = [1], sizes = [1], strides = [1]} : vector<16xf32> to vector<1xf32>
          %squeeze3A_95 = vector.extract %slice3A_94[0] : f32 from vector<1xf32>
          %broadcast_in_dim3A_96 = vector.broadcast %squeeze3A_95 : f32 to vector<16xf32>
          %get3A_97 = arith.index_cast %scan3A_79 : i32 to index
          %get3A_98 = arith.constant 16 : index
          %get3A_99 = tpu.vector_load %arg10[%get3A_97, %get3A_98] {strides = array<i32>} : memref<128x64xf32, #tpu.memory_space<vmem>>, vector<1x16xf32>,
          %get3A_100 = vector.shape_cast %get3A_99 : vector<1x16xf32> to vector<16xf32>
          %mul3A_101 = arith.mulf %get3A_100, %broadcast_in_dim3A_96 : vector<16xf32>
          %swap3A_102 = arith.index_cast %scan3A_79 : i32 to index
          %swap3A_103 = arith.constant 16 : index
          %swap3A_104 = tpu.vector_load %arg10[%swap3A_102, %swap3A_103] {strides = array<i32>} : memref<128x64xf32, #tpu.memory_space<vmem>>, vector<1x16xf32>,
          %swap3A_105 = vector.shape_cast %swap3A_104 : vector<1x16xf32> to vector<16xf32>
          %swap3A_106 = vector.shape_cast %mul3A_101 : vector<16xf32> to vector<1x16xf32>
          tpu.vector_store %arg10[%swap3A_102, %swap3A_103], %swap3A_106 {strides = array<i32>} : memref<128x64xf32, #tpu.memory_space<vmem>>, vector<1x16xf32>,
          %slice3A_107 = vector.extract_strided_slice %get3A_84 {offsets = [2], sizes = [1], strides = [1]} : vector<16xf32> to vector<1xf32>
          %squeeze3A_108 = vector.extract %slice3A_107[0] : f32 from vector<1xf32>
          %broadcast_in_dim3A_109 = vector.broadcast %squeeze3A_108 : f32 to vector<16xf32>
          %get3A_110 = arith.index_cast %scan3A_79 : i32 to index
          %get3A_111 = arith.constant 32 : index
          %get3A_112 = tpu.vector_load %arg10[%get3A_110, %get3A_111] {strides = array<i32>} : memref<128x64xf32, #tpu.memory_space<vmem>>, vector<1x16xf32>,
          %get3A_113 = vector.shape_cast %get3A_112 : vector<1x16xf32> to vector<16xf32>
          %mul3A_114 = arith.mulf %get3A_113, %broadcast_in_dim3A_109 : vector<16xf32>
          %swap3A_115 = arith.index_cast %scan3A_79 : i32 to index
          %swap3A_116 = arith.constant 32 : index
          %swap3A_117 = tpu.vector_load %arg10[%swap3A_115, %swap3A_116] {strides = array<i32>} : memref<128x64xf32, #tpu.memory_space<vmem>>, vector<1x16xf32>,
          %swap3A_118 = vector.shape_cast %swap3A_117 : vector<1x16xf32> to vector<16xf32>
          %swap3A_119 = vector.shape_cast %mul3A_114 : vector<16xf32> to vector<1x16xf32>
          tpu.vector_store %arg10[%swap3A_115, %swap3A_116], %swap3A_119 {strides = array<i32>} : memref<128x64xf32, #tpu.memory_space<vmem>>, vector<1x16xf32>,
          %slice3A_120 = vector.extract_strided_slice %get3A_84 {offsets = [3], sizes = [1], strides = [1]} : vector<16xf32> to vector<1xf32>
          %squeeze3A_121 = vector.extract %slice3A_120[0] : f32 from vector<1xf32>
          %broadcast_in_dim3A_122 = vector.broadcast %squeeze3A_121 : f32 to vector<16xf32>
          %get3A_123 = arith.index_cast %scan3A_79 : i32 to index
          %get3A_124 = arith.constant 48 : index
          %get3A_125 = tpu.vector_load %arg10[%get3A_123, %get3A_124] {strides = array<i32>} : memref<128x64xf32, #tpu.memory_space<vmem>>, vector<1x16xf32>,
          %get3A_126 = vector.shape_cast %get3A_125 : vector<1x16xf32> to vector<16xf32>
          %mul3A_127 = arith.mulf %get3A_126, %broadcast_in_dim3A_122 : vector<16xf32>
          %swap3A_128 = arith.index_cast %scan3A_79 : i32 to index
          %swap3A_129 = arith.constant 48 : index
          %swap3A_130 = tpu.vector_load %arg10[%swap3A_128, %swap3A_129] {strides = array<i32>} : memref<128x64xf32, #tpu.memory_space<vmem>>, vector<1x16xf32>,
          %swap3A_131 = vector.shape_cast %swap3A_130 : vector<1x16xf32> to vector<16xf32>
          %swap3A_132 = vector.shape_cast %mul3A_127 : vector<16xf32> to vector<1x16xf32>
          tpu.vector_store %arg10[%swap3A_128, %swap3A_129], %swap3A_132 {strides = array<i32>} : memref<128x64xf32, #tpu.memory_space<vmem>>, vector<1x16xf32>,
          %scan3A_133 = arith.constant 0 : i32
          scf.yield %scan3A_133 : i32
        }
        %scan3A_78 = arith.constant 128 : i32
      } else {
      }
      %eq3A_66 = arith.constant 1 : i32
      %eq3A_67 = arith.cmpi eq, %arg0, %eq3A_66 : i32
      %convert_element_type3A_68 = arith.extui %eq3A_67 : i1 to i32
      %cond3A_69 = arith.constant 0 : i32
      %cond3A_70 = arith.cmpi ne, %convert_element_type3A_68, %cond3A_69 : i32
      scf.if %cond3A_70 {
        %scan3A_72 = arith.constant 0 : i32
        %scan3A_73 = arith.constant 0 : i32
        %scan3A_74 = arith.constant 128 : i32
        %scan3A_75 = arith.addi %scan3A_73, %scan3A_74 : i32
        %scan3A_76 = arith.constant 1 : i32
        %scan3A_77 = scf.for %scan3A_79 = %scan3A_73 to %scan3A_75 step %scan3A_76 iter_args(%scan3A_80 = %scan3A_72) -> (i32)  : i32 {
          %mul3A_81 = arith.constant 16 : i32
          %mul3A_82 = arith.muli %scan3A_79, %mul3A_81 : i32
          %get3A = arith.index_cast %mul3A_82 : i32 to index
          %get3A_83 = tpu.vector_load %arg9[%get3A] {strides = array<i32>} : memref<2048xf32, #tpu.memory_space<vmem>>, vector<16xf32>,
          %get3A_84 = vector.shape_cast %get3A_83 : vector<16xf32> to vector<16xf32>
          %slice3A = vector.extract_strided_slice %get3A_84 {offsets = [4], sizes = [1], strides = [1]} : vector<16xf32> to vector<1xf32>
          %squeeze3A = vector.extract %slice3A[0] : f32 from vector<1xf32>
          %broadcast_in_dim3A = vector.broadcast %squeeze3A : f32 to vector<16xf32>
          %get3A_85 = arith.index_cast %scan3A_79 : i32 to index
          %get3A_86 = arith.constant 0 : index
          %get3A_87 = tpu.vector_load %arg10[%get3A_85, %get3A_86] {strides = array<i32>} : memref<128x64xf32, #tpu.memory_space<vmem>>, vector<1x16xf32>,
          %get3A_88 = vector.shape_cast %get3A_87 : vector<1x16xf32> to vector<16xf32>
          %mul3A_89 = arith.mulf %get3A_88, %broadcast_in_dim3A : vector<16xf32>
          %swap3A = arith.index_cast %scan3A_79 : i32 to index
          %swap3A_90 = arith.constant 0 : index
          %swap3A_91 = tpu.vector_load %arg10[%swap3A, %swap3A_90] {strides = array<i32>} : memref<128x64xf32, #tpu.memory_space<vmem>>, vector<1x16xf32>,
          %swap3A_92 = vector.shape_cast %swap3A_91 : vector<1x16xf32> to vector<16xf32>
          %swap3A_93 = vector.shape_cast %mul3A_89 : vector<16xf32> to vector<1x16xf32>
          tpu.vector_store %arg10[%swap3A, %swap3A_90], %swap3A_93 {strides = array<i32>} : memref<128x64xf32, #tpu.memory_space<vmem>>, vector<1x16xf32>,
          %slice3A_94 = vector.extract_strided_slice %get3A_84 {offsets = [5], sizes = [1], strides = [1]} : vector<16xf32> to vector<1xf32>
          %squeeze3A_95 = vector.extract %slice3A_94[0] : f32 from vector<1xf32>
          %broadcast_in_dim3A_96 = vector.broadcast %squeeze3A_95 : f32 to vector<16xf32>
          %get3A_97 = arith.index_cast %scan3A_79 : i32 to index
          %get3A_98 = arith.constant 16 : index
          %get3A_99 = tpu.vector_load %arg10[%get3A_97, %get3A_98] {strides = array<i32>} : memref<128x64xf32, #tpu.memory_space<vmem>>, vector<1x16xf32>,
          %get3A_100 = vector.shape_cast %get3A_99 : vector<1x16xf32> to vector<16xf32>
          %mul3A_101 = arith.mulf %get3A_100, %broadcast_in_dim3A_96 : vector<16xf32>
          %swap3A_102 = arith.index_cast %scan3A_79 : i32 to index
          %swap3A_103 = arith.constant 16 : index
          %swap3A_104 = tpu.vector_load %arg10[%swap3A_102, %swap3A_103] {strides = array<i32>} : memref<128x64xf32, #tpu.memory_space<vmem>>, vector<1x16xf32>,
          %swap3A_105 = vector.shape_cast %swap3A_104 : vector<1x16xf32> to vector<16xf32>
          %swap3A_106 = vector.shape_cast %mul3A_101 : vector<16xf32> to vector<1x16xf32>
          tpu.vector_store %arg10[%swap3A_102, %swap3A_103], %swap3A_106 {strides = array<i32>} : memref<128x64xf32, #tpu.memory_space<vmem>>, vector<1x16xf32>,
          %slice3A_107 = vector.extract_strided_slice %get3A_84 {offsets = [6], sizes = [1], strides = [1]} : vector<16xf32> to vector<1xf32>
          %squeeze3A_108 = vector.extract %slice3A_107[0] : f32 from vector<1xf32>
          %broadcast_in_dim3A_109 = vector.broadcast %squeeze3A_108 : f32 to vector<16xf32>
          %get3A_110 = arith.index_cast %scan3A_79 : i32 to index
          %get3A_111 = arith.constant 32 : index
          %get3A_112 = tpu.vector_load %arg10[%get3A_110, %get3A_111] {strides = array<i32>} : memref<128x64xf32, #tpu.memory_space<vmem>>, vector<1x16xf32>,
          %get3A_113 = vector.shape_cast %get3A_112 : vector<1x16xf32> to vector<16xf32>
          %mul3A_114 = arith.mulf %get3A_113, %broadcast_in_dim3A_109 : vector<16xf32>
          %swap3A_115 = arith.index_cast %scan3A_79 : i32 to index
          %swap3A_116 = arith.constant 32 : index
          %swap3A_117 = tpu.vector_load %arg10[%swap3A_115, %swap3A_116] {strides = array<i32>} : memref<128x64xf32, #tpu.memory_space<vmem>>, vector<1x16xf32>,
          %swap3A_118 = vector.shape_cast %swap3A_117 : vector<1x16xf32> to vector<16xf32>
          %swap3A_119 = vector.shape_cast %mul3A_114 : vector<16xf32> to vector<1x16xf32>
          tpu.vector_store %arg10[%swap3A_115, %swap3A_116], %swap3A_119 {strides = array<i32>} : memref<128x64xf32, #tpu.memory_space<vmem>>, vector<1x16xf32>,
          %slice3A_120 = vector.extract_strided_slice %get3A_84 {offsets = [7], sizes = [1], strides = [1]} : vector<16xf32> to vector<1xf32>
          %squeeze3A_121 = vector.extract %slice3A_120[0] : f32 from vector<1xf32>
          %broadcast_in_dim3A_122 = vector.broadcast %squeeze3A_121 : f32 to vector<16xf32>
          %get3A_123 = arith.index_cast %scan3A_79 : i32 to index
          %get3A_124 = arith.constant 48 : index
          %get3A_125 = tpu.vector_load %arg10[%get3A_123, %get3A_124] {strides = array<i32>} : memref<128x64xf32, #tpu.memory_space<vmem>>, vector<1x16xf32>,
          %get3A_126 = vector.shape_cast %get3A_125 : vector<1x16xf32> to vector<16xf32>
          %mul3A_127 = arith.mulf %get3A_126, %broadcast_in_dim3A_122 : vector<16xf32>
          %swap3A_128 = arith.index_cast %scan3A_79 : i32 to index
          %swap3A_129 = arith.constant 48 : index
          %swap3A_130 = tpu.vector_load %arg10[%swap3A_128, %swap3A_129] {strides = array<i32>} : memref<128x64xf32, #tpu.memory_space<vmem>>, vector<1x16xf32>,
          %swap3A_131 = vector.shape_cast %swap3A_130 : vector<1x16xf32> to vector<16xf32>
          %swap3A_132 = vector.shape_cast %mul3A_127 : vector<16xf32> to vector<1x16xf32>
          tpu.vector_store %arg10[%swap3A_128, %swap3A_129], %swap3A_132 {strides = array<i32>} : memref<128x64xf32, #tpu.memory_space<vmem>>, vector<1x16xf32>,
          %scan3A_133 = arith.constant 0 : i32
          scf.yield %scan3A_133 : i32
        }
        %scan3A_78 = arith.constant 128 : i32
      } else {
      }
      "tpu.region"() ({
        %run_scoped3A = tpu.sem_alloc : memref<!tpu.dma_semaphore, #tpu.memory_space<semaphore_mem>>
        %dma_start3A = arith.constant 0 : i32
        %dma_start3A_72 = arith.constant 0 : i32
        %dma_start3A_73 = tpu.memref_slice %arg11[%dma_start3A, %dma_start3A_72] : memref<10240x64xf32, #tpu.memory_space<vmem_shared>> -> memref<10240x64xf32, #tpu.memory_space<vmem_shared>>
        tpu.enqueue_indirect_dma source(%arg10 : memref<128x64xf32, #tpu.memory_space<vmem>>) target(%dma_start3A_73 : memref<10240x64xf32, #tpu.memory_space<vmem_shared>>) offsets(%arg8 : memref<128xi32, #tpu.memory_space<vmem>>) semaphore(%run_scoped3A : memref<!tpu.dma_semaphore, #tpu.memory_space<semaphore_mem>>) {add = true}
        %dma_wait3A = arith.constant 0 : i32
        %dma_wait3A_74 = arith.constant 0 : i32
        %dma_wait3A_75 = tpu.memref_slice %arg11[%dma_wait3A, %dma_wait3A_74] : memref<10240x64xf32, #tpu.memory_space<vmem_shared>> -> memref<10240x64xf32, #tpu.memory_space<vmem_shared>>
        tpu.wait_indirect_dma semaphore(%run_scoped3A : memref<!tpu.dma_semaphore, #tpu.memory_space<semaphore_mem>>) src(%arg10 : memref<128x64xf32, #tpu.memory_space<vmem>>) dst(%dma_wait3A_75 : memref<10240x64xf32, #tpu.memory_space<vmem_shared>>)
        tpu.yield
      }) : () -> ()
      %while3A_71 = arith.constant 0 : i32
      scf.yield %while3A_71 : i32
    }
    %barrier3A_50 = arith.constant 0 : index
    tpu.barrier barrier_id(%barrier3A_50)
    %mul3A_51 = arith.constant 10240 : i32
    %mul3A_52 = arith.muli %arg0, %mul3A_51 : i32
    %add3A_53 = arith.addi %mul3A_52, %mul3A_8 : i32
    "tpu.region"() ({
      %run_scoped3A = tpu.sem_alloc : memref<!tpu.dma_semaphore, #tpu.memory_space<semaphore_mem>>
      %dma_start3A = arith.constant 0 : i32
      %dma_start3A_54 = tpu.memref_slice %arg6[%add3A_53, %dma_start3A] : memref<20480x64xf32, #tpu.memory_space<hbm>> -> memref<640x64xf32, #tpu.memory_space<hbm>>
      %dma_start3A_55 = arith.constant 0 : i32
      %dma_start3A_56 = tpu.memref_slice %arg11[%mul3A_8, %dma_start3A_55] : memref<10240x64xf32, #tpu.memory_space<vmem_shared>> -> memref<640x64xf32, #tpu.memory_space<vmem_shared>>
      tpu.enqueue_dma source(%dma_start3A_56 : memref<640x64xf32, #tpu.memory_space<vmem_shared>>) target(%dma_start3A_54 : memref<640x64xf32, #tpu.memory_space<hbm>>) target_semaphore(%run_scoped3A : memref<!tpu.dma_semaphore, #tpu.memory_space<semaphore_mem>>)
      %dma_wait3A = arith.constant 0 : i32
      %dma_wait3A_57 = tpu.memref_slice %arg6[%add3A_53, %dma_wait3A] : memref<20480x64xf32, #tpu.memory_space<hbm>> -> memref<640x64xf32, #tpu.memory_space<hbm>>
      %dma_wait3A_58 = arith.constant 0 : i32
      %dma_wait3A_59 = tpu.memref_slice %arg11[%mul3A_8, %dma_wait3A_58] : memref<10240x64xf32, #tpu.memory_space<vmem_shared>> -> memref<640x64xf32, #tpu.memory_space<vmem_shared>>
      tpu.wait_dma2 semaphore(%run_scoped3A : memref<!tpu.dma_semaphore, #tpu.memory_space<semaphore_mem>>) src(%dma_wait3A_59 : memref<640x64xf32, #tpu.memory_space<vmem_shared>>) dst(%dma_wait3A_57 : memref<640x64xf32, #tpu.memory_space<hbm>>)
      tpu.yield
    }) : () -> ()
    return
  }
}

#map = affine_map<(d0, d1) -> (0, 0)>
#map1 = affine_map<(d0, d1) -> (0)>
module attributes {stable_mosaic.version = 14 : i64} {
  func.func @_agg_body(%arg0: i32, %arg1: i32, %arg2: memref<20000x160xf32, #tpu.memory_space<hbm>>, %arg3: memref<5120000xf32, #tpu.memory_space<hbm>>, %arg4: memref<5000x128xi32, #tpu.memory_space<hbm>>, %arg5: memref<2500x128xi32, #tpu.memory_space<hbm>>, %arg6: memref<20480x160xf32, #tpu.memory_space<hbm>>, %arg7: memref<128xi32, #tpu.memory_space<vmem>>, %arg8: memref<128xi32, #tpu.memory_space<vmem>>, %arg9: memref<2048xf32, #tpu.memory_space<vmem>>, %arg10: memref<128x160xf32, #tpu.memory_space<vmem>>, %arg11: memref<10240x160xf32, #tpu.memory_space<vmem_shared>>) attributes {dimension_semantics = [#tpu.dimension_semantics<core_parallel>, #tpu.dimension_semantics<subcore_parallel>], iteration_bounds = array<i64: 2, 16>, scalar_prefetch = 0 : i64, scratch_operands = 5 : i64, tpu.core_type = #tpu.core_type<sc_vector_subcore>, window_params = [{transform_indices = #map}, {transform_indices = #map1}, {transform_indices = #map}, {transform_indices = #map}, {transform_indices = #map}]} {
    %mul3A = arith.constant 16 : i32
    %mul3A_0 = arith.muli %arg0, %mul3A : i32
    %add3A = arith.addi %mul3A_0, %arg1 : i32
    %scan3A = arith.constant 0 : i32
    %scan3A_1 = arith.constant 0 : i32
    %scan3A_2 = arith.constant 128 : i32
    %scan3A_3 = arith.addi %scan3A_1, %scan3A_2 : i32
    %scan3A_4 = arith.constant 1 : i32
    %scan3A_5 = scf.for %scan3A_72 = %scan3A_1 to %scan3A_3 step %scan3A_4 iter_args(%scan3A_73 = %scan3A) -> (i32)  : i32 {
      %broadcast_in_dim3A = arith.constant 0.000000e+00 : f32
      %broadcast_in_dim3A_74 = vector.broadcast %broadcast_in_dim3A : f32 to vector<16xf32>
      %swap3A = arith.index_cast %scan3A_72 : i32 to index
      %swap3A_75 = arith.constant 0 : index
      %swap3A_76 = tpu.vector_load %arg10[%swap3A, %swap3A_75] {strides = array<i32>} : memref<128x160xf32, #tpu.memory_space<vmem>>, vector<1x16xf32>,
      %swap3A_77 = vector.shape_cast %swap3A_76 : vector<1x16xf32> to vector<16xf32>
      %swap3A_78 = vector.shape_cast %broadcast_in_dim3A_74 : vector<16xf32> to vector<1x16xf32>
      tpu.vector_store %arg10[%swap3A, %swap3A_75], %swap3A_78 {strides = array<i32>} : memref<128x160xf32, #tpu.memory_space<vmem>>, vector<1x16xf32>,
      %broadcast_in_dim3A_79 = arith.constant 0.000000e+00 : f32
      %broadcast_in_dim3A_80 = vector.broadcast %broadcast_in_dim3A_79 : f32 to vector<16xf32>
      %swap3A_81 = arith.index_cast %scan3A_72 : i32 to index
      %swap3A_82 = arith.constant 16 : index
      %swap3A_83 = tpu.vector_load %arg10[%swap3A_81, %swap3A_82] {strides = array<i32>} : memref<128x160xf32, #tpu.memory_space<vmem>>, vector<1x16xf32>,
      %swap3A_84 = vector.shape_cast %swap3A_83 : vector<1x16xf32> to vector<16xf32>
      %swap3A_85 = vector.shape_cast %broadcast_in_dim3A_80 : vector<16xf32> to vector<1x16xf32>
      tpu.vector_store %arg10[%swap3A_81, %swap3A_82], %swap3A_85 {strides = array<i32>} : memref<128x160xf32, #tpu.memory_space<vmem>>, vector<1x16xf32>,
      %broadcast_in_dim3A_86 = arith.constant 0.000000e+00 : f32
      %broadcast_in_dim3A_87 = vector.broadcast %broadcast_in_dim3A_86 : f32 to vector<16xf32>
      %swap3A_88 = arith.index_cast %scan3A_72 : i32 to index
      %swap3A_89 = arith.constant 32 : index
      %swap3A_90 = tpu.vector_load %arg10[%swap3A_88, %swap3A_89] {strides = array<i32>} : memref<128x160xf32, #tpu.memory_space<vmem>>, vector<1x16xf32>,
      %swap3A_91 = vector.shape_cast %swap3A_90 : vector<1x16xf32> to vector<16xf32>
      %swap3A_92 = vector.shape_cast %broadcast_in_dim3A_87 : vector<16xf32> to vector<1x16xf32>
      tpu.vector_store %arg10[%swap3A_88, %swap3A_89], %swap3A_92 {strides = array<i32>} : memref<128x160xf32, #tpu.memory_space<vmem>>, vector<1x16xf32>,
      %broadcast_in_dim3A_93 = arith.constant 0.000000e+00 : f32
      %broadcast_in_dim3A_94 = vector.broadcast %broadcast_in_dim3A_93 : f32 to vector<16xf32>
      %swap3A_95 = arith.index_cast %scan3A_72 : i32 to index
      %swap3A_96 = arith.constant 48 : index
      %swap3A_97 = tpu.vector_load %arg10[%swap3A_95, %swap3A_96] {strides = array<i32>} : memref<128x160xf32, #tpu.memory_space<vmem>>, vector<1x16xf32>,
      %swap3A_98 = vector.shape_cast %swap3A_97 : vector<1x16xf32> to vector<16xf32>
      %swap3A_99 = vector.shape_cast %broadcast_in_dim3A_94 : vector<16xf32> to vector<1x16xf32>
      tpu.vector_store %arg10[%swap3A_95, %swap3A_96], %swap3A_99 {strides = array<i32>} : memref<128x160xf32, #tpu.memory_space<vmem>>, vector<1x16xf32>,
      %broadcast_in_dim3A_100 = arith.constant 0.000000e+00 : f32
      %broadcast_in_dim3A_101 = vector.broadcast %broadcast_in_dim3A_100 : f32 to vector<16xf32>
      %swap3A_102 = arith.index_cast %scan3A_72 : i32 to index
      %swap3A_103 = arith.constant 64 : index
      %swap3A_104 = tpu.vector_load %arg10[%swap3A_102, %swap3A_103] {strides = array<i32>} : memref<128x160xf32, #tpu.memory_space<vmem>>, vector<1x16xf32>,
      %swap3A_105 = vector.shape_cast %swap3A_104 : vector<1x16xf32> to vector<16xf32>
      %swap3A_106 = vector.shape_cast %broadcast_in_dim3A_101 : vector<16xf32> to vector<1x16xf32>
      tpu.vector_store %arg10[%swap3A_102, %swap3A_103], %swap3A_106 {strides = array<i32>} : memref<128x160xf32, #tpu.memory_space<vmem>>, vector<1x16xf32>,
      %broadcast_in_dim3A_107 = arith.constant 0.000000e+00 : f32
      %broadcast_in_dim3A_108 = vector.broadcast %broadcast_in_dim3A_107 : f32 to vector<16xf32>
      %swap3A_109 = arith.index_cast %scan3A_72 : i32 to index
      %swap3A_110 = arith.constant 80 : index
      %swap3A_111 = tpu.vector_load %arg10[%swap3A_109, %swap3A_110] {strides = array<i32>} : memref<128x160xf32, #tpu.memory_space<vmem>>, vector<1x16xf32>,
      %swap3A_112 = vector.shape_cast %swap3A_111 : vector<1x16xf32> to vector<16xf32>
      %swap3A_113 = vector.shape_cast %broadcast_in_dim3A_108 : vector<16xf32> to vector<1x16xf32>
      tpu.vector_store %arg10[%swap3A_109, %swap3A_110], %swap3A_113 {strides = array<i32>} : memref<128x160xf32, #tpu.memory_space<vmem>>, vector<1x16xf32>,
      %broadcast_in_dim3A_114 = arith.constant 0.000000e+00 : f32
      %broadcast_in_dim3A_115 = vector.broadcast %broadcast_in_dim3A_114 : f32 to vector<16xf32>
      %swap3A_116 = arith.index_cast %scan3A_72 : i32 to index
      %swap3A_117 = arith.constant 96 : index
      %swap3A_118 = tpu.vector_load %arg10[%swap3A_116, %swap3A_117] {strides = array<i32>} : memref<128x160xf32, #tpu.memory_space<vmem>>, vector<1x16xf32>,
      %swap3A_119 = vector.shape_cast %swap3A_118 : vector<1x16xf32> to vector<16xf32>
      %swap3A_120 = vector.shape_cast %broadcast_in_dim3A_115 : vector<16xf32> to vector<1x16xf32>
      tpu.vector_store %arg10[%swap3A_116, %swap3A_117], %swap3A_120 {strides = array<i32>} : memref<128x160xf32, #tpu.memory_space<vmem>>, vector<1x16xf32>,
      %broadcast_in_dim3A_121 = arith.constant 0.000000e+00 : f32
      %broadcast_in_dim3A_122 = vector.broadcast %broadcast_in_dim3A_121 : f32 to vector<16xf32>
      %swap3A_123 = arith.index_cast %scan3A_72 : i32 to index
      %swap3A_124 = arith.constant 112 : index
      %swap3A_125 = tpu.vector_load %arg10[%swap3A_123, %swap3A_124] {strides = array<i32>} : memref<128x160xf32, #tpu.memory_space<vmem>>, vector<1x16xf32>,
      %swap3A_126 = vector.shape_cast %swap3A_125 : vector<1x16xf32> to vector<16xf32>
      %swap3A_127 = vector.shape_cast %broadcast_in_dim3A_122 : vector<16xf32> to vector<1x16xf32>
      tpu.vector_store %arg10[%swap3A_123, %swap3A_124], %swap3A_127 {strides = array<i32>} : memref<128x160xf32, #tpu.memory_space<vmem>>, vector<1x16xf32>,
      %broadcast_in_dim3A_128 = arith.constant 0.000000e+00 : f32
      %broadcast_in_dim3A_129 = vector.broadcast %broadcast_in_dim3A_128 : f32 to vector<16xf32>
      %swap3A_130 = arith.index_cast %scan3A_72 : i32 to index
      %swap3A_131 = arith.constant 128 : index
      %swap3A_132 = tpu.vector_load %arg10[%swap3A_130, %swap3A_131] {strides = array<i32>} : memref<128x160xf32, #tpu.memory_space<vmem>>, vector<1x16xf32>,
      %swap3A_133 = vector.shape_cast %swap3A_132 : vector<1x16xf32> to vector<16xf32>
      %swap3A_134 = vector.shape_cast %broadcast_in_dim3A_129 : vector<16xf32> to vector<1x16xf32>
      tpu.vector_store %arg10[%swap3A_130, %swap3A_131], %swap3A_134 {strides = array<i32>} : memref<128x160xf32, #tpu.memory_space<vmem>>, vector<1x16xf32>,
      %broadcast_in_dim3A_135 = arith.constant 0.000000e+00 : f32
      %broadcast_in_dim3A_136 = vector.broadcast %broadcast_in_dim3A_135 : f32 to vector<16xf32>
      %swap3A_137 = arith.index_cast %scan3A_72 : i32 to index
      %swap3A_138 = arith.constant 144 : index
      %swap3A_139 = tpu.vector_load %arg10[%swap3A_137, %swap3A_138] {strides = array<i32>} : memref<128x160xf32, #tpu.memory_space<vmem>>, vector<1x16xf32>,
      %swap3A_140 = vector.shape_cast %swap3A_139 : vector<1x16xf32> to vector<16xf32>
      %swap3A_141 = vector.shape_cast %broadcast_in_dim3A_136 : vector<16xf32> to vector<1x16xf32>
      tpu.vector_store %arg10[%swap3A_137, %swap3A_138], %swap3A_141 {strides = array<i32>} : memref<128x160xf32, #tpu.memory_space<vmem>>, vector<1x16xf32>,
      %scan3A_142 = arith.constant 0 : i32
      scf.yield %scan3A_142 : i32
    }
    %scan3A_6 = arith.constant 128 : i32
    %mul3A_7 = arith.constant 640 : i32
    %mul3A_8 = arith.muli %arg1, %mul3A_7 : i32
    %add3A_9 = arith.constant 0 : i32
    %add3A_10 = arith.addi %mul3A_8, %add3A_9 : i32
    "tpu.region"() ({
      %run_scoped3A = tpu.sem_alloc : memref<!tpu.dma_semaphore, #tpu.memory_space<semaphore_mem>>
      %dma_start3A = arith.constant 0 : i32
      %dma_start3A_72 = tpu.memref_slice %arg11[%add3A_10, %dma_start3A] : memref<10240x160xf32, #tpu.memory_space<vmem_shared>> -> memref<128x160xf32, #tpu.memory_space<vmem_shared>>
      %dma_start3A_73 = arith.constant 0 : i32
      %dma_start3A_74 = tpu.memref_slice %arg11[%add3A_10, %dma_start3A_73] : memref<10240x160xf32, #tpu.memory_space<vmem_shared>> -> memref<128x160xf32, #tpu.memory_space<vmem_shared>>
      tpu.enqueue_dma source(%arg10 : memref<128x160xf32, #tpu.memory_space<vmem>>) target(%dma_start3A_74 : memref<128x160xf32, #tpu.memory_space<vmem_shared>>) target_semaphore(%run_scoped3A : memref<!tpu.dma_semaphore, #tpu.memory_space<semaphore_mem>>)
      %dma_wait3A = arith.constant 0 : i32
      %dma_wait3A_75 = tpu.memref_slice %arg11[%add3A_10, %dma_wait3A] : memref<10240x160xf32, #tpu.memory_space<vmem_shared>> -> memref<128x160xf32, #tpu.memory_space<vmem_shared>>
      %dma_wait3A_76 = arith.constant 0 : i32
      %dma_wait3A_77 = tpu.memref_slice %arg11[%add3A_10, %dma_wait3A_76] : memref<10240x160xf32, #tpu.memory_space<vmem_shared>> -> memref<128x160xf32, #tpu.memory_space<vmem_shared>>
      tpu.wait_dma2 semaphore(%run_scoped3A : memref<!tpu.dma_semaphore, #tpu.memory_space<semaphore_mem>>) src(%arg10 : memref<128x160xf32, #tpu.memory_space<vmem>>) dst(%dma_wait3A_77 : memref<128x160xf32, #tpu.memory_space<vmem_shared>>)
      tpu.yield
    }) : () -> ()
    %add3A_11 = arith.constant 128 : i32
    %add3A_12 = arith.addi %mul3A_8, %add3A_11 : i32
    "tpu.region"() ({
      %run_scoped3A = tpu.sem_alloc : memref<!tpu.dma_semaphore, #tpu.memory_space<semaphore_mem>>
      %dma_start3A = arith.constant 0 : i32
      %dma_start3A_72 = tpu.memref_slice %arg11[%add3A_12, %dma_start3A] : memref<10240x160xf32, #tpu.memory_space<vmem_shared>> -> memref<128x160xf32, #tpu.memory_space<vmem_shared>>
      %dma_start3A_73 = arith.constant 0 : i32
      %dma_start3A_74 = tpu.memref_slice %arg11[%add3A_12, %dma_start3A_73] : memref<10240x160xf32, #tpu.memory_space<vmem_shared>> -> memref<128x160xf32, #tpu.memory_space<vmem_shared>>
      tpu.enqueue_dma source(%arg10 : memref<128x160xf32, #tpu.memory_space<vmem>>) target(%dma_start3A_74 : memref<128x160xf32, #tpu.memory_space<vmem_shared>>) target_semaphore(%run_scoped3A : memref<!tpu.dma_semaphore, #tpu.memory_space<semaphore_mem>>)
      %dma_wait3A = arith.constant 0 : i32
      %dma_wait3A_75 = tpu.memref_slice %arg11[%add3A_12, %dma_wait3A] : memref<10240x160xf32, #tpu.memory_space<vmem_shared>> -> memref<128x160xf32, #tpu.memory_space<vmem_shared>>
      %dma_wait3A_76 = arith.constant 0 : i32
      %dma_wait3A_77 = tpu.memref_slice %arg11[%add3A_12, %dma_wait3A_76] : memref<10240x160xf32, #tpu.memory_space<vmem_shared>> -> memref<128x160xf32, #tpu.memory_space<vmem_shared>>
      tpu.wait_dma2 semaphore(%run_scoped3A : memref<!tpu.dma_semaphore, #tpu.memory_space<semaphore_mem>>) src(%arg10 : memref<128x160xf32, #tpu.memory_space<vmem>>) dst(%dma_wait3A_77 : memref<128x160xf32, #tpu.memory_space<vmem_shared>>)
      tpu.yield
    }) : () -> ()
    %add3A_13 = arith.constant 256 : i32
    %add3A_14 = arith.addi %mul3A_8, %add3A_13 : i32
    "tpu.region"() ({
      %run_scoped3A = tpu.sem_alloc : memref<!tpu.dma_semaphore, #tpu.memory_space<semaphore_mem>>
      %dma_start3A = arith.constant 0 : i32
      %dma_start3A_72 = tpu.memref_slice %arg11[%add3A_14, %dma_start3A] : memref<10240x160xf32, #tpu.memory_space<vmem_shared>> -> memref<128x160xf32, #tpu.memory_space<vmem_shared>>
      %dma_start3A_73 = arith.constant 0 : i32
      %dma_start3A_74 = tpu.memref_slice %arg11[%add3A_14, %dma_start3A_73] : memref<10240x160xf32, #tpu.memory_space<vmem_shared>> -> memref<128x160xf32, #tpu.memory_space<vmem_shared>>
      tpu.enqueue_dma source(%arg10 : memref<128x160xf32, #tpu.memory_space<vmem>>) target(%dma_start3A_74 : memref<128x160xf32, #tpu.memory_space<vmem_shared>>) target_semaphore(%run_scoped3A : memref<!tpu.dma_semaphore, #tpu.memory_space<semaphore_mem>>)
      %dma_wait3A = arith.constant 0 : i32
      %dma_wait3A_75 = tpu.memref_slice %arg11[%add3A_14, %dma_wait3A] : memref<10240x160xf32, #tpu.memory_space<vmem_shared>> -> memref<128x160xf32, #tpu.memory_space<vmem_shared>>
      %dma_wait3A_76 = arith.constant 0 : i32
      %dma_wait3A_77 = tpu.memref_slice %arg11[%add3A_14, %dma_wait3A_76] : memref<10240x160xf32, #tpu.memory_space<vmem_shared>> -> memref<128x160xf32, #tpu.memory_space<vmem_shared>>
      tpu.wait_dma2 semaphore(%run_scoped3A : memref<!tpu.dma_semaphore, #tpu.memory_space<semaphore_mem>>) src(%arg10 : memref<128x160xf32, #tpu.memory_space<vmem>>) dst(%dma_wait3A_77 : memref<128x160xf32, #tpu.memory_space<vmem_shared>>)
      tpu.yield
    }) : () -> ()
    %add3A_15 = arith.constant 384 : i32
    %add3A_16 = arith.addi %mul3A_8, %add3A_15 : i32
    "tpu.region"() ({
      %run_scoped3A = tpu.sem_alloc : memref<!tpu.dma_semaphore, #tpu.memory_space<semaphore_mem>>
      %dma_start3A = arith.constant 0 : i32
      %dma_start3A_72 = tpu.memref_slice %arg11[%add3A_16, %dma_start3A] : memref<10240x160xf32, #tpu.memory_space<vmem_shared>> -> memref<128x160xf32, #tpu.memory_space<vmem_shared>>
      %dma_start3A_73 = arith.constant 0 : i32
      %dma_start3A_74 = tpu.memref_slice %arg11[%add3A_16, %dma_start3A_73] : memref<10240x160xf32, #tpu.memory_space<vmem_shared>> -> memref<128x160xf32, #tpu.memory_space<vmem_shared>>
      tpu.enqueue_dma source(%arg10 : memref<128x160xf32, #tpu.memory_space<vmem>>) target(%dma_start3A_74 : memref<128x160xf32, #tpu.memory_space<vmem_shared>>) target_semaphore(%run_scoped3A : memref<!tpu.dma_semaphore, #tpu.memory_space<semaphore_mem>>)
      %dma_wait3A = arith.constant 0 : i32
      %dma_wait3A_75 = tpu.memref_slice %arg11[%add3A_16, %dma_wait3A] : memref<10240x160xf32, #tpu.memory_space<vmem_shared>> -> memref<128x160xf32, #tpu.memory_space<vmem_shared>>
      %dma_wait3A_76 = arith.constant 0 : i32
      %dma_wait3A_77 = tpu.memref_slice %arg11[%add3A_16, %dma_wait3A_76] : memref<10240x160xf32, #tpu.memory_space<vmem_shared>> -> memref<128x160xf32, #tpu.memory_space<vmem_shared>>
      tpu.wait_dma2 semaphore(%run_scoped3A : memref<!tpu.dma_semaphore, #tpu.memory_space<semaphore_mem>>) src(%arg10 : memref<128x160xf32, #tpu.memory_space<vmem>>) dst(%dma_wait3A_77 : memref<128x160xf32, #tpu.memory_space<vmem_shared>>)
      tpu.yield
    }) : () -> ()
    %add3A_17 = arith.constant 512 : i32
    %add3A_18 = arith.addi %mul3A_8, %add3A_17 : i32
    "tpu.region"() ({
      %run_scoped3A = tpu.sem_alloc : memref<!tpu.dma_semaphore, #tpu.memory_space<semaphore_mem>>
      %dma_start3A = arith.constant 0 : i32
      %dma_start3A_72 = tpu.memref_slice %arg11[%add3A_18, %dma_start3A] : memref<10240x160xf32, #tpu.memory_space<vmem_shared>> -> memref<128x160xf32, #tpu.memory_space<vmem_shared>>
      %dma_start3A_73 = arith.constant 0 : i32
      %dma_start3A_74 = tpu.memref_slice %arg11[%add3A_18, %dma_start3A_73] : memref<10240x160xf32, #tpu.memory_space<vmem_shared>> -> memref<128x160xf32, #tpu.memory_space<vmem_shared>>
      tpu.enqueue_dma source(%arg10 : memref<128x160xf32, #tpu.memory_space<vmem>>) target(%dma_start3A_74 : memref<128x160xf32, #tpu.memory_space<vmem_shared>>) target_semaphore(%run_scoped3A : memref<!tpu.dma_semaphore, #tpu.memory_space<semaphore_mem>>)
      %dma_wait3A = arith.constant 0 : i32
      %dma_wait3A_75 = tpu.memref_slice %arg11[%add3A_18, %dma_wait3A] : memref<10240x160xf32, #tpu.memory_space<vmem_shared>> -> memref<128x160xf32, #tpu.memory_space<vmem_shared>>
      %dma_wait3A_76 = arith.constant 0 : i32
      %dma_wait3A_77 = tpu.memref_slice %arg11[%add3A_18, %dma_wait3A_76] : memref<10240x160xf32, #tpu.memory_space<vmem_shared>> -> memref<128x160xf32, #tpu.memory_space<vmem_shared>>
      tpu.wait_dma2 semaphore(%run_scoped3A : memref<!tpu.dma_semaphore, #tpu.memory_space<semaphore_mem>>) src(%arg10 : memref<128x160xf32, #tpu.memory_space<vmem>>) dst(%dma_wait3A_77 : memref<128x160xf32, #tpu.memory_space<vmem_shared>>)
      tpu.yield
    }) : () -> ()
    %barrier3A = arith.constant 0 : index
    tpu.barrier barrier_id(%barrier3A)
    %mul3A_19 = arith.constant 156 : i32
    %mul3A_20 = arith.muli %arg1, %mul3A_19 : i32
    %min3A = arith.constant 4 : i32
    %min3A_21 = arith.minsi %arg1, %min3A : i32
    %add3A_22 = arith.addi %mul3A_20, %min3A_21 : i32
    %lt3A = arith.constant 4 : i32
    %lt3A_23 = arith.cmpi slt, %arg1, %lt3A : i32
    %jit3A = arith.constant 1 : i32
    %jit3A_24 = arith.constant 0 : i32
    %select_n3A = arith.select %lt3A_23, %jit3A, %jit3A_24 : i32
    %add3A_25 = arith.constant 156 : i32
    %add3A_26 = arith.addi %add3A_25, %select_n3A : i32
    %iota3A = tpu.iota {dimensions = array<i32: 0>} : vector<16xi32>
    %lt3A_27 = arith.constant 40 : i32
    %lt3A_28 = vector.broadcast %lt3A_27 : i32 to vector<16xi32>
    %lt3A_29 = arith.cmpi slt, %iota3A, %lt3A_28 : vector<16xi32>
    %lt3A_30 = arith.constant 24 : i32
    %lt3A_31 = vector.broadcast %lt3A_30 : i32 to vector<16xi32>
    %lt3A_32 = arith.cmpi slt, %iota3A, %lt3A_31 : vector<16xi32>
    %lt3A_33 = arith.constant 8 : i32
    %lt3A_34 = vector.broadcast %lt3A_33 : i32 to vector<16xi32>
    %lt3A_35 = arith.cmpi slt, %iota3A, %lt3A_34 : vector<16xi32>
    %lt3A_36 = arith.constant 32 : i32
    %lt3A_37 = vector.broadcast %lt3A_36 : i32 to vector<16xi32>
    %lt3A_38 = arith.cmpi slt, %iota3A, %lt3A_37 : vector<16xi32>
    %lt3A_39 = arith.constant 16 : i32
    %lt3A_40 = vector.broadcast %lt3A_39 : i32 to vector<16xi32>
    %lt3A_41 = arith.cmpi slt, %iota3A, %lt3A_40 : vector<16xi32>
    %lt3A_42 = arith.constant 40 : i32
    %lt3A_43 = vector.broadcast %lt3A_42 : i32 to vector<16xi32>
    %lt3A_44 = arith.cmpi slt, %iota3A, %lt3A_43 : vector<16xi32>
    %lt3A_45 = arith.constant 24 : i32
    %lt3A_46 = vector.broadcast %lt3A_45 : i32 to vector<16xi32>
    %lt3A_47 = arith.cmpi slt, %iota3A, %lt3A_46 : vector<16xi32>
    %lt3A_48 = arith.constant 8 : i32
    %lt3A_49 = vector.broadcast %lt3A_48 : i32 to vector<16xi32>
    %lt3A_50 = arith.cmpi slt, %iota3A, %lt3A_49 : vector<16xi32>
    %lt3A_51 = arith.constant 32 : i32
    %lt3A_52 = vector.broadcast %lt3A_51 : i32 to vector<16xi32>
    %lt3A_53 = arith.cmpi slt, %iota3A, %lt3A_52 : vector<16xi32>
    %lt3A_54 = arith.constant 16 : i32
    %lt3A_55 = vector.broadcast %lt3A_54 : i32 to vector<16xi32>
    %lt3A_56 = arith.cmpi slt, %iota3A, %lt3A_55 : vector<16xi32>
    %while3A = arith.constant 0 : i32
    %while3A_57 = arith.constant 0 : i32
    %while3A_58 = arith.subi %add3A_26, %while3A : i32
    %while3A_59 = arith.addi %while3A, %while3A_58 : i32
    %while3A_60 = arith.constant 1 : i32
    %while3A_61 = arith.divsi %while3A_58, %while3A_60 : i32
    %while3A_62 = arith.muli %while3A_61, %while3A_60 : i32
    %while3A_63 = arith.addi %while3A, %while3A_62 : i32
    %while3A_64 = arith.constant 1 : i32
    %while3A_65 = scf.for %while3A_72 = %while3A to %while3A_63 step %while3A_64 iter_args(%while3A_73 = %while3A_57) -> (i32)  : i32 {
      %add3A_74 = arith.addi %add3A_22, %while3A_72 : i32
      %mul3A_75 = arith.constant 2500 : i32
      %mul3A_76 = arith.muli %arg0, %mul3A_75 : i32
      %add3A_77 = arith.addi %mul3A_76, %add3A_74 : i32
      "tpu.region"() ({
        %run_scoped3A = tpu.sem_alloc : memref<!tpu.dma_semaphore, #tpu.memory_space<semaphore_mem>>
        %dma_start3A = arith.constant 0 : i32
        %dma_start3A_90 = tpu.memref_slice %arg4[%add3A_77, %dma_start3A] : memref<5000x128xi32, #tpu.memory_space<hbm>> -> memref<1x128xi32, #tpu.memory_space<hbm>>
        %dma_start3A_91 = tpu.memref_squeeze %dma_start3A_90 : memref<1x128xi32, #tpu.memory_space<hbm>> -> memref<128xi32, #tpu.memory_space<hbm>>
        %dma_start3A_92 = arith.constant 0 : i32
        %dma_start3A_93 = tpu.memref_slice %arg4[%add3A_77, %dma_start3A_92] : memref<5000x128xi32, #tpu.memory_space<hbm>> -> memref<1x128xi32, #tpu.memory_space<hbm>>
        %dma_start3A_94 = tpu.memref_squeeze %dma_start3A_93 : memref<1x128xi32, #tpu.memory_space<hbm>> -> memref<128xi32, #tpu.memory_space<hbm>>
        tpu.enqueue_dma source(%dma_start3A_94 : memref<128xi32, #tpu.memory_space<hbm>>) target(%arg7 : memref<128xi32, #tpu.memory_space<vmem>>) target_semaphore(%run_scoped3A : memref<!tpu.dma_semaphore, #tpu.memory_space<semaphore_mem>>)
        %dma_wait3A = arith.constant 0 : i32
        %dma_wait3A_95 = tpu.memref_slice %arg4[%add3A_77, %dma_wait3A] : memref<5000x128xi32, #tpu.memory_space<hbm>> -> memref<1x128xi32, #tpu.memory_space<hbm>>
        %dma_wait3A_96 = tpu.memref_squeeze %dma_wait3A_95 : memref<1x128xi32, #tpu.memory_space<hbm>> -> memref<128xi32, #tpu.memory_space<hbm>>
        %dma_wait3A_97 = arith.constant 0 : i32
        %dma_wait3A_98 = tpu.memref_slice %arg4[%add3A_77, %dma_wait3A_97] : memref<5000x128xi32, #tpu.memory_space<hbm>> -> memref<1x128xi32, #tpu.memory_space<hbm>>
        %dma_wait3A_99 = tpu.memref_squeeze %dma_wait3A_98 : memref<1x128xi32, #tpu.memory_space<hbm>> -> memref<128xi32, #tpu.memory_space<hbm>>
        tpu.wait_dma2 semaphore(%run_scoped3A : memref<!tpu.dma_semaphore, #tpu.memory_space<semaphore_mem>>) src(%dma_wait3A_99 : memref<128xi32, #tpu.memory_space<hbm>>) dst(%arg7 : memref<128xi32, #tpu.memory_space<vmem>>)
        tpu.yield
      }) : () -> ()
      "tpu.region"() ({
        %run_scoped3A = tpu.sem_alloc : memref<!tpu.dma_semaphore, #tpu.memory_space<semaphore_mem>>
        %dma_start3A = arith.constant 0 : i32
        %dma_start3A_90 = tpu.memref_slice %arg5[%add3A_74, %dma_start3A] : memref<2500x128xi32, #tpu.memory_space<hbm>> -> memref<1x128xi32, #tpu.memory_space<hbm>>
        %dma_start3A_91 = tpu.memref_squeeze %dma_start3A_90 : memref<1x128xi32, #tpu.memory_space<hbm>> -> memref<128xi32, #tpu.memory_space<hbm>>
        %dma_start3A_92 = arith.constant 0 : i32
        %dma_start3A_93 = tpu.memref_slice %arg5[%add3A_74, %dma_start3A_92] : memref<2500x128xi32, #tpu.memory_space<hbm>> -> memref<1x128xi32, #tpu.memory_space<hbm>>
        %dma_start3A_94 = tpu.memref_squeeze %dma_start3A_93 : memref<1x128xi32, #tpu.memory_space<hbm>> -> memref<128xi32, #tpu.memory_space<hbm>>
        tpu.enqueue_dma source(%dma_start3A_94 : memref<128xi32, #tpu.memory_space<hbm>>) target(%arg8 : memref<128xi32, #tpu.memory_space<vmem>>) target_semaphore(%run_scoped3A : memref<!tpu.dma_semaphore, #tpu.memory_space<semaphore_mem>>)
        %dma_wait3A = arith.constant 0 : i32
        %dma_wait3A_95 = tpu.memref_slice %arg5[%add3A_74, %dma_wait3A] : memref<2500x128xi32, #tpu.memory_space<hbm>> -> memref<1x128xi32, #tpu.memory_space<hbm>>
        %dma_wait3A_96 = tpu.memref_squeeze %dma_wait3A_95 : memref<1x128xi32, #tpu.memory_space<hbm>> -> memref<128xi32, #tpu.memory_space<hbm>>
        %dma_wait3A_97 = arith.constant 0 : i32
        %dma_wait3A_98 = tpu.memref_slice %arg5[%add3A_74, %dma_wait3A_97] : memref<2500x128xi32, #tpu.memory_space<hbm>> -> memref<1x128xi32, #tpu.memory_space<hbm>>
        %dma_wait3A_99 = tpu.memref_squeeze %dma_wait3A_98 : memref<1x128xi32, #tpu.memory_space<hbm>> -> memref<128xi32, #tpu.memory_space<hbm>>
        tpu.wait_dma2 semaphore(%run_scoped3A : memref<!tpu.dma_semaphore, #tpu.memory_space<semaphore_mem>>) src(%dma_wait3A_99 : memref<128xi32, #tpu.memory_space<hbm>>) dst(%arg8 : memref<128xi32, #tpu.memory_space<vmem>>)
        tpu.yield
      }) : () -> ()
      %mul3A_78 = arith.constant 128 : i32
      %mul3A_79 = arith.muli %add3A_74, %mul3A_78 : i32
      %mul3A_80 = arith.constant 16 : i32
      %mul3A_81 = arith.muli %mul3A_79, %mul3A_80 : i32
      "tpu.region"() ({
        %run_scoped3A = tpu.sem_alloc : memref<!tpu.dma_semaphore, #tpu.memory_space<semaphore_mem>>
        %dma_start3A = tpu.memref_slice %arg3[%mul3A_81] : memref<5120000xf32, #tpu.memory_space<hbm>> -> memref<2048xf32, #tpu.memory_space<hbm>>
        %dma_start3A_90 = tpu.memref_slice %arg3[%mul3A_81] : memref<5120000xf32, #tpu.memory_space<hbm>> -> memref<2048xf32, #tpu.memory_space<hbm>>
        tpu.enqueue_dma source(%dma_start3A_90 : memref<2048xf32, #tpu.memory_space<hbm>>) target(%arg9 : memref<2048xf32, #tpu.memory_space<vmem>>) target_semaphore(%run_scoped3A : memref<!tpu.dma_semaphore, #tpu.memory_space<semaphore_mem>>)
        %dma_wait3A = tpu.memref_slice %arg3[%mul3A_81] : memref<5120000xf32, #tpu.memory_space<hbm>> -> memref<2048xf32, #tpu.memory_space<hbm>>
        %dma_wait3A_91 = tpu.memref_slice %arg3[%mul3A_81] : memref<5120000xf32, #tpu.memory_space<hbm>> -> memref<2048xf32, #tpu.memory_space<hbm>>
        tpu.wait_dma2 semaphore(%run_scoped3A : memref<!tpu.dma_semaphore, #tpu.memory_space<semaphore_mem>>) src(%dma_wait3A_91 : memref<2048xf32, #tpu.memory_space<hbm>>) dst(%arg9 : memref<2048xf32, #tpu.memory_space<vmem>>)
        tpu.yield
      }) : () -> ()
      "tpu.region"() ({
        %run_scoped3A = tpu.sem_alloc : memref<!tpu.dma_semaphore, #tpu.memory_space<semaphore_mem>>
        %dma_start3A = arith.constant 0 : i32
        %dma_start3A_90 = arith.constant 0 : i32
        %dma_start3A_91 = tpu.memref_slice %arg2[%dma_start3A, %dma_start3A_90] : memref<20000x160xf32, #tpu.memory_space<hbm>> -> memref<20000x160xf32, #tpu.memory_space<hbm>>
        tpu.enqueue_indirect_dma source(%dma_start3A_91 : memref<20000x160xf32, #tpu.memory_space<hbm>>) target(%arg10 : memref<128x160xf32, #tpu.memory_space<vmem>>) offsets(%arg7 : memref<128xi32, #tpu.memory_space<vmem>>) semaphore(%run_scoped3A : memref<!tpu.dma_semaphore, #tpu.memory_space<semaphore_mem>>)
        %dma_wait3A = arith.constant 0 : i32
        %dma_wait3A_92 = arith.constant 0 : i32
        %dma_wait3A_93 = tpu.memref_slice %arg2[%dma_wait3A, %dma_wait3A_92] : memref<20000x160xf32, #tpu.memory_space<hbm>> -> memref<20000x160xf32, #tpu.memory_space<hbm>>
        tpu.wait_indirect_dma semaphore(%run_scoped3A : memref<!tpu.dma_semaphore, #tpu.memory_space<semaphore_mem>>) src(%dma_wait3A_93 : memref<20000x160xf32, #tpu.memory_space<hbm>>) dst(%arg10 : memref<128x160xf32, #tpu.memory_space<vmem>>)
        tpu.yield
      }) : () -> ()
      %eq3A = arith.constant 0 : i32
      %eq3A_82 = arith.cmpi eq, %arg0, %eq3A : i32
      %convert_element_type3A = arith.extui %eq3A_82 : i1 to i32
      %cond3A = arith.constant 0 : i32
      %cond3A_83 = arith.cmpi ne, %convert_element_type3A, %cond3A : i32
      scf.if %cond3A_83 {
        %scan3A_90 = arith.constant 0 : i32
        %scan3A_91 = arith.constant 0 : i32
        %scan3A_92 = arith.constant 128 : i32
        %scan3A_93 = arith.addi %scan3A_91, %scan3A_92 : i32
        %scan3A_94 = arith.constant 1 : i32
        %scan3A_95 = scf.for %scan3A_97 = %scan3A_91 to %scan3A_93 step %scan3A_94 iter_args(%scan3A_98 = %scan3A_90) -> (i32)  : i32 {
          %mul3A_99 = arith.constant 16 : i32
          %mul3A_100 = arith.muli %scan3A_97, %mul3A_99 : i32
          %get3A = arith.index_cast %mul3A_100 : i32 to index
          %get3A_101 = tpu.vector_load %arg9[%get3A] {strides = array<i32>} : memref<2048xf32, #tpu.memory_space<vmem>>, vector<16xf32>,
          %get3A_102 = vector.shape_cast %get3A_101 : vector<16xf32> to vector<16xf32>
          %slice3A = vector.extract_strided_slice %get3A_102 {offsets = [0], sizes = [1], strides = [1]} : vector<16xf32> to vector<1xf32>
          %squeeze3A = vector.extract %slice3A[0] : f32 from vector<1xf32>
          %broadcast_in_dim3A = vector.broadcast %squeeze3A : f32 to vector<16xf32>
          %get3A_103 = arith.index_cast %scan3A_97 : i32 to index
          %get3A_104 = arith.constant 0 : index
          %get3A_105 = tpu.vector_load %arg10[%get3A_103, %get3A_104] {strides = array<i32>} : memref<128x160xf32, #tpu.memory_space<vmem>>, vector<1x16xf32>,
          %get3A_106 = vector.shape_cast %get3A_105 : vector<1x16xf32> to vector<16xf32>
          %mul3A_107 = arith.mulf %get3A_106, %broadcast_in_dim3A : vector<16xf32>
          %swap3A = arith.index_cast %scan3A_97 : i32 to index
          %swap3A_108 = arith.constant 0 : index
          %swap3A_109 = tpu.vector_load %arg10[%swap3A, %swap3A_108] {strides = array<i32>} : memref<128x160xf32, #tpu.memory_space<vmem>>, vector<1x16xf32>,
          %swap3A_110 = vector.shape_cast %swap3A_109 : vector<1x16xf32> to vector<16xf32>
          %swap3A_111 = vector.shape_cast %mul3A_107 : vector<16xf32> to vector<1x16xf32>
          tpu.vector_store %arg10[%swap3A, %swap3A_108], %swap3A_111 {strides = array<i32>} : memref<128x160xf32, #tpu.memory_space<vmem>>, vector<1x16xf32>,
          %slice3A_112 = vector.extract_strided_slice %get3A_102 {offsets = [0], sizes = [1], strides = [1]} : vector<16xf32> to vector<1xf32>
          %squeeze3A_113 = vector.extract %slice3A_112[0] : f32 from vector<1xf32>
          %broadcast_in_dim3A_114 = vector.broadcast %squeeze3A_113 : f32 to vector<16xf32>
          %get3A_115 = arith.index_cast %scan3A_97 : i32 to index
          %get3A_116 = arith.constant 16 : index
          %get3A_117 = tpu.vector_load %arg10[%get3A_115, %get3A_116] {strides = array<i32>} : memref<128x160xf32, #tpu.memory_space<vmem>>, vector<1x16xf32>,
          %get3A_118 = vector.shape_cast %get3A_117 : vector<1x16xf32> to vector<16xf32>
          %mul3A_119 = arith.mulf %get3A_118, %broadcast_in_dim3A_114 : vector<16xf32>
          %swap3A_120 = arith.index_cast %scan3A_97 : i32 to index
          %swap3A_121 = arith.constant 16 : index
          %swap3A_122 = tpu.vector_load %arg10[%swap3A_120, %swap3A_121] {strides = array<i32>} : memref<128x160xf32, #tpu.memory_space<vmem>>, vector<1x16xf32>,
          %swap3A_123 = vector.shape_cast %swap3A_122 : vector<1x16xf32> to vector<16xf32>
          %swap3A_124 = vector.shape_cast %mul3A_119 : vector<16xf32> to vector<1x16xf32>
          tpu.vector_store %arg10[%swap3A_120, %swap3A_121], %swap3A_124 {strides = array<i32>} : memref<128x160xf32, #tpu.memory_space<vmem>>, vector<1x16xf32>,
          %slice3A_125 = vector.extract_strided_slice %get3A_102 {offsets = [0], sizes = [1], strides = [1]} : vector<16xf32> to vector<1xf32>
          %squeeze3A_126 = vector.extract %slice3A_125[0] : f32 from vector<1xf32>
          %broadcast_in_dim3A_127 = vector.broadcast %squeeze3A_126 : f32 to vector<16xf32>
          %slice3A_128 = vector.extract_strided_slice %get3A_102 {offsets = [1], sizes = [1], strides = [1]} : vector<16xf32> to vector<1xf32>
          %squeeze3A_129 = vector.extract %slice3A_128[0] : f32 from vector<1xf32>
          %broadcast_in_dim3A_130 = vector.broadcast %squeeze3A_129 : f32 to vector<16xf32>
          %select_n3A_131 = arith.select %lt3A_35, %broadcast_in_dim3A_127, %broadcast_in_dim3A_130 : vector<16xi1>, vector<16xf32>
          %get3A_132 = arith.index_cast %scan3A_97 : i32 to index
          %get3A_133 = arith.constant 32 : index
          %get3A_134 = tpu.vector_load %arg10[%get3A_132, %get3A_133] {strides = array<i32>} : memref<128x160xf32, #tpu.memory_space<vmem>>, vector<1x16xf32>,
          %get3A_135 = vector.shape_cast %get3A_134 : vector<1x16xf32> to vector<16xf32>
          %mul3A_136 = arith.mulf %get3A_135, %select_n3A_131 : vector<16xf32>
          %swap3A_137 = arith.index_cast %scan3A_97 : i32 to index
          %swap3A_138 = arith.constant 32 : index
          %swap3A_139 = tpu.vector_load %arg10[%swap3A_137, %swap3A_138] {strides = array<i32>} : memref<128x160xf32, #tpu.memory_space<vmem>>, vector<1x16xf32>,
          %swap3A_140 = vector.shape_cast %swap3A_139 : vector<1x16xf32> to vector<16xf32>
          %swap3A_141 = vector.shape_cast %mul3A_136 : vector<16xf32> to vector<1x16xf32>
          tpu.vector_store %arg10[%swap3A_137, %swap3A_138], %swap3A_141 {strides = array<i32>} : memref<128x160xf32, #tpu.memory_space<vmem>>, vector<1x16xf32>,
          %slice3A_142 = vector.extract_strided_slice %get3A_102 {offsets = [1], sizes = [1], strides = [1]} : vector<16xf32> to vector<1xf32>
          %squeeze3A_143 = vector.extract %slice3A_142[0] : f32 from vector<1xf32>
          %broadcast_in_dim3A_144 = vector.broadcast %squeeze3A_143 : f32 to vector<16xf32>
          %get3A_145 = arith.index_cast %scan3A_97 : i32 to index
          %get3A_146 = arith.constant 48 : index
          %get3A_147 = tpu.vector_load %arg10[%get3A_145, %get3A_146] {strides = array<i32>} : memref<128x160xf32, #tpu.memory_space<vmem>>, vector<1x16xf32>,
          %get3A_148 = vector.shape_cast %get3A_147 : vector<1x16xf32> to vector<16xf32>
          %mul3A_149 = arith.mulf %get3A_148, %broadcast_in_dim3A_144 : vector<16xf32>
          %swap3A_150 = arith.index_cast %scan3A_97 : i32 to index
          %swap3A_151 = arith.constant 48 : index
          %swap3A_152 = tpu.vector_load %arg10[%swap3A_150, %swap3A_151] {strides = array<i32>} : memref<128x160xf32, #tpu.memory_space<vmem>>, vector<1x16xf32>,
          %swap3A_153 = vector.shape_cast %swap3A_152 : vector<1x16xf32> to vector<16xf32>
          %swap3A_154 = vector.shape_cast %mul3A_149 : vector<16xf32> to vector<1x16xf32>
          tpu.vector_store %arg10[%swap3A_150, %swap3A_151], %swap3A_154 {strides = array<i32>} : memref<128x160xf32, #tpu.memory_space<vmem>>, vector<1x16xf32>,
          %slice3A_155 = vector.extract_strided_slice %get3A_102 {offsets = [1], sizes = [1], strides = [1]} : vector<16xf32> to vector<1xf32>
          %squeeze3A_156 = vector.extract %slice3A_155[0] : f32 from vector<1xf32>
          %broadcast_in_dim3A_157 = vector.broadcast %squeeze3A_156 : f32 to vector<16xf32>
          %get3A_158 = arith.index_cast %scan3A_97 : i32 to index
          %get3A_159 = arith.constant 64 : index
          %get3A_160 = tpu.vector_load %arg10[%get3A_158, %get3A_159] {strides = array<i32>} : memref<128x160xf32, #tpu.memory_space<vmem>>, vector<1x16xf32>,
          %get3A_161 = vector.shape_cast %get3A_160 : vector<1x16xf32> to vector<16xf32>
          %mul3A_162 = arith.mulf %get3A_161, %broadcast_in_dim3A_157 : vector<16xf32>
          %swap3A_163 = arith.index_cast %scan3A_97 : i32 to index
          %swap3A_164 = arith.constant 64 : index
          %swap3A_165 = tpu.vector_load %arg10[%swap3A_163, %swap3A_164] {strides = array<i32>} : memref<128x160xf32, #tpu.memory_space<vmem>>, vector<1x16xf32>,
          %swap3A_166 = vector.shape_cast %swap3A_165 : vector<1x16xf32> to vector<16xf32>
          %swap3A_167 = vector.shape_cast %mul3A_162 : vector<16xf32> to vector<1x16xf32>
          tpu.vector_store %arg10[%swap3A_163, %swap3A_164], %swap3A_167 {strides = array<i32>} : memref<128x160xf32, #tpu.memory_space<vmem>>, vector<1x16xf32>,
          %slice3A_168 = vector.extract_strided_slice %get3A_102 {offsets = [2], sizes = [1], strides = [1]} : vector<16xf32> to vector<1xf32>
          %squeeze3A_169 = vector.extract %slice3A_168[0] : f32 from vector<1xf32>
          %broadcast_in_dim3A_170 = vector.broadcast %squeeze3A_169 : f32 to vector<16xf32>
          %get3A_171 = arith.index_cast %scan3A_97 : i32 to index
          %get3A_172 = arith.constant 80 : index
          %get3A_173 = tpu.vector_load %arg10[%get3A_171, %get3A_172] {strides = array<i32>} : memref<128x160xf32, #tpu.memory_space<vmem>>, vector<1x16xf32>,
          %get3A_174 = vector.shape_cast %get3A_173 : vector<1x16xf32> to vector<16xf32>
          %mul3A_175 = arith.mulf %get3A_174, %broadcast_in_dim3A_170 : vector<16xf32>
          %swap3A_176 = arith.index_cast %scan3A_97 : i32 to index
          %swap3A_177 = arith.constant 80 : index
          %swap3A_178 = tpu.vector_load %arg10[%swap3A_176, %swap3A_177] {strides = array<i32>} : memref<128x160xf32, #tpu.memory_space<vmem>>, vector<1x16xf32>,
          %swap3A_179 = vector.shape_cast %swap3A_178 : vector<1x16xf32> to vector<16xf32>
          %swap3A_180 = vector.shape_cast %mul3A_175 : vector<16xf32> to vector<1x16xf32>
          tpu.vector_store %arg10[%swap3A_176, %swap3A_177], %swap3A_180 {strides = array<i32>} : memref<128x160xf32, #tpu.memory_space<vmem>>, vector<1x16xf32>,
          %slice3A_181 = vector.extract_strided_slice %get3A_102 {offsets = [2], sizes = [1], strides = [1]} : vector<16xf32> to vector<1xf32>
          %squeeze3A_182 = vector.extract %slice3A_181[0] : f32 from vector<1xf32>
          %broadcast_in_dim3A_183 = vector.broadcast %squeeze3A_182 : f32 to vector<16xf32>
          %get3A_184 = arith.index_cast %scan3A_97 : i32 to index
          %get3A_185 = arith.constant 96 : index
          %get3A_186 = tpu.vector_load %arg10[%get3A_184, %get3A_185] {strides = array<i32>} : memref<128x160xf32, #tpu.memory_space<vmem>>, vector<1x16xf32>,
          %get3A_187 = vector.shape_cast %get3A_186 : vector<1x16xf32> to vector<16xf32>
          %mul3A_188 = arith.mulf %get3A_187, %broadcast_in_dim3A_183 : vector<16xf32>
          %swap3A_189 = arith.index_cast %scan3A_97 : i32 to index
          %swap3A_190 = arith.constant 96 : index
          %swap3A_191 = tpu.vector_load %arg10[%swap3A_189, %swap3A_190] {strides = array<i32>} : memref<128x160xf32, #tpu.memory_space<vmem>>, vector<1x16xf32>,
          %swap3A_192 = vector.shape_cast %swap3A_191 : vector<1x16xf32> to vector<16xf32>
          %swap3A_193 = vector.shape_cast %mul3A_188 : vector<16xf32> to vector<1x16xf32>
          tpu.vector_store %arg10[%swap3A_189, %swap3A_190], %swap3A_193 {strides = array<i32>} : memref<128x160xf32, #tpu.memory_space<vmem>>, vector<1x16xf32>,
          %slice3A_194 = vector.extract_strided_slice %get3A_102 {offsets = [2], sizes = [1], strides = [1]} : vector<16xf32> to vector<1xf32>
          %squeeze3A_195 = vector.extract %slice3A_194[0] : f32 from vector<1xf32>
          %broadcast_in_dim3A_196 = vector.broadcast %squeeze3A_195 : f32 to vector<16xf32>
          %slice3A_197 = vector.extract_strided_slice %get3A_102 {offsets = [3], sizes = [1], strides = [1]} : vector<16xf32> to vector<1xf32>
          %squeeze3A_198 = vector.extract %slice3A_197[0] : f32 from vector<1xf32>
          %broadcast_in_dim3A_199 = vector.broadcast %squeeze3A_198 : f32 to vector<16xf32>
          %select_n3A_200 = arith.select %lt3A_50, %broadcast_in_dim3A_196, %broadcast_in_dim3A_199 : vector<16xi1>, vector<16xf32>
          %get3A_201 = arith.index_cast %scan3A_97 : i32 to index
          %get3A_202 = arith.constant 112 : index
          %get3A_203 = tpu.vector_load %arg10[%get3A_201, %get3A_202] {strides = array<i32>} : memref<128x160xf32, #tpu.memory_space<vmem>>, vector<1x16xf32>,
          %get3A_204 = vector.shape_cast %get3A_203 : vector<1x16xf32> to vector<16xf32>
          %mul3A_205 = arith.mulf %get3A_204, %select_n3A_200 : vector<16xf32>
          %swap3A_206 = arith.index_cast %scan3A_97 : i32 to index
          %swap3A_207 = arith.constant 112 : index
          %swap3A_208 = tpu.vector_load %arg10[%swap3A_206, %swap3A_207] {strides = array<i32>} : memref<128x160xf32, #tpu.memory_space<vmem>>, vector<1x16xf32>,
          %swap3A_209 = vector.shape_cast %swap3A_208 : vector<1x16xf32> to vector<16xf32>
          %swap3A_210 = vector.shape_cast %mul3A_205 : vector<16xf32> to vector<1x16xf32>
          tpu.vector_store %arg10[%swap3A_206, %swap3A_207], %swap3A_210 {strides = array<i32>} : memref<128x160xf32, #tpu.memory_space<vmem>>, vector<1x16xf32>,
          %slice3A_211 = vector.extract_strided_slice %get3A_102 {offsets = [3], sizes = [1], strides = [1]} : vector<16xf32> to vector<1xf32>
          %squeeze3A_212 = vector.extract %slice3A_211[0] : f32 from vector<1xf32>
          %broadcast_in_dim3A_213 = vector.broadcast %squeeze3A_212 : f32 to vector<16xf32>
          %get3A_214 = arith.index_cast %scan3A_97 : i32 to index
          %get3A_215 = arith.constant 128 : index
          %get3A_216 = tpu.vector_load %arg10[%get3A_214, %get3A_215] {strides = array<i32>} : memref<128x160xf32, #tpu.memory_space<vmem>>, vector<1x16xf32>,
          %get3A_217 = vector.shape_cast %get3A_216 : vector<1x16xf32> to vector<16xf32>
          %mul3A_218 = arith.mulf %get3A_217, %broadcast_in_dim3A_213 : vector<16xf32>
          %swap3A_219 = arith.index_cast %scan3A_97 : i32 to index
          %swap3A_220 = arith.constant 128 : index
          %swap3A_221 = tpu.vector_load %arg10[%swap3A_219, %swap3A_220] {strides = array<i32>} : memref<128x160xf32, #tpu.memory_space<vmem>>, vector<1x16xf32>,
          %swap3A_222 = vector.shape_cast %swap3A_221 : vector<1x16xf32> to vector<16xf32>
          %swap3A_223 = vector.shape_cast %mul3A_218 : vector<16xf32> to vector<1x16xf32>
          tpu.vector_store %arg10[%swap3A_219, %swap3A_220], %swap3A_223 {strides = array<i32>} : memref<128x160xf32, #tpu.memory_space<vmem>>, vector<1x16xf32>,
          %slice3A_224 = vector.extract_strided_slice %get3A_102 {offsets = [3], sizes = [1], strides = [1]} : vector<16xf32> to vector<1xf32>
          %squeeze3A_225 = vector.extract %slice3A_224[0] : f32 from vector<1xf32>
          %broadcast_in_dim3A_226 = vector.broadcast %squeeze3A_225 : f32 to vector<16xf32>
          %get3A_227 = arith.index_cast %scan3A_97 : i32 to index
          %get3A_228 = arith.constant 144 : index
          %get3A_229 = tpu.vector_load %arg10[%get3A_227, %get3A_228] {strides = array<i32>} : memref<128x160xf32, #tpu.memory_space<vmem>>, vector<1x16xf32>,
          %get3A_230 = vector.shape_cast %get3A_229 : vector<1x16xf32> to vector<16xf32>
          %mul3A_231 = arith.mulf %get3A_230, %broadcast_in_dim3A_226 : vector<16xf32>
          %swap3A_232 = arith.index_cast %scan3A_97 : i32 to index
          %swap3A_233 = arith.constant 144 : index
          %swap3A_234 = tpu.vector_load %arg10[%swap3A_232, %swap3A_233] {strides = array<i32>} : memref<128x160xf32, #tpu.memory_space<vmem>>, vector<1x16xf32>,
          %swap3A_235 = vector.shape_cast %swap3A_234 : vector<1x16xf32> to vector<16xf32>
          %swap3A_236 = vector.shape_cast %mul3A_231 : vector<16xf32> to vector<1x16xf32>
          tpu.vector_store %arg10[%swap3A_232, %swap3A_233], %swap3A_236 {strides = array<i32>} : memref<128x160xf32, #tpu.memory_space<vmem>>, vector<1x16xf32>,
          %scan3A_237 = arith.constant 0 : i32
          scf.yield %scan3A_237 : i32
        }
        %scan3A_96 = arith.constant 128 : i32
      } else {
      }
      %eq3A_84 = arith.constant 1 : i32
      %eq3A_85 = arith.cmpi eq, %arg0, %eq3A_84 : i32
      %convert_element_type3A_86 = arith.extui %eq3A_85 : i1 to i32
      %cond3A_87 = arith.constant 0 : i32
      %cond3A_88 = arith.cmpi ne, %convert_element_type3A_86, %cond3A_87 : i32
      scf.if %cond3A_88 {
        %scan3A_90 = arith.constant 0 : i32
        %scan3A_91 = arith.constant 0 : i32
        %scan3A_92 = arith.constant 128 : i32
        %scan3A_93 = arith.addi %scan3A_91, %scan3A_92 : i32
        %scan3A_94 = arith.constant 1 : i32
        %scan3A_95 = scf.for %scan3A_97 = %scan3A_91 to %scan3A_93 step %scan3A_94 iter_args(%scan3A_98 = %scan3A_90) -> (i32)  : i32 {
          %mul3A_99 = arith.constant 16 : i32
          %mul3A_100 = arith.muli %scan3A_97, %mul3A_99 : i32
          %get3A = arith.index_cast %mul3A_100 : i32 to index
          %get3A_101 = tpu.vector_load %arg9[%get3A] {strides = array<i32>} : memref<2048xf32, #tpu.memory_space<vmem>>, vector<16xf32>,
          %get3A_102 = vector.shape_cast %get3A_101 : vector<16xf32> to vector<16xf32>
          %slice3A = vector.extract_strided_slice %get3A_102 {offsets = [4], sizes = [1], strides = [1]} : vector<16xf32> to vector<1xf32>
          %squeeze3A = vector.extract %slice3A[0] : f32 from vector<1xf32>
          %broadcast_in_dim3A = vector.broadcast %squeeze3A : f32 to vector<16xf32>
          %get3A_103 = arith.index_cast %scan3A_97 : i32 to index
          %get3A_104 = arith.constant 0 : index
          %get3A_105 = tpu.vector_load %arg10[%get3A_103, %get3A_104] {strides = array<i32>} : memref<128x160xf32, #tpu.memory_space<vmem>>, vector<1x16xf32>,
          %get3A_106 = vector.shape_cast %get3A_105 : vector<1x16xf32> to vector<16xf32>
          %mul3A_107 = arith.mulf %get3A_106, %broadcast_in_dim3A : vector<16xf32>
          %swap3A = arith.index_cast %scan3A_97 : i32 to index
          %swap3A_108 = arith.constant 0 : index
          %swap3A_109 = tpu.vector_load %arg10[%swap3A, %swap3A_108] {strides = array<i32>} : memref<128x160xf32, #tpu.memory_space<vmem>>, vector<1x16xf32>,
          %swap3A_110 = vector.shape_cast %swap3A_109 : vector<1x16xf32> to vector<16xf32>
          %swap3A_111 = vector.shape_cast %mul3A_107 : vector<16xf32> to vector<1x16xf32>
          tpu.vector_store %arg10[%swap3A, %swap3A_108], %swap3A_111 {strides = array<i32>} : memref<128x160xf32, #tpu.memory_space<vmem>>, vector<1x16xf32>,
          %slice3A_112 = vector.extract_strided_slice %get3A_102 {offsets = [4], sizes = [1], strides = [1]} : vector<16xf32> to vector<1xf32>
          %squeeze3A_113 = vector.extract %slice3A_112[0] : f32 from vector<1xf32>
          %broadcast_in_dim3A_114 = vector.broadcast %squeeze3A_113 : f32 to vector<16xf32>
          %get3A_115 = arith.index_cast %scan3A_97 : i32 to index
          %get3A_116 = arith.constant 16 : index
          %get3A_117 = tpu.vector_load %arg10[%get3A_115, %get3A_116] {strides = array<i32>} : memref<128x160xf32, #tpu.memory_space<vmem>>, vector<1x16xf32>,
          %get3A_118 = vector.shape_cast %get3A_117 : vector<1x16xf32> to vector<16xf32>
          %mul3A_119 = arith.mulf %get3A_118, %broadcast_in_dim3A_114 : vector<16xf32>
          %swap3A_120 = arith.index_cast %scan3A_97 : i32 to index
          %swap3A_121 = arith.constant 16 : index
          %swap3A_122 = tpu.vector_load %arg10[%swap3A_120, %swap3A_121] {strides = array<i32>} : memref<128x160xf32, #tpu.memory_space<vmem>>, vector<1x16xf32>,
          %swap3A_123 = vector.shape_cast %swap3A_122 : vector<1x16xf32> to vector<16xf32>
          %swap3A_124 = vector.shape_cast %mul3A_119 : vector<16xf32> to vector<1x16xf32>
          tpu.vector_store %arg10[%swap3A_120, %swap3A_121], %swap3A_124 {strides = array<i32>} : memref<128x160xf32, #tpu.memory_space<vmem>>, vector<1x16xf32>,
          %slice3A_125 = vector.extract_strided_slice %get3A_102 {offsets = [4], sizes = [1], strides = [1]} : vector<16xf32> to vector<1xf32>
          %squeeze3A_126 = vector.extract %slice3A_125[0] : f32 from vector<1xf32>
          %broadcast_in_dim3A_127 = vector.broadcast %squeeze3A_126 : f32 to vector<16xf32>
          %slice3A_128 = vector.extract_strided_slice %get3A_102 {offsets = [5], sizes = [1], strides = [1]} : vector<16xf32> to vector<1xf32>
          %squeeze3A_129 = vector.extract %slice3A_128[0] : f32 from vector<1xf32>
          %broadcast_in_dim3A_130 = vector.broadcast %squeeze3A_129 : f32 to vector<16xf32>
          %select_n3A_131 = arith.select %lt3A_35, %broadcast_in_dim3A_127, %broadcast_in_dim3A_130 : vector<16xi1>, vector<16xf32>
          %get3A_132 = arith.index_cast %scan3A_97 : i32 to index
          %get3A_133 = arith.constant 32 : index
          %get3A_134 = tpu.vector_load %arg10[%get3A_132, %get3A_133] {strides = array<i32>} : memref<128x160xf32, #tpu.memory_space<vmem>>, vector<1x16xf32>,
          %get3A_135 = vector.shape_cast %get3A_134 : vector<1x16xf32> to vector<16xf32>
          %mul3A_136 = arith.mulf %get3A_135, %select_n3A_131 : vector<16xf32>
          %swap3A_137 = arith.index_cast %scan3A_97 : i32 to index
          %swap3A_138 = arith.constant 32 : index
          %swap3A_139 = tpu.vector_load %arg10[%swap3A_137, %swap3A_138] {strides = array<i32>} : memref<128x160xf32, #tpu.memory_space<vmem>>, vector<1x16xf32>,
          %swap3A_140 = vector.shape_cast %swap3A_139 : vector<1x16xf32> to vector<16xf32>
          %swap3A_141 = vector.shape_cast %mul3A_136 : vector<16xf32> to vector<1x16xf32>
          tpu.vector_store %arg10[%swap3A_137, %swap3A_138], %swap3A_141 {strides = array<i32>} : memref<128x160xf32, #tpu.memory_space<vmem>>, vector<1x16xf32>,
          %slice3A_142 = vector.extract_strided_slice %get3A_102 {offsets = [5], sizes = [1], strides = [1]} : vector<16xf32> to vector<1xf32>
          %squeeze3A_143 = vector.extract %slice3A_142[0] : f32 from vector<1xf32>
          %broadcast_in_dim3A_144 = vector.broadcast %squeeze3A_143 : f32 to vector<16xf32>
          %get3A_145 = arith.index_cast %scan3A_97 : i32 to index
          %get3A_146 = arith.constant 48 : index
          %get3A_147 = tpu.vector_load %arg10[%get3A_145, %get3A_146] {strides = array<i32>} : memref<128x160xf32, #tpu.memory_space<vmem>>, vector<1x16xf32>,
          %get3A_148 = vector.shape_cast %get3A_147 : vector<1x16xf32> to vector<16xf32>
          %mul3A_149 = arith.mulf %get3A_148, %broadcast_in_dim3A_144 : vector<16xf32>
          %swap3A_150 = arith.index_cast %scan3A_97 : i32 to index
          %swap3A_151 = arith.constant 48 : index
          %swap3A_152 = tpu.vector_load %arg10[%swap3A_150, %swap3A_151] {strides = array<i32>} : memref<128x160xf32, #tpu.memory_space<vmem>>, vector<1x16xf32>,
          %swap3A_153 = vector.shape_cast %swap3A_152 : vector<1x16xf32> to vector<16xf32>
          %swap3A_154 = vector.shape_cast %mul3A_149 : vector<16xf32> to vector<1x16xf32>
          tpu.vector_store %arg10[%swap3A_150, %swap3A_151], %swap3A_154 {strides = array<i32>} : memref<128x160xf32, #tpu.memory_space<vmem>>, vector<1x16xf32>,
          %slice3A_155 = vector.extract_strided_slice %get3A_102 {offsets = [5], sizes = [1], strides = [1]} : vector<16xf32> to vector<1xf32>
          %squeeze3A_156 = vector.extract %slice3A_155[0] : f32 from vector<1xf32>
          %broadcast_in_dim3A_157 = vector.broadcast %squeeze3A_156 : f32 to vector<16xf32>
          %get3A_158 = arith.index_cast %scan3A_97 : i32 to index
          %get3A_159 = arith.constant 64 : index
          %get3A_160 = tpu.vector_load %arg10[%get3A_158, %get3A_159] {strides = array<i32>} : memref<128x160xf32, #tpu.memory_space<vmem>>, vector<1x16xf32>,
          %get3A_161 = vector.shape_cast %get3A_160 : vector<1x16xf32> to vector<16xf32>
          %mul3A_162 = arith.mulf %get3A_161, %broadcast_in_dim3A_157 : vector<16xf32>
          %swap3A_163 = arith.index_cast %scan3A_97 : i32 to index
          %swap3A_164 = arith.constant 64 : index
          %swap3A_165 = tpu.vector_load %arg10[%swap3A_163, %swap3A_164] {strides = array<i32>} : memref<128x160xf32, #tpu.memory_space<vmem>>, vector<1x16xf32>,
          %swap3A_166 = vector.shape_cast %swap3A_165 : vector<1x16xf32> to vector<16xf32>
          %swap3A_167 = vector.shape_cast %mul3A_162 : vector<16xf32> to vector<1x16xf32>
          tpu.vector_store %arg10[%swap3A_163, %swap3A_164], %swap3A_167 {strides = array<i32>} : memref<128x160xf32, #tpu.memory_space<vmem>>, vector<1x16xf32>,
          %slice3A_168 = vector.extract_strided_slice %get3A_102 {offsets = [6], sizes = [1], strides = [1]} : vector<16xf32> to vector<1xf32>
          %squeeze3A_169 = vector.extract %slice3A_168[0] : f32 from vector<1xf32>
          %broadcast_in_dim3A_170 = vector.broadcast %squeeze3A_169 : f32 to vector<16xf32>
          %get3A_171 = arith.index_cast %scan3A_97 : i32 to index
          %get3A_172 = arith.constant 80 : index
          %get3A_173 = tpu.vector_load %arg10[%get3A_171, %get3A_172] {strides = array<i32>} : memref<128x160xf32, #tpu.memory_space<vmem>>, vector<1x16xf32>,
          %get3A_174 = vector.shape_cast %get3A_173 : vector<1x16xf32> to vector<16xf32>
          %mul3A_175 = arith.mulf %get3A_174, %broadcast_in_dim3A_170 : vector<16xf32>
          %swap3A_176 = arith.index_cast %scan3A_97 : i32 to index
          %swap3A_177 = arith.constant 80 : index
          %swap3A_178 = tpu.vector_load %arg10[%swap3A_176, %swap3A_177] {strides = array<i32>} : memref<128x160xf32, #tpu.memory_space<vmem>>, vector<1x16xf32>,
          %swap3A_179 = vector.shape_cast %swap3A_178 : vector<1x16xf32> to vector<16xf32>
          %swap3A_180 = vector.shape_cast %mul3A_175 : vector<16xf32> to vector<1x16xf32>
          tpu.vector_store %arg10[%swap3A_176, %swap3A_177], %swap3A_180 {strides = array<i32>} : memref<128x160xf32, #tpu.memory_space<vmem>>, vector<1x16xf32>,
          %slice3A_181 = vector.extract_strided_slice %get3A_102 {offsets = [6], sizes = [1], strides = [1]} : vector<16xf32> to vector<1xf32>
          %squeeze3A_182 = vector.extract %slice3A_181[0] : f32 from vector<1xf32>
          %broadcast_in_dim3A_183 = vector.broadcast %squeeze3A_182 : f32 to vector<16xf32>
          %get3A_184 = arith.index_cast %scan3A_97 : i32 to index
          %get3A_185 = arith.constant 96 : index
          %get3A_186 = tpu.vector_load %arg10[%get3A_184, %get3A_185] {strides = array<i32>} : memref<128x160xf32, #tpu.memory_space<vmem>>, vector<1x16xf32>,
          %get3A_187 = vector.shape_cast %get3A_186 : vector<1x16xf32> to vector<16xf32>
          %mul3A_188 = arith.mulf %get3A_187, %broadcast_in_dim3A_183 : vector<16xf32>
          %swap3A_189 = arith.index_cast %scan3A_97 : i32 to index
          %swap3A_190 = arith.constant 96 : index
          %swap3A_191 = tpu.vector_load %arg10[%swap3A_189, %swap3A_190] {strides = array<i32>} : memref<128x160xf32, #tpu.memory_space<vmem>>, vector<1x16xf32>,
          %swap3A_192 = vector.shape_cast %swap3A_191 : vector<1x16xf32> to vector<16xf32>
          %swap3A_193 = vector.shape_cast %mul3A_188 : vector<16xf32> to vector<1x16xf32>
          tpu.vector_store %arg10[%swap3A_189, %swap3A_190], %swap3A_193 {strides = array<i32>} : memref<128x160xf32, #tpu.memory_space<vmem>>, vector<1x16xf32>,
          %slice3A_194 = vector.extract_strided_slice %get3A_102 {offsets = [6], sizes = [1], strides = [1]} : vector<16xf32> to vector<1xf32>
          %squeeze3A_195 = vector.extract %slice3A_194[0] : f32 from vector<1xf32>
          %broadcast_in_dim3A_196 = vector.broadcast %squeeze3A_195 : f32 to vector<16xf32>
          %slice3A_197 = vector.extract_strided_slice %get3A_102 {offsets = [7], sizes = [1], strides = [1]} : vector<16xf32> to vector<1xf32>
          %squeeze3A_198 = vector.extract %slice3A_197[0] : f32 from vector<1xf32>
          %broadcast_in_dim3A_199 = vector.broadcast %squeeze3A_198 : f32 to vector<16xf32>
          %select_n3A_200 = arith.select %lt3A_50, %broadcast_in_dim3A_196, %broadcast_in_dim3A_199 : vector<16xi1>, vector<16xf32>
          %get3A_201 = arith.index_cast %scan3A_97 : i32 to index
          %get3A_202 = arith.constant 112 : index
          %get3A_203 = tpu.vector_load %arg10[%get3A_201, %get3A_202] {strides = array<i32>} : memref<128x160xf32, #tpu.memory_space<vmem>>, vector<1x16xf32>,
          %get3A_204 = vector.shape_cast %get3A_203 : vector<1x16xf32> to vector<16xf32>
          %mul3A_205 = arith.mulf %get3A_204, %select_n3A_200 : vector<16xf32>
          %swap3A_206 = arith.index_cast %scan3A_97 : i32 to index
          %swap3A_207 = arith.constant 112 : index
          %swap3A_208 = tpu.vector_load %arg10[%swap3A_206, %swap3A_207] {strides = array<i32>} : memref<128x160xf32, #tpu.memory_space<vmem>>, vector<1x16xf32>,
          %swap3A_209 = vector.shape_cast %swap3A_208 : vector<1x16xf32> to vector<16xf32>
          %swap3A_210 = vector.shape_cast %mul3A_205 : vector<16xf32> to vector<1x16xf32>
          tpu.vector_store %arg10[%swap3A_206, %swap3A_207], %swap3A_210 {strides = array<i32>} : memref<128x160xf32, #tpu.memory_space<vmem>>, vector<1x16xf32>,
          %slice3A_211 = vector.extract_strided_slice %get3A_102 {offsets = [7], sizes = [1], strides = [1]} : vector<16xf32> to vector<1xf32>
          %squeeze3A_212 = vector.extract %slice3A_211[0] : f32 from vector<1xf32>
          %broadcast_in_dim3A_213 = vector.broadcast %squeeze3A_212 : f32 to vector<16xf32>
          %get3A_214 = arith.index_cast %scan3A_97 : i32 to index
          %get3A_215 = arith.constant 128 : index
          %get3A_216 = tpu.vector_load %arg10[%get3A_214, %get3A_215] {strides = array<i32>} : memref<128x160xf32, #tpu.memory_space<vmem>>, vector<1x16xf32>,
          %get3A_217 = vector.shape_cast %get3A_216 : vector<1x16xf32> to vector<16xf32>
          %mul3A_218 = arith.mulf %get3A_217, %broadcast_in_dim3A_213 : vector<16xf32>
          %swap3A_219 = arith.index_cast %scan3A_97 : i32 to index
          %swap3A_220 = arith.constant 128 : index
          %swap3A_221 = tpu.vector_load %arg10[%swap3A_219, %swap3A_220] {strides = array<i32>} : memref<128x160xf32, #tpu.memory_space<vmem>>, vector<1x16xf32>,
          %swap3A_222 = vector.shape_cast %swap3A_221 : vector<1x16xf32> to vector<16xf32>
          %swap3A_223 = vector.shape_cast %mul3A_218 : vector<16xf32> to vector<1x16xf32>
          tpu.vector_store %arg10[%swap3A_219, %swap3A_220], %swap3A_223 {strides = array<i32>} : memref<128x160xf32, #tpu.memory_space<vmem>>, vector<1x16xf32>,
          %slice3A_224 = vector.extract_strided_slice %get3A_102 {offsets = [7], sizes = [1], strides = [1]} : vector<16xf32> to vector<1xf32>
          %squeeze3A_225 = vector.extract %slice3A_224[0] : f32 from vector<1xf32>
          %broadcast_in_dim3A_226 = vector.broadcast %squeeze3A_225 : f32 to vector<16xf32>
          %get3A_227 = arith.index_cast %scan3A_97 : i32 to index
          %get3A_228 = arith.constant 144 : index
          %get3A_229 = tpu.vector_load %arg10[%get3A_227, %get3A_228] {strides = array<i32>} : memref<128x160xf32, #tpu.memory_space<vmem>>, vector<1x16xf32>,
          %get3A_230 = vector.shape_cast %get3A_229 : vector<1x16xf32> to vector<16xf32>
          %mul3A_231 = arith.mulf %get3A_230, %broadcast_in_dim3A_226 : vector<16xf32>
          %swap3A_232 = arith.index_cast %scan3A_97 : i32 to index
          %swap3A_233 = arith.constant 144 : index
          %swap3A_234 = tpu.vector_load %arg10[%swap3A_232, %swap3A_233] {strides = array<i32>} : memref<128x160xf32, #tpu.memory_space<vmem>>, vector<1x16xf32>,
          %swap3A_235 = vector.shape_cast %swap3A_234 : vector<1x16xf32> to vector<16xf32>
          %swap3A_236 = vector.shape_cast %mul3A_231 : vector<16xf32> to vector<1x16xf32>
          tpu.vector_store %arg10[%swap3A_232, %swap3A_233], %swap3A_236 {strides = array<i32>} : memref<128x160xf32, #tpu.memory_space<vmem>>, vector<1x16xf32>,
          %scan3A_237 = arith.constant 0 : i32
          scf.yield %scan3A_237 : i32
        }
        %scan3A_96 = arith.constant 128 : i32
      } else {
      }
      "tpu.region"() ({
        %run_scoped3A = tpu.sem_alloc : memref<!tpu.dma_semaphore, #tpu.memory_space<semaphore_mem>>
        %dma_start3A = arith.constant 0 : i32
        %dma_start3A_90 = arith.constant 0 : i32
        %dma_start3A_91 = tpu.memref_slice %arg11[%dma_start3A, %dma_start3A_90] : memref<10240x160xf32, #tpu.memory_space<vmem_shared>> -> memref<10240x160xf32, #tpu.memory_space<vmem_shared>>
        tpu.enqueue_indirect_dma source(%arg10 : memref<128x160xf32, #tpu.memory_space<vmem>>) target(%dma_start3A_91 : memref<10240x160xf32, #tpu.memory_space<vmem_shared>>) offsets(%arg8 : memref<128xi32, #tpu.memory_space<vmem>>) semaphore(%run_scoped3A : memref<!tpu.dma_semaphore, #tpu.memory_space<semaphore_mem>>) {add = true}
        %dma_wait3A = arith.constant 0 : i32
        %dma_wait3A_92 = arith.constant 0 : i32
        %dma_wait3A_93 = tpu.memref_slice %arg11[%dma_wait3A, %dma_wait3A_92] : memref<10240x160xf32, #tpu.memory_space<vmem_shared>> -> memref<10240x160xf32, #tpu.memory_space<vmem_shared>>
        tpu.wait_indirect_dma semaphore(%run_scoped3A : memref<!tpu.dma_semaphore, #tpu.memory_space<semaphore_mem>>) src(%arg10 : memref<128x160xf32, #tpu.memory_space<vmem>>) dst(%dma_wait3A_93 : memref<10240x160xf32, #tpu.memory_space<vmem_shared>>)
        tpu.yield
      }) : () -> ()
      %while3A_89 = arith.constant 0 : i32
      scf.yield %while3A_89 : i32
    }
    %while3A_66 = arith.constant 1 : i32
    %while3A_67 = scf.for %while3A_72 = %while3A_63 to %while3A_59 step %while3A_66 iter_args(%while3A_73 = %while3A_65) -> (i32)  : i32 {
      %add3A_74 = arith.addi %add3A_22, %while3A_72 : i32
      %mul3A_75 = arith.constant 2500 : i32
      %mul3A_76 = arith.muli %arg0, %mul3A_75 : i32
      %add3A_77 = arith.addi %mul3A_76, %add3A_74 : i32
      "tpu.region"() ({
        %run_scoped3A = tpu.sem_alloc : memref<!tpu.dma_semaphore, #tpu.memory_space<semaphore_mem>>
        %dma_start3A = arith.constant 0 : i32
        %dma_start3A_90 = tpu.memref_slice %arg4[%add3A_77, %dma_start3A] : memref<5000x128xi32, #tpu.memory_space<hbm>> -> memref<1x128xi32, #tpu.memory_space<hbm>>
        %dma_start3A_91 = tpu.memref_squeeze %dma_start3A_90 : memref<1x128xi32, #tpu.memory_space<hbm>> -> memref<128xi32, #tpu.memory_space<hbm>>
        %dma_start3A_92 = arith.constant 0 : i32
        %dma_start3A_93 = tpu.memref_slice %arg4[%add3A_77, %dma_start3A_92] : memref<5000x128xi32, #tpu.memory_space<hbm>> -> memref<1x128xi32, #tpu.memory_space<hbm>>
        %dma_start3A_94 = tpu.memref_squeeze %dma_start3A_93 : memref<1x128xi32, #tpu.memory_space<hbm>> -> memref<128xi32, #tpu.memory_space<hbm>>
        tpu.enqueue_dma source(%dma_start3A_94 : memref<128xi32, #tpu.memory_space<hbm>>) target(%arg7 : memref<128xi32, #tpu.memory_space<vmem>>) target_semaphore(%run_scoped3A : memref<!tpu.dma_semaphore, #tpu.memory_space<semaphore_mem>>)
        %dma_wait3A = arith.constant 0 : i32
        %dma_wait3A_95 = tpu.memref_slice %arg4[%add3A_77, %dma_wait3A] : memref<5000x128xi32, #tpu.memory_space<hbm>> -> memref<1x128xi32, #tpu.memory_space<hbm>>
        %dma_wait3A_96 = tpu.memref_squeeze %dma_wait3A_95 : memref<1x128xi32, #tpu.memory_space<hbm>> -> memref<128xi32, #tpu.memory_space<hbm>>
        %dma_wait3A_97 = arith.constant 0 : i32
        %dma_wait3A_98 = tpu.memref_slice %arg4[%add3A_77, %dma_wait3A_97] : memref<5000x128xi32, #tpu.memory_space<hbm>> -> memref<1x128xi32, #tpu.memory_space<hbm>>
        %dma_wait3A_99 = tpu.memref_squeeze %dma_wait3A_98 : memref<1x128xi32, #tpu.memory_space<hbm>> -> memref<128xi32, #tpu.memory_space<hbm>>
        tpu.wait_dma2 semaphore(%run_scoped3A : memref<!tpu.dma_semaphore, #tpu.memory_space<semaphore_mem>>) src(%dma_wait3A_99 : memref<128xi32, #tpu.memory_space<hbm>>) dst(%arg7 : memref<128xi32, #tpu.memory_space<vmem>>)
        tpu.yield
      }) : () -> ()
      "tpu.region"() ({
        %run_scoped3A = tpu.sem_alloc : memref<!tpu.dma_semaphore, #tpu.memory_space<semaphore_mem>>
        %dma_start3A = arith.constant 0 : i32
        %dma_start3A_90 = tpu.memref_slice %arg5[%add3A_74, %dma_start3A] : memref<2500x128xi32, #tpu.memory_space<hbm>> -> memref<1x128xi32, #tpu.memory_space<hbm>>
        %dma_start3A_91 = tpu.memref_squeeze %dma_start3A_90 : memref<1x128xi32, #tpu.memory_space<hbm>> -> memref<128xi32, #tpu.memory_space<hbm>>
        %dma_start3A_92 = arith.constant 0 : i32
        %dma_start3A_93 = tpu.memref_slice %arg5[%add3A_74, %dma_start3A_92] : memref<2500x128xi32, #tpu.memory_space<hbm>> -> memref<1x128xi32, #tpu.memory_space<hbm>>
        %dma_start3A_94 = tpu.memref_squeeze %dma_start3A_93 : memref<1x128xi32, #tpu.memory_space<hbm>> -> memref<128xi32, #tpu.memory_space<hbm>>
        tpu.enqueue_dma source(%dma_start3A_94 : memref<128xi32, #tpu.memory_space<hbm>>) target(%arg8 : memref<128xi32, #tpu.memory_space<vmem>>) target_semaphore(%run_scoped3A : memref<!tpu.dma_semaphore, #tpu.memory_space<semaphore_mem>>)
        %dma_wait3A = arith.constant 0 : i32
        %dma_wait3A_95 = tpu.memref_slice %arg5[%add3A_74, %dma_wait3A] : memref<2500x128xi32, #tpu.memory_space<hbm>> -> memref<1x128xi32, #tpu.memory_space<hbm>>
        %dma_wait3A_96 = tpu.memref_squeeze %dma_wait3A_95 : memref<1x128xi32, #tpu.memory_space<hbm>> -> memref<128xi32, #tpu.memory_space<hbm>>
        %dma_wait3A_97 = arith.constant 0 : i32
        %dma_wait3A_98 = tpu.memref_slice %arg5[%add3A_74, %dma_wait3A_97] : memref<2500x128xi32, #tpu.memory_space<hbm>> -> memref<1x128xi32, #tpu.memory_space<hbm>>
        %dma_wait3A_99 = tpu.memref_squeeze %dma_wait3A_98 : memref<1x128xi32, #tpu.memory_space<hbm>> -> memref<128xi32, #tpu.memory_space<hbm>>
        tpu.wait_dma2 semaphore(%run_scoped3A : memref<!tpu.dma_semaphore, #tpu.memory_space<semaphore_mem>>) src(%dma_wait3A_99 : memref<128xi32, #tpu.memory_space<hbm>>) dst(%arg8 : memref<128xi32, #tpu.memory_space<vmem>>)
        tpu.yield
      }) : () -> ()
      %mul3A_78 = arith.constant 128 : i32
      %mul3A_79 = arith.muli %add3A_74, %mul3A_78 : i32
      %mul3A_80 = arith.constant 16 : i32
      %mul3A_81 = arith.muli %mul3A_79, %mul3A_80 : i32
      "tpu.region"() ({
        %run_scoped3A = tpu.sem_alloc : memref<!tpu.dma_semaphore, #tpu.memory_space<semaphore_mem>>
        %dma_start3A = tpu.memref_slice %arg3[%mul3A_81] : memref<5120000xf32, #tpu.memory_space<hbm>> -> memref<2048xf32, #tpu.memory_space<hbm>>
        %dma_start3A_90 = tpu.memref_slice %arg3[%mul3A_81] : memref<5120000xf32, #tpu.memory_space<hbm>> -> memref<2048xf32, #tpu.memory_space<hbm>>
        tpu.enqueue_dma source(%dma_start3A_90 : memref<2048xf32, #tpu.memory_space<hbm>>) target(%arg9 : memref<2048xf32, #tpu.memory_space<vmem>>) target_semaphore(%run_scoped3A : memref<!tpu.dma_semaphore, #tpu.memory_space<semaphore_mem>>)
        %dma_wait3A = tpu.memref_slice %arg3[%mul3A_81] : memref<5120000xf32, #tpu.memory_space<hbm>> -> memref<2048xf32, #tpu.memory_space<hbm>>
        %dma_wait3A_91 = tpu.memref_slice %arg3[%mul3A_81] : memref<5120000xf32, #tpu.memory_space<hbm>> -> memref<2048xf32, #tpu.memory_space<hbm>>
        tpu.wait_dma2 semaphore(%run_scoped3A : memref<!tpu.dma_semaphore, #tpu.memory_space<semaphore_mem>>) src(%dma_wait3A_91 : memref<2048xf32, #tpu.memory_space<hbm>>) dst(%arg9 : memref<2048xf32, #tpu.memory_space<vmem>>)
        tpu.yield
      }) : () -> ()
      "tpu.region"() ({
        %run_scoped3A = tpu.sem_alloc : memref<!tpu.dma_semaphore, #tpu.memory_space<semaphore_mem>>
        %dma_start3A = arith.constant 0 : i32
        %dma_start3A_90 = arith.constant 0 : i32
        %dma_start3A_91 = tpu.memref_slice %arg2[%dma_start3A, %dma_start3A_90] : memref<20000x160xf32, #tpu.memory_space<hbm>> -> memref<20000x160xf32, #tpu.memory_space<hbm>>
        tpu.enqueue_indirect_dma source(%dma_start3A_91 : memref<20000x160xf32, #tpu.memory_space<hbm>>) target(%arg10 : memref<128x160xf32, #tpu.memory_space<vmem>>) offsets(%arg7 : memref<128xi32, #tpu.memory_space<vmem>>) semaphore(%run_scoped3A : memref<!tpu.dma_semaphore, #tpu.memory_space<semaphore_mem>>)
        %dma_wait3A = arith.constant 0 : i32
        %dma_wait3A_92 = arith.constant 0 : i32
        %dma_wait3A_93 = tpu.memref_slice %arg2[%dma_wait3A, %dma_wait3A_92] : memref<20000x160xf32, #tpu.memory_space<hbm>> -> memref<20000x160xf32, #tpu.memory_space<hbm>>
        tpu.wait_indirect_dma semaphore(%run_scoped3A : memref<!tpu.dma_semaphore, #tpu.memory_space<semaphore_mem>>) src(%dma_wait3A_93 : memref<20000x160xf32, #tpu.memory_space<hbm>>) dst(%arg10 : memref<128x160xf32, #tpu.memory_space<vmem>>)
        tpu.yield
      }) : () -> ()
      %eq3A = arith.constant 0 : i32
      %eq3A_82 = arith.cmpi eq, %arg0, %eq3A : i32
      %convert_element_type3A = arith.extui %eq3A_82 : i1 to i32
      %cond3A = arith.constant 0 : i32
      %cond3A_83 = arith.cmpi ne, %convert_element_type3A, %cond3A : i32
      scf.if %cond3A_83 {
        %scan3A_90 = arith.constant 0 : i32
        %scan3A_91 = arith.constant 0 : i32
        %scan3A_92 = arith.constant 128 : i32
        %scan3A_93 = arith.addi %scan3A_91, %scan3A_92 : i32
        %scan3A_94 = arith.constant 1 : i32
        %scan3A_95 = scf.for %scan3A_97 = %scan3A_91 to %scan3A_93 step %scan3A_94 iter_args(%scan3A_98 = %scan3A_90) -> (i32)  : i32 {
          %mul3A_99 = arith.constant 16 : i32
          %mul3A_100 = arith.muli %scan3A_97, %mul3A_99 : i32
          %get3A = arith.index_cast %mul3A_100 : i32 to index
          %get3A_101 = tpu.vector_load %arg9[%get3A] {strides = array<i32>} : memref<2048xf32, #tpu.memory_space<vmem>>, vector<16xf32>,
          %get3A_102 = vector.shape_cast %get3A_101 : vector<16xf32> to vector<16xf32>
          %slice3A = vector.extract_strided_slice %get3A_102 {offsets = [0], sizes = [1], strides = [1]} : vector<16xf32> to vector<1xf32>
          %squeeze3A = vector.extract %slice3A[0] : f32 from vector<1xf32>
          %broadcast_in_dim3A = vector.broadcast %squeeze3A : f32 to vector<16xf32>
          %get3A_103 = arith.index_cast %scan3A_97 : i32 to index
          %get3A_104 = arith.constant 0 : index
          %get3A_105 = tpu.vector_load %arg10[%get3A_103, %get3A_104] {strides = array<i32>} : memref<128x160xf32, #tpu.memory_space<vmem>>, vector<1x16xf32>,
          %get3A_106 = vector.shape_cast %get3A_105 : vector<1x16xf32> to vector<16xf32>
          %mul3A_107 = arith.mulf %get3A_106, %broadcast_in_dim3A : vector<16xf32>
          %swap3A = arith.index_cast %scan3A_97 : i32 to index
          %swap3A_108 = arith.constant 0 : index
          %swap3A_109 = tpu.vector_load %arg10[%swap3A, %swap3A_108] {strides = array<i32>} : memref<128x160xf32, #tpu.memory_space<vmem>>, vector<1x16xf32>,
          %swap3A_110 = vector.shape_cast %swap3A_109 : vector<1x16xf32> to vector<16xf32>
          %swap3A_111 = vector.shape_cast %mul3A_107 : vector<16xf32> to vector<1x16xf32>
          tpu.vector_store %arg10[%swap3A, %swap3A_108], %swap3A_111 {strides = array<i32>} : memref<128x160xf32, #tpu.memory_space<vmem>>, vector<1x16xf32>,
          %slice3A_112 = vector.extract_strided_slice %get3A_102 {offsets = [0], sizes = [1], strides = [1]} : vector<16xf32> to vector<1xf32>
          %squeeze3A_113 = vector.extract %slice3A_112[0] : f32 from vector<1xf32>
          %broadcast_in_dim3A_114 = vector.broadcast %squeeze3A_113 : f32 to vector<16xf32>
          %get3A_115 = arith.index_cast %scan3A_97 : i32 to index
          %get3A_116 = arith.constant 16 : index
          %get3A_117 = tpu.vector_load %arg10[%get3A_115, %get3A_116] {strides = array<i32>} : memref<128x160xf32, #tpu.memory_space<vmem>>, vector<1x16xf32>,
          %get3A_118 = vector.shape_cast %get3A_117 : vector<1x16xf32> to vector<16xf32>
          %mul3A_119 = arith.mulf %get3A_118, %broadcast_in_dim3A_114 : vector<16xf32>
          %swap3A_120 = arith.index_cast %scan3A_97 : i32 to index
          %swap3A_121 = arith.constant 16 : index
          %swap3A_122 = tpu.vector_load %arg10[%swap3A_120, %swap3A_121] {strides = array<i32>} : memref<128x160xf32, #tpu.memory_space<vmem>>, vector<1x16xf32>,
          %swap3A_123 = vector.shape_cast %swap3A_122 : vector<1x16xf32> to vector<16xf32>
          %swap3A_124 = vector.shape_cast %mul3A_119 : vector<16xf32> to vector<1x16xf32>
          tpu.vector_store %arg10[%swap3A_120, %swap3A_121], %swap3A_124 {strides = array<i32>} : memref<128x160xf32, #tpu.memory_space<vmem>>, vector<1x16xf32>,
          %slice3A_125 = vector.extract_strided_slice %get3A_102 {offsets = [0], sizes = [1], strides = [1]} : vector<16xf32> to vector<1xf32>
          %squeeze3A_126 = vector.extract %slice3A_125[0] : f32 from vector<1xf32>
          %broadcast_in_dim3A_127 = vector.broadcast %squeeze3A_126 : f32 to vector<16xf32>
          %slice3A_128 = vector.extract_strided_slice %get3A_102 {offsets = [1], sizes = [1], strides = [1]} : vector<16xf32> to vector<1xf32>
          %squeeze3A_129 = vector.extract %slice3A_128[0] : f32 from vector<1xf32>
          %broadcast_in_dim3A_130 = vector.broadcast %squeeze3A_129 : f32 to vector<16xf32>
          %select_n3A_131 = arith.select %lt3A_35, %broadcast_in_dim3A_127, %broadcast_in_dim3A_130 : vector<16xi1>, vector<16xf32>
          %get3A_132 = arith.index_cast %scan3A_97 : i32 to index
          %get3A_133 = arith.constant 32 : index
          %get3A_134 = tpu.vector_load %arg10[%get3A_132, %get3A_133] {strides = array<i32>} : memref<128x160xf32, #tpu.memory_space<vmem>>, vector<1x16xf32>,
          %get3A_135 = vector.shape_cast %get3A_134 : vector<1x16xf32> to vector<16xf32>
          %mul3A_136 = arith.mulf %get3A_135, %select_n3A_131 : vector<16xf32>
          %swap3A_137 = arith.index_cast %scan3A_97 : i32 to index
          %swap3A_138 = arith.constant 32 : index
          %swap3A_139 = tpu.vector_load %arg10[%swap3A_137, %swap3A_138] {strides = array<i32>} : memref<128x160xf32, #tpu.memory_space<vmem>>, vector<1x16xf32>,
          %swap3A_140 = vector.shape_cast %swap3A_139 : vector<1x16xf32> to vector<16xf32>
          %swap3A_141 = vector.shape_cast %mul3A_136 : vector<16xf32> to vector<1x16xf32>
          tpu.vector_store %arg10[%swap3A_137, %swap3A_138], %swap3A_141 {strides = array<i32>} : memref<128x160xf32, #tpu.memory_space<vmem>>, vector<1x16xf32>,
          %slice3A_142 = vector.extract_strided_slice %get3A_102 {offsets = [1], sizes = [1], strides = [1]} : vector<16xf32> to vector<1xf32>
          %squeeze3A_143 = vector.extract %slice3A_142[0] : f32 from vector<1xf32>
          %broadcast_in_dim3A_144 = vector.broadcast %squeeze3A_143 : f32 to vector<16xf32>
          %get3A_145 = arith.index_cast %scan3A_97 : i32 to index
          %get3A_146 = arith.constant 48 : index
          %get3A_147 = tpu.vector_load %arg10[%get3A_145, %get3A_146] {strides = array<i32>} : memref<128x160xf32, #tpu.memory_space<vmem>>, vector<1x16xf32>,
          %get3A_148 = vector.shape_cast %get3A_147 : vector<1x16xf32> to vector<16xf32>
          %mul3A_149 = arith.mulf %get3A_148, %broadcast_in_dim3A_144 : vector<16xf32>
          %swap3A_150 = arith.index_cast %scan3A_97 : i32 to index
          %swap3A_151 = arith.constant 48 : index
          %swap3A_152 = tpu.vector_load %arg10[%swap3A_150, %swap3A_151] {strides = array<i32>} : memref<128x160xf32, #tpu.memory_space<vmem>>, vector<1x16xf32>,
          %swap3A_153 = vector.shape_cast %swap3A_152 : vector<1x16xf32> to vector<16xf32>
          %swap3A_154 = vector.shape_cast %mul3A_149 : vector<16xf32> to vector<1x16xf32>
          tpu.vector_store %arg10[%swap3A_150, %swap3A_151], %swap3A_154 {strides = array<i32>} : memref<128x160xf32, #tpu.memory_space<vmem>>, vector<1x16xf32>,
          %slice3A_155 = vector.extract_strided_slice %get3A_102 {offsets = [1], sizes = [1], strides = [1]} : vector<16xf32> to vector<1xf32>
          %squeeze3A_156 = vector.extract %slice3A_155[0] : f32 from vector<1xf32>
          %broadcast_in_dim3A_157 = vector.broadcast %squeeze3A_156 : f32 to vector<16xf32>
          %get3A_158 = arith.index_cast %scan3A_97 : i32 to index
          %get3A_159 = arith.constant 64 : index
          %get3A_160 = tpu.vector_load %arg10[%get3A_158, %get3A_159] {strides = array<i32>} : memref<128x160xf32, #tpu.memory_space<vmem>>, vector<1x16xf32>,
          %get3A_161 = vector.shape_cast %get3A_160 : vector<1x16xf32> to vector<16xf32>
          %mul3A_162 = arith.mulf %get3A_161, %broadcast_in_dim3A_157 : vector<16xf32>
          %swap3A_163 = arith.index_cast %scan3A_97 : i32 to index
          %swap3A_164 = arith.constant 64 : index
          %swap3A_165 = tpu.vector_load %arg10[%swap3A_163, %swap3A_164] {strides = array<i32>} : memref<128x160xf32, #tpu.memory_space<vmem>>, vector<1x16xf32>,
          %swap3A_166 = vector.shape_cast %swap3A_165 : vector<1x16xf32> to vector<16xf32>
          %swap3A_167 = vector.shape_cast %mul3A_162 : vector<16xf32> to vector<1x16xf32>
          tpu.vector_store %arg10[%swap3A_163, %swap3A_164], %swap3A_167 {strides = array<i32>} : memref<128x160xf32, #tpu.memory_space<vmem>>, vector<1x16xf32>,
          %slice3A_168 = vector.extract_strided_slice %get3A_102 {offsets = [2], sizes = [1], strides = [1]} : vector<16xf32> to vector<1xf32>
          %squeeze3A_169 = vector.extract %slice3A_168[0] : f32 from vector<1xf32>
          %broadcast_in_dim3A_170 = vector.broadcast %squeeze3A_169 : f32 to vector<16xf32>
          %get3A_171 = arith.index_cast %scan3A_97 : i32 to index
          %get3A_172 = arith.constant 80 : index
          %get3A_173 = tpu.vector_load %arg10[%get3A_171, %get3A_172] {strides = array<i32>} : memref<128x160xf32, #tpu.memory_space<vmem>>, vector<1x16xf32>,
          %get3A_174 = vector.shape_cast %get3A_173 : vector<1x16xf32> to vector<16xf32>
          %mul3A_175 = arith.mulf %get3A_174, %broadcast_in_dim3A_170 : vector<16xf32>
          %swap3A_176 = arith.index_cast %scan3A_97 : i32 to index
          %swap3A_177 = arith.constant 80 : index
          %swap3A_178 = tpu.vector_load %arg10[%swap3A_176, %swap3A_177] {strides = array<i32>} : memref<128x160xf32, #tpu.memory_space<vmem>>, vector<1x16xf32>,
          %swap3A_179 = vector.shape_cast %swap3A_178 : vector<1x16xf32> to vector<16xf32>
          %swap3A_180 = vector.shape_cast %mul3A_175 : vector<16xf32> to vector<1x16xf32>
          tpu.vector_store %arg10[%swap3A_176, %swap3A_177], %swap3A_180 {strides = array<i32>} : memref<128x160xf32, #tpu.memory_space<vmem>>, vector<1x16xf32>,
          %slice3A_181 = vector.extract_strided_slice %get3A_102 {offsets = [2], sizes = [1], strides = [1]} : vector<16xf32> to vector<1xf32>
          %squeeze3A_182 = vector.extract %slice3A_181[0] : f32 from vector<1xf32>
          %broadcast_in_dim3A_183 = vector.broadcast %squeeze3A_182 : f32 to vector<16xf32>
          %get3A_184 = arith.index_cast %scan3A_97 : i32 to index
          %get3A_185 = arith.constant 96 : index
          %get3A_186 = tpu.vector_load %arg10[%get3A_184, %get3A_185] {strides = array<i32>} : memref<128x160xf32, #tpu.memory_space<vmem>>, vector<1x16xf32>,
          %get3A_187 = vector.shape_cast %get3A_186 : vector<1x16xf32> to vector<16xf32>
          %mul3A_188 = arith.mulf %get3A_187, %broadcast_in_dim3A_183 : vector<16xf32>
          %swap3A_189 = arith.index_cast %scan3A_97 : i32 to index
          %swap3A_190 = arith.constant 96 : index
          %swap3A_191 = tpu.vector_load %arg10[%swap3A_189, %swap3A_190] {strides = array<i32>} : memref<128x160xf32, #tpu.memory_space<vmem>>, vector<1x16xf32>,
          %swap3A_192 = vector.shape_cast %swap3A_191 : vector<1x16xf32> to vector<16xf32>
          %swap3A_193 = vector.shape_cast %mul3A_188 : vector<16xf32> to vector<1x16xf32>
          tpu.vector_store %arg10[%swap3A_189, %swap3A_190], %swap3A_193 {strides = array<i32>} : memref<128x160xf32, #tpu.memory_space<vmem>>, vector<1x16xf32>,
          %slice3A_194 = vector.extract_strided_slice %get3A_102 {offsets = [2], sizes = [1], strides = [1]} : vector<16xf32> to vector<1xf32>
          %squeeze3A_195 = vector.extract %slice3A_194[0] : f32 from vector<1xf32>
          %broadcast_in_dim3A_196 = vector.broadcast %squeeze3A_195 : f32 to vector<16xf32>
          %slice3A_197 = vector.extract_strided_slice %get3A_102 {offsets = [3], sizes = [1], strides = [1]} : vector<16xf32> to vector<1xf32>
          %squeeze3A_198 = vector.extract %slice3A_197[0] : f32 from vector<1xf32>
          %broadcast_in_dim3A_199 = vector.broadcast %squeeze3A_198 : f32 to vector<16xf32>
          %select_n3A_200 = arith.select %lt3A_50, %broadcast_in_dim3A_196, %broadcast_in_dim3A_199 : vector<16xi1>, vector<16xf32>
          %get3A_201 = arith.index_cast %scan3A_97 : i32 to index
          %get3A_202 = arith.constant 112 : index
          %get3A_203 = tpu.vector_load %arg10[%get3A_201, %get3A_202] {strides = array<i32>} : memref<128x160xf32, #tpu.memory_space<vmem>>, vector<1x16xf32>,
          %get3A_204 = vector.shape_cast %get3A_203 : vector<1x16xf32> to vector<16xf32>
          %mul3A_205 = arith.mulf %get3A_204, %select_n3A_200 : vector<16xf32>
          %swap3A_206 = arith.index_cast %scan3A_97 : i32 to index
          %swap3A_207 = arith.constant 112 : index
          %swap3A_208 = tpu.vector_load %arg10[%swap3A_206, %swap3A_207] {strides = array<i32>} : memref<128x160xf32, #tpu.memory_space<vmem>>, vector<1x16xf32>,
          %swap3A_209 = vector.shape_cast %swap3A_208 : vector<1x16xf32> to vector<16xf32>
          %swap3A_210 = vector.shape_cast %mul3A_205 : vector<16xf32> to vector<1x16xf32>
          tpu.vector_store %arg10[%swap3A_206, %swap3A_207], %swap3A_210 {strides = array<i32>} : memref<128x160xf32, #tpu.memory_space<vmem>>, vector<1x16xf32>,
          %slice3A_211 = vector.extract_strided_slice %get3A_102 {offsets = [3], sizes = [1], strides = [1]} : vector<16xf32> to vector<1xf32>
          %squeeze3A_212 = vector.extract %slice3A_211[0] : f32 from vector<1xf32>
          %broadcast_in_dim3A_213 = vector.broadcast %squeeze3A_212 : f32 to vector<16xf32>
          %get3A_214 = arith.index_cast %scan3A_97 : i32 to index
          %get3A_215 = arith.constant 128 : index
          %get3A_216 = tpu.vector_load %arg10[%get3A_214, %get3A_215] {strides = array<i32>} : memref<128x160xf32, #tpu.memory_space<vmem>>, vector<1x16xf32>,
          %get3A_217 = vector.shape_cast %get3A_216 : vector<1x16xf32> to vector<16xf32>
          %mul3A_218 = arith.mulf %get3A_217, %broadcast_in_dim3A_213 : vector<16xf32>
          %swap3A_219 = arith.index_cast %scan3A_97 : i32 to index
          %swap3A_220 = arith.constant 128 : index
          %swap3A_221 = tpu.vector_load %arg10[%swap3A_219, %swap3A_220] {strides = array<i32>} : memref<128x160xf32, #tpu.memory_space<vmem>>, vector<1x16xf32>,
          %swap3A_222 = vector.shape_cast %swap3A_221 : vector<1x16xf32> to vector<16xf32>
          %swap3A_223 = vector.shape_cast %mul3A_218 : vector<16xf32> to vector<1x16xf32>
          tpu.vector_store %arg10[%swap3A_219, %swap3A_220], %swap3A_223 {strides = array<i32>} : memref<128x160xf32, #tpu.memory_space<vmem>>, vector<1x16xf32>,
          %slice3A_224 = vector.extract_strided_slice %get3A_102 {offsets = [3], sizes = [1], strides = [1]} : vector<16xf32> to vector<1xf32>
          %squeeze3A_225 = vector.extract %slice3A_224[0] : f32 from vector<1xf32>
          %broadcast_in_dim3A_226 = vector.broadcast %squeeze3A_225 : f32 to vector<16xf32>
          %get3A_227 = arith.index_cast %scan3A_97 : i32 to index
          %get3A_228 = arith.constant 144 : index
          %get3A_229 = tpu.vector_load %arg10[%get3A_227, %get3A_228] {strides = array<i32>} : memref<128x160xf32, #tpu.memory_space<vmem>>, vector<1x16xf32>,
          %get3A_230 = vector.shape_cast %get3A_229 : vector<1x16xf32> to vector<16xf32>
          %mul3A_231 = arith.mulf %get3A_230, %broadcast_in_dim3A_226 : vector<16xf32>
          %swap3A_232 = arith.index_cast %scan3A_97 : i32 to index
          %swap3A_233 = arith.constant 144 : index
          %swap3A_234 = tpu.vector_load %arg10[%swap3A_232, %swap3A_233] {strides = array<i32>} : memref<128x160xf32, #tpu.memory_space<vmem>>, vector<1x16xf32>,
          %swap3A_235 = vector.shape_cast %swap3A_234 : vector<1x16xf32> to vector<16xf32>
          %swap3A_236 = vector.shape_cast %mul3A_231 : vector<16xf32> to vector<1x16xf32>
          tpu.vector_store %arg10[%swap3A_232, %swap3A_233], %swap3A_236 {strides = array<i32>} : memref<128x160xf32, #tpu.memory_space<vmem>>, vector<1x16xf32>,
          %scan3A_237 = arith.constant 0 : i32
          scf.yield %scan3A_237 : i32
        }
        %scan3A_96 = arith.constant 128 : i32
      } else {
      }
      %eq3A_84 = arith.constant 1 : i32
      %eq3A_85 = arith.cmpi eq, %arg0, %eq3A_84 : i32
      %convert_element_type3A_86 = arith.extui %eq3A_85 : i1 to i32
      %cond3A_87 = arith.constant 0 : i32
      %cond3A_88 = arith.cmpi ne, %convert_element_type3A_86, %cond3A_87 : i32
      scf.if %cond3A_88 {
        %scan3A_90 = arith.constant 0 : i32
        %scan3A_91 = arith.constant 0 : i32
        %scan3A_92 = arith.constant 128 : i32
        %scan3A_93 = arith.addi %scan3A_91, %scan3A_92 : i32
        %scan3A_94 = arith.constant 1 : i32
        %scan3A_95 = scf.for %scan3A_97 = %scan3A_91 to %scan3A_93 step %scan3A_94 iter_args(%scan3A_98 = %scan3A_90) -> (i32)  : i32 {
          %mul3A_99 = arith.constant 16 : i32
          %mul3A_100 = arith.muli %scan3A_97, %mul3A_99 : i32
          %get3A = arith.index_cast %mul3A_100 : i32 to index
          %get3A_101 = tpu.vector_load %arg9[%get3A] {strides = array<i32>} : memref<2048xf32, #tpu.memory_space<vmem>>, vector<16xf32>,
          %get3A_102 = vector.shape_cast %get3A_101 : vector<16xf32> to vector<16xf32>
          %slice3A = vector.extract_strided_slice %get3A_102 {offsets = [4], sizes = [1], strides = [1]} : vector<16xf32> to vector<1xf32>
          %squeeze3A = vector.extract %slice3A[0] : f32 from vector<1xf32>
          %broadcast_in_dim3A = vector.broadcast %squeeze3A : f32 to vector<16xf32>
          %get3A_103 = arith.index_cast %scan3A_97 : i32 to index
          %get3A_104 = arith.constant 0 : index
          %get3A_105 = tpu.vector_load %arg10[%get3A_103, %get3A_104] {strides = array<i32>} : memref<128x160xf32, #tpu.memory_space<vmem>>, vector<1x16xf32>,
          %get3A_106 = vector.shape_cast %get3A_105 : vector<1x16xf32> to vector<16xf32>
          %mul3A_107 = arith.mulf %get3A_106, %broadcast_in_dim3A : vector<16xf32>
          %swap3A = arith.index_cast %scan3A_97 : i32 to index
          %swap3A_108 = arith.constant 0 : index
          %swap3A_109 = tpu.vector_load %arg10[%swap3A, %swap3A_108] {strides = array<i32>} : memref<128x160xf32, #tpu.memory_space<vmem>>, vector<1x16xf32>,
          %swap3A_110 = vector.shape_cast %swap3A_109 : vector<1x16xf32> to vector<16xf32>
          %swap3A_111 = vector.shape_cast %mul3A_107 : vector<16xf32> to vector<1x16xf32>
          tpu.vector_store %arg10[%swap3A, %swap3A_108], %swap3A_111 {strides = array<i32>} : memref<128x160xf32, #tpu.memory_space<vmem>>, vector<1x16xf32>,
          %slice3A_112 = vector.extract_strided_slice %get3A_102 {offsets = [4], sizes = [1], strides = [1]} : vector<16xf32> to vector<1xf32>
          %squeeze3A_113 = vector.extract %slice3A_112[0] : f32 from vector<1xf32>
          %broadcast_in_dim3A_114 = vector.broadcast %squeeze3A_113 : f32 to vector<16xf32>
          %get3A_115 = arith.index_cast %scan3A_97 : i32 to index
          %get3A_116 = arith.constant 16 : index
          %get3A_117 = tpu.vector_load %arg10[%get3A_115, %get3A_116] {strides = array<i32>} : memref<128x160xf32, #tpu.memory_space<vmem>>, vector<1x16xf32>,
          %get3A_118 = vector.shape_cast %get3A_117 : vector<1x16xf32> to vector<16xf32>
          %mul3A_119 = arith.mulf %get3A_118, %broadcast_in_dim3A_114 : vector<16xf32>
          %swap3A_120 = arith.index_cast %scan3A_97 : i32 to index
          %swap3A_121 = arith.constant 16 : index
          %swap3A_122 = tpu.vector_load %arg10[%swap3A_120, %swap3A_121] {strides = array<i32>} : memref<128x160xf32, #tpu.memory_space<vmem>>, vector<1x16xf32>,
          %swap3A_123 = vector.shape_cast %swap3A_122 : vector<1x16xf32> to vector<16xf32>
          %swap3A_124 = vector.shape_cast %mul3A_119 : vector<16xf32> to vector<1x16xf32>
          tpu.vector_store %arg10[%swap3A_120, %swap3A_121], %swap3A_124 {strides = array<i32>} : memref<128x160xf32, #tpu.memory_space<vmem>>, vector<1x16xf32>,
          %slice3A_125 = vector.extract_strided_slice %get3A_102 {offsets = [4], sizes = [1], strides = [1]} : vector<16xf32> to vector<1xf32>
          %squeeze3A_126 = vector.extract %slice3A_125[0] : f32 from vector<1xf32>
          %broadcast_in_dim3A_127 = vector.broadcast %squeeze3A_126 : f32 to vector<16xf32>
          %slice3A_128 = vector.extract_strided_slice %get3A_102 {offsets = [5], sizes = [1], strides = [1]} : vector<16xf32> to vector<1xf32>
          %squeeze3A_129 = vector.extract %slice3A_128[0] : f32 from vector<1xf32>
          %broadcast_in_dim3A_130 = vector.broadcast %squeeze3A_129 : f32 to vector<16xf32>
          %select_n3A_131 = arith.select %lt3A_35, %broadcast_in_dim3A_127, %broadcast_in_dim3A_130 : vector<16xi1>, vector<16xf32>
          %get3A_132 = arith.index_cast %scan3A_97 : i32 to index
          %get3A_133 = arith.constant 32 : index
          %get3A_134 = tpu.vector_load %arg10[%get3A_132, %get3A_133] {strides = array<i32>} : memref<128x160xf32, #tpu.memory_space<vmem>>, vector<1x16xf32>,
          %get3A_135 = vector.shape_cast %get3A_134 : vector<1x16xf32> to vector<16xf32>
          %mul3A_136 = arith.mulf %get3A_135, %select_n3A_131 : vector<16xf32>
          %swap3A_137 = arith.index_cast %scan3A_97 : i32 to index
          %swap3A_138 = arith.constant 32 : index
          %swap3A_139 = tpu.vector_load %arg10[%swap3A_137, %swap3A_138] {strides = array<i32>} : memref<128x160xf32, #tpu.memory_space<vmem>>, vector<1x16xf32>,
          %swap3A_140 = vector.shape_cast %swap3A_139 : vector<1x16xf32> to vector<16xf32>
          %swap3A_141 = vector.shape_cast %mul3A_136 : vector<16xf32> to vector<1x16xf32>
          tpu.vector_store %arg10[%swap3A_137, %swap3A_138], %swap3A_141 {strides = array<i32>} : memref<128x160xf32, #tpu.memory_space<vmem>>, vector<1x16xf32>,
          %slice3A_142 = vector.extract_strided_slice %get3A_102 {offsets = [5], sizes = [1], strides = [1]} : vector<16xf32> to vector<1xf32>
          %squeeze3A_143 = vector.extract %slice3A_142[0] : f32 from vector<1xf32>
          %broadcast_in_dim3A_144 = vector.broadcast %squeeze3A_143 : f32 to vector<16xf32>
          %get3A_145 = arith.index_cast %scan3A_97 : i32 to index
          %get3A_146 = arith.constant 48 : index
          %get3A_147 = tpu.vector_load %arg10[%get3A_145, %get3A_146] {strides = array<i32>} : memref<128x160xf32, #tpu.memory_space<vmem>>, vector<1x16xf32>,
          %get3A_148 = vector.shape_cast %get3A_147 : vector<1x16xf32> to vector<16xf32>
          %mul3A_149 = arith.mulf %get3A_148, %broadcast_in_dim3A_144 : vector<16xf32>
          %swap3A_150 = arith.index_cast %scan3A_97 : i32 to index
          %swap3A_151 = arith.constant 48 : index
          %swap3A_152 = tpu.vector_load %arg10[%swap3A_150, %swap3A_151] {strides = array<i32>} : memref<128x160xf32, #tpu.memory_space<vmem>>, vector<1x16xf32>,
          %swap3A_153 = vector.shape_cast %swap3A_152 : vector<1x16xf32> to vector<16xf32>
          %swap3A_154 = vector.shape_cast %mul3A_149 : vector<16xf32> to vector<1x16xf32>
          tpu.vector_store %arg10[%swap3A_150, %swap3A_151], %swap3A_154 {strides = array<i32>} : memref<128x160xf32, #tpu.memory_space<vmem>>, vector<1x16xf32>,
          %slice3A_155 = vector.extract_strided_slice %get3A_102 {offsets = [5], sizes = [1], strides = [1]} : vector<16xf32> to vector<1xf32>
          %squeeze3A_156 = vector.extract %slice3A_155[0] : f32 from vector<1xf32>
          %broadcast_in_dim3A_157 = vector.broadcast %squeeze3A_156 : f32 to vector<16xf32>
          %get3A_158 = arith.index_cast %scan3A_97 : i32 to index
          %get3A_159 = arith.constant 64 : index
          %get3A_160 = tpu.vector_load %arg10[%get3A_158, %get3A_159] {strides = array<i32>} : memref<128x160xf32, #tpu.memory_space<vmem>>, vector<1x16xf32>,
          %get3A_161 = vector.shape_cast %get3A_160 : vector<1x16xf32> to vector<16xf32>
          %mul3A_162 = arith.mulf %get3A_161, %broadcast_in_dim3A_157 : vector<16xf32>
          %swap3A_163 = arith.index_cast %scan3A_97 : i32 to index
          %swap3A_164 = arith.constant 64 : index
          %swap3A_165 = tpu.vector_load %arg10[%swap3A_163, %swap3A_164] {strides = array<i32>} : memref<128x160xf32, #tpu.memory_space<vmem>>, vector<1x16xf32>,
          %swap3A_166 = vector.shape_cast %swap3A_165 : vector<1x16xf32> to vector<16xf32>
          %swap3A_167 = vector.shape_cast %mul3A_162 : vector<16xf32> to vector<1x16xf32>
          tpu.vector_store %arg10[%swap3A_163, %swap3A_164], %swap3A_167 {strides = array<i32>} : memref<128x160xf32, #tpu.memory_space<vmem>>, vector<1x16xf32>,
          %slice3A_168 = vector.extract_strided_slice %get3A_102 {offsets = [6], sizes = [1], strides = [1]} : vector<16xf32> to vector<1xf32>
          %squeeze3A_169 = vector.extract %slice3A_168[0] : f32 from vector<1xf32>
          %broadcast_in_dim3A_170 = vector.broadcast %squeeze3A_169 : f32 to vector<16xf32>
          %get3A_171 = arith.index_cast %scan3A_97 : i32 to index
          %get3A_172 = arith.constant 80 : index
          %get3A_173 = tpu.vector_load %arg10[%get3A_171, %get3A_172] {strides = array<i32>} : memref<128x160xf32, #tpu.memory_space<vmem>>, vector<1x16xf32>,
          %get3A_174 = vector.shape_cast %get3A_173 : vector<1x16xf32> to vector<16xf32>
          %mul3A_175 = arith.mulf %get3A_174, %broadcast_in_dim3A_170 : vector<16xf32>
          %swap3A_176 = arith.index_cast %scan3A_97 : i32 to index
          %swap3A_177 = arith.constant 80 : index
          %swap3A_178 = tpu.vector_load %arg10[%swap3A_176, %swap3A_177] {strides = array<i32>} : memref<128x160xf32, #tpu.memory_space<vmem>>, vector<1x16xf32>,
          %swap3A_179 = vector.shape_cast %swap3A_178 : vector<1x16xf32> to vector<16xf32>
          %swap3A_180 = vector.shape_cast %mul3A_175 : vector<16xf32> to vector<1x16xf32>
          tpu.vector_store %arg10[%swap3A_176, %swap3A_177], %swap3A_180 {strides = array<i32>} : memref<128x160xf32, #tpu.memory_space<vmem>>, vector<1x16xf32>,
          %slice3A_181 = vector.extract_strided_slice %get3A_102 {offsets = [6], sizes = [1], strides = [1]} : vector<16xf32> to vector<1xf32>
          %squeeze3A_182 = vector.extract %slice3A_181[0] : f32 from vector<1xf32>
          %broadcast_in_dim3A_183 = vector.broadcast %squeeze3A_182 : f32 to vector<16xf32>
          %get3A_184 = arith.index_cast %scan3A_97 : i32 to index
          %get3A_185 = arith.constant 96 : index
          %get3A_186 = tpu.vector_load %arg10[%get3A_184, %get3A_185] {strides = array<i32>} : memref<128x160xf32, #tpu.memory_space<vmem>>, vector<1x16xf32>,
          %get3A_187 = vector.shape_cast %get3A_186 : vector<1x16xf32> to vector<16xf32>
          %mul3A_188 = arith.mulf %get3A_187, %broadcast_in_dim3A_183 : vector<16xf32>
          %swap3A_189 = arith.index_cast %scan3A_97 : i32 to index
          %swap3A_190 = arith.constant 96 : index
          %swap3A_191 = tpu.vector_load %arg10[%swap3A_189, %swap3A_190] {strides = array<i32>} : memref<128x160xf32, #tpu.memory_space<vmem>>, vector<1x16xf32>,
          %swap3A_192 = vector.shape_cast %swap3A_191 : vector<1x16xf32> to vector<16xf32>
          %swap3A_193 = vector.shape_cast %mul3A_188 : vector<16xf32> to vector<1x16xf32>
          tpu.vector_store %arg10[%swap3A_189, %swap3A_190], %swap3A_193 {strides = array<i32>} : memref<128x160xf32, #tpu.memory_space<vmem>>, vector<1x16xf32>,
          %slice3A_194 = vector.extract_strided_slice %get3A_102 {offsets = [6], sizes = [1], strides = [1]} : vector<16xf32> to vector<1xf32>
          %squeeze3A_195 = vector.extract %slice3A_194[0] : f32 from vector<1xf32>
          %broadcast_in_dim3A_196 = vector.broadcast %squeeze3A_195 : f32 to vector<16xf32>
          %slice3A_197 = vector.extract_strided_slice %get3A_102 {offsets = [7], sizes = [1], strides = [1]} : vector<16xf32> to vector<1xf32>
          %squeeze3A_198 = vector.extract %slice3A_197[0] : f32 from vector<1xf32>
          %broadcast_in_dim3A_199 = vector.broadcast %squeeze3A_198 : f32 to vector<16xf32>
          %select_n3A_200 = arith.select %lt3A_50, %broadcast_in_dim3A_196, %broadcast_in_dim3A_199 : vector<16xi1>, vector<16xf32>
          %get3A_201 = arith.index_cast %scan3A_97 : i32 to index
          %get3A_202 = arith.constant 112 : index
          %get3A_203 = tpu.vector_load %arg10[%get3A_201, %get3A_202] {strides = array<i32>} : memref<128x160xf32, #tpu.memory_space<vmem>>, vector<1x16xf32>,
          %get3A_204 = vector.shape_cast %get3A_203 : vector<1x16xf32> to vector<16xf32>
          %mul3A_205 = arith.mulf %get3A_204, %select_n3A_200 : vector<16xf32>
          %swap3A_206 = arith.index_cast %scan3A_97 : i32 to index
          %swap3A_207 = arith.constant 112 : index
          %swap3A_208 = tpu.vector_load %arg10[%swap3A_206, %swap3A_207] {strides = array<i32>} : memref<128x160xf32, #tpu.memory_space<vmem>>, vector<1x16xf32>,
          %swap3A_209 = vector.shape_cast %swap3A_208 : vector<1x16xf32> to vector<16xf32>
          %swap3A_210 = vector.shape_cast %mul3A_205 : vector<16xf32> to vector<1x16xf32>
          tpu.vector_store %arg10[%swap3A_206, %swap3A_207], %swap3A_210 {strides = array<i32>} : memref<128x160xf32, #tpu.memory_space<vmem>>, vector<1x16xf32>,
          %slice3A_211 = vector.extract_strided_slice %get3A_102 {offsets = [7], sizes = [1], strides = [1]} : vector<16xf32> to vector<1xf32>
          %squeeze3A_212 = vector.extract %slice3A_211[0] : f32 from vector<1xf32>
          %broadcast_in_dim3A_213 = vector.broadcast %squeeze3A_212 : f32 to vector<16xf32>
          %get3A_214 = arith.index_cast %scan3A_97 : i32 to index
          %get3A_215 = arith.constant 128 : index
          %get3A_216 = tpu.vector_load %arg10[%get3A_214, %get3A_215] {strides = array<i32>} : memref<128x160xf32, #tpu.memory_space<vmem>>, vector<1x16xf32>,
          %get3A_217 = vector.shape_cast %get3A_216 : vector<1x16xf32> to vector<16xf32>
          %mul3A_218 = arith.mulf %get3A_217, %broadcast_in_dim3A_213 : vector<16xf32>
          %swap3A_219 = arith.index_cast %scan3A_97 : i32 to index
          %swap3A_220 = arith.constant 128 : index
          %swap3A_221 = tpu.vector_load %arg10[%swap3A_219, %swap3A_220] {strides = array<i32>} : memref<128x160xf32, #tpu.memory_space<vmem>>, vector<1x16xf32>,
          %swap3A_222 = vector.shape_cast %swap3A_221 : vector<1x16xf32> to vector<16xf32>
          %swap3A_223 = vector.shape_cast %mul3A_218 : vector<16xf32> to vector<1x16xf32>
          tpu.vector_store %arg10[%swap3A_219, %swap3A_220], %swap3A_223 {strides = array<i32>} : memref<128x160xf32, #tpu.memory_space<vmem>>, vector<1x16xf32>,
          %slice3A_224 = vector.extract_strided_slice %get3A_102 {offsets = [7], sizes = [1], strides = [1]} : vector<16xf32> to vector<1xf32>
          %squeeze3A_225 = vector.extract %slice3A_224[0] : f32 from vector<1xf32>
          %broadcast_in_dim3A_226 = vector.broadcast %squeeze3A_225 : f32 to vector<16xf32>
          %get3A_227 = arith.index_cast %scan3A_97 : i32 to index
          %get3A_228 = arith.constant 144 : index
          %get3A_229 = tpu.vector_load %arg10[%get3A_227, %get3A_228] {strides = array<i32>} : memref<128x160xf32, #tpu.memory_space<vmem>>, vector<1x16xf32>,
          %get3A_230 = vector.shape_cast %get3A_229 : vector<1x16xf32> to vector<16xf32>
          %mul3A_231 = arith.mulf %get3A_230, %broadcast_in_dim3A_226 : vector<16xf32>
          %swap3A_232 = arith.index_cast %scan3A_97 : i32 to index
          %swap3A_233 = arith.constant 144 : index
          %swap3A_234 = tpu.vector_load %arg10[%swap3A_232, %swap3A_233] {strides = array<i32>} : memref<128x160xf32, #tpu.memory_space<vmem>>, vector<1x16xf32>,
          %swap3A_235 = vector.shape_cast %swap3A_234 : vector<1x16xf32> to vector<16xf32>
          %swap3A_236 = vector.shape_cast %mul3A_231 : vector<16xf32> to vector<1x16xf32>
          tpu.vector_store %arg10[%swap3A_232, %swap3A_233], %swap3A_236 {strides = array<i32>} : memref<128x160xf32, #tpu.memory_space<vmem>>, vector<1x16xf32>,
          %scan3A_237 = arith.constant 0 : i32
          scf.yield %scan3A_237 : i32
        }
        %scan3A_96 = arith.constant 128 : i32
      } else {
      }
      "tpu.region"() ({
        %run_scoped3A = tpu.sem_alloc : memref<!tpu.dma_semaphore, #tpu.memory_space<semaphore_mem>>
        %dma_start3A = arith.constant 0 : i32
        %dma_start3A_90 = arith.constant 0 : i32
        %dma_start3A_91 = tpu.memref_slice %arg11[%dma_start3A, %dma_start3A_90] : memref<10240x160xf32, #tpu.memory_space<vmem_shared>> -> memref<10240x160xf32, #tpu.memory_space<vmem_shared>>
        tpu.enqueue_indirect_dma source(%arg10 : memref<128x160xf32, #tpu.memory_space<vmem>>) target(%dma_start3A_91 : memref<10240x160xf32, #tpu.memory_space<vmem_shared>>) offsets(%arg8 : memref<128xi32, #tpu.memory_space<vmem>>) semaphore(%run_scoped3A : memref<!tpu.dma_semaphore, #tpu.memory_space<semaphore_mem>>) {add = true}
        %dma_wait3A = arith.constant 0 : i32
        %dma_wait3A_92 = arith.constant 0 : i32
        %dma_wait3A_93 = tpu.memref_slice %arg11[%dma_wait3A, %dma_wait3A_92] : memref<10240x160xf32, #tpu.memory_space<vmem_shared>> -> memref<10240x160xf32, #tpu.memory_space<vmem_shared>>
        tpu.wait_indirect_dma semaphore(%run_scoped3A : memref<!tpu.dma_semaphore, #tpu.memory_space<semaphore_mem>>) src(%arg10 : memref<128x160xf32, #tpu.memory_space<vmem>>) dst(%dma_wait3A_93 : memref<10240x160xf32, #tpu.memory_space<vmem_shared>>)
        tpu.yield
      }) : () -> ()
      %while3A_89 = arith.constant 0 : i32
      scf.yield %while3A_89 : i32
    }
    %barrier3A_68 = arith.constant 0 : index
    tpu.barrier barrier_id(%barrier3A_68)
    %mul3A_69 = arith.constant 10240 : i32
    %mul3A_70 = arith.muli %arg0, %mul3A_69 : i32
    %add3A_71 = arith.addi %mul3A_70, %mul3A_8 : i32
    "tpu.region"() ({
      %run_scoped3A = tpu.sem_alloc : memref<!tpu.dma_semaphore, #tpu.memory_space<semaphore_mem>>
      %dma_start3A = arith.constant 0 : i32
      %dma_start3A_72 = tpu.memref_slice %arg6[%add3A_71, %dma_start3A] : memref<20480x160xf32, #tpu.memory_space<hbm>> -> memref<640x160xf32, #tpu.memory_space<hbm>>
      %dma_start3A_73 = arith.constant 0 : i32
      %dma_start3A_74 = tpu.memref_slice %arg11[%mul3A_8, %dma_start3A_73] : memref<10240x160xf32, #tpu.memory_space<vmem_shared>> -> memref<640x160xf32, #tpu.memory_space<vmem_shared>>
      tpu.enqueue_dma source(%dma_start3A_74 : memref<640x160xf32, #tpu.memory_space<vmem_shared>>) target(%dma_start3A_72 : memref<640x160xf32, #tpu.memory_space<hbm>>) target_semaphore(%run_scoped3A : memref<!tpu.dma_semaphore, #tpu.memory_space<semaphore_mem>>)
      %dma_wait3A = arith.constant 0 : i32
      %dma_wait3A_75 = tpu.memref_slice %arg6[%add3A_71, %dma_wait3A] : memref<20480x160xf32, #tpu.memory_space<hbm>> -> memref<640x160xf32, #tpu.memory_space<hbm>>
      %dma_wait3A_76 = arith.constant 0 : i32
      %dma_wait3A_77 = tpu.memref_slice %arg11[%mul3A_8, %dma_wait3A_76] : memref<10240x160xf32, #tpu.memory_space<vmem_shared>> -> memref<640x160xf32, #tpu.memory_space<vmem_shared>>
      tpu.wait_dma2 semaphore(%run_scoped3A : memref<!tpu.dma_semaphore, #tpu.memory_space<semaphore_mem>>) src(%dma_wait3A_77 : memref<640x160xf32, #tpu.memory_space<vmem_shared>>) dst(%dma_wait3A_75 : memref<640x160xf32, #tpu.memory_space<hbm>>)
      tpu.yield
    }) : () -> ()
    return
  }
}

module attributes {stable_mosaic.version = 14 : i64} {
  func.func @_t1_body(%arg0: i32, %arg1: memref<1000x128xf32, #tpu.memory_space<vmem>>, %arg2: memref<128x128xf32, #tpu.memory_space<vmem>>, %arg3: memref<128x16xf32, #tpu.memory_space<vmem>>, %arg4: memref<1000x128xf32, #tpu.memory_space<vmem>>, %arg5: memref<1000x16xf32, #tpu.memory_space<vmem>>) attributes {dimension_semantics = [#tpu.dimension_semantics<arbitrary>], iteration_bounds = array<i64: 10>, scalar_prefetch = 0 : i64, scratch_operands = 0 : i64, tpu.core_type = #tpu.core_type<tc>, window_params = [{transform_indices = @transform_0, window_bounds = array<i64: 1000, 128>}, {pipeline_mode = #tpu.pipeline_mode<synchronous>, transform_indices = @transform_1, window_bounds = array<i64: 128, 128>}, {pipeline_mode = #tpu.pipeline_mode<synchronous>, transform_indices = @transform_2, window_bounds = array<i64: 128, 16>}, {transform_indices = @transform_3, window_bounds = array<i64: 1000, 128>}, {transform_indices = @transform_4, window_bounds = array<i64: 1000, 16>}]} {
    %get3A = arith.constant 0 : index
    %get3A_0 = arith.constant 0 : index
    %get3A_1 = vector.load %arg1[%get3A, %get3A_0] : memref<1000x128xf32, #tpu.memory_space<vmem>>, vector<1000x128xf32>
    %get3A_2 = arith.constant 0 : index
    %get3A_3 = arith.constant 0 : index
    %get3A_4 = vector.load %arg2[%get3A_2, %get3A_3] : memref<128x128xf32, #tpu.memory_space<vmem>>, vector<128x128xf32>
    %dot_general3A = arith.constant dense<0.000000e+00> : vector<1000x128xf32>
    %dot_general3A_5 = tpu.matmul %get3A_1, %get3A_4, %dot_general3A {dimension_numbers = #tpu.dot_dimension_numbers<[1], [0], [0], [1], [0, 0, 1, 1], [], []>, transpose_lhs_hint = false} : vector<1000x128xf32>, vector<128x128xf32>, vector<1000x128xf32> -> vector<1000x128xf32>
    %swap3A = arith.constant 0 : index
    %swap3A_6 = arith.constant 0 : index
    %swap3A_7 = vector.load %arg4[%swap3A, %swap3A_6] : memref<1000x128xf32, #tpu.memory_space<vmem>>, vector<1000x128xf32>
    tpu.vector_store %arg4[%swap3A, %swap3A_6], %dot_general3A_5 {strides = array<i32>} : memref<1000x128xf32, #tpu.memory_space<vmem>>, vector<1000x128xf32>,
    %get3A_8 = arith.constant 0 : index
    %get3A_9 = arith.constant 0 : index
    %get3A_10 = vector.load %arg3[%get3A_8, %get3A_9] : memref<128x16xf32, #tpu.memory_space<vmem>>, vector<128x16xf32>
    %dot_general3A_11 = arith.constant dense<0.000000e+00> : vector<1000x16xf32>
    %dot_general3A_12 = tpu.matmul %dot_general3A_5, %get3A_10, %dot_general3A_11 {dimension_numbers = #tpu.dot_dimension_numbers<[1], [0], [0], [1], [0, 0, 1, 1], [], []>, transpose_lhs_hint = false} : vector<1000x128xf32>, vector<128x16xf32>, vector<1000x16xf32> -> vector<1000x16xf32>
    %swap3A_13 = arith.constant 0 : index
    %swap3A_14 = arith.constant 0 : index
    %swap3A_15 = vector.load %arg5[%swap3A_13, %swap3A_14] : memref<1000x16xf32, #tpu.memory_space<vmem>>, vector<1000x16xf32>
    tpu.vector_store %arg5[%swap3A_13, %swap3A_14], %dot_general3A_12 {strides = array<i32>} : memref<1000x16xf32, #tpu.memory_space<vmem>>, vector<1000x16xf32>,
    return
  }
  func.func @transform_0(%arg0: i32) -> (i32, i32) {
    %c0_i32 = arith.constant 0 : i32
    %c0_i32_0 = arith.constant 0 : i32
    return %arg0, %c0_i32 : i32, i32
  }
  func.func @transform_1(%arg0: i32) -> (i32, i32) {
    %c0_i32 = arith.constant 0 : i32
    %c0_i32_0 = arith.constant 0 : i32
    %c0_i32_1 = arith.constant 0 : i32
    return %c0_i32, %c0_i32_0 : i32, i32
  }
  func.func @transform_2(%arg0: i32) -> (i32, i32) {
    %c0_i32 = arith.constant 0 : i32
    %c0_i32_0 = arith.constant 0 : i32
    %c0_i32_1 = arith.constant 0 : i32
    return %c0_i32, %c0_i32_0 : i32, i32
  }
  func.func @transform_3(%arg0: i32) -> (i32, i32) {
    %c0_i32 = arith.constant 0 : i32
    %c0_i32_0 = arith.constant 0 : i32
    return %arg0, %c0_i32 : i32, i32
  }
  func.func @transform_4(%arg0: i32) -> (i32, i32) {
    %c0_i32 = arith.constant 0 : i32
    %c0_i32_0 = arith.constant 0 : i32
    return %arg0, %c0_i32 : i32, i32
  }
}

module attributes {stable_mosaic.version = 14 : i64} {
  func.func @_t2_body(%arg0: i32, %arg1: memref<1000x64xf32, #tpu.memory_space<vmem>>, %arg2: memref<1000x64xf32, #tpu.memory_space<vmem>>, %arg3: memref<1000x128xf32, #tpu.memory_space<vmem>>, %arg4: memref<1000x16xf32, #tpu.memory_space<vmem>>, %arg5: memref<1000x16xf32, #tpu.memory_space<vmem>>, %arg6: memref<4x64xf32, #tpu.memory_space<vmem>>, %arg7: memref<64x128xf32, #tpu.memory_space<vmem>>, %arg8: memref<64x128xf32, #tpu.memory_space<vmem>>, %arg9: memref<128x128xf32, #tpu.memory_space<vmem>>, %arg10: memref<1x128xf32, #tpu.memory_space<vmem>>, %arg11: memref<128x128xf32, #tpu.memory_space<vmem>>, %arg12: memref<1x128xf32, #tpu.memory_space<vmem>>, %arg13: memref<1000x128xf32, #tpu.memory_space<vmem>>) attributes {dimension_semantics = [#tpu.dimension_semantics<arbitrary>], iteration_bounds = array<i64: 10>, scalar_prefetch = 0 : i64, scratch_operands = 0 : i64, tpu.core_type = #tpu.core_type<tc>, window_params = [{transform_indices = @transform_0, window_bounds = array<i64: 1000, 64>}, {transform_indices = @transform_1, window_bounds = array<i64: 1000, 64>}, {transform_indices = @transform_2, window_bounds = array<i64: 1000, 128>}, {transform_indices = @transform_3, window_bounds = array<i64: 1000, 16>}, {transform_indices = @transform_4, window_bounds = array<i64: 1000, 16>}, {pipeline_mode = #tpu.pipeline_mode<synchronous>, transform_indices = @transform_5, window_bounds = array<i64: 4, 64>}, {pipeline_mode = #tpu.pipeline_mode<synchronous>, transform_indices = @transform_6, window_bounds = array<i64: 64, 128>}, {pipeline_mode = #tpu.pipeline_mode<synchronous>, transform_indices = @transform_7, window_bounds = array<i64: 64, 128>}, {pipeline_mode = #tpu.pipeline_mode<synchronous>, transform_indices = @transform_8, window_bounds = array<i64: 128, 128>}, {pipeline_mode = #tpu.pipeline_mode<synchronous>, transform_indices = @transform_9, window_bounds = array<i64: 1, 128>}, {pipeline_mode = #tpu.pipeline_mode<synchronous>, transform_indices = @transform_10, window_bounds = array<i64: 128, 128>}, {pipeline_mode = #tpu.pipeline_mode<synchronous>, transform_indices = @transform_11, window_bounds = array<i64: 1, 128>}, {transform_indices = @transform_12, window_bounds = array<i64: 1000, 128>}]} {
    %get3A = arith.constant 0 : index
    %get3A_0 = arith.constant 0 : index
    %get3A_1 = vector.load %arg4[%get3A, %get3A_0] : memref<1000x16xf32, #tpu.memory_space<vmem>>, vector<1000x8xf32>
    %get3A_2 = arith.constant 0 : index
    %get3A_3 = arith.constant 0 : index
    %get3A_4 = vector.load %arg5[%get3A_2, %get3A_3] : memref<1000x16xf32, #tpu.memory_space<vmem>>, vector<1000x8xf32>
    %add3A = arith.addf %get3A_1, %get3A_4 : vector<1000x8xf32>
    %add3A_5 = arith.constant 1.000000e-16 : f32
    %add3A_6 = vector.broadcast %add3A_5 : f32 to vector<1000x8xf32>
    %add3A_7 = arith.addf %add3A, %add3A_6 : vector<1000x8xf32>
    %div3A = arith.constant 1.000000e+00 : f32
    %div3A_8 = vector.broadcast %div3A : f32 to vector<1000x8xf32>
    %div3A_9 = arith.divf %div3A_8, %add3A_7 : vector<1000x8xf32>
    %slice3A = vector.extract_strided_slice %div3A_9 {offsets = [0, 0], sizes = [1000, 4], strides = [1, 1]} : vector<1000x8xf32> to vector<1000x4xf32>
    %get3A_10 = arith.constant 0 : index
    %get3A_11 = arith.constant 0 : index
    %get3A_12 = vector.load %arg6[%get3A_10, %get3A_11] : memref<4x64xf32, #tpu.memory_space<vmem>>, vector<4x64xf32>
    %dot_general3A = arith.constant dense<0.000000e+00> : vector<1000x64xf32>
    %dot_general3A_13 = tpu.matmul %slice3A, %get3A_12, %dot_general3A {dimension_numbers = #tpu.dot_dimension_numbers<[1], [0], [0], [1], [0, 0, 1, 1], [], []>, transpose_lhs_hint = false} : vector<1000x4xf32>, vector<4x64xf32>, vector<1000x64xf32> -> vector<1000x64xf32>
    %slice3A_14 = vector.extract_strided_slice %div3A_9 {offsets = [0, 4], sizes = [1000, 4], strides = [1, 1]} : vector<1000x8xf32> to vector<1000x4xf32>
    %get3A_15 = arith.constant 0 : index
    %get3A_16 = arith.constant 0 : index
    %get3A_17 = vector.load %arg6[%get3A_15, %get3A_16] : memref<4x64xf32, #tpu.memory_space<vmem>>, vector<4x64xf32>
    %dot_general3A_18 = arith.constant dense<0.000000e+00> : vector<1000x64xf32>
    %dot_general3A_19 = tpu.matmul %slice3A_14, %get3A_17, %dot_general3A_18 {dimension_numbers = #tpu.dot_dimension_numbers<[1], [0], [0], [1], [0, 0, 1, 1], [], []>, transpose_lhs_hint = false} : vector<1000x4xf32>, vector<4x64xf32>, vector<1000x64xf32> -> vector<1000x64xf32>
    %get3A_20 = arith.constant 0 : index
    %get3A_21 = arith.constant 0 : index
    %get3A_22 = vector.load %arg1[%get3A_20, %get3A_21] : memref<1000x64xf32, #tpu.memory_space<vmem>>, vector<1000x64xf32>
    %mul3A = arith.mulf %get3A_22, %dot_general3A_13 : vector<1000x64xf32>
    %get3A_23 = arith.constant 0 : index
    %get3A_24 = arith.constant 0 : index
    %get3A_25 = vector.load %arg2[%get3A_23, %get3A_24] : memref<1000x64xf32, #tpu.memory_space<vmem>>, vector<1000x64xf32>
    %mul3A_26 = arith.mulf %get3A_25, %dot_general3A_19 : vector<1000x64xf32>
    %get3A_27 = arith.constant 0 : index
    %get3A_28 = arith.constant 0 : index
    %get3A_29 = vector.load %arg7[%get3A_27, %get3A_28] : memref<64x128xf32, #tpu.memory_space<vmem>>, vector<64x128xf32>
    %dot_general3A_30 = arith.constant dense<0.000000e+00> : vector<1000x128xf32>
    %dot_general3A_31 = tpu.matmul %mul3A, %get3A_29, %dot_general3A_30 {dimension_numbers = #tpu.dot_dimension_numbers<[1], [0], [0], [1], [0, 0, 1, 1], [], []>, transpose_lhs_hint = false} : vector<1000x64xf32>, vector<64x128xf32>, vector<1000x128xf32> -> vector<1000x128xf32>
    %get3A_32 = arith.constant 0 : index
    %get3A_33 = arith.constant 0 : index
    %get3A_34 = vector.load %arg8[%get3A_32, %get3A_33] : memref<64x128xf32, #tpu.memory_space<vmem>>, vector<64x128xf32>
    %dot_general3A_35 = arith.constant dense<0.000000e+00> : vector<1000x128xf32>
    %dot_general3A_36 = tpu.matmul %mul3A_26, %get3A_34, %dot_general3A_35 {dimension_numbers = #tpu.dot_dimension_numbers<[1], [0], [0], [1], [0, 0, 1, 1], [], []>, transpose_lhs_hint = false} : vector<1000x64xf32>, vector<64x128xf32>, vector<1000x128xf32> -> vector<1000x128xf32>
    %add3A_37 = arith.addf %dot_general3A_31, %dot_general3A_36 : vector<1000x128xf32>
    %get3A_38 = arith.constant 0 : index
    %get3A_39 = arith.constant 0 : index
    %get3A_40 = vector.load %arg3[%get3A_38, %get3A_39] : memref<1000x128xf32, #tpu.memory_space<vmem>>, vector<1000x128xf32>
    %get3A_41 = arith.constant 0 : index
    %get3A_42 = arith.constant 0 : index
    %get3A_43 = vector.load %arg9[%get3A_41, %get3A_42] : memref<128x128xf32, #tpu.memory_space<vmem>>, vector<128x128xf32>
    %dot_general3A_44 = arith.constant dense<0.000000e+00> : vector<1000x128xf32>
    %dot_general3A_45 = tpu.matmul %get3A_40, %get3A_43, %dot_general3A_44 {dimension_numbers = #tpu.dot_dimension_numbers<[1], [0], [0], [1], [0, 0, 1, 1], [], []>, transpose_lhs_hint = false} : vector<1000x128xf32>, vector<128x128xf32>, vector<1000x128xf32> -> vector<1000x128xf32>
    %add3A_46 = arith.addf %add3A_37, %dot_general3A_45 : vector<1000x128xf32>
    %get3A_47 = arith.constant 0 : index
    %get3A_48 = arith.constant 0 : index
    %get3A_49 = vector.load %arg10[%get3A_47, %get3A_48] : memref<1x128xf32, #tpu.memory_space<vmem>>, vector<1x128xf32>
    %add3A_50 = vector.broadcast %get3A_49 : vector<1x128xf32> to vector<1000x128xf32>
    %add3A_51 = arith.addf %add3A_46, %add3A_50 : vector<1000x128xf32>
    %integer_pow3A = arith.mulf %add3A_51, %add3A_51 : vector<1000x128xf32>
    %integer_pow3A_52 = arith.mulf %add3A_51, %integer_pow3A : vector<1000x128xf32>
    %mul3A_53 = arith.constant 4.471500e-02 : f32
    %mul3A_54 = vector.broadcast %mul3A_53 : f32 to vector<1000x128xf32>
    %mul3A_55 = arith.mulf %mul3A_54, %integer_pow3A_52 : vector<1000x128xf32>
    %add3A_56 = arith.addf %add3A_51, %mul3A_55 : vector<1000x128xf32>
    %mul3A_57 = arith.constant 0.797884583 : f32
    %mul3A_58 = vector.broadcast %mul3A_57 : f32 to vector<1000x128xf32>
    %mul3A_59 = arith.mulf %mul3A_58, %add3A_56 : vector<1000x128xf32>
    %tanh3A = math.tanh %mul3A_59 : vector<1000x128xf32>
    %add3A_60 = arith.constant 1.000000e+00 : f32
    %add3A_61 = vector.broadcast %add3A_60 : f32 to vector<1000x128xf32>
    %add3A_62 = arith.addf %add3A_61, %tanh3A : vector<1000x128xf32>
    %mul3A_63 = arith.constant 5.000000e-01 : f32
    %mul3A_64 = vector.broadcast %mul3A_63 : f32 to vector<1000x128xf32>
    %mul3A_65 = arith.mulf %mul3A_64, %add3A_62 : vector<1000x128xf32>
    %mul3A_66 = arith.mulf %add3A_51, %mul3A_65 : vector<1000x128xf32>
    %get3A_67 = arith.constant 0 : index
    %get3A_68 = arith.constant 0 : index
    %get3A_69 = vector.load %arg11[%get3A_67, %get3A_68] : memref<128x128xf32, #tpu.memory_space<vmem>>, vector<128x128xf32>
    %dot_general3A_70 = arith.constant dense<0.000000e+00> : vector<1000x128xf32>
    %dot_general3A_71 = tpu.matmul %mul3A_66, %get3A_69, %dot_general3A_70 {dimension_numbers = #tpu.dot_dimension_numbers<[1], [0], [0], [1], [0, 0, 1, 1], [], []>, transpose_lhs_hint = false} : vector<1000x128xf32>, vector<128x128xf32>, vector<1000x128xf32> -> vector<1000x128xf32>
    %get3A_72 = arith.constant 0 : index
    %get3A_73 = arith.constant 0 : index
    %get3A_74 = vector.load %arg12[%get3A_72, %get3A_73] : memref<1x128xf32, #tpu.memory_space<vmem>>, vector<1x128xf32>
    %add3A_75 = vector.broadcast %get3A_74 : vector<1x128xf32> to vector<1000x128xf32>
    %add3A_76 = arith.addf %dot_general3A_71, %add3A_75 : vector<1000x128xf32>
    %integer_pow3A_77 = arith.mulf %add3A_76, %add3A_76 : vector<1000x128xf32>
    %integer_pow3A_78 = arith.mulf %add3A_76, %integer_pow3A_77 : vector<1000x128xf32>
    %mul3A_79 = arith.constant 4.471500e-02 : f32
    %mul3A_80 = vector.broadcast %mul3A_79 : f32 to vector<1000x128xf32>
    %mul3A_81 = arith.mulf %mul3A_80, %integer_pow3A_78 : vector<1000x128xf32>
    %add3A_82 = arith.addf %add3A_76, %mul3A_81 : vector<1000x128xf32>
    %mul3A_83 = arith.constant 0.797884583 : f32
    %mul3A_84 = vector.broadcast %mul3A_83 : f32 to vector<1000x128xf32>
    %mul3A_85 = arith.mulf %mul3A_84, %add3A_82 : vector<1000x128xf32>
    %tanh3A_86 = math.tanh %mul3A_85 : vector<1000x128xf32>
    %add3A_87 = arith.constant 1.000000e+00 : f32
    %add3A_88 = vector.broadcast %add3A_87 : f32 to vector<1000x128xf32>
    %add3A_89 = arith.addf %add3A_88, %tanh3A_86 : vector<1000x128xf32>
    %mul3A_90 = arith.constant 5.000000e-01 : f32
    %mul3A_91 = vector.broadcast %mul3A_90 : f32 to vector<1000x128xf32>
    %mul3A_92 = arith.mulf %mul3A_91, %add3A_89 : vector<1000x128xf32>
    %mul3A_93 = arith.mulf %add3A_76, %mul3A_92 : vector<1000x128xf32>
    %swap3A = arith.constant 0 : index
    %swap3A_94 = arith.constant 0 : index
    %swap3A_95 = vector.load %arg13[%swap3A, %swap3A_94] : memref<1000x128xf32, #tpu.memory_space<vmem>>, vector<1000x128xf32>
    tpu.vector_store %arg13[%swap3A, %swap3A_94], %mul3A_93 {strides = array<i32>} : memref<1000x128xf32, #tpu.memory_space<vmem>>, vector<1000x128xf32>,
    return
  }
  func.func @transform_0(%arg0: i32) -> (i32, i32) {
    %c0_i32 = arith.constant 0 : i32
    %c0_i32_0 = arith.constant 0 : i32
    return %arg0, %c0_i32 : i32, i32
  }
  func.func @transform_1(%arg0: i32) -> (i32, i32) {
    %c0_i32 = arith.constant 0 : i32
    %c0_i32_0 = arith.constant 0 : i32
    return %arg0, %c0_i32 : i32, i32
  }
  func.func @transform_2(%arg0: i32) -> (i32, i32) {
    %c0_i32 = arith.constant 0 : i32
    %c0_i32_0 = arith.constant 0 : i32
    return %arg0, %c0_i32 : i32, i32
  }
  func.func @transform_3(%arg0: i32) -> (i32, i32) {
    %c0_i32 = arith.constant 0 : i32
    %c0_i32_0 = arith.constant 0 : i32
    return %arg0, %c0_i32 : i32, i32
  }
  func.func @transform_4(%arg0: i32) -> (i32, i32) {
    %c0_i32 = arith.constant 0 : i32
    %c0_i32_0 = arith.constant 0 : i32
    return %arg0, %c0_i32 : i32, i32
  }
  func.func @transform_5(%arg0: i32) -> (i32, i32) {
    %c0_i32 = arith.constant 0 : i32
    %c0_i32_0 = arith.constant 0 : i32
    %c0_i32_1 = arith.constant 0 : i32
    return %c0_i32, %c0_i32_0 : i32, i32
  }
  func.func @transform_6(%arg0: i32) -> (i32, i32) {
    %c0_i32 = arith.constant 0 : i32
    %c0_i32_0 = arith.constant 0 : i32
    %c0_i32_1 = arith.constant 0 : i32
    return %c0_i32, %c0_i32_0 : i32, i32
  }
  func.func @transform_7(%arg0: i32) -> (i32, i32) {
    %c0_i32 = arith.constant 0 : i32
    %c0_i32_0 = arith.constant 0 : i32
    %c0_i32_1 = arith.constant 0 : i32
    return %c0_i32, %c0_i32_0 : i32, i32
  }
  func.func @transform_8(%arg0: i32) -> (i32, i32) {
    %c0_i32 = arith.constant 0 : i32
    %c0_i32_0 = arith.constant 0 : i32
    %c0_i32_1 = arith.constant 0 : i32
    return %c0_i32, %c0_i32_0 : i32, i32
  }
  func.func @transform_9(%arg0: i32) -> (i32, i32) {
    %c0_i32 = arith.constant 0 : i32
    %c0_i32_0 = arith.constant 0 : i32
    %c0_i32_1 = arith.constant 0 : i32
    return %c0_i32, %c0_i32_0 : i32, i32
  }
  func.func @transform_10(%arg0: i32) -> (i32, i32) {
    %c0_i32 = arith.constant 0 : i32
    %c0_i32_0 = arith.constant 0 : i32
    %c0_i32_1 = arith.constant 0 : i32
    return %c0_i32, %c0_i32_0 : i32, i32
  }
  func.func @transform_11(%arg0: i32) -> (i32, i32) {
    %c0_i32 = arith.constant 0 : i32
    %c0_i32_0 = arith.constant 0 : i32
    %c0_i32_1 = arith.constant 0 : i32
    return %c0_i32, %c0_i32_0 : i32, i32
  }
  func.func @transform_12(%arg0: i32) -> (i32, i32) {
    %c0_i32 = arith.constant 0 : i32
    %c0_i32_0 = arith.constant 0 : i32
    return %arg0, %c0_i32 : i32, i32
  }
}

module attributes {stable_mosaic.version = 14 : i64} {
  func.func @_t1_body(%arg0: i32, %arg1: memref<1000x128xf32, #tpu.memory_space<vmem>>, %arg2: memref<128x320xf32, #tpu.memory_space<vmem>>, %arg3: memref<320x16xf32, #tpu.memory_space<vmem>>, %arg4: memref<1000x320xf32, #tpu.memory_space<vmem>>, %arg5: memref<1000x16xf32, #tpu.memory_space<vmem>>) attributes {dimension_semantics = [#tpu.dimension_semantics<arbitrary>], iteration_bounds = array<i64: 10>, scalar_prefetch = 0 : i64, scratch_operands = 0 : i64, tpu.core_type = #tpu.core_type<tc>, window_params = [{transform_indices = @transform_0, window_bounds = array<i64: 1000, 128>}, {pipeline_mode = #tpu.pipeline_mode<synchronous>, transform_indices = @transform_1, window_bounds = array<i64: 128, 320>}, {pipeline_mode = #tpu.pipeline_mode<synchronous>, transform_indices = @transform_2, window_bounds = array<i64: 320, 16>}, {transform_indices = @transform_3, window_bounds = array<i64: 1000, 320>}, {transform_indices = @transform_4, window_bounds = array<i64: 1000, 16>}]} {
    %get3A = arith.constant 0 : index
    %get3A_0 = arith.constant 0 : index
    %get3A_1 = vector.load %arg1[%get3A, %get3A_0] : memref<1000x128xf32, #tpu.memory_space<vmem>>, vector<1000x128xf32>
    %get3A_2 = arith.constant 0 : index
    %get3A_3 = arith.constant 0 : index
    %get3A_4 = vector.load %arg2[%get3A_2, %get3A_3] : memref<128x320xf32, #tpu.memory_space<vmem>>, vector<128x320xf32>
    %dot_general3A = arith.constant dense<0.000000e+00> : vector<1000x320xf32>
    %dot_general3A_5 = tpu.matmul %get3A_1, %get3A_4, %dot_general3A {dimension_numbers = #tpu.dot_dimension_numbers<[1], [0], [0], [1], [0, 0, 1, 1], [], []>, transpose_lhs_hint = false} : vector<1000x128xf32>, vector<128x320xf32>, vector<1000x320xf32> -> vector<1000x320xf32>
    %swap3A = arith.constant 0 : index
    %swap3A_6 = arith.constant 0 : index
    %swap3A_7 = vector.load %arg4[%swap3A, %swap3A_6] : memref<1000x320xf32, #tpu.memory_space<vmem>>, vector<1000x320xf32>
    tpu.vector_store %arg4[%swap3A, %swap3A_6], %dot_general3A_5 {strides = array<i32>} : memref<1000x320xf32, #tpu.memory_space<vmem>>, vector<1000x320xf32>,
    %get3A_8 = arith.constant 0 : index
    %get3A_9 = arith.constant 0 : index
    %get3A_10 = vector.load %arg3[%get3A_8, %get3A_9] : memref<320x16xf32, #tpu.memory_space<vmem>>, vector<320x16xf32>
    %dot_general3A_11 = arith.constant dense<0.000000e+00> : vector<1000x16xf32>
    %dot_general3A_12 = tpu.matmul %dot_general3A_5, %get3A_10, %dot_general3A_11 {dimension_numbers = #tpu.dot_dimension_numbers<[1], [0], [0], [1], [0, 0, 1, 1], [], []>, transpose_lhs_hint = false} : vector<1000x320xf32>, vector<320x16xf32>, vector<1000x16xf32> -> vector<1000x16xf32>
    %swap3A_13 = arith.constant 0 : index
    %swap3A_14 = arith.constant 0 : index
    %swap3A_15 = vector.load %arg5[%swap3A_13, %swap3A_14] : memref<1000x16xf32, #tpu.memory_space<vmem>>, vector<1000x16xf32>
    tpu.vector_store %arg5[%swap3A_13, %swap3A_14], %dot_general3A_12 {strides = array<i32>} : memref<1000x16xf32, #tpu.memory_space<vmem>>, vector<1000x16xf32>,
    return
  }
  func.func @transform_0(%arg0: i32) -> (i32, i32) {
    %c0_i32 = arith.constant 0 : i32
    %c0_i32_0 = arith.constant 0 : i32
    return %arg0, %c0_i32 : i32, i32
  }
  func.func @transform_1(%arg0: i32) -> (i32, i32) {
    %c0_i32 = arith.constant 0 : i32
    %c0_i32_0 = arith.constant 0 : i32
    %c0_i32_1 = arith.constant 0 : i32
    return %c0_i32, %c0_i32_0 : i32, i32
  }
  func.func @transform_2(%arg0: i32) -> (i32, i32) {
    %c0_i32 = arith.constant 0 : i32
    %c0_i32_0 = arith.constant 0 : i32
    %c0_i32_1 = arith.constant 0 : i32
    return %c0_i32, %c0_i32_0 : i32, i32
  }
  func.func @transform_3(%arg0: i32) -> (i32, i32) {
    %c0_i32 = arith.constant 0 : i32
    %c0_i32_0 = arith.constant 0 : i32
    return %arg0, %c0_i32 : i32, i32
  }
  func.func @transform_4(%arg0: i32) -> (i32, i32) {
    %c0_i32 = arith.constant 0 : i32
    %c0_i32_0 = arith.constant 0 : i32
    return %arg0, %c0_i32 : i32, i32
  }
}

module attributes {stable_mosaic.version = 14 : i64} {
  func.func @_t2_body(%arg0: i32, %arg1: memref<1000x160xf32, #tpu.memory_space<vmem>>, %arg2: memref<1000x160xf32, #tpu.memory_space<vmem>>, %arg3: memref<1000x320xf32, #tpu.memory_space<vmem>>, %arg4: memref<1000x16xf32, #tpu.memory_space<vmem>>, %arg5: memref<1000x16xf32, #tpu.memory_space<vmem>>, %arg6: memref<4x160xf32, #tpu.memory_space<vmem>>, %arg7: memref<160x320xf32, #tpu.memory_space<vmem>>, %arg8: memref<160x320xf32, #tpu.memory_space<vmem>>, %arg9: memref<320x320xf32, #tpu.memory_space<vmem>>, %arg10: memref<1x320xf32, #tpu.memory_space<vmem>>, %arg11: memref<320x40xf32, #tpu.memory_space<vmem>>, %arg12: memref<1x40xf32, #tpu.memory_space<vmem>>, %arg13: memref<1000x40xf32, #tpu.memory_space<vmem>>) attributes {dimension_semantics = [#tpu.dimension_semantics<arbitrary>], iteration_bounds = array<i64: 10>, scalar_prefetch = 0 : i64, scratch_operands = 0 : i64, tpu.core_type = #tpu.core_type<tc>, window_params = [{transform_indices = @transform_0, window_bounds = array<i64: 1000, 160>}, {transform_indices = @transform_1, window_bounds = array<i64: 1000, 160>}, {transform_indices = @transform_2, window_bounds = array<i64: 1000, 320>}, {transform_indices = @transform_3, window_bounds = array<i64: 1000, 16>}, {transform_indices = @transform_4, window_bounds = array<i64: 1000, 16>}, {pipeline_mode = #tpu.pipeline_mode<synchronous>, transform_indices = @transform_5, window_bounds = array<i64: 4, 160>}, {pipeline_mode = #tpu.pipeline_mode<synchronous>, transform_indices = @transform_6, window_bounds = array<i64: 160, 320>}, {pipeline_mode = #tpu.pipeline_mode<synchronous>, transform_indices = @transform_7, window_bounds = array<i64: 160, 320>}, {pipeline_mode = #tpu.pipeline_mode<synchronous>, transform_indices = @transform_8, window_bounds = array<i64: 320, 320>}, {pipeline_mode = #tpu.pipeline_mode<synchronous>, transform_indices = @transform_9, window_bounds = array<i64: 1, 320>}, {pipeline_mode = #tpu.pipeline_mode<synchronous>, transform_indices = @transform_10, window_bounds = array<i64: 320, 40>}, {pipeline_mode = #tpu.pipeline_mode<synchronous>, transform_indices = @transform_11, window_bounds = array<i64: 1, 40>}, {transform_indices = @transform_12, window_bounds = array<i64: 1000, 40>}]} {
    %get3A = arith.constant 0 : index
    %get3A_0 = arith.constant 0 : index
    %get3A_1 = vector.load %arg4[%get3A, %get3A_0] : memref<1000x16xf32, #tpu.memory_space<vmem>>, vector<1000x8xf32>
    %get3A_2 = arith.constant 0 : index
    %get3A_3 = arith.constant 0 : index
    %get3A_4 = vector.load %arg5[%get3A_2, %get3A_3] : memref<1000x16xf32, #tpu.memory_space<vmem>>, vector<1000x8xf32>
    %add3A = arith.addf %get3A_1, %get3A_4 : vector<1000x8xf32>
    %add3A_5 = arith.constant 1.000000e-16 : f32
    %add3A_6 = vector.broadcast %add3A_5 : f32 to vector<1000x8xf32>
    %add3A_7 = arith.addf %add3A, %add3A_6 : vector<1000x8xf32>
    %div3A = arith.constant 1.000000e+00 : f32
    %div3A_8 = vector.broadcast %div3A : f32 to vector<1000x8xf32>
    %div3A_9 = arith.divf %div3A_8, %add3A_7 : vector<1000x8xf32>
    %slice3A = vector.extract_strided_slice %div3A_9 {offsets = [0, 0], sizes = [1000, 4], strides = [1, 1]} : vector<1000x8xf32> to vector<1000x4xf32>
    %get3A_10 = arith.constant 0 : index
    %get3A_11 = arith.constant 0 : index
    %get3A_12 = vector.load %arg6[%get3A_10, %get3A_11] : memref<4x160xf32, #tpu.memory_space<vmem>>, vector<4x160xf32>
    %dot_general3A = arith.constant dense<0.000000e+00> : vector<1000x160xf32>
    %dot_general3A_13 = tpu.matmul %slice3A, %get3A_12, %dot_general3A {dimension_numbers = #tpu.dot_dimension_numbers<[1], [0], [0], [1], [0, 0, 1, 1], [], []>, transpose_lhs_hint = false} : vector<1000x4xf32>, vector<4x160xf32>, vector<1000x160xf32> -> vector<1000x160xf32>
    %slice3A_14 = vector.extract_strided_slice %div3A_9 {offsets = [0, 4], sizes = [1000, 4], strides = [1, 1]} : vector<1000x8xf32> to vector<1000x4xf32>
    %get3A_15 = arith.constant 0 : index
    %get3A_16 = arith.constant 0 : index
    %get3A_17 = vector.load %arg6[%get3A_15, %get3A_16] : memref<4x160xf32, #tpu.memory_space<vmem>>, vector<4x160xf32>
    %dot_general3A_18 = arith.constant dense<0.000000e+00> : vector<1000x160xf32>
    %dot_general3A_19 = tpu.matmul %slice3A_14, %get3A_17, %dot_general3A_18 {dimension_numbers = #tpu.dot_dimension_numbers<[1], [0], [0], [1], [0, 0, 1, 1], [], []>, transpose_lhs_hint = false} : vector<1000x4xf32>, vector<4x160xf32>, vector<1000x160xf32> -> vector<1000x160xf32>
    %get3A_20 = arith.constant 0 : index
    %get3A_21 = arith.constant 0 : index
    %get3A_22 = vector.load %arg1[%get3A_20, %get3A_21] : memref<1000x160xf32, #tpu.memory_space<vmem>>, vector<1000x160xf32>
    %mul3A = arith.mulf %get3A_22, %dot_general3A_13 : vector<1000x160xf32>
    %get3A_23 = arith.constant 0 : index
    %get3A_24 = arith.constant 0 : index
    %get3A_25 = vector.load %arg2[%get3A_23, %get3A_24] : memref<1000x160xf32, #tpu.memory_space<vmem>>, vector<1000x160xf32>
    %mul3A_26 = arith.mulf %get3A_25, %dot_general3A_19 : vector<1000x160xf32>
    %get3A_27 = arith.constant 0 : index
    %get3A_28 = arith.constant 0 : index
    %get3A_29 = vector.load %arg7[%get3A_27, %get3A_28] : memref<160x320xf32, #tpu.memory_space<vmem>>, vector<160x320xf32>
    %dot_general3A_30 = arith.constant dense<0.000000e+00> : vector<1000x320xf32>
    %dot_general3A_31 = tpu.matmul %mul3A, %get3A_29, %dot_general3A_30 {dimension_numbers = #tpu.dot_dimension_numbers<[1], [0], [0], [1], [0, 0, 1, 1], [], []>, transpose_lhs_hint = false} : vector<1000x160xf32>, vector<160x320xf32>, vector<1000x320xf32> -> vector<1000x320xf32>
    %get3A_32 = arith.constant 0 : index
    %get3A_33 = arith.constant 0 : index
    %get3A_34 = vector.load %arg8[%get3A_32, %get3A_33] : memref<160x320xf32, #tpu.memory_space<vmem>>, vector<160x320xf32>
    %dot_general3A_35 = arith.constant dense<0.000000e+00> : vector<1000x320xf32>
    %dot_general3A_36 = tpu.matmul %mul3A_26, %get3A_34, %dot_general3A_35 {dimension_numbers = #tpu.dot_dimension_numbers<[1], [0], [0], [1], [0, 0, 1, 1], [], []>, transpose_lhs_hint = false} : vector<1000x160xf32>, vector<160x320xf32>, vector<1000x320xf32> -> vector<1000x320xf32>
    %add3A_37 = arith.addf %dot_general3A_31, %dot_general3A_36 : vector<1000x320xf32>
    %get3A_38 = arith.constant 0 : index
    %get3A_39 = arith.constant 0 : index
    %get3A_40 = vector.load %arg3[%get3A_38, %get3A_39] : memref<1000x320xf32, #tpu.memory_space<vmem>>, vector<1000x320xf32>
    %get3A_41 = arith.constant 0 : index
    %get3A_42 = arith.constant 0 : index
    %get3A_43 = vector.load %arg9[%get3A_41, %get3A_42] : memref<320x320xf32, #tpu.memory_space<vmem>>, vector<320x320xf32>
    %dot_general3A_44 = arith.constant dense<0.000000e+00> : vector<1000x320xf32>
    %dot_general3A_45 = tpu.matmul %get3A_40, %get3A_43, %dot_general3A_44 {dimension_numbers = #tpu.dot_dimension_numbers<[1], [0], [0], [1], [0, 0, 1, 1], [], []>, transpose_lhs_hint = false} : vector<1000x320xf32>, vector<320x320xf32>, vector<1000x320xf32> -> vector<1000x320xf32>
    %add3A_46 = arith.addf %add3A_37, %dot_general3A_45 : vector<1000x320xf32>
    %get3A_47 = arith.constant 0 : index
    %get3A_48 = arith.constant 0 : index
    %get3A_49 = vector.load %arg10[%get3A_47, %get3A_48] : memref<1x320xf32, #tpu.memory_space<vmem>>, vector<1x320xf32>
    %add3A_50 = vector.broadcast %get3A_49 : vector<1x320xf32> to vector<1000x320xf32>
    %add3A_51 = arith.addf %add3A_46, %add3A_50 : vector<1000x320xf32>
    %integer_pow3A = arith.mulf %add3A_51, %add3A_51 : vector<1000x320xf32>
    %integer_pow3A_52 = arith.mulf %add3A_51, %integer_pow3A : vector<1000x320xf32>
    %mul3A_53 = arith.constant 4.471500e-02 : f32
    %mul3A_54 = vector.broadcast %mul3A_53 : f32 to vector<1000x320xf32>
    %mul3A_55 = arith.mulf %mul3A_54, %integer_pow3A_52 : vector<1000x320xf32>
    %add3A_56 = arith.addf %add3A_51, %mul3A_55 : vector<1000x320xf32>
    %mul3A_57 = arith.constant 0.797884583 : f32
    %mul3A_58 = vector.broadcast %mul3A_57 : f32 to vector<1000x320xf32>
    %mul3A_59 = arith.mulf %mul3A_58, %add3A_56 : vector<1000x320xf32>
    %tanh3A = math.tanh %mul3A_59 : vector<1000x320xf32>
    %add3A_60 = arith.constant 1.000000e+00 : f32
    %add3A_61 = vector.broadcast %add3A_60 : f32 to vector<1000x320xf32>
    %add3A_62 = arith.addf %add3A_61, %tanh3A : vector<1000x320xf32>
    %mul3A_63 = arith.constant 5.000000e-01 : f32
    %mul3A_64 = vector.broadcast %mul3A_63 : f32 to vector<1000x320xf32>
    %mul3A_65 = arith.mulf %mul3A_64, %add3A_62 : vector<1000x320xf32>
    %mul3A_66 = arith.mulf %add3A_51, %mul3A_65 : vector<1000x320xf32>
    %get3A_67 = arith.constant 0 : index
    %get3A_68 = arith.constant 0 : index
    %get3A_69 = vector.load %arg11[%get3A_67, %get3A_68] : memref<320x40xf32, #tpu.memory_space<vmem>>, vector<320x40xf32>
    %dot_general3A_70 = arith.constant dense<0.000000e+00> : vector<1000x40xf32>
    %dot_general3A_71 = tpu.matmul %mul3A_66, %get3A_69, %dot_general3A_70 {dimension_numbers = #tpu.dot_dimension_numbers<[1], [0], [0], [1], [0, 0, 1, 1], [], []>, transpose_lhs_hint = false} : vector<1000x320xf32>, vector<320x40xf32>, vector<1000x40xf32> -> vector<1000x40xf32>
    %get3A_72 = arith.constant 0 : index
    %get3A_73 = arith.constant 0 : index
    %get3A_74 = vector.load %arg12[%get3A_72, %get3A_73] : memref<1x40xf32, #tpu.memory_space<vmem>>, vector<1x40xf32>
    %add3A_75 = vector.broadcast %get3A_74 : vector<1x40xf32> to vector<1000x40xf32>
    %add3A_76 = arith.addf %dot_general3A_71, %add3A_75 : vector<1000x40xf32>
    %swap3A = arith.constant 0 : index
    %swap3A_77 = arith.constant 0 : index
    %swap3A_78 = vector.load %arg13[%swap3A, %swap3A_77] : memref<1000x40xf32, #tpu.memory_space<vmem>>, vector<1000x40xf32>
    tpu.vector_store %arg13[%swap3A, %swap3A_77], %add3A_76 {strides = array<i32>} : memref<1000x40xf32, #tpu.memory_space<vmem>>, vector<1000x40xf32>,
    return
  }
  func.func @transform_0(%arg0: i32) -> (i32, i32) {
    %c0_i32 = arith.constant 0 : i32
    %c0_i32_0 = arith.constant 0 : i32
    return %arg0, %c0_i32 : i32, i32
  }
  func.func @transform_1(%arg0: i32) -> (i32, i32) {
    %c0_i32 = arith.constant 0 : i32
    %c0_i32_0 = arith.constant 0 : i32
    return %arg0, %c0_i32 : i32, i32
  }
  func.func @transform_2(%arg0: i32) -> (i32, i32) {
    %c0_i32 = arith.constant 0 : i32
    %c0_i32_0 = arith.constant 0 : i32
    return %arg0, %c0_i32 : i32, i32
  }
  func.func @transform_3(%arg0: i32) -> (i32, i32) {
    %c0_i32 = arith.constant 0 : i32
    %c0_i32_0 = arith.constant 0 : i32
    return %arg0, %c0_i32 : i32, i32
  }
  func.func @transform_4(%arg0: i32) -> (i32, i32) {
    %c0_i32 = arith.constant 0 : i32
    %c0_i32_0 = arith.constant 0 : i32
    return %arg0, %c0_i32 : i32, i32
  }
  func.func @transform_5(%arg0: i32) -> (i32, i32) {
    %c0_i32 = arith.constant 0 : i32
    %c0_i32_0 = arith.constant 0 : i32
    %c0_i32_1 = arith.constant 0 : i32
    return %c0_i32, %c0_i32_0 : i32, i32
  }
  func.func @transform_6(%arg0: i32) -> (i32, i32) {
    %c0_i32 = arith.constant 0 : i32
    %c0_i32_0 = arith.constant 0 : i32
    %c0_i32_1 = arith.constant 0 : i32
    return %c0_i32, %c0_i32_0 : i32, i32
  }
  func.func @transform_7(%arg0: i32) -> (i32, i32) {
    %c0_i32 = arith.constant 0 : i32
    %c0_i32_0 = arith.constant 0 : i32
    %c0_i32_1 = arith.constant 0 : i32
    return %c0_i32, %c0_i32_0 : i32, i32
  }
  func.func @transform_8(%arg0: i32) -> (i32, i32) {
    %c0_i32 = arith.constant 0 : i32
    %c0_i32_0 = arith.constant 0 : i32
    %c0_i32_1 = arith.constant 0 : i32
    return %c0_i32, %c0_i32_0 : i32, i32
  }
  func.func @transform_9(%arg0: i32) -> (i32, i32) {
    %c0_i32 = arith.constant 0 : i32
    %c0_i32_0 = arith.constant 0 : i32
    %c0_i32_1 = arith.constant 0 : i32
    return %c0_i32, %c0_i32_0 : i32, i32
  }
  func.func @transform_10(%arg0: i32) -> (i32, i32) {
    %c0_i32 = arith.constant 0 : i32
    %c0_i32_0 = arith.constant 0 : i32
    %c0_i32_1 = arith.constant 0 : i32
    return %c0_i32, %c0_i32_0 : i32, i32
  }
  func.func @transform_11(%arg0: i32) -> (i32, i32) {
    %c0_i32 = arith.constant 0 : i32
    %c0_i32_0 = arith.constant 0 : i32
    %c0_i32_1 = arith.constant 0 : i32
    return %c0_i32, %c0_i32_0 : i32, i32
  }
  func.func @transform_12(%arg0: i32) -> (i32, i32) {
    %c0_i32 = arith.constant 0 : i32
    %c0_i32_0 = arith.constant 0 : i32
    return %arg0, %c0_i32 : i32, i32
  }
}

</mosaic_0001>

<sc_bundles>
// kernel: kernel.10.cloned.1.call-start
scs
__scs_entry_jumppad:
0x0: {  	(pc) =	sbr.rel $0x88, $3  }
0x1: {  	(tag) =	ssettag $0x0;
	lr =	simm.s32 $0x1  }
0x2: {  	[smem:$0x3F8F] =	sst lr;
	_ =	strace $0xD0000000  }
0x3: {  	_ = 	snop  }
0x4: {  	_ = 	snop  }
0x5: {  	_ = 	snop  }
0x6: {  	_ = 	snop  }
0x7: {  	_ = 	snop  }
__scs_overlays_trampoline_lowered:
0x8: {  	[smem:$0x3F9E] =	sst s0  }
0x9: {  	[smem:$0x3F9F] =	sst s1  }
0xa: {  	[smem:$0x3FA0] =	sst s2  }
0xb: {  	[smem:$0x3FA1] =	sst s3  }
0xc: {  	[smem:$0x3FA2] =	sst s4  }
0xd: {  	[smem:$0x3FA3] =	sst s5  }
0xe: {  	[smem:$0x3FA4] =	sst s6  }
0xf: {  	[smem:$0x3FA5] =	sst s7  }
0x10: {  	[smem:$0x3FA6] =	sst s8  }
0x11: {  	[smem:$0x3FA7] =	sst s9;
	s0 =	simm.s32 @!p0 $0x0  }
0x12: {  	s1 =	sld [smem:$0x3F8D];
	s0 =	simm.s32 @p0 $0x1  }
0x13: {  	[smem:$0x3FA8] =	sst s0;
	s0 =	simm.s32 @!p1 $0x0  }
0x14: {  	s2 =	sld [smem:$0x3F8C];
	s0 =	simm.s32 @p1 $0x1  }
0x15: {  	[smem:$0x3FA9] =	sst s0;
	s0 =	simm.s32 @!p2 $0x0  }
0x16: {  	s3 =	sld [smem:$0x3FDB];
	s0 =	simm.s32 @p2 $0x1  }
0x17: {  	s4 =	simm.s32 $0x1BF5;
	[smem:$0x3FAB] =	sst s0  }
0x18: {  	s0 =	sld [smem:$0x3F8E];
	_ =	swait.ge [sflag:s4], $0x0  }
0x19: {  	s7 =	sld [smem:$0x3F8F]  }
0x1a: {  	s8 =	sadd.s32 $0xFFFFE003, lr  }
0x1b: {  	s9 =	sadd.s32 $0xFFFFFEF7, lr;
	s5 =	simm.s32 $0xFFFFFFFF;
	p2 =	slt.u32 s8, $0xFFFFF086  }
0x1c: {  	p1 =	slt.u32 s9, $0xF7A;
	s5 =	simm.s32 @!p2 $0x0  }
0x1d: {  	s5 =	simm.s32 @p1 $0x1;
	p0 =	seq.s32 s7, s2  }
0x1e: {  	s7 =	smul.u32 @!p0 $0xF7A, s2;
	p2 =	seq.s32 @!p0 s5, $0x0  }
0x1f: {  	s9 =	smul.u32 $0xF7A, s1;
	s8 =	simm.s32 @!p0 $0x1BF5;
	p2 =	por !p2, p0  }
0x20: {  	[sflag:s8] =	ssyncset.s32 @!p0 $0xFFFFF086;
	s6 =	sadd.s32 @!p0 s3, s7;
	s7 =	simm.s32 @!p0 $0x108  }
0x21: {  	s3 =	sadd.s32 s3, s9;
	s6 =	sadd.s32 @!p0 $0x88, s6;
	s7 =	simm.s32 @p2 $0x1082  }
0x22: {  	[simem:s7], [sflag:s8] =	dma.local @!p0 [hbm:s6], $0xF7A  }
0x23: {  	s9 =	sor.u32 $0xD0000000, s2;
	s6 =	simm.s32 $0x108;
	_ =	swait.ge @!p0 [sflag:s8], $0x0  }
0x24: {  	s3 =	sadd.s32 $0x88, s3;
	s6 =	simm.s32 @!p1 $0x1082;
	[sflag:s4] =	ssyncset.s32 $0xFFFFF086  }
0x25: {  	[simem:s6], [sflag:s4] =	dma.local [hbm:s3], $0xF7A  }
0x26: {  	[smem:$0x3F8F] =	sst s1;
	(tag) =	ssettag s2;
	_ =	strace s9  }
0x27: {  	s1 =	sld [smem:$0x3F9F]  }
0x28: {  	s2 =	sld [smem:$0x3FA0]  }
0x29: {  	s4 =	sld [smem:$0x3FA2]  }
0x2a: {  	p0 =	seq.s32 s5, $0x0;
	s5 =	sld [smem:$0x3FA3]  }
0x2b: {  	s6 =	sld [smem:$0x3FA4]  }
0x2c: {  	s7 =	sld [smem:$0x3FA5]  }
0x2d: {  	s3 =	simm.s32 $0x108;
	s8 =	sld [smem:$0x3FA6]  }
0x2e: {  	s3 =	simm.s32 @!p0 $0x1082;
	s9 =	sld [smem:$0x3FA7]  }
0x2f: {  	lr =	sadd.s32 s0, s3;
	s0 =	sld [smem:$0x3F9E]  }
0x30: {  	s3 =	sld [smem:$0x3FA1]  }
0x31: {  	[smem:$0x3FAA] =	sst s10  }
0x32: {  	s10 =	sld [smem:$0x3FA8];
	_ =	sdelay $0x3  }
0x33: {  	p0 =	seq.s32 s10, $0x1;
	s10 =	sld [smem:$0x3FAA];
	_ =	sdelay $0x3  }
0x34: {  	[smem:$0x3FAA] =	sst s10  }
0x35: {  	s10 =	sld [smem:$0x3FA9];
	_ =	sdelay $0x3  }
0x36: {  	p1 =	seq.s32 s10, $0x1;
	s10 =	sld [smem:$0x3FAA];
	_ =	sdelay $0x3  }
0x37: {  	[smem:$0x3FAA] =	sst s10  }
0x38: {  	s10 =	sld [smem:$0x3FAB]  }
0x39: {  	_ = 	snop;
	(pc) =	sbr.ind lr, $3  }
0x3a: {  	_ = 	snop  }
0x3b: {  	_ = 	snop  }
0x3c: {  	p2 =	seq.s32 s10, $0x1;
	s10 =	sld [smem:$0x3FAA]  }
0x3d: {  	_ =	shalt  }
0x3e: {  	_ =	shalt  }
0x3f: {  	_ =	shalt  }
0x40: {  	_ =	shalt  }
0x41: {  	_ =	shalt  }
0x42: {  	_ =	shalt  }
0x43: {  	_ =	shalt  }
0x44: {  	_ =	shalt  }
0x45: {  	_ =	shalt  }
0x46: {  	_ =	shalt  }
0x47: {  	_ =	shalt  }
0x48: {  	_ =	shalt  }
0x49: {  	_ =	shalt  }
0x4a: {  	_ =	shalt  }
0x4b: {  	_ =	shalt  }
0x4c: {  	_ =	shalt  }
0x4d: {  	_ =	shalt  }
0x4e: {  	_ =	shalt  }
0x4f: {  	_ =	shalt  }
0x50: {  	_ =	shalt  }
0x51: {  	_ =	shalt  }
0x52: {  	_ =	shalt  }
0x53: {  	_ =	shalt  }
0x54: {  	_ =	shalt  }
0x55: {  	_ =	shalt  }
0x56: {  	_ =	shalt  }
0x57: {  	_ =	shalt  }
0x58: {  	_ =	shalt  }
0x59: {  	_ =	shalt  }
0x5a: {  	_ =	shalt  }
0x5b: {  	_ =	shalt  }
0x5c: {  	_ =	shalt  }
0x5d: {  	_ =	shalt  }
0x5e: {  	_ =	shalt  }
0x5f: {  	_ =	shalt  }
0x60: {  	_ =	shalt  }
0x61: {  	_ =	shalt  }
0x62: {  	_ =	shalt  }
0x63: {  	_ =	shalt  }
0x64: {  	_ =	shalt  }
0x65: {  	_ =	shalt  }
0x66: {  	_ =	shalt  }
0x67: {  	_ =	shalt  }
0x68: {  	_ =	shalt  }
0x69: {  	_ =	shalt  }
0x6a: {  	_ =	shalt  }
0x6b: {  	_ =	shalt  }
0x6c: {  	_ =	shalt  }
0x6d: {  	_ =	shalt  }
0x6e: {  	_ =	shalt  }
0x6f: {  	_ =	shalt  }
0x70: {  	_ =	shalt  }
0x71: {  	_ =	shalt  }
0x72: {  	_ =	shalt  }
0x73: {  	_ =	shalt  }
0x74: {  	_ =	shalt  }
0x75: {  	_ =	shalt  }
0x76: {  	_ =	shalt  }
0x77: {  	_ =	shalt  }
0x78: {  	_ =	shalt  }
0x79: {  	_ =	shalt  }
0x7a: {  	_ =	shalt  }
0x7b: {  	_ =	shalt  }
0x7c: {  	_ =	shalt  }
0x7d: {  	_ =	shalt  }
0x7e: {  	_ =	shalt  }
0x7f: {  	_ =	shalt  }
0x80: {  	_ =	shalt  }
0x81: {  	_ =	shalt  }
0x82: {  	_ =	shalt  }
0x83: {  	_ =	shalt  }
0x84: {  	_ =	shalt  }
0x85: {  	_ =	shalt  }
0x86: {  	_ =	shalt  }
0x87: {  	_ =	shalt  }
.Lfunc_end0:
.L_simem_size_0:
called_computation_lowered:
.L_overlay_start_0:
0x88: {  	s2 =	sld [smem:$0x3FD9]  }
0x89: {  	s3 =	sld [smem:$0x3FFE];
	_ =	sdelay $0x1  }
0x8a: {  	s1 =	srdreg.scid  }
0x8b: {  	s0 =	sand.u32 $0x1, s1  }
0x8c: {  	s17 =	sshll.u32 s0, $0xA;
	s2 =	sadd.s32 s3, s2  }
0x8d: {  	s2 =	sadd.s32 s2, s17  }
0x8e: {  	[smem:$0x3FB6] =	sst s2  }
0x8f: {  	_ = 	snop  }
0x90: {  	s2 =	sld [smem:$0x3FD0];
	(tm) =	ssettm $0x1  }
0x91: {  	s18 =	sld [smem:$0x3FFB];
	_ =	sdelay $0x3  }
0x92: {  	_ =	strace s18  }
0x93: {  	s3 =	sld [smem:$0x3FFC];
	_ =	sdelay $0x3  }
0x94: {  	_ =	strace s3  }
0x95: {  	s3 =	sld [smem:$0x3FFD];
	_ =	sdelay $0x3  }
0x96: {  	_ =	strace s3  }
0x97: {  	_ =	strace $0x8FFFFFFF  }
0x98: {  	s19 =	sld [smem:$0x3FDB];
	_ =	sdelay $0x1  }
0x99: {  	s4 =	simm.s32 $_scs_section_size  }
0x9a: {  	s5 =	simm.s32 $_size__tile_overlayer_lowered;
	s6 =	simm.s32 $_tile_overlayer_lowered  }
0x9b: {  	s22 =	simm.s32 $0x1BFF;
	s21 =	sshll.u32 s6, $0x1;
	s3 =	sadd.s32 s4, s19  }
0x9c: {  	s7 =	simm.s32 $0x0;
	s20 =	sshll.u32 s5, $0x1;
	s5 =	sadd.s32 s21, s3  }
0x9d: {  	[timem:s7], [sflag:s22] =	dma.local [hbm:s5], s20  }
0x9e: {  	_ =	swait.ge [sflag:s22], s20  }
0x9f: {  	s4 =	ssub.s32 $0x0, s20;
	[sflag:s22] =	ssyncset.done $0x0  }
0xa0: {  	[sflag:s22] =	ssyncadd.s32 s4;
	_ =	sdelay $0x1  }
0xa1: {  	s23 =	simm.s32 $0x1B8B  }
0xa2: {  	_ =	swait.ge [sflag:s23], $0x1  }
0xa3: {  	[sflag:s23] =	ssyncset.done $0x0  }
0xa4: {  	s25 =	simm.s32 $0x1B8E;
	s24 =	sld [smem:$0x3FFE];
	[sflag:s23] =	ssyncadd.s32 $0xFFFFFFFF  }
0xa5: {  	s26 =	simm.s32 $execute0_lowered;
	[smem:$0x3FD2] =	sst s25  }
0xa6: {  	s5 =	sshll.u32 s26, $0x1;
	_ =	strace $0x80000046;
	[dreg:$0x1] =	wrdreg $0xFFFFFFFF  }
0xa7: {  	s28 =	simm.s32 $_size_execute0_lowered;
	s3 =	sadd.s32 s3, s5;
	[dreg:$0x0] =	wrdreg $0x0  }
0xa8: {  	s5 =	sshll.u32 s28, $0x1;
	[dreg:$0x2] =	wrdreg s3  }
0xa9: {  	[dreg:$0x3] =	wrdreg s5  }
0xaa: {  	[dreg:$0x4] =	wrdreg $0xC0  }
0xab: {  	_ =	task [dreg:s7], $0x5FFFF  }
0xac: {  	[dreg:$0x1] =	wrdreg $0xFFFFFFFF  }
0xad: {  	[dreg:$0x0] =	wrdreg $0x60  }
0xae: {  	[dreg:$0x2] =	wrdreg s24  }
0xaf: {  	[dreg:$0x3] =	wrdreg s2  }
0xb0: {  	[dreg:$0x4] =	wrdreg $0x19000  }
0xb1: {  	[dreg:$0x5] =	wrdreg $0x9  }
0xb2: {  	_ =	task.clear_ibuf [dreg:s7], $0x6FFFF;
	_ =	strace $0x90000046  }
0xb3: {  	s29 =	simm.s32 $0x9;
	_ =	strace $0x80000048  }
0xb4: {  	_ =	swait.ge [sflag:s29], $0x1  }
0xb5: {  	[sflag:s29] =	ssyncadd.s32 $0xFFFFFFFF  }
0xb6: {  	_ =	strace $0x90000048  }
0xb7: {  	_ =	sfence  }
0xb8: {  	s30 =	sld [smem:$0x0];
	_ =	sdelay $0x2  }
0xb9: {  	s31 =	sshll.u32 s1, $0xD;
	s1 =	sshrl.u32 s1, $0x2  }
0xba: {  	s3 =	sand.u32 $0x4000, s31;
	s1 =	sadd.s32 s1, s30  }
0xbb: {  	s0 =	sor.u32 s3, s0;
	s1 =	sshll.u32 s1, $0x11  }
0xbc: {  	s0 =	sor.u32 s1, s0  }
0xbd: {  	s0 =	sadd.s32 $0x8F2B, s0  }
0xbe: {  	[sflag:s0] =	ssyncadd.remote.s32 $0x1  }
0xbf: {  	_ =	sfence.sel $0xFFFF  }
0xc0: {  	[dreg:$0x0] =	wrdreg $0xFFFFFFFF;
	(pc) =	sbr.abs _section_cstart, $3  }
0xc1: {  	[dreg:$0x1] =	wrdreg $0xFFFFFFFF  }
0xc2: {  	_ =	task.clear_ibuf [dreg:s7], $0x2FFFF;
	_ =	strace $0x9FFFFFFF  }
0xc3: {  	(tm) =	ssettm $0x7FFFFFFF  }
tec
execute0_lowered:
.L_overlay_start_1:
0x0: {  	(tag) =	ssettag $0x1  }
0x1: {  	s8 =	rddreg [dreg:$0x0]  }
0x2: {  	s16 =	rddreg [dreg:$0x1]  }
0x3: {  	s1 =	rddreg [dreg:$0x2];
	s2 =	simm.s32 $0x0  }
0x4: {  	s7 =	srdreg.scid;
	s3 =	stileid.u32;
	s21 =	simm.s32 $0x100  }
0x5: {  	s22 =	simm.s32 $0x900;
	s23 =	simm.s32 $0x0;
	[smem:$0x7FF] =	sst s2  }
0x6: {  	s4 =	sadd.s32 $0x5600, s8;
	s5 =	sadd.s32 $0xA600, s8;
	s6 =	sadd.s32 $0xF600, s8  }
0x7: {  	s12 =	sand.u32 $0x1, s7;
	s9 =	smul.u32 $0xA000, s3;
	s7 =	sadd.s32 $0x19400, s8  }
0x8: {  	s8 =	sadd.s32 $0x23200, s8;
	s17 =	smul.u32 $0x500, s3;
	_ =	strace $0x80000047  }
0x9: {  	s10 =	ssub.s32 $0x2, s12;
	s13 =	sshll.u32 s12, $0x4;
	s20 =	smul.u32 $0x5000, s12  }
0xa: {  	s11 =	sshrl.u32 s10, $0x1;
	s9 =	sshrl.u32 s9, $0x2;
	s15 =	sor.u32 s3, s13  }
0xb: {  	s9 =	sadd.s32 s9, s1;
	s18 =	ssub.s32 s10, s11;
	s14 =	smul.u32 $0x4E, s15  }
0xc: {  	s19 =	smin.u32 s15, $0x4;
	p0 =	slt.u32 s15, $0x4;
	s15 =	simm.s32 $0x4F  }
0xd: {  	s17 =	sadd.s32 s17, s20;
	s20 =	simm.s32 $0x80;
	s10 =	sadd.s32 $0x800, s9  }
0xe: {  	s11 =	sadd.s32 $0x1000, s9;
	s12 =	sadd.s32 $0x1800, s9;
	s13 =	sadd.s32 $0x2000, s9  }
0xf: {  	s15 =	simm.s32 @!p0 $0x4E;
	s16 =	sadd.s32 s16, s17;
	s17 =	smax.u32 s18, $0x1  }
0x10: {  	v0 =	vimm.f32 $0.0e+00;
	s18 =	simm.s32 $0x1100;
	s14 =	sadd.s32 s19, s14;
	s19 =	simm.s32 $0x1  }
.LBB2_1:
0x11: {  	s24 =	simm.s32 $0x40;
	s25 =	simm.s32 $0x0  }
.LBB2_2:
0x12: {  	p0 =	sne.s32 s24, $0x1FC0;
	[tilespmem:s25+$0x1100] =	vst v0;
	s25 =	smov.u32 s24;
	s24 =	sadd.s32 $0x40, s24  }
.Ltmp0:
0x13: {  	(pc) =	sbr.rel @p0 .LBB2_2-.Ltmp0, $2  }
0x14: {  	_ =	sdelay $0x2  }
0x15: {  	s25 =	sshra.s32 s25, $0x2  }
0x16: {  	[tilespmem:s25+$0x1100] =	vst v0  }
0x17: {  	[spmem:s9] =	stream.linear.scatter [tilespmem:s18], [sflag:$0x1], $0x800, $0x38;
	[tilespmem:$0x4100] =	vst v63  }
0x18: {  	_ =	swait.ge [sflag:s19], $0x800  }
0x19: {  	[sflag:s19] =	ssyncset.done $0x0  }
0x1a: {  	[sflag:s19] =	ssyncadd.s32 $0xFFFFF800  }
0x1b: {  	[spmem:s10] =	stream.linear.scatter [tilespmem:s18], [sflag:$0x1], $0x800, $0x38;
	[tilespmem:$0x4100] =	vst v63  }
0x1c: {  	_ =	swait.ge [sflag:s19], $0x800  }
0x1d: {  	[sflag:s19] =	ssyncset.done $0x0  }
0x1e: {  	[sflag:s19] =	ssyncadd.s32 $0xFFFFF800  }
0x1f: {  	[spmem:s11] =	stream.linear.scatter [tilespmem:s18], [sflag:$0x1], $0x800, $0x38;
	[tilespmem:$0x4100] =	vst v63  }
0x20: {  	_ =	swait.ge [sflag:s19], $0x800  }
0x21: {  	[sflag:s19] =	ssyncset.done $0x0  }
0x22: {  	[sflag:s19] =	ssyncadd.s32 $0xFFFFF800  }
0x23: {  	[spmem:s12] =	stream.linear.scatter [tilespmem:s18], [sflag:$0x1], $0x800, $0x38;
	[tilespmem:$0x4100] =	vst v63  }
0x24: {  	_ =	swait.ge [sflag:s19], $0x800  }
0x25: {  	[sflag:s19] =	ssyncset.done $0x0  }
0x26: {  	[sflag:s19] =	ssyncadd.s32 $0xFFFFF800  }
0x27: {  	[spmem:s13] =	stream.linear.scatter [tilespmem:s18], [sflag:$0x1], $0x800, $0x38;
	[tilespmem:$0x4100] =	vst v63  }
0x28: {  	_ =	swait.ge [sflag:s19], $0x800  }
0x29: {  	[sflag:s19] =	ssyncset.done $0x0  }
0x2a: {  	[sflag:s19] =	ssyncadd.s32 $0xFFFFF800  }
0x2b: {  	s24 =	simm.s32 $0x0;
	s25 =	simm.s32 $0x0;
	[bflag:$0x0] =	sbarrier.arrive $0xFFFF  }
.LBB2_4:
0x2c: {  	s26 =	sadd.s32 s25, s14  }
0x2d: {  	s28 =	sshll.u32 s26, $0x4  }
0x2e: {  	s28 =	sand.u32 $0x1FFFFFF0, s28  }
0x2f: {  	s29 =	sadd.s32 s6, s28  }
0x30: {  	[tilespmem:s24], [sflag:$0x1] =	stream.linear.gather [hbm4b:s29+s24], $0x80, $0x38;
	[tilespmem:$0x4100] =	vst v63  }
0x31: {  	_ =	swait.ge [sflag:s19], $0x80  }
0x32: {  	[sflag:s19] =	ssyncset.done $0x0  }
0x33: {  	s28 =	sadd.s32 s7, s28;
	[sflag:s19] =	ssyncadd.s32 $0xFFFFFF80  }
0x34: {  	[tilespmem:s20], [sflag:$0x1] =	stream.linear.gather [hbm4b:s28+s24], $0x80, $0x38;
	[tilespmem:$0x4100] =	vst v63  }
0x35: {  	_ =	swait.ge [sflag:s19], $0x80  }
0x36: {  	[sflag:s19] =	ssyncset.done $0x0  }
0x37: {  	[sflag:s19] =	ssyncadd.s32 $0xFFFFFF80  }
0x38: {  	[tilespmem:s21], [sflag:$0x1] =	stream.indirect.gather [hbm4b:s4+s20], $0x10, s24, s20, $0xb8;
	[tilespmem:$0x4100] =	vst v63  }
0x39: {  	_ =	swait.ge [sflag:s19], $0x800  }
0x3a: {  	[sflag:s19] =	ssyncset.done $0x0  }
0x3b: {  	[sflag:s19] =	ssyncadd.s32 $0xFFFFF800  }
0x3c: {  	[tilespmem:s21], [sflag:$0x1] =	stream.indirect.gather.add.f32 [hbm:s5], $0x10, s20, s20, $0xb8;
	[tilespmem:$0x4100] =	vst v63  }
0x3d: {  	_ =	swait.ge [sflag:s19], $0x800  }
0x3e: {  	[sflag:s19] =	ssyncset.done $0x0  }
0x3f: {  	s29 =	simm.s32 $0x0;
	[sflag:s19] =	ssyncadd.s32 $0xFFFFF800  }
0x40: {  	v1 =	vld [tilespmem:s29+$0x100];
	_ =	sdelay $0x1  }
0x41: {  	s28 =	simm.s32 $0x10  }
0x42: {  	v2 =	vld [tilespmem:s28+$0x100];
	_ =	sdelay $0x1  }
0x43: {  	v3 =	vmul.f32 $2.000000030e-01, v1  }
0x44: {  	vm0 =	vgt.f32 v1, $0.0e+00  }
0x45: {  	v1 =	vsel vm0, v1, v3  }
0x46: {  	v4 =	vmul.f32 $2.000000030e-01, v2;
	v1 =	vmul.f32 $1.442695020e+00, v1  }
0x47: {  	vm15 =	vgt.f32 v2, $0.0e+00  }
0x48: {  	v2 =	vsel vm15, v2, v4;
	(erf) = vpow2.f32 v1  }
0x49: {  	s30 =	simm.s32 $0x20;
	v2 =	vmul.f32 $1.442695020e+00, v2  }
0x4a: {  	v1 =	vld [tilespmem:s30+$0x100]  }
0x4b: {  	(erf) = vpow2.f32 v2;
	_ =	sdelay $0x2  }
0x4c: {  	s31 =	simm.s32 $0xC0  }
.LBB2_5:
0x4d: {  	s0 =	sshra.s32 s31, $0x2;
	p0 =	sne.s32 s31, $0x1FC0;
	s31 =	sadd.s32 $0x40, s31;
	v2 =	vmul.f32 $2.000000030e-01, v1;
	v4 =	vmov v1  }
.Ltmp1:
0x4e: {  	v1 =	vld [tilespmem:s0+$0x100];
	vm0 =	vgt.f32 v4, $0.0e+00;
	(pc) =	sbr.rel @p0 .LBB2_5-.Ltmp1, $4  }
0x4f: {  	v2 =	vsel vm0, v4, v2;
	v3 =	vpop (erf)  }
0x50: {  	v2 =	vmul.f32 $1.442695020e+00, v2;
	[tilespmem:s29+$0x900] =	vst v3;
	s29 =	smov.u32 s28;
	s28 =	smov.u32 s30;
	s30 =	smov.u32 s0  }
0x51: {  	_ = 	snop  }
0x52: {  	(erf) = vpow2.f32 v2  }
0x53: {  	v2 =	vmul.f32 $2.000000030e-01, v1  }
0x54: {  	vm0 =	vgt.f32 v1, $0.0e+00  }
0x55: {  	v1 =	vsel vm0, v1, v2  }
0x56: {  	v1 =	vmul.f32 $1.442695020e+00, v1;
	_ =	sdelay $0x1  }
0x57: {  	(erf) = vpow2.f32 v1;
	_ =	sdelay $0x6  }
0x58: {  	v1 =	vpop (erf)  }
0x59: {  	s0 =	sshll.u32 s26, $0x8;
	[tilespmem:s29+$0x900] =	vst v1;
	v1 =	vpop (erf)  }
0x5a: {  	s0 =	sand.u32 $0x1FFFFF00, s0;
	[tilespmem:s28+$0x900] =	vst v1;
	v1 =	vpop (erf)  }
0x5b: {  	s0 =	sadd.s32 s8, s0;
	[tilespmem:s30+$0x900] =	vst v1  }
0x5c: {  	[hbm4b:s0+s2] =	stream.linear.scatter [tilespmem:s22], [sflag:$0x1], $0x800, $0x38;
	[tilespmem:$0x4100] =	vst v63  }
0x5d: {  	s25 =	sadd.s32 $0x1, s25;
	_ =	swait.ge [sflag:s19], $0x800  }
0x5e: {  	p0 =	sne.s32 s25, s15;
	[sflag:s19] =	ssyncset.done $0x0  }
.Ltmp2:
0x5f: {  	[sflag:s19] =	ssyncadd.s32 $0xFFFFF800;
	(pc) =	sbr.rel @p0 .LBB2_4-.Ltmp2, $4  }
0x60: {  	[spmem:s1] =	stream.indirect.scatter.add.f32 [tilespmem:s22], [sflag:$0x1], $0x10, s20, s20, $0xb8;
	[tilespmem:$0x4100] =	vst v63  }
0x61: {  	_ =	swait.ge [sflag:s19], $0x800  }
0x62: {  	[sflag:s19] =	ssyncset.done $0x0  }
0x63: {  	[sflag:s19] =	ssyncadd.s32 $0xFFFFF800  }
0x64: {  	s23 =	sadd.s32 $0x1, s23  }
0x65: {  	s0 =	sshll.u32 s3, $0x6;
	[bflag:$0x0] =	sbarrier.arrive $0xFFFF;
	p0 =	sne.s32 s23, s17  }
.Ltmp3:
0x66: {  	s24 =	sshrl.u32 s9, $0x3;
	s0 =	sor.u32 $0x1C01, s0;
	(pc) =	sbr.rel @p0 .LBB2_1-.Ltmp3, $4  }
0x67: {  	[hbm:s16], [sflag:s0] =	dma.local [spmem:s24], $0x500  }
0x68: {  	_ =	swait.ge [sflag:s19], $0x500  }
0x69: {  	[sflag:s19] =	ssyncset.done $0x0  }
0x6a: {  	[sflag:s19] =	ssyncadd.s32 $0xFFFFFB00  }
0x6b: {  	_ =	sfence.sel $0x180000  }
0x6c: {  	[bflag:$0x0] =	sbarrier.arrive $0xFFFF  }
0x6d: {  	_ =	strace $0x90000047  }
0x6e: {  	[bflag:$0x2] =	sbarrier.arrive $0xFFFF  }
0x6f: {  	p0 =	sne.s32 s3, $0x0;
	s0 =	rddreg [dreg:$0x3]  }
0x70: {  	s0 =	sadd.s32 @!p0 $0x100000, s0  }
0x71: {  	[sflag:s0] =	ssyncadd.tile.s32 @!p0 $0x1;
	_ =	shalt  }
.Lfunc_end2:
_tile_overlayer_lowered:
.L_overlay_start_2:
0x72: {  	(tag) =	ssettag $0x2  }
0x73: {  	s0 =	rddreg [dreg:$0x0];
	s2 =	stileid.u32  }
0x74: {  	s1 =	rddreg [dreg:$0x1];
	p0 =	sne.s32 s2, $0x0  }
0x75: {  	s3 =	rddreg [dreg:$0x2];
	[bflag:$0x3] =	sbarrier.arrive $0xFFFF;
	s2 =	simm.s32 @!p0 $0x1C01  }
0x76: {  	[timem:s3], [sflag:s2] =	dma.local @!p0 [hbm:s0], s1  }
0x77: {  	s0 =	simm.s32 @!p0 $0x1  }
0x78: {  	_ =	swait.ge @!p0 [sflag:s0], s1  }
0x79: {  	s1 =	ssub.s32 @!p0 $0x0, s1;
	[sflag:s0] =	ssyncset.done @!p0 $0x0  }
0x7a: {  	[sflag:s0] =	ssyncadd.s32 @!p0 s1  }
0x7b: {  	[bflag:$0x3] =	sbarrier.arrive $0xFFFF  }
0x7c: {  	_ =	shalt  }

// kernel: kernel.13.cloned.1.call-start
scs
__scs_entry_jumppad:
0x0: {  	(pc) =	sbr.rel $0x88, $3  }
0x1: {  	(tag) =	ssettag $0x0;
	lr =	simm.s32 $0x1  }
0x2: {  	[smem:$0x3F8F] =	sst lr;
	_ =	strace $0xD0000000  }
0x3: {  	_ = 	snop  }
0x4: {  	_ = 	snop  }
0x5: {  	_ = 	snop  }
0x6: {  	_ = 	snop  }
0x7: {  	_ = 	snop  }
__scs_overlays_trampoline_lowered:
0x8: {  	[smem:$0x3F9E] =	sst s0  }
0x9: {  	[smem:$0x3F9F] =	sst s1  }
0xa: {  	[smem:$0x3FA0] =	sst s2  }
0xb: {  	[smem:$0x3FA1] =	sst s3  }
0xc: {  	[smem:$0x3FA2] =	sst s4  }
0xd: {  	[smem:$0x3FA3] =	sst s5  }
0xe: {  	[smem:$0x3FA4] =	sst s6  }
0xf: {  	[smem:$0x3FA5] =	sst s7  }
0x10: {  	[smem:$0x3FA6] =	sst s8  }
0x11: {  	[smem:$0x3FA7] =	sst s9;
	s0 =	simm.s32 @!p0 $0x0  }
0x12: {  	s1 =	sld [smem:$0x3F8D];
	s0 =	simm.s32 @p0 $0x1  }
0x13: {  	[smem:$0x3FA8] =	sst s0;
	s0 =	simm.s32 @!p1 $0x0  }
0x14: {  	s2 =	sld [smem:$0x3F8C];
	s0 =	simm.s32 @p1 $0x1  }
0x15: {  	[smem:$0x3FA9] =	sst s0;
	s0 =	simm.s32 @!p2 $0x0  }
0x16: {  	s3 =	sld [smem:$0x3FDB];
	s0 =	simm.s32 @p2 $0x1  }
0x17: {  	s4 =	simm.s32 $0x1BF5;
	[smem:$0x3FAB] =	sst s0  }
0x18: {  	s0 =	sld [smem:$0x3F8E];
	_ =	swait.ge [sflag:s4], $0x0  }
0x19: {  	s7 =	sld [smem:$0x3F8F]  }
0x1a: {  	s8 =	sadd.s32 $0xFFFFE003, lr  }
0x1b: {  	s9 =	sadd.s32 $0xFFFFFEF7, lr;
	s5 =	simm.s32 $0xFFFFFFFF;
	p2 =	slt.u32 s8, $0xFFFFF086  }
0x1c: {  	p1 =	slt.u32 s9, $0xF7A;
	s5 =	simm.s32 @!p2 $0x0  }
0x1d: {  	s5 =	simm.s32 @p1 $0x1;
	p0 =	seq.s32 s7, s2  }
0x1e: {  	s7 =	smul.u32 @!p0 $0xF7A, s2;
	p2 =	seq.s32 @!p0 s5, $0x0  }
0x1f: {  	s9 =	smul.u32 $0xF7A, s1;
	s8 =	simm.s32 @!p0 $0x1BF5;
	p2 =	por !p2, p0  }
0x20: {  	[sflag:s8] =	ssyncset.s32 @!p0 $0xFFFFF086;
	s6 =	sadd.s32 @!p0 s3, s7;
	s7 =	simm.s32 @!p0 $0x108  }
0x21: {  	s3 =	sadd.s32 s3, s9;
	s6 =	sadd.s32 @!p0 $0x88, s6;
	s7 =	simm.s32 @p2 $0x1082  }
0x22: {  	[simem:s7], [sflag:s8] =	dma.local @!p0 [hbm:s6], $0xF7A  }
0x23: {  	s9 =	sor.u32 $0xD0000000, s2;
	s6 =	simm.s32 $0x108;
	_ =	swait.ge @!p0 [sflag:s8], $0x0  }
0x24: {  	s3 =	sadd.s32 $0x88, s3;
	s6 =	simm.s32 @!p1 $0x1082;
	[sflag:s4] =	ssyncset.s32 $0xFFFFF086  }
0x25: {  	[simem:s6], [sflag:s4] =	dma.local [hbm:s3], $0xF7A  }
0x26: {  	[smem:$0x3F8F] =	sst s1;
	(tag) =	ssettag s2;
	_ =	strace s9  }
0x27: {  	s1 =	sld [smem:$0x3F9F]  }
0x28: {  	s2 =	sld [smem:$0x3FA0]  }
0x29: {  	s4 =	sld [smem:$0x3FA2]  }
0x2a: {  	p0 =	seq.s32 s5, $0x0;
	s5 =	sld [smem:$0x3FA3]  }
0x2b: {  	s6 =	sld [smem:$0x3FA4]  }
0x2c: {  	s7 =	sld [smem:$0x3FA5]  }
0x2d: {  	s3 =	simm.s32 $0x108;
	s8 =	sld [smem:$0x3FA6]  }
0x2e: {  	s3 =	simm.s32 @!p0 $0x1082;
	s9 =	sld [smem:$0x3FA7]  }
0x2f: {  	lr =	sadd.s32 s0, s3;
	s0 =	sld [smem:$0x3F9E]  }
0x30: {  	s3 =	sld [smem:$0x3FA1]  }
0x31: {  	[smem:$0x3FAA] =	sst s10  }
0x32: {  	s10 =	sld [smem:$0x3FA8];
	_ =	sdelay $0x3  }
0x33: {  	p0 =	seq.s32 s10, $0x1;
	s10 =	sld [smem:$0x3FAA];
	_ =	sdelay $0x3  }
0x34: {  	[smem:$0x3FAA] =	sst s10  }
0x35: {  	s10 =	sld [smem:$0x3FA9];
	_ =	sdelay $0x3  }
0x36: {  	p1 =	seq.s32 s10, $0x1;
	s10 =	sld [smem:$0x3FAA];
	_ =	sdelay $0x3  }
0x37: {  	[smem:$0x3FAA] =	sst s10  }
0x38: {  	s10 =	sld [smem:$0x3FAB]  }
0x39: {  	_ = 	snop;
	(pc) =	sbr.ind lr, $3  }
0x3a: {  	_ = 	snop  }
0x3b: {  	_ = 	snop  }
0x3c: {  	p2 =	seq.s32 s10, $0x1;
	s10 =	sld [smem:$0x3FAA]  }
0x3d: {  	_ =	shalt  }
0x3e: {  	_ =	shalt  }
0x3f: {  	_ =	shalt  }
0x40: {  	_ =	shalt  }
0x41: {  	_ =	shalt  }
0x42: {  	_ =	shalt  }
0x43: {  	_ =	shalt  }
0x44: {  	_ =	shalt  }
0x45: {  	_ =	shalt  }
0x46: {  	_ =	shalt  }
0x47: {  	_ =	shalt  }
0x48: {  	_ =	shalt  }
0x49: {  	_ =	shalt  }
0x4a: {  	_ =	shalt  }
0x4b: {  	_ =	shalt  }
0x4c: {  	_ =	shalt  }
0x4d: {  	_ =	shalt  }
0x4e: {  	_ =	shalt  }
0x4f: {  	_ =	shalt  }
0x50: {  	_ =	shalt  }
0x51: {  	_ =	shalt  }
0x52: {  	_ =	shalt  }
0x53: {  	_ =	shalt  }
0x54: {  	_ =	shalt  }
0x55: {  	_ =	shalt  }
0x56: {  	_ =	shalt  }
0x57: {  	_ =	shalt  }
0x58: {  	_ =	shalt  }
0x59: {  	_ =	shalt  }
0x5a: {  	_ =	shalt  }
0x5b: {  	_ =	shalt  }
0x5c: {  	_ =	shalt  }
0x5d: {  	_ =	shalt  }
0x5e: {  	_ =	shalt  }
0x5f: {  	_ =	shalt  }
0x60: {  	_ =	shalt  }
0x61: {  	_ =	shalt  }
0x62: {  	_ =	shalt  }
0x63: {  	_ =	shalt  }
0x64: {  	_ =	shalt  }
0x65: {  	_ =	shalt  }
0x66: {  	_ =	shalt  }
0x67: {  	_ =	shalt  }
0x68: {  	_ =	shalt  }
0x69: {  	_ =	shalt  }
0x6a: {  	_ =	shalt  }
0x6b: {  	_ =	shalt  }
0x6c: {  	_ =	shalt  }
0x6d: {  	_ =	shalt  }
0x6e: {  	_ =	shalt  }
0x6f: {  	_ =	shalt  }
0x70: {  	_ =	shalt  }
0x71: {  	_ =	shalt  }
0x72: {  	_ =	shalt  }
0x73: {  	_ =	shalt  }
0x74: {  	_ =	shalt  }
0x75: {  	_ =	shalt  }
0x76: {  	_ =	shalt  }
0x77: {  	_ =	shalt  }
0x78: {  	_ =	shalt  }
0x79: {  	_ =	shalt  }
0x7a: {  	_ =	shalt  }
0x7b: {  	_ =	shalt  }
0x7c: {  	_ =	shalt  }
0x7d: {  	_ =	shalt  }
0x7e: {  	_ =	shalt  }
0x7f: {  	_ =	shalt  }
0x80: {  	_ =	shalt  }
0x81: {  	_ =	shalt  }
0x82: {  	_ =	shalt  }
0x83: {  	_ =	shalt  }
0x84: {  	_ =	shalt  }
0x85: {  	_ =	shalt  }
0x86: {  	_ =	shalt  }
0x87: {  	_ =	shalt  }
.Lfunc_end0:
.L_simem_size_0:
called_computation.1_lowered:
.L_overlay_start_0:
0x88: {  	s2 =	sld [smem:$0x3FD9]  }
0x89: {  	s3 =	sld [smem:$0x3FFE];
	_ =	sdelay $0x1  }
0x8a: {  	s1 =	srdreg.scid  }
0x8b: {  	s0 =	sand.u32 $0x1, s1  }
0x8c: {  	s16 =	sshll.u32 s0, $0xA;
	s2 =	sadd.s32 s3, s2  }
0x8d: {  	s2 =	sadd.s32 s2, s16  }
0x8e: {  	[smem:$0x3FB6] =	sst s2  }
0x8f: {  	_ = 	snop  }
0x90: {  	(tm) =	ssettm $0x1  }
0x91: {  	s17 =	sld [smem:$0x3FFB];
	_ =	sdelay $0x3  }
0x92: {  	_ =	strace s17  }
0x93: {  	s2 =	sld [smem:$0x3FFC];
	_ =	sdelay $0x3  }
0x94: {  	_ =	strace s2  }
0x95: {  	s2 =	sld [smem:$0x3FFD];
	_ =	sdelay $0x3  }
0x96: {  	_ =	strace s2  }
0x97: {  	_ =	strace $0x8FFFFFFF  }
0x98: {  	s18 =	sld [smem:$0x3FDB];
	_ =	sdelay $0x1  }
0x99: {  	s19 =	simm.s32 $_scs_section_size  }
0x9a: {  	s4 =	simm.s32 $_size__tile_overlayer_lowered;
	s5 =	simm.s32 $_tile_overlayer_lowered  }
0x9b: {  	s22 =	simm.s32 $0x1BFF;
	s21 =	sshll.u32 s5, $0x1;
	s2 =	sadd.s32 s19, s18  }
0x9c: {  	s6 =	simm.s32 $0x0;
	s20 =	sshll.u32 s4, $0x1;
	s4 =	sadd.s32 s21, s2  }
0x9d: {  	[timem:s6], [sflag:s22] =	dma.local [hbm:s4], s20  }
0x9e: {  	_ =	swait.ge [sflag:s22], s20  }
0x9f: {  	s3 =	ssub.s32 $0x0, s20;
	[sflag:s22] =	ssyncset.done $0x0  }
0xa0: {  	[sflag:s22] =	ssyncadd.s32 s3;
	_ =	sdelay $0x1  }
0xa1: {  	s23 =	simm.s32 $0x1B8B  }
0xa2: {  	_ =	swait.ge [sflag:s23], $0x1  }
0xa3: {  	[sflag:s23] =	ssyncset.done $0x0  }
0xa4: {  	s25 =	simm.s32 $0x1B8E;
	s24 =	sld [smem:$0x3FFE];
	[sflag:s23] =	ssyncadd.s32 $0xFFFFFFFF  }
0xa5: {  	s26 =	simm.s32 $execute0_lowered;
	[smem:$0x3FD2] =	sst s25  }
0xa6: {  	s4 =	sshll.u32 s26, $0x1;
	_ =	strace $0x80000049;
	[dreg:$0x1] =	wrdreg $0xFFFFFFFF  }
0xa7: {  	s28 =	simm.s32 $_size_execute0_lowered;
	s2 =	sadd.s32 s2, s4;
	[dreg:$0x0] =	wrdreg $0x0  }
0xa8: {  	s4 =	sshll.u32 s28, $0x1;
	[dreg:$0x2] =	wrdreg s2  }
0xa9: {  	[dreg:$0x3] =	wrdreg s4  }
0xaa: {  	[dreg:$0x4] =	wrdreg $0xC0  }
0xab: {  	_ =	task [dreg:s6], $0x5FFFF  }
0xac: {  	[dreg:$0x1] =	wrdreg $0xFFFFFFFF  }
0xad: {  	[dreg:$0x0] =	wrdreg $0x60  }
0xae: {  	[dreg:$0x2] =	wrdreg s24  }
0xaf: {  	[dreg:$0x3] =	wrdreg $0x29000  }
0xb0: {  	[dreg:$0x4] =	wrdreg $0x9  }
0xb1: {  	_ =	task.clear_ibuf [dreg:s6], $0x5FFFF;
	_ =	strace $0x90000049  }
0xb2: {  	s29 =	simm.s32 $0x9;
	_ =	strace $0x8000004B  }
0xb3: {  	_ =	swait.ge [sflag:s29], $0x1  }
0xb4: {  	[sflag:s29] =	ssyncadd.s32 $0xFFFFFFFF  }
0xb5: {  	_ =	strace $0x9000004B  }
0xb6: {  	_ =	sfence  }
0xb7: {  	s30 =	sld [smem:$0x0];
	_ =	sdelay $0x2  }
0xb8: {  	s31 =	sshll.u32 s1, $0xD;
	s1 =	sshrl.u32 s1, $0x2  }
0xb9: {  	s3 =	sand.u32 $0x4000, s31;
	s1 =	sadd.s32 s1, s30  }
0xba: {  	s0 =	sor.u32 s3, s0;
	s1 =	sshll.u32 s1, $0x11  }
0xbb: {  	s0 =	sor.u32 s1, s0  }
0xbc: {  	s0 =	sadd.s32 $0x8F2B, s0  }
0xbd: {  	[sflag:s0] =	ssyncadd.remote.s32 $0x1  }
0xbe: {  	_ =	sfence.sel $0xFFFF  }
0xbf: {  	[dreg:$0x0] =	wrdreg $0xFFFFFFFF;
	(pc) =	sbr.abs _section_cstart, $3  }
0xc0: {  	[dreg:$0x1] =	wrdreg $0xFFFFFFFF  }
0xc1: {  	_ =	task.clear_ibuf [dreg:s6], $0x2FFFF;
	_ =	strace $0x9FFFFFFF  }
0xc2: {  	(tm) =	ssettm $0x7FFFFFFF  }
0xc3: {  	_ =	shalt  }
tec
execute0_lowered:
.L_overlay_start_1:
0x0: {  	(tag) =	ssettag $0x1  }
0x1: {  	s8 =	rddreg [dreg:$0x0]  }
0x2: {  	s2 =	rddreg [dreg:$0x1]  }
0x3: {  	s0 =	rddreg [dreg:$0x2]  }
0x4: {  	s3 =	simm.s32 $0x0;
	s4 =	srdreg.scid;
	s1 =	stileid.u32  }
0x5: {  	s19 =	simm.s32 $0x1;
	s20 =	simm.s32 $0x80;
	s21 =	simm.s32 $0x100  }
0x6: {  	[smem:$0x7FF] =	sst s3;
	s16 =	sand.u32 $0x1, s4;
	s9 =	smul.u32 $0x1400, s1  }
0x7: {  	s4 =	sadd.s32 $0xBF600, s8;
	s5 =	sadd.s32 $0x23200, s8;
	s11 =	smul.u32 $0x28000, s1  }
0x8: {  	s6 =	sadd.s32 $0xE6800, s8;
	s7 =	sadd.s32 $0x19400, s8;
	s13 =	smul.u32 $0x9C, s1  }
0x9: {  	s14 =	smin.u32 s1, $0x4;
	p0 =	slt.u32 s1, $0x4;
	s10 =	smul.u32 $0x14000, s16  }
0xa: {  	_ =	strace $0x8000004A;
	s12 =	ssub.s32 $0x2, s16;
	s15 =	smul.u32 $0x9C4, s16  }
0xb: {  	s31 =	sshrl.u32 s12, $0x1;
	s11 =	sshrl.u32 s11, $0x2;
	s13 =	sadd.s32 s14, s13  }
.Ltmp0:
0xc: {  	s14 =	simm.s32 $0x9D;
	s9 =	sadd.s32 s9, s10;
	(pc) =	sbr.rel .LBB2_1-.Ltmp0, $4  }
0xd: {  	s18 =	ssub.s32 s12, s31;
	s17 =	sadd.s32 s9, s8;
	s8 =	sadd.s32 s11, s2  }
0xe: {  	s14 =	simm.s32 @!p0 $0x9C;
	p0 =	seq.s32 s16, $0x1;
	s9 =	sadd.s32 $0x2000, s8  }
0xf: {  	s10 =	sadd.s32 $0x4000, s8;
	s11 =	sadd.s32 $0x6000, s8;
	s12 =	sadd.s32 $0x8000, s8  }
0x10: {  	v0 =	vimm.f32 $0.0e+00;
	s16 =	sadd.s32 $0xFA200, s17;
	s17 =	smax.u32 s18, $0x1;
	s18 =	simm.s32 $0x900  }
.LBB2_12:
0x11: {  	s3 =	sadd.s32 $0x1, s3  }
0x12: {  	s22 =	sshll.u32 s1, $0x6;
	[bflag:$0x0] =	sbarrier.arrive $0xFFFF;
	p1 =	sne.s32 s3, s17  }
.Ltmp1:
0x13: {  	s23 =	sshrl.u32 s8, $0x3;
	s22 =	sor.u32 $0x1C01, s22;
	(pc) =	sbr.rel @!p1 .LBB2_13-.Ltmp1, $4  }
0x14: {  	[hbm:s16], [sflag:s22] =	dma.local [spmem:s23], $0x1400  }
0x15: {  	_ =	swait.ge [sflag:s19], $0x1400  }
0x16: {  	[sflag:s19] =	ssyncset.done $0x0  }
0x17: {  	[sflag:s19] =	ssyncadd.s32 $0xFFFFEC00  }
.LBB2_1:
0x18: {  	s23 =	simm.s32 $0x100;
	s22 =	simm.s32 $0x0  }
.LBB2_2:
0x19: {  	p1 =	sne.s32 s23, $0x7F00;
	[tilespmem:s22+$0x930] =	vst v0;
	s24 =	smov.u32 s23;
	s23 =	sadd.s32 $0x100, s23  }
.Ltmp2:
0x1a: {  	[tilespmem:s22+$0x920] =	vst v0;
	(pc) =	sbr.rel @p1 .LBB2_2-.Ltmp2, $3  }
0x1b: {  	[tilespmem:s22+$0x900] =	vst v0  }
0x1c: {  	[tilespmem:s22+$0x910] =	vst v0;
	_ =	sdelay $0x1  }
0x1d: {  	s22 =	sshra.s32 s24, $0x2  }
0x1e: {  	[tilespmem:s22+$0x930] =	vst v0  }
0x1f: {  	[tilespmem:s22+$0x920] =	vst v0  }
0x20: {  	[tilespmem:s22+$0x900] =	vst v0  }
0x21: {  	[tilespmem:s22+$0x910] =	vst v0  }
0x22: {  	[spmem:s8] =	stream.linear.scatter [tilespmem:s18], [sflag:$0x1], $0x2000, $0x38;
	[tilespmem:$0xC900] =	vst v63  }
0x23: {  	_ =	swait.ge [sflag:s19], $0x2000  }
0x24: {  	[sflag:s19] =	ssyncset.done $0x0  }
0x25: {  	[sflag:s19] =	ssyncadd.s32 $0xFFFFE000  }
0x26: {  	[spmem:s9] =	stream.linear.scatter [tilespmem:s18], [sflag:$0x1], $0x2000, $0x38;
	[tilespmem:$0xC900] =	vst v63  }
0x27: {  	_ =	swait.ge [sflag:s19], $0x2000  }
0x28: {  	[sflag:s19] =	ssyncset.done $0x0  }
0x29: {  	[sflag:s19] =	ssyncadd.s32 $0xFFFFE000  }
0x2a: {  	[spmem:s10] =	stream.linear.scatter [tilespmem:s18], [sflag:$0x1], $0x2000, $0x38;
	[tilespmem:$0xC900] =	vst v63  }
0x2b: {  	_ =	swait.ge [sflag:s19], $0x2000  }
0x2c: {  	[sflag:s19] =	ssyncset.done $0x0  }
0x2d: {  	[sflag:s19] =	ssyncadd.s32 $0xFFFFE000  }
0x2e: {  	[spmem:s11] =	stream.linear.scatter [tilespmem:s18], [sflag:$0x1], $0x2000, $0x38;
	[tilespmem:$0xC900] =	vst v63  }
0x2f: {  	_ =	swait.ge [sflag:s19], $0x2000  }
0x30: {  	[sflag:s19] =	ssyncset.done $0x0  }
0x31: {  	[sflag:s19] =	ssyncadd.s32 $0xFFFFE000  }
0x32: {  	[spmem:s12] =	stream.linear.scatter [tilespmem:s18], [sflag:$0x1], $0x2000, $0x38;
	[tilespmem:$0xC900] =	vst v63  }
.Ltmp3:
0x33: {  	_ =	swait.ge [sflag:s19], $0x2000;
	(pc) =	sbr.rel .LBB2_4-.Ltmp3, $4  }
0x34: {  	[sflag:s19] =	ssyncset.done $0x0  }
0x35: {  	[sflag:s19] =	ssyncadd.s32 $0xFFFFE000  }
0x36: {  	[bflag:$0x0] =	sbarrier.arrive $0xFFFF  }
0x37: {  	s22 =	simm.s32 $0x0;
	s23 =	simm.s32 $0x0  }
.LBB2_7:
0x38: {  	v2 =	vld [tilespmem:s28+$0x100];
	_ =	sdelay $0x1  }
0x39: {  	v3 =	vld [tilespmem:s24+$0xFFFFFFE0];
	_ =	sdelay $0x1  }
0x3a: {  	v4 =	vld [tilespmem:s24+$0x0]  }
0x3b: {  	v5 =	vld [tilespmem:s24+$0x10];
	v6 =	vbroadcast v2, $0x0  }
0x3c: {  	v7 =	vbroadcast v2, $0x1  }
0x3d: {  	v8 =	vbroadcast v2, $0x2;
	v3 =	vmul.f32 v6, v3  }
0x3e: {  	v2 =	vbroadcast v2, $0x3;
	v1 =	vmul.f32 v1, v7  }
0x3f: {  	v4 =	vmul.f32 v4, v8;
	[tilespmem:s24+$0xFFFFFFE0] =	vst v3  }
0x40: {  	v2 =	vmul.f32 v5, v2;
	[tilespmem:s24+$0xFFFFFFF0] =	vst v1  }
0x41: {  	[tilespmem:s25+$0x0] =	vst v4  }
0x42: {  	[tilespmem:s25+$0x10] =	vst v2  }
.LBB2_11:
0x43: {  	s23 =	sadd.s32 $0x1, s23  }
0x44: {  	p1 =	sne.s32 s23, s14  }
.Ltmp4:
0x45: {  	_ = 	snop;
	(pc) =	sbr.rel @!p1 .LBB2_12-.Ltmp4, $4  }
0x46: {  	[spmem:s2] =	stream.indirect.scatter.add.f32 [tilespmem:s18], [sflag:$0x1], $0x40, s20, s20, $0xb8;
	[tilespmem:$0xC900] =	vst v63  }
0x47: {  	_ =	swait.ge [sflag:s19], $0x2000  }
0x48: {  	[sflag:s19] =	ssyncset.done $0x0  }
0x49: {  	[sflag:s19] =	ssyncadd.s32 $0xFFFFE000  }
.LBB2_4:
0x4a: {  	s24 =	sadd.s32 s23, s13  }
0x4b: {  	s25 =	sadd.s32 s15, s24  }
0x4c: {  	s25 =	sshll.u32 s25, $0x4  }
0x4d: {  	s25 =	sand.u32 $0x1FFFFFF0, s25  }
0x4e: {  	s25 =	sadd.s32 s6, s25  }
0x4f: {  	[tilespmem:s22], [sflag:$0x1] =	stream.linear.gather [hbm4b:s25+s22], $0x80, $0x38;
	[tilespmem:$0xC900] =	vst v63  }
0x50: {  	_ =	swait.ge [sflag:s19], $0x80  }
0x51: {  	s31 =	sshll.u32 s24, $0x4;
	[sflag:s19] =	ssyncset.done $0x0  }
0x52: {  	s25 =	sadd.s32 s7, s31;
	[sflag:s19] =	ssyncadd.s32 $0xFFFFFF80  }
0x53: {  	[tilespmem:s20], [sflag:$0x1] =	stream.linear.gather [hbm4b:s25+s22], $0x80, $0x38;
	[tilespmem:$0xC900] =	vst v63  }
0x54: {  	_ =	swait.ge [sflag:s19], $0x80  }
0x55: {  	s24 =	sshll.u32 s24, $0x8;
	[sflag:s19] =	ssyncset.done $0x0  }
0x56: {  	s24 =	sadd.s32 s5, s24;
	[sflag:s19] =	ssyncadd.s32 $0xFFFFFF80  }
0x57: {  	[tilespmem:s21], [sflag:$0x1] =	stream.linear.gather [hbm4b:s24+s22], $0x800, $0x38;
	[tilespmem:$0xC900] =	vst v63  }
0x58: {  	_ =	swait.ge [sflag:s19], $0x800  }
0x59: {  	[sflag:s19] =	ssyncset.done $0x0  }
.Ltmp5:
0x5a: {  	[sflag:s19] =	ssyncadd.s32 $0xFFFFF800;
	(pc) =	sbr.rel @!p0 .LBB2_5-.Ltmp5, $4  }
0x5b: {  	[tilespmem:s18], [sflag:$0x1] =	stream.indirect.gather [hbm4b:s4+s20], $0x40, s22, s20, $0xb8;
	[tilespmem:$0xC900] =	vst v63  }
0x5c: {  	_ =	swait.ge [sflag:s19], $0x2000  }
0x5d: {  	[sflag:s19] =	ssyncset.done $0x0  }
0x5e: {  	s28 =	simm.s32 $0x0;
	s24 =	simm.s32 $0x920;
	[sflag:s19] =	ssyncadd.s32 $0xFFFFE000  }
0x5f: {  	v1 =	vld [tilespmem:s24+$0xFFFFFFF0];
	s26 =	simm.s32 $0x40;
	s25 =	simm.s32 $0x920  }
.LBB2_9:
0x60: {  	p1 =	sne.s32 s26, $0x1FC0;
	v2 =	vld [tilespmem:s28+$0x100]  }
0x61: {  	v3 =	vld [tilespmem:s24+$0x10]  }
0x62: {  	v4 =	vld [tilespmem:s24+$0xFFFFFFE0]  }
0x63: {  	v5 =	vld [tilespmem:s24+$0x0];
	_ =	sdelay $0x1  }
0x64: {  	v6 =	vbroadcast v2, $0x4;
	v7 =	vbroadcast v2, $0x5  }
0x65: {  	v8 =	vbroadcast v2, $0x6;
	v2 =	vbroadcast v2, $0x7  }
0x66: {  	v4 =	vmul.f32 v6, v4;
	v1 =	vmul.f32 v1, v7  }
.Ltmp6:
0x67: {  	v2 =	vmul.f32 v3, v2;
	v5 =	vmul.f32 v5, v8;
	(pc) =	sbr.rel @p1 .LBB2_9-.Ltmp6, $4  }
0x68: {  	[tilespmem:s24+$0xFFFFFFE0] =	vst v4  }
0x69: {  	[tilespmem:s24+$0xFFFFFFF0] =	vst v1  }
0x6a: {  	s24 =	sadd.s32 $0x40, s24;
	[tilespmem:s25+$0x0] =	vst v5  }
0x6b: {  	s28 =	sshra.s32 s26, $0x2;
	s26 =	sadd.s32 $0x40, s26;
	v1 =	vld [tilespmem:s24+$0xFFFFFFF0];
	[tilespmem:s25+$0x10] =	vst v2;
	s25 =	smov.u32 s24  }
0x6c: {  	v2 =	vld [tilespmem:s28+$0x100];
	_ =	sdelay $0x1  }
0x6d: {  	v3 =	vld [tilespmem:s24+$0xFFFFFFE0];
	_ =	sdelay $0x1  }
0x6e: {  	v4 =	vld [tilespmem:s24+$0x0]  }
0x6f: {  	v5 =	vld [tilespmem:s24+$0x10];
	v6 =	vbroadcast v2, $0x4  }
0x70: {  	v7 =	vbroadcast v2, $0x5  }
0x71: {  	v8 =	vbroadcast v2, $0x6;
	v3 =	vmul.f32 v6, v3  }
.Ltmp7:
0x72: {  	v2 =	vbroadcast v2, $0x7;
	v1 =	vmul.f32 v1, v7;
	(pc) =	sbr.rel .LBB2_11-.Ltmp7, $4  }
0x73: {  	v4 =	vmul.f32 v4, v8;
	[tilespmem:s24+$0xFFFFFFE0] =	vst v3  }
0x74: {  	v2 =	vmul.f32 v5, v2;
	[tilespmem:s24+$0xFFFFFFF0] =	vst v1  }
0x75: {  	[tilespmem:s25+$0x0] =	vst v4  }
0x76: {  	[tilespmem:s25+$0x10] =	vst v2  }
.LBB2_5:
0x77: {  	v1 =	vld [tilespmem:s24+$0xFFFFFFF0];
	s26 =	simm.s32 $0x40;
	s25 =	simm.s32 $0x920  }
.LBB2_6:
0x78: {  	p1 =	seq.s32 s26, $0x1FC0;
	v2 =	vld [tilespmem:s28+$0x100]  }
0x79: {  	v3 =	vld [tilespmem:s24+$0x10]  }
0x7a: {  	v4 =	vld [tilespmem:s24+$0xFFFFFFE0]  }
0x7b: {  	v5 =	vld [tilespmem:s24+$0x0];
	_ =	sdelay $0x1  }
0x7c: {  	v6 =	vbroadcast v2, $0x0;
	v7 =	vbroadcast v2, $0x1  }
0x7d: {  	v8 =	vbroadcast v2, $0x2;
	v2 =	vbroadcast v2, $0x3  }
0x7e: {  	v4 =	vmul.f32 v6, v4;
	v1 =	vmul.f32 v1, v7  }
.Ltmp8:
0x7f: {  	v2 =	vmul.f32 v3, v2;
	v5 =	vmul.f32 v5, v8;
	(pc) =	sbr.rel @!p1 .LBB2_6-.Ltmp8, $4  }
0x80: {  	[tilespmem:s24+$0xFFFFFFE0] =	vst v4  }
0x81: {  	[tilespmem:s24+$0xFFFFFFF0] =	vst v1  }
0x82: {  	s24 =	sadd.s32 $0x40, s24;
	[tilespmem:s25+$0x0] =	vst v5  }
0x83: {  	s28 =	sshra.s32 s26, $0x2;
	s26 =	sadd.s32 $0x40, s26;
	v1 =	vld [tilespmem:s24+$0xFFFFFFF0];
	[tilespmem:s25+$0x10] =	vst v2;
	s25 =	smov.u32 s24  }
.Ltmp9:
0x84: {  	_ = 	snop;
	(pc) =	sbr.rel .LBB2_7-.Ltmp9, $1  }
0x85: {  	_ =	sdelay $0x3  }
.LBB2_13:
0x86: {  	_ =	sfence.sel $0x180000  }
0x87: {  	[bflag:$0x0] =	sbarrier.arrive $0xFFFF  }
0x88: {  	p0 =	sne.s32 s1, $0x0;
	_ =	strace $0x9000004A  }
0x89: {  	s0 =	sadd.s32 @!p0 $0x100000, s0;
	[bflag:$0x2] =	sbarrier.arrive $0xFFFF  }
0x8a: {  	[sflag:s0] =	ssyncadd.tile.s32 @!p0 $0x1;
	_ =	shalt  }
.Lfunc_end2:
_tile_overlayer_lowered:
.L_overlay_start_2:
0x8b: {  	(tag) =	ssettag $0x2  }
0x8c: {  	s0 =	rddreg [dreg:$0x0];
	s2 =	stileid.u32  }
0x8d: {  	s1 =	rddreg [dreg:$0x1];
	p0 =	sne.s32 s2, $0x0  }
0x8e: {  	s3 =	rddreg [dreg:$0x2];
	[bflag:$0x3] =	sbarrier.arrive $0xFFFF;
	s2 =	simm.s32 @!p0 $0x1C01  }
0x8f: {  	[timem:s3], [sflag:s2] =	dma.local @!p0 [hbm:s0], s1  }
0x90: {  	s0 =	simm.s32 @!p0 $0x1  }
0x91: {  	_ =	swait.ge @!p0 [sflag:s0], s1  }
0x92: {  	s1 =	ssub.s32 @!p0 $0x0, s1;
	[sflag:s0] =	ssyncset.done @!p0 $0x0  }
0x93: {  	[sflag:s0] =	ssyncadd.s32 @!p0 s1  }
0x94: {  	[bflag:$0x3] =	sbarrier.arrive $0xFFFF  }
0x95: {  	_ =	shalt  }

// kernel: kernel.16.cloned.1.call-start
scs
__scs_entry_jumppad:
0x0: {  	(pc) =	sbr.rel $0x88, $3  }
0x1: {  	(tag) =	ssettag $0x0;
	lr =	simm.s32 $0x1  }
0x2: {  	[smem:$0x3F8F] =	sst lr;
	_ =	strace $0xD0000000  }
0x3: {  	_ = 	snop  }
0x4: {  	_ = 	snop  }
0x5: {  	_ = 	snop  }
0x6: {  	_ = 	snop  }
0x7: {  	_ = 	snop  }
__scs_overlays_trampoline_lowered:
0x8: {  	[smem:$0x3F9E] =	sst s0  }
0x9: {  	[smem:$0x3F9F] =	sst s1  }
0xa: {  	[smem:$0x3FA0] =	sst s2  }
0xb: {  	[smem:$0x3FA1] =	sst s3  }
0xc: {  	[smem:$0x3FA2] =	sst s4  }
0xd: {  	[smem:$0x3FA3] =	sst s5  }
0xe: {  	[smem:$0x3FA4] =	sst s6  }
0xf: {  	[smem:$0x3FA5] =	sst s7  }
0x10: {  	[smem:$0x3FA6] =	sst s8  }
0x11: {  	[smem:$0x3FA7] =	sst s9;
	s0 =	simm.s32 @!p0 $0x0  }
0x12: {  	s1 =	sld [smem:$0x3F8D];
	s0 =	simm.s32 @p0 $0x1  }
0x13: {  	[smem:$0x3FA8] =	sst s0;
	s0 =	simm.s32 @!p1 $0x0  }
0x14: {  	s2 =	sld [smem:$0x3F8C];
	s0 =	simm.s32 @p1 $0x1  }
0x15: {  	[smem:$0x3FA9] =	sst s0;
	s0 =	simm.s32 @!p2 $0x0  }
0x16: {  	s3 =	sld [smem:$0x3FDB];
	s0 =	simm.s32 @p2 $0x1  }
0x17: {  	s4 =	simm.s32 $0x1BF5;
	[smem:$0x3FAB] =	sst s0  }
0x18: {  	s0 =	sld [smem:$0x3F8E];
	_ =	swait.ge [sflag:s4], $0x0  }
0x19: {  	s7 =	sld [smem:$0x3F8F]  }
0x1a: {  	s8 =	sadd.s32 $0xFFFFE003, lr  }
0x1b: {  	s9 =	sadd.s32 $0xFFFFFEF7, lr;
	s5 =	simm.s32 $0xFFFFFFFF;
	p2 =	slt.u32 s8, $0xFFFFF086  }
0x1c: {  	p1 =	slt.u32 s9, $0xF7A;
	s5 =	simm.s32 @!p2 $0x0  }
0x1d: {  	s5 =	simm.s32 @p1 $0x1;
	p0 =	seq.s32 s7, s2  }
0x1e: {  	s7 =	smul.u32 @!p0 $0xF7A, s2;
	p2 =	seq.s32 @!p0 s5, $0x0  }
0x1f: {  	s9 =	smul.u32 $0xF7A, s1;
	s8 =	simm.s32 @!p0 $0x1BF5;
	p2 =	por !p2, p0  }
0x20: {  	[sflag:s8] =	ssyncset.s32 @!p0 $0xFFFFF086;
	s6 =	sadd.s32 @!p0 s3, s7;
	s7 =	simm.s32 @!p0 $0x108  }
0x21: {  	s3 =	sadd.s32 s3, s9;
	s6 =	sadd.s32 @!p0 $0x88, s6;
	s7 =	simm.s32 @p2 $0x1082  }
0x22: {  	[simem:s7], [sflag:s8] =	dma.local @!p0 [hbm:s6], $0xF7A  }
0x23: {  	s9 =	sor.u32 $0xD0000000, s2;
	s6 =	simm.s32 $0x108;
	_ =	swait.ge @!p0 [sflag:s8], $0x0  }
0x24: {  	s3 =	sadd.s32 $0x88, s3;
	s6 =	simm.s32 @!p1 $0x1082;
	[sflag:s4] =	ssyncset.s32 $0xFFFFF086  }
0x25: {  	[simem:s6], [sflag:s4] =	dma.local [hbm:s3], $0xF7A  }
0x26: {  	[smem:$0x3F8F] =	sst s1;
	(tag) =	ssettag s2;
	_ =	strace s9  }
0x27: {  	s1 =	sld [smem:$0x3F9F]  }
0x28: {  	s2 =	sld [smem:$0x3FA0]  }
0x29: {  	s4 =	sld [smem:$0x3FA2]  }
0x2a: {  	p0 =	seq.s32 s5, $0x0;
	s5 =	sld [smem:$0x3FA3]  }
0x2b: {  	s6 =	sld [smem:$0x3FA4]  }
0x2c: {  	s7 =	sld [smem:$0x3FA5]  }
0x2d: {  	s3 =	simm.s32 $0x108;
	s8 =	sld [smem:$0x3FA6]  }
0x2e: {  	s3 =	simm.s32 @!p0 $0x1082;
	s9 =	sld [smem:$0x3FA7]  }
0x2f: {  	lr =	sadd.s32 s0, s3;
	s0 =	sld [smem:$0x3F9E]  }
0x30: {  	s3 =	sld [smem:$0x3FA1]  }
0x31: {  	[smem:$0x3FAA] =	sst s10  }
0x32: {  	s10 =	sld [smem:$0x3FA8];
	_ =	sdelay $0x3  }
0x33: {  	p0 =	seq.s32 s10, $0x1;
	s10 =	sld [smem:$0x3FAA];
	_ =	sdelay $0x3  }
0x34: {  	[smem:$0x3FAA] =	sst s10  }
0x35: {  	s10 =	sld [smem:$0x3FA9];
	_ =	sdelay $0x3  }
0x36: {  	p1 =	seq.s32 s10, $0x1;
	s10 =	sld [smem:$0x3FAA];
	_ =	sdelay $0x3  }
0x37: {  	[smem:$0x3FAA] =	sst s10  }
0x38: {  	s10 =	sld [smem:$0x3FAB]  }
0x39: {  	_ = 	snop;
	(pc) =	sbr.ind lr, $3  }
0x3a: {  	_ = 	snop  }
0x3b: {  	_ = 	snop  }
0x3c: {  	p2 =	seq.s32 s10, $0x1;
	s10 =	sld [smem:$0x3FAA]  }
0x3d: {  	_ =	shalt  }
0x3e: {  	_ =	shalt  }
0x3f: {  	_ =	shalt  }
0x40: {  	_ =	shalt  }
0x41: {  	_ =	shalt  }
0x42: {  	_ =	shalt  }
0x43: {  	_ =	shalt  }
0x44: {  	_ =	shalt  }
0x45: {  	_ =	shalt  }
0x46: {  	_ =	shalt  }
0x47: {  	_ =	shalt  }
0x48: {  	_ =	shalt  }
0x49: {  	_ =	shalt  }
0x4a: {  	_ =	shalt  }
0x4b: {  	_ =	shalt  }
0x4c: {  	_ =	shalt  }
0x4d: {  	_ =	shalt  }
0x4e: {  	_ =	shalt  }
0x4f: {  	_ =	shalt  }
0x50: {  	_ =	shalt  }
0x51: {  	_ =	shalt  }
0x52: {  	_ =	shalt  }
0x53: {  	_ =	shalt  }
0x54: {  	_ =	shalt  }
0x55: {  	_ =	shalt  }
0x56: {  	_ =	shalt  }
0x57: {  	_ =	shalt  }
0x58: {  	_ =	shalt  }
0x59: {  	_ =	shalt  }
0x5a: {  	_ =	shalt  }
0x5b: {  	_ =	shalt  }
0x5c: {  	_ =	shalt  }
0x5d: {  	_ =	shalt  }
0x5e: {  	_ =	shalt  }
0x5f: {  	_ =	shalt  }
0x60: {  	_ =	shalt  }
0x61: {  	_ =	shalt  }
0x62: {  	_ =	shalt  }
0x63: {  	_ =	shalt  }
0x64: {  	_ =	shalt  }
0x65: {  	_ =	shalt  }
0x66: {  	_ =	shalt  }
0x67: {  	_ =	shalt  }
0x68: {  	_ =	shalt  }
0x69: {  	_ =	shalt  }
0x6a: {  	_ =	shalt  }
0x6b: {  	_ =	shalt  }
0x6c: {  	_ =	shalt  }
0x6d: {  	_ =	shalt  }
0x6e: {  	_ =	shalt  }
0x6f: {  	_ =	shalt  }
0x70: {  	_ =	shalt  }
0x71: {  	_ =	shalt  }
0x72: {  	_ =	shalt  }
0x73: {  	_ =	shalt  }
0x74: {  	_ =	shalt  }
0x75: {  	_ =	shalt  }
0x76: {  	_ =	shalt  }
0x77: {  	_ =	shalt  }
0x78: {  	_ =	shalt  }
0x79: {  	_ =	shalt  }
0x7a: {  	_ =	shalt  }
0x7b: {  	_ =	shalt  }
0x7c: {  	_ =	shalt  }
0x7d: {  	_ =	shalt  }
0x7e: {  	_ =	shalt  }
0x7f: {  	_ =	shalt  }
0x80: {  	_ =	shalt  }
0x81: {  	_ =	shalt  }
0x82: {  	_ =	shalt  }
0x83: {  	_ =	shalt  }
0x84: {  	_ =	shalt  }
0x85: {  	_ =	shalt  }
0x86: {  	_ =	shalt  }
0x87: {  	_ =	shalt  }
.Lfunc_end0:
.L_simem_size_0:
called_computation.2_lowered:
.L_overlay_start_0:
0x88: {  	s2 =	sld [smem:$0x3FD9]  }
0x89: {  	s3 =	sld [smem:$0x3FFE];
	_ =	sdelay $0x1  }
0x8a: {  	s1 =	srdreg.scid  }
0x8b: {  	s0 =	sand.u32 $0x1, s1  }
0x8c: {  	s17 =	sshll.u32 s0, $0xA;
	s2 =	sadd.s32 s3, s2  }
0x8d: {  	s2 =	sadd.s32 s2, s17  }
0x8e: {  	[smem:$0x3FB6] =	sst s2  }
0x8f: {  	_ = 	snop  }
0x90: {  	s2 =	sld [smem:$0x3FD0];
	(tm) =	ssettm $0x1  }
0x91: {  	s18 =	sld [smem:$0x3FFB];
	_ =	sdelay $0x3  }
0x92: {  	_ =	strace s18  }
0x93: {  	s3 =	sld [smem:$0x3FFC];
	_ =	sdelay $0x3  }
0x94: {  	_ =	strace s3  }
0x95: {  	s3 =	sld [smem:$0x3FFD];
	_ =	sdelay $0x3  }
0x96: {  	_ =	strace s3  }
0x97: {  	_ =	strace $0x8FFFFFFF  }
0x98: {  	s19 =	sld [smem:$0x3FDB];
	_ =	sdelay $0x1  }
0x99: {  	s4 =	simm.s32 $_scs_section_size  }
0x9a: {  	s5 =	simm.s32 $_size__tile_overlayer_lowered;
	s6 =	simm.s32 $_tile_overlayer_lowered  }
0x9b: {  	s22 =	simm.s32 $0x1BFF;
	s21 =	sshll.u32 s6, $0x1;
	s3 =	sadd.s32 s4, s19  }
0x9c: {  	s7 =	simm.s32 $0x0;
	s20 =	sshll.u32 s5, $0x1;
	s5 =	sadd.s32 s21, s3  }
0x9d: {  	[timem:s7], [sflag:s22] =	dma.local [hbm:s5], s20  }
0x9e: {  	_ =	swait.ge [sflag:s22], s20  }
0x9f: {  	s4 =	ssub.s32 $0x0, s20;
	[sflag:s22] =	ssyncset.done $0x0  }
0xa0: {  	[sflag:s22] =	ssyncadd.s32 s4;
	_ =	sdelay $0x1  }
0xa1: {  	s23 =	simm.s32 $0x1B8B  }
0xa2: {  	_ =	swait.ge [sflag:s23], $0x1  }
0xa3: {  	[sflag:s23] =	ssyncset.done $0x0  }
0xa4: {  	s25 =	simm.s32 $0x1B8E;
	s24 =	sld [smem:$0x3FFE];
	[sflag:s23] =	ssyncadd.s32 $0xFFFFFFFF  }
0xa5: {  	s26 =	simm.s32 $execute0_lowered;
	[smem:$0x3FD2] =	sst s25  }
0xa6: {  	s5 =	sshll.u32 s26, $0x1;
	_ =	strace $0x8000004C;
	[dreg:$0x1] =	wrdreg $0xFFFFFFFF  }
0xa7: {  	s28 =	simm.s32 $_size_execute0_lowered;
	s3 =	sadd.s32 s3, s5;
	[dreg:$0x0] =	wrdreg $0x0  }
0xa8: {  	s5 =	sshll.u32 s28, $0x1;
	[dreg:$0x2] =	wrdreg s3  }
0xa9: {  	[dreg:$0x3] =	wrdreg s5  }
0xaa: {  	[dreg:$0x4] =	wrdreg $0xC0  }
0xab: {  	_ =	task [dreg:s7], $0x5FFFF  }
0xac: {  	[dreg:$0x1] =	wrdreg $0xFFFFFFFF  }
0xad: {  	[dreg:$0x0] =	wrdreg $0x60  }
0xae: {  	[dreg:$0x2] =	wrdreg s24  }
0xaf: {  	[dreg:$0x3] =	wrdreg s2  }
0xb0: {  	[dreg:$0x4] =	wrdreg $0x19000  }
0xb1: {  	[dreg:$0x5] =	wrdreg $0x9  }
0xb2: {  	_ =	task.clear_ibuf [dreg:s7], $0x6FFFF;
	_ =	strace $0x9000004C  }
0xb3: {  	s29 =	simm.s32 $0x9;
	_ =	strace $0x8000004E  }
0xb4: {  	_ =	swait.ge [sflag:s29], $0x1  }
0xb5: {  	[sflag:s29] =	ssyncadd.s32 $0xFFFFFFFF  }
0xb6: {  	_ =	strace $0x9000004E  }
0xb7: {  	_ =	sfence  }
0xb8: {  	s30 =	sld [smem:$0x0];
	_ =	sdelay $0x2  }
0xb9: {  	s31 =	sshll.u32 s1, $0xD;
	s1 =	sshrl.u32 s1, $0x2  }
0xba: {  	s3 =	sand.u32 $0x4000, s31;
	s1 =	sadd.s32 s1, s30  }
0xbb: {  	s0 =	sor.u32 s3, s0;
	s1 =	sshll.u32 s1, $0x11  }
0xbc: {  	s0 =	sor.u32 s1, s0  }
0xbd: {  	s0 =	sadd.s32 $0x8F2B, s0  }
0xbe: {  	[sflag:s0] =	ssyncadd.remote.s32 $0x1  }
0xbf: {  	_ =	sfence.sel $0xFFFF  }
0xc0: {  	[dreg:$0x0] =	wrdreg $0xFFFFFFFF;
	(pc) =	sbr.abs _section_cstart, $3  }
0xc1: {  	[dreg:$0x1] =	wrdreg $0xFFFFFFFF  }
0xc2: {  	_ =	task.clear_ibuf [dreg:s7], $0x2FFFF;
	_ =	strace $0x9FFFFFFF  }
0xc3: {  	(tm) =	ssettm $0x7FFFFFFF  }
tec
execute0_lowered:
.L_overlay_start_1:
0x0: {  	(tag) =	ssettag $0x1  }
0x1: {  	s8 =	rddreg [dreg:$0x0]  }
0x2: {  	s16 =	rddreg [dreg:$0x1]  }
0x3: {  	s1 =	rddreg [dreg:$0x2];
	s2 =	simm.s32 $0x0  }
0x4: {  	s7 =	srdreg.scid;
	s3 =	stileid.u32;
	s21 =	simm.s32 $0x100  }
0x5: {  	s22 =	simm.s32 $0x900;
	s23 =	simm.s32 $0x0;
	[smem:$0x7FF] =	sst s2  }
0x6: {  	s4 =	sadd.s32 $0x5600, s8;
	s5 =	sadd.s32 $0xA600, s8;
	s6 =	sadd.s32 $0xF600, s8  }
0x7: {  	s12 =	sand.u32 $0x1, s7;
	s9 =	smul.u32 $0xA000, s3;
	s7 =	sadd.s32 $0x19400, s8  }
0x8: {  	s8 =	sadd.s32 $0xFA200, s8;
	s17 =	smul.u32 $0x500, s3;
	_ =	strace $0x8000004D  }
0x9: {  	s10 =	ssub.s32 $0x2, s12;
	s13 =	sshll.u32 s12, $0x4;
	s20 =	smul.u32 $0x5000, s12  }
0xa: {  	s11 =	sshrl.u32 s10, $0x1;
	s9 =	sshrl.u32 s9, $0x2;
	s15 =	sor.u32 s3, s13  }
0xb: {  	s9 =	sadd.s32 s9, s1;
	s18 =	ssub.s32 s10, s11;
	s14 =	smul.u32 $0x4E, s15  }
0xc: {  	s19 =	smin.u32 s15, $0x4;
	p0 =	slt.u32 s15, $0x4;
	s15 =	simm.s32 $0x4F  }
0xd: {  	s17 =	sadd.s32 s17, s20;
	s20 =	simm.s32 $0x80;
	s10 =	sadd.s32 $0x800, s9  }
0xe: {  	s11 =	sadd.s32 $0x1000, s9;
	s12 =	sadd.s32 $0x1800, s9;
	s13 =	sadd.s32 $0x2000, s9  }
0xf: {  	s15 =	simm.s32 @!p0 $0x4E;
	s16 =	sadd.s32 s16, s17;
	s17 =	smax.u32 s18, $0x1  }
0x10: {  	v0 =	vimm.f32 $0.0e+00;
	s18 =	simm.s32 $0x1100;
	s14 =	sadd.s32 s19, s14;
	s19 =	simm.s32 $0x1  }
.LBB2_1:
0x11: {  	s24 =	simm.s32 $0x40;
	s25 =	simm.s32 $0x0  }
.LBB2_2:
0x12: {  	p0 =	sne.s32 s24, $0x1FC0;
	[tilespmem:s25+$0x1100] =	vst v0;
	s25 =	smov.u32 s24;
	s24 =	sadd.s32 $0x40, s24  }
.Ltmp0:
0x13: {  	(pc) =	sbr.rel @p0 .LBB2_2-.Ltmp0, $2  }
0x14: {  	_ =	sdelay $0x2  }
0x15: {  	s25 =	sshra.s32 s25, $0x2  }
0x16: {  	[tilespmem:s25+$0x1100] =	vst v0  }
0x17: {  	[spmem:s9] =	stream.linear.scatter [tilespmem:s18], [sflag:$0x1], $0x800, $0x38;
	[tilespmem:$0x4100] =	vst v63  }
0x18: {  	_ =	swait.ge [sflag:s19], $0x800  }
0x19: {  	[sflag:s19] =	ssyncset.done $0x0  }
0x1a: {  	[sflag:s19] =	ssyncadd.s32 $0xFFFFF800  }
0x1b: {  	[spmem:s10] =	stream.linear.scatter [tilespmem:s18], [sflag:$0x1], $0x800, $0x38;
	[tilespmem:$0x4100] =	vst v63  }
0x1c: {  	_ =	swait.ge [sflag:s19], $0x800  }
0x1d: {  	[sflag:s19] =	ssyncset.done $0x0  }
0x1e: {  	[sflag:s19] =	ssyncadd.s32 $0xFFFFF800  }
0x1f: {  	[spmem:s11] =	stream.linear.scatter [tilespmem:s18], [sflag:$0x1], $0x800, $0x38;
	[tilespmem:$0x4100] =	vst v63  }
0x20: {  	_ =	swait.ge [sflag:s19], $0x800  }
0x21: {  	[sflag:s19] =	ssyncset.done $0x0  }
0x22: {  	[sflag:s19] =	ssyncadd.s32 $0xFFFFF800  }
0x23: {  	[spmem:s12] =	stream.linear.scatter [tilespmem:s18], [sflag:$0x1], $0x800, $0x38;
	[tilespmem:$0x4100] =	vst v63  }
0x24: {  	_ =	swait.ge [sflag:s19], $0x800  }
0x25: {  	[sflag:s19] =	ssyncset.done $0x0  }
0x26: {  	[sflag:s19] =	ssyncadd.s32 $0xFFFFF800  }
0x27: {  	[spmem:s13] =	stream.linear.scatter [tilespmem:s18], [sflag:$0x1], $0x800, $0x38;
	[tilespmem:$0x4100] =	vst v63  }
0x28: {  	_ =	swait.ge [sflag:s19], $0x800  }
0x29: {  	[sflag:s19] =	ssyncset.done $0x0  }
0x2a: {  	[sflag:s19] =	ssyncadd.s32 $0xFFFFF800  }
0x2b: {  	s24 =	simm.s32 $0x0;
	s25 =	simm.s32 $0x0;
	[bflag:$0x0] =	sbarrier.arrive $0xFFFF  }
.LBB2_4:
0x2c: {  	s26 =	sadd.s32 s25, s14  }
0x2d: {  	s28 =	sshll.u32 s26, $0x4  }
0x2e: {  	s28 =	sand.u32 $0x1FFFFFF0, s28  }
0x2f: {  	s29 =	sadd.s32 s6, s28  }
0x30: {  	[tilespmem:s24], [sflag:$0x1] =	stream.linear.gather [hbm4b:s29+s24], $0x80, $0x38;
	[tilespmem:$0x4100] =	vst v63  }
0x31: {  	_ =	swait.ge [sflag:s19], $0x80  }
0x32: {  	[sflag:s19] =	ssyncset.done $0x0  }
0x33: {  	s28 =	sadd.s32 s7, s28;
	[sflag:s19] =	ssyncadd.s32 $0xFFFFFF80  }
0x34: {  	[tilespmem:s20], [sflag:$0x1] =	stream.linear.gather [hbm4b:s28+s24], $0x80, $0x38;
	[tilespmem:$0x4100] =	vst v63  }
0x35: {  	_ =	swait.ge [sflag:s19], $0x80  }
0x36: {  	[sflag:s19] =	ssyncset.done $0x0  }
0x37: {  	[sflag:s19] =	ssyncadd.s32 $0xFFFFFF80  }
0x38: {  	[tilespmem:s21], [sflag:$0x1] =	stream.indirect.gather [hbm4b:s4+s20], $0x10, s24, s20, $0xb8;
	[tilespmem:$0x4100] =	vst v63  }
0x39: {  	_ =	swait.ge [sflag:s19], $0x800  }
0x3a: {  	[sflag:s19] =	ssyncset.done $0x0  }
0x3b: {  	[sflag:s19] =	ssyncadd.s32 $0xFFFFF800  }
0x3c: {  	[tilespmem:s21], [sflag:$0x1] =	stream.indirect.gather.add.f32 [hbm:s5], $0x10, s20, s20, $0xb8;
	[tilespmem:$0x4100] =	vst v63  }
0x3d: {  	_ =	swait.ge [sflag:s19], $0x800  }
0x3e: {  	[sflag:s19] =	ssyncset.done $0x0  }
0x3f: {  	s29 =	simm.s32 $0x0;
	[sflag:s19] =	ssyncadd.s32 $0xFFFFF800  }
0x40: {  	v1 =	vld [tilespmem:s29+$0x100];
	_ =	sdelay $0x1  }
0x41: {  	s28 =	simm.s32 $0x10  }
0x42: {  	v2 =	vld [tilespmem:s28+$0x100];
	_ =	sdelay $0x1  }
0x43: {  	v3 =	vmul.f32 $2.000000030e-01, v1  }
0x44: {  	vm0 =	vgt.f32 v1, $0.0e+00  }
0x45: {  	v1 =	vsel vm0, v1, v3  }
0x46: {  	v4 =	vmul.f32 $2.000000030e-01, v2;
	v1 =	vmul.f32 $1.442695020e+00, v1  }
0x47: {  	vm15 =	vgt.f32 v2, $0.0e+00  }
0x48: {  	v2 =	vsel vm15, v2, v4;
	(erf) = vpow2.f32 v1  }
0x49: {  	s30 =	simm.s32 $0x20;
	v2 =	vmul.f32 $1.442695020e+00, v2  }
0x4a: {  	v1 =	vld [tilespmem:s30+$0x100]  }
0x4b: {  	(erf) = vpow2.f32 v2;
	_ =	sdelay $0x2  }
0x4c: {  	s31 =	simm.s32 $0xC0  }
.LBB2_5:
0x4d: {  	s0 =	sshra.s32 s31, $0x2;
	p0 =	sne.s32 s31, $0x1FC0;
	s31 =	sadd.s32 $0x40, s31;
	v2 =	vmul.f32 $2.000000030e-01, v1;
	v4 =	vmov v1  }
.Ltmp1:
0x4e: {  	v1 =	vld [tilespmem:s0+$0x100];
	vm0 =	vgt.f32 v4, $0.0e+00;
	(pc) =	sbr.rel @p0 .LBB2_5-.Ltmp1, $4  }
0x4f: {  	v2 =	vsel vm0, v4, v2;
	v3 =	vpop (erf)  }
0x50: {  	v2 =	vmul.f32 $1.442695020e+00, v2;
	[tilespmem:s29+$0x900] =	vst v3;
	s29 =	smov.u32 s28;
	s28 =	smov.u32 s30;
	s30 =	smov.u32 s0  }
0x51: {  	_ = 	snop  }
0x52: {  	(erf) = vpow2.f32 v2  }
0x53: {  	v2 =	vmul.f32 $2.000000030e-01, v1  }
0x54: {  	vm0 =	vgt.f32 v1, $0.0e+00  }
0x55: {  	v1 =	vsel vm0, v1, v2  }
0x56: {  	v1 =	vmul.f32 $1.442695020e+00, v1;
	_ =	sdelay $0x1  }
0x57: {  	(erf) = vpow2.f32 v1;
	_ =	sdelay $0x6  }
0x58: {  	v1 =	vpop (erf)  }
0x59: {  	s0 =	sshll.u32 s26, $0x8;
	[tilespmem:s29+$0x900] =	vst v1;
	v1 =	vpop (erf)  }
0x5a: {  	s0 =	sand.u32 $0x1FFFFF00, s0;
	[tilespmem:s28+$0x900] =	vst v1;
	v1 =	vpop (erf)  }
0x5b: {  	s0 =	sadd.s32 s8, s0;
	[tilespmem:s30+$0x900] =	vst v1  }
0x5c: {  	[hbm4b:s0+s2] =	stream.linear.scatter [tilespmem:s22], [sflag:$0x1], $0x800, $0x38;
	[tilespmem:$0x4100] =	vst v63  }
0x5d: {  	s25 =	sadd.s32 $0x1, s25;
	_ =	swait.ge [sflag:s19], $0x800  }
0x5e: {  	p0 =	sne.s32 s25, s15;
	[sflag:s19] =	ssyncset.done $0x0  }
.Ltmp2:
0x5f: {  	[sflag:s19] =	ssyncadd.s32 $0xFFFFF800;
	(pc) =	sbr.rel @p0 .LBB2_4-.Ltmp2, $4  }
0x60: {  	[spmem:s1] =	stream.indirect.scatter.add.f32 [tilespmem:s22], [sflag:$0x1], $0x10, s20, s20, $0xb8;
	[tilespmem:$0x4100] =	vst v63  }
0x61: {  	_ =	swait.ge [sflag:s19], $0x800  }
0x62: {  	[sflag:s19] =	ssyncset.done $0x0  }
0x63: {  	[sflag:s19] =	ssyncadd.s32 $0xFFFFF800  }
0x64: {  	s23 =	sadd.s32 $0x1, s23  }
0x65: {  	s0 =	sshll.u32 s3, $0x6;
	[bflag:$0x0] =	sbarrier.arrive $0xFFFF;
	p0 =	sne.s32 s23, s17  }
.Ltmp3:
0x66: {  	s24 =	sshrl.u32 s9, $0x3;
	s0 =	sor.u32 $0x1C01, s0;
	(pc) =	sbr.rel @p0 .LBB2_1-.Ltmp3, $4  }
0x67: {  	[hbm:s16], [sflag:s0] =	dma.local [spmem:s24], $0x500  }
0x68: {  	_ =	swait.ge [sflag:s19], $0x500  }
0x69: {  	[sflag:s19] =	ssyncset.done $0x0  }
0x6a: {  	[sflag:s19] =	ssyncadd.s32 $0xFFFFFB00  }
0x6b: {  	_ =	sfence.sel $0x180000  }
0x6c: {  	[bflag:$0x0] =	sbarrier.arrive $0xFFFF  }
0x6d: {  	_ =	strace $0x9000004D  }
0x6e: {  	[bflag:$0x2] =	sbarrier.arrive $0xFFFF  }
0x6f: {  	p0 =	sne.s32 s3, $0x0;
	s0 =	rddreg [dreg:$0x3]  }
0x70: {  	s0 =	sadd.s32 @!p0 $0x100000, s0  }
0x71: {  	[sflag:s0] =	ssyncadd.tile.s32 @!p0 $0x1;
	_ =	shalt  }
.Lfunc_end2:
_tile_overlayer_lowered:
.L_overlay_start_2:
0x72: {  	(tag) =	ssettag $0x2  }
0x73: {  	s0 =	rddreg [dreg:$0x0];
	s2 =	stileid.u32  }
0x74: {  	s1 =	rddreg [dreg:$0x1];
	p0 =	sne.s32 s2, $0x0  }
0x75: {  	s3 =	rddreg [dreg:$0x2];
	[bflag:$0x3] =	sbarrier.arrive $0xFFFF;
	s2 =	simm.s32 @!p0 $0x1C01  }
0x76: {  	[timem:s3], [sflag:s2] =	dma.local @!p0 [hbm:s0], s1  }
0x77: {  	s0 =	simm.s32 @!p0 $0x1  }
0x78: {  	_ =	swait.ge @!p0 [sflag:s0], s1  }
0x79: {  	s1 =	ssub.s32 @!p0 $0x0, s1;
	[sflag:s0] =	ssyncset.done @!p0 $0x0  }
0x7a: {  	[sflag:s0] =	ssyncadd.s32 @!p0 s1  }
0x7b: {  	[bflag:$0x3] =	sbarrier.arrive $0xFFFF  }
0x7c: {  	_ =	shalt  }

// kernel: kernel.19.cloned.1.call-start
scs
__scs_entry_jumppad:
0x0: {  	(pc) =	sbr.rel $0x88, $3  }
0x1: {  	(tag) =	ssettag $0x0;
	lr =	simm.s32 $0x1  }
0x2: {  	[smem:$0x3F8F] =	sst lr;
	_ =	strace $0xD0000000  }
0x3: {  	_ = 	snop  }
0x4: {  	_ = 	snop  }
0x5: {  	_ = 	snop  }
0x6: {  	_ = 	snop  }
0x7: {  	_ = 	snop  }
__scs_overlays_trampoline_lowered:
0x8: {  	[smem:$0x3F9E] =	sst s0  }
0x9: {  	[smem:$0x3F9F] =	sst s1  }
0xa: {  	[smem:$0x3FA0] =	sst s2  }
0xb: {  	[smem:$0x3FA1] =	sst s3  }
0xc: {  	[smem:$0x3FA2] =	sst s4  }
0xd: {  	[smem:$0x3FA3] =	sst s5  }
0xe: {  	[smem:$0x3FA4] =	sst s6  }
0xf: {  	[smem:$0x3FA5] =	sst s7  }
0x10: {  	[smem:$0x3FA6] =	sst s8  }
0x11: {  	[smem:$0x3FA7] =	sst s9;
	s0 =	simm.s32 @!p0 $0x0  }
0x12: {  	s1 =	sld [smem:$0x3F8D];
	s0 =	simm.s32 @p0 $0x1  }
0x13: {  	[smem:$0x3FA8] =	sst s0;
	s0 =	simm.s32 @!p1 $0x0  }
0x14: {  	s2 =	sld [smem:$0x3F8C];
	s0 =	simm.s32 @p1 $0x1  }
0x15: {  	[smem:$0x3FA9] =	sst s0;
	s0 =	simm.s32 @!p2 $0x0  }
0x16: {  	s3 =	sld [smem:$0x3FDB];
	s0 =	simm.s32 @p2 $0x1  }
0x17: {  	s4 =	simm.s32 $0x1BF5;
	[smem:$0x3FAB] =	sst s0  }
0x18: {  	s0 =	sld [smem:$0x3F8E];
	_ =	swait.ge [sflag:s4], $0x0  }
0x19: {  	s7 =	sld [smem:$0x3F8F]  }
0x1a: {  	s8 =	sadd.s32 $0xFFFFE003, lr  }
0x1b: {  	s9 =	sadd.s32 $0xFFFFFEF7, lr;
	s5 =	simm.s32 $0xFFFFFFFF;
	p2 =	slt.u32 s8, $0xFFFFF086  }
0x1c: {  	p1 =	slt.u32 s9, $0xF7A;
	s5 =	simm.s32 @!p2 $0x0  }
0x1d: {  	s5 =	simm.s32 @p1 $0x1;
	p0 =	seq.s32 s7, s2  }
0x1e: {  	s7 =	smul.u32 @!p0 $0xF7A, s2;
	p2 =	seq.s32 @!p0 s5, $0x0  }
0x1f: {  	s9 =	smul.u32 $0xF7A, s1;
	s8 =	simm.s32 @!p0 $0x1BF5;
	p2 =	por !p2, p0  }
0x20: {  	[sflag:s8] =	ssyncset.s32 @!p0 $0xFFFFF086;
	s6 =	sadd.s32 @!p0 s3, s7;
	s7 =	simm.s32 @!p0 $0x108  }
0x21: {  	s3 =	sadd.s32 s3, s9;
	s6 =	sadd.s32 @!p0 $0x88, s6;
	s7 =	simm.s32 @p2 $0x1082  }
0x22: {  	[simem:s7], [sflag:s8] =	dma.local @!p0 [hbm:s6], $0xF7A  }
0x23: {  	s9 =	sor.u32 $0xD0000000, s2;
	s6 =	simm.s32 $0x108;
	_ =	swait.ge @!p0 [sflag:s8], $0x0  }
0x24: {  	s3 =	sadd.s32 $0x88, s3;
	s6 =	simm.s32 @!p1 $0x1082;
	[sflag:s4] =	ssyncset.s32 $0xFFFFF086  }
0x25: {  	[simem:s6], [sflag:s4] =	dma.local [hbm:s3], $0xF7A  }
0x26: {  	[smem:$0x3F8F] =	sst s1;
	(tag) =	ssettag s2;
	_ =	strace s9  }
0x27: {  	s1 =	sld [smem:$0x3F9F]  }
0x28: {  	s2 =	sld [smem:$0x3FA0]  }
0x29: {  	s4 =	sld [smem:$0x3FA2]  }
0x2a: {  	p0 =	seq.s32 s5, $0x0;
	s5 =	sld [smem:$0x3FA3]  }
0x2b: {  	s6 =	sld [smem:$0x3FA4]  }
0x2c: {  	s7 =	sld [smem:$0x3FA5]  }
0x2d: {  	s3 =	simm.s32 $0x108;
	s8 =	sld [smem:$0x3FA6]  }
0x2e: {  	s3 =	simm.s32 @!p0 $0x1082;
	s9 =	sld [smem:$0x3FA7]  }
0x2f: {  	lr =	sadd.s32 s0, s3;
	s0 =	sld [smem:$0x3F9E]  }
0x30: {  	s3 =	sld [smem:$0x3FA1]  }
0x31: {  	[smem:$0x3FAA] =	sst s10  }
0x32: {  	s10 =	sld [smem:$0x3FA8];
	_ =	sdelay $0x3  }
0x33: {  	p0 =	seq.s32 s10, $0x1;
	s10 =	sld [smem:$0x3FAA];
	_ =	sdelay $0x3  }
0x34: {  	[smem:$0x3FAA] =	sst s10  }
0x35: {  	s10 =	sld [smem:$0x3FA9];
	_ =	sdelay $0x3  }
0x36: {  	p1 =	seq.s32 s10, $0x1;
	s10 =	sld [smem:$0x3FAA];
	_ =	sdelay $0x3  }
0x37: {  	[smem:$0x3FAA] =	sst s10  }
0x38: {  	s10 =	sld [smem:$0x3FAB]  }
0x39: {  	_ = 	snop;
	(pc) =	sbr.ind lr, $3  }
0x3a: {  	_ = 	snop  }
0x3b: {  	_ = 	snop  }
0x3c: {  	p2 =	seq.s32 s10, $0x1;
	s10 =	sld [smem:$0x3FAA]  }
0x3d: {  	_ =	shalt  }
0x3e: {  	_ =	shalt  }
0x3f: {  	_ =	shalt  }
0x40: {  	_ =	shalt  }
0x41: {  	_ =	shalt  }
0x42: {  	_ =	shalt  }
0x43: {  	_ =	shalt  }
0x44: {  	_ =	shalt  }
0x45: {  	_ =	shalt  }
0x46: {  	_ =	shalt  }
0x47: {  	_ =	shalt  }
0x48: {  	_ =	shalt  }
0x49: {  	_ =	shalt  }
0x4a: {  	_ =	shalt  }
0x4b: {  	_ =	shalt  }
0x4c: {  	_ =	shalt  }
0x4d: {  	_ =	shalt  }
0x4e: {  	_ =	shalt  }
0x4f: {  	_ =	shalt  }
0x50: {  	_ =	shalt  }
0x51: {  	_ =	shalt  }
0x52: {  	_ =	shalt  }
0x53: {  	_ =	shalt  }
0x54: {  	_ =	shalt  }
0x55: {  	_ =	shalt  }
0x56: {  	_ =	shalt  }
0x57: {  	_ =	shalt  }
0x58: {  	_ =	shalt  }
0x59: {  	_ =	shalt  }
0x5a: {  	_ =	shalt  }
0x5b: {  	_ =	shalt  }
0x5c: {  	_ =	shalt  }
0x5d: {  	_ =	shalt  }
0x5e: {  	_ =	shalt  }
0x5f: {  	_ =	shalt  }
0x60: {  	_ =	shalt  }
0x61: {  	_ =	shalt  }
0x62: {  	_ =	shalt  }
0x63: {  	_ =	shalt  }
0x64: {  	_ =	shalt  }
0x65: {  	_ =	shalt  }
0x66: {  	_ =	shalt  }
0x67: {  	_ =	shalt  }
0x68: {  	_ =	shalt  }
0x69: {  	_ =	shalt  }
0x6a: {  	_ =	shalt  }
0x6b: {  	_ =	shalt  }
0x6c: {  	_ =	shalt  }
0x6d: {  	_ =	shalt  }
0x6e: {  	_ =	shalt  }
0x6f: {  	_ =	shalt  }
0x70: {  	_ =	shalt  }
0x71: {  	_ =	shalt  }
0x72: {  	_ =	shalt  }
0x73: {  	_ =	shalt  }
0x74: {  	_ =	shalt  }
0x75: {  	_ =	shalt  }
0x76: {  	_ =	shalt  }
0x77: {  	_ =	shalt  }
0x78: {  	_ =	shalt  }
0x79: {  	_ =	shalt  }
0x7a: {  	_ =	shalt  }
0x7b: {  	_ =	shalt  }
0x7c: {  	_ =	shalt  }
0x7d: {  	_ =	shalt  }
0x7e: {  	_ =	shalt  }
0x7f: {  	_ =	shalt  }
0x80: {  	_ =	shalt  }
0x81: {  	_ =	shalt  }
0x82: {  	_ =	shalt  }
0x83: {  	_ =	shalt  }
0x84: {  	_ =	shalt  }
0x85: {  	_ =	shalt  }
0x86: {  	_ =	shalt  }
0x87: {  	_ =	shalt  }
.Lfunc_end0:
.L_simem_size_0:
called_computation.3_lowered:
.L_overlay_start_0:
0x88: {  	s2 =	sld [smem:$0x3FD9]  }
0x89: {  	s3 =	sld [smem:$0x3FFE];
	_ =	sdelay $0x1  }
0x8a: {  	s1 =	srdreg.scid  }
0x8b: {  	s0 =	sand.u32 $0x1, s1  }
0x8c: {  	s16 =	sshll.u32 s0, $0xA;
	s2 =	sadd.s32 s3, s2  }
0x8d: {  	s2 =	sadd.s32 s2, s16  }
0x8e: {  	[smem:$0x3FB6] =	sst s2  }
0x8f: {  	_ = 	snop  }
0x90: {  	(tm) =	ssettm $0x1  }
0x91: {  	s17 =	sld [smem:$0x3FFB];
	_ =	sdelay $0x3  }
0x92: {  	_ =	strace s17  }
0x93: {  	s2 =	sld [smem:$0x3FFC];
	_ =	sdelay $0x3  }
0x94: {  	_ =	strace s2  }
0x95: {  	s2 =	sld [smem:$0x3FFD];
	_ =	sdelay $0x3  }
0x96: {  	_ =	strace s2  }
0x97: {  	_ =	strace $0x8FFFFFFF  }
0x98: {  	s18 =	sld [smem:$0x3FDB];
	_ =	sdelay $0x1  }
0x99: {  	s19 =	simm.s32 $_scs_section_size  }
0x9a: {  	s4 =	simm.s32 $_size__tile_overlayer_lowered;
	s5 =	simm.s32 $_tile_overlayer_lowered  }
0x9b: {  	s22 =	simm.s32 $0x1BFF;
	s21 =	sshll.u32 s5, $0x1;
	s2 =	sadd.s32 s19, s18  }
0x9c: {  	s6 =	simm.s32 $0x0;
	s20 =	sshll.u32 s4, $0x1;
	s4 =	sadd.s32 s21, s2  }
0x9d: {  	[timem:s6], [sflag:s22] =	dma.local [hbm:s4], s20  }
0x9e: {  	_ =	swait.ge [sflag:s22], s20  }
0x9f: {  	s3 =	ssub.s32 $0x0, s20;
	[sflag:s22] =	ssyncset.done $0x0  }
0xa0: {  	[sflag:s22] =	ssyncadd.s32 s3;
	_ =	sdelay $0x1  }
0xa1: {  	s23 =	simm.s32 $0x1B8B  }
0xa2: {  	_ =	swait.ge [sflag:s23], $0x1  }
0xa3: {  	[sflag:s23] =	ssyncset.done $0x0  }
0xa4: {  	s25 =	simm.s32 $0x1B8E;
	s24 =	sld [smem:$0x3FFE];
	[sflag:s23] =	ssyncadd.s32 $0xFFFFFFFF  }
0xa5: {  	s26 =	simm.s32 $execute0_lowered;
	[smem:$0x3FD2] =	sst s25  }
0xa6: {  	s4 =	sshll.u32 s26, $0x1;
	_ =	strace $0x8000004F;
	[dreg:$0x1] =	wrdreg $0xFFFFFFFF  }
0xa7: {  	s28 =	simm.s32 $_size_execute0_lowered;
	s2 =	sadd.s32 s2, s4;
	[dreg:$0x0] =	wrdreg $0x0  }
0xa8: {  	s4 =	sshll.u32 s28, $0x1;
	[dreg:$0x2] =	wrdreg s2  }
0xa9: {  	[dreg:$0x3] =	wrdreg s4  }
0xaa: {  	[dreg:$0x4] =	wrdreg $0xC0  }
0xab: {  	_ =	task [dreg:s6], $0x5FFFF  }
0xac: {  	[dreg:$0x1] =	wrdreg $0xFFFFFFFF  }
0xad: {  	[dreg:$0x0] =	wrdreg $0x60  }
0xae: {  	[dreg:$0x2] =	wrdreg s24  }
0xaf: {  	[dreg:$0x3] =	wrdreg $0x59000  }
0xb0: {  	[dreg:$0x4] =	wrdreg $0x9  }
0xb1: {  	_ =	task.clear_ibuf [dreg:s6], $0x5FFFF;
	_ =	strace $0x9000004F  }
0xb2: {  	s29 =	simm.s32 $0x9;
	_ =	strace $0x80000051  }
0xb3: {  	_ =	swait.ge [sflag:s29], $0x1  }
0xb4: {  	[sflag:s29] =	ssyncadd.s32 $0xFFFFFFFF  }
0xb5: {  	_ =	strace $0x90000051  }
0xb6: {  	_ =	sfence  }
0xb7: {  	s30 =	sld [smem:$0x0];
	_ =	sdelay $0x2  }
0xb8: {  	s31 =	sshll.u32 s1, $0xD;
	s1 =	sshrl.u32 s1, $0x2  }
0xb9: {  	s3 =	sand.u32 $0x4000, s31;
	s1 =	sadd.s32 s1, s30  }
0xba: {  	s0 =	sor.u32 s3, s0;
	s1 =	sshll.u32 s1, $0x11  }
0xbb: {  	s0 =	sor.u32 s1, s0  }
0xbc: {  	s0 =	sadd.s32 $0x8F2B, s0  }
0xbd: {  	[sflag:s0] =	ssyncadd.remote.s32 $0x1  }
0xbe: {  	_ =	sfence.sel $0xFFFF  }
0xbf: {  	[dreg:$0x0] =	wrdreg $0xFFFFFFFF;
	(pc) =	sbr.abs _section_cstart, $3  }
0xc0: {  	[dreg:$0x1] =	wrdreg $0xFFFFFFFF  }
0xc1: {  	_ =	task.clear_ibuf [dreg:s6], $0x2FFFF;
	_ =	strace $0x9FFFFFFF  }
0xc2: {  	(tm) =	ssettm $0x7FFFFFFF  }
0xc3: {  	_ =	shalt  }
tec
execute0_lowered:
.L_overlay_start_1:
0x0: {  	(tag) =	ssettag $0x1  }
0x1: {  	s8 =	rddreg [dreg:$0x0]  }
0x2: {  	s2 =	rddreg [dreg:$0x1]  }
0x3: {  	s0 =	rddreg [dreg:$0x2]  }
0x4: {  	s3 =	simm.s32 $0x0;
	s4 =	srdreg.scid;
	s1 =	stileid.u32  }
0x5: {  	s19 =	simm.s32 $0x1;
	s20 =	simm.s32 $0x80;
	s21 =	simm.s32 $0x100  }
0x6: {  	[smem:$0x7FF] =	sst s3;
	s16 =	sand.u32 $0x1, s4;
	s9 =	smul.u32 $0x3200, s1  }
0x7: {  	s4 =	sadd.s32 $0x196600, s8;
	s5 =	sadd.s32 $0xFA200, s8;
	s11 =	smul.u32 $0x64000, s1  }
0x8: {  	s6 =	sadd.s32 $0xE6800, s8;
	s7 =	sadd.s32 $0x19400, s8;
	s13 =	smul.u32 $0x9C, s1  }
0x9: {  	s14 =	smin.u32 s1, $0x4;
	p0 =	slt.u32 s1, $0x4;
	s10 =	smul.u32 $0x32000, s16  }
0xa: {  	_ =	strace $0x80000050;
	s12 =	ssub.s32 $0x2, s16;
	s15 =	smul.u32 $0x9C4, s16  }
0xb: {  	s31 =	sshrl.u32 s12, $0x1;
	s11 =	sshrl.u32 s11, $0x2;
	s13 =	sadd.s32 s14, s13  }
.Ltmp0:
0xc: {  	s14 =	simm.s32 $0x9D;
	s9 =	sadd.s32 s9, s10;
	(pc) =	sbr.rel .LBB2_1-.Ltmp0, $4  }
0xd: {  	s18 =	ssub.s32 s12, s31;
	s17 =	sadd.s32 s9, s8;
	s8 =	sadd.s32 s11, s2  }
0xe: {  	s14 =	simm.s32 @!p0 $0x9C;
	p0 =	seq.s32 s16, $0x1;
	s9 =	sadd.s32 $0x5000, s8  }
0xf: {  	s10 =	sadd.s32 $0xA000, s8;
	s11 =	sadd.s32 $0xF000, s8;
	s12 =	sadd.s32 $0x14000, s8  }
0x10: {  	v0 =	vimm.f32 $0.0e+00;
	vm0 =	vmmov $0xff;
	s16 =	sadd.s32 $0x1F8200, s17;
	s17 =	smax.u32 s18, $0x1;
	s18 =	simm.s32 $0x900  }
.LBB2_12:
0x11: {  	s3 =	sadd.s32 $0x1, s3  }
0x12: {  	s22 =	sshll.u32 s1, $0x6;
	[bflag:$0x0] =	sbarrier.arrive $0xFFFF;
	p1 =	sne.s32 s3, s17  }
.Ltmp1:
0x13: {  	s23 =	sshrl.u32 s8, $0x3;
	s22 =	sor.u32 $0x1C01, s22;
	(pc) =	sbr.rel @!p1 .LBB2_13-.Ltmp1, $4  }
0x14: {  	[hbm:s16], [sflag:s22] =	dma.local [spmem:s23], $0x3200  }
0x15: {  	_ =	swait.ge [sflag:s19], $0x3200  }
0x16: {  	[sflag:s19] =	ssyncset.done $0x0  }
0x17: {  	[sflag:s19] =	ssyncadd.s32 $0xFFFFCE00  }
.LBB2_1:
0x18: {  	s22 =	simm.s32 $0x0;
	s23 =	simm.s32 $0x280  }
.LBB2_2:
0x19: {  	p1 =	sne.s32 s23, $0x13D80;
	[tilespmem:s22+$0x990] =	vst v0  }
0x1a: {  	[tilespmem:s22+$0x900] =	vst v0  }
0x1b: {  	[tilespmem:s22+$0x910] =	vst v0  }
0x1c: {  	[tilespmem:s22+$0x920] =	vst v0  }
0x1d: {  	[tilespmem:s22+$0x930] =	vst v0  }
.Ltmp2:
0x1e: {  	[tilespmem:s22+$0x940] =	vst v0;
	(pc) =	sbr.rel @p1 .LBB2_2-.Ltmp2, $4  }
0x1f: {  	[tilespmem:s22+$0x950] =	vst v0  }
0x20: {  	[tilespmem:s22+$0x960] =	vst v0  }
0x21: {  	[tilespmem:s22+$0x970] =	vst v0  }
0x22: {  	[tilespmem:s22+$0x980] =	vst v0;
	s22 =	sshra.s32 s23, $0x2;
	s23 =	sadd.s32 $0x280, s23  }
0x23: {  	[tilespmem:s22+$0x990] =	vst v0  }
0x24: {  	[tilespmem:s22+$0x900] =	vst v0  }
0x25: {  	[tilespmem:s22+$0x910] =	vst v0  }
0x26: {  	[tilespmem:s22+$0x920] =	vst v0  }
0x27: {  	[tilespmem:s22+$0x930] =	vst v0  }
0x28: {  	[tilespmem:s22+$0x940] =	vst v0  }
0x29: {  	[tilespmem:s22+$0x950] =	vst v0  }
0x2a: {  	[tilespmem:s22+$0x960] =	vst v0  }
0x2b: {  	[tilespmem:s22+$0x970] =	vst v0  }
0x2c: {  	[tilespmem:s22+$0x980] =	vst v0  }
0x2d: {  	[spmem:s8] =	stream.linear.scatter [tilespmem:s18], [sflag:$0x1], $0x5000, $0x38;
	[tilespmem:$0x1E900] =	vst v63  }
0x2e: {  	_ =	swait.ge [sflag:s19], $0x5000  }
0x2f: {  	[sflag:s19] =	ssyncset.done $0x0  }
0x30: {  	[sflag:s19] =	ssyncadd.s32 $0xFFFFB000  }
0x31: {  	[spmem:s9] =	stream.linear.scatter [tilespmem:s18], [sflag:$0x1], $0x5000, $0x38;
	[tilespmem:$0x1E900] =	vst v63  }
0x32: {  	_ =	swait.ge [sflag:s19], $0x5000  }
0x33: {  	[sflag:s19] =	ssyncset.done $0x0  }
0x34: {  	[sflag:s19] =	ssyncadd.s32 $0xFFFFB000  }
0x35: {  	[spmem:s10] =	stream.linear.scatter [tilespmem:s18], [sflag:$0x1], $0x5000, $0x38;
	[tilespmem:$0x1E900] =	vst v63  }
0x36: {  	_ =	swait.ge [sflag:s19], $0x5000  }
0x37: {  	[sflag:s19] =	ssyncset.done $0x0  }
0x38: {  	[sflag:s19] =	ssyncadd.s32 $0xFFFFB000  }
0x39: {  	[spmem:s11] =	stream.linear.scatter [tilespmem:s18], [sflag:$0x1], $0x5000, $0x38;
	[tilespmem:$0x1E900] =	vst v63  }
0x3a: {  	_ =	swait.ge [sflag:s19], $0x5000  }
0x3b: {  	[sflag:s19] =	ssyncset.done $0x0  }
0x3c: {  	[sflag:s19] =	ssyncadd.s32 $0xFFFFB000  }
0x3d: {  	[spmem:s12] =	stream.linear.scatter [tilespmem:s18], [sflag:$0x1], $0x5000, $0x38;
	[tilespmem:$0x1E900] =	vst v63  }
.Ltmp3:
0x3e: {  	_ =	swait.ge [sflag:s19], $0x5000;
	(pc) =	sbr.rel .LBB2_4-.Ltmp3, $4  }
0x3f: {  	[sflag:s19] =	ssyncset.done $0x0  }
0x40: {  	[sflag:s19] =	ssyncadd.s32 $0xFFFFB000  }
0x41: {  	[bflag:$0x0] =	sbarrier.arrive $0xFFFF  }
0x42: {  	s22 =	simm.s32 $0x0;
	s23 =	simm.s32 $0x0  }
.LBB2_7:
0x43: {  	[tilespmem:s24+$0x40] =	vst v11  }
0x44: {  	[tilespmem:s24+$0xFFFFFFC0] =	vst v9  }
0x45: {  	[tilespmem:s24+$0x30] =	vst v10  }
0x46: {  	v3 =	vmul.f32 v3, v2;
	[tilespmem:s24+$0x10] =	vst v7  }
0x47: {  	v4 =	vmul.f32 v6, v4;
	[tilespmem:s24+$0xFFFFFFD0] =	vst v8  }
0x48: {  	v1 =	vmul.f32 v1, v2;
	[tilespmem:s24+$0xFFFFFFE0] =	vst v3  }
0x49: {  	v2 =	vmul.f32 v5, v12;
	[tilespmem:s24+$0x0] =	vst v4  }
0x4a: {  	[tilespmem:s24+$0xFFFFFFF0] =	vst v1  }
0x4b: {  	[tilespmem:s24+$0x20] =	vst v2  }
.LBB2_11:
0x4c: {  	s23 =	sadd.s32 $0x1, s23  }
0x4d: {  	p1 =	sne.s32 s23, s14  }
.Ltmp4:
0x4e: {  	_ = 	snop;
	(pc) =	sbr.rel @!p1 .LBB2_12-.Ltmp4, $4  }
0x4f: {  	[spmem:s2] =	stream.indirect.scatter.add.f32 [tilespmem:s18], [sflag:$0x1], $0xA0, s20, s20, $0xb8;
	[tilespmem:$0x1E900] =	vst v63  }
0x50: {  	_ =	swait.ge [sflag:s19], $0x5000  }
0x51: {  	[sflag:s19] =	ssyncset.done $0x0  }
0x52: {  	[sflag:s19] =	ssyncadd.s32 $0xFFFFB000  }
.LBB2_4:
0x53: {  	s24 =	sadd.s32 s23, s13  }
0x54: {  	s25 =	sadd.s32 s15, s24  }
0x55: {  	s25 =	sshll.u32 s25, $0x4  }
0x56: {  	s25 =	sand.u32 $0x1FFFFFF0, s25  }
0x57: {  	s25 =	sadd.s32 s6, s25  }
0x58: {  	[tilespmem:s22], [sflag:$0x1] =	stream.linear.gather [hbm4b:s25+s22], $0x80, $0x38;
	[tilespmem:$0x1E900] =	vst v63  }
0x59: {  	_ =	swait.ge [sflag:s19], $0x80  }
0x5a: {  	s31 =	sshll.u32 s24, $0x4;
	[sflag:s19] =	ssyncset.done $0x0  }
0x5b: {  	s25 =	sadd.s32 s7, s31;
	[sflag:s19] =	ssyncadd.s32 $0xFFFFFF80  }
0x5c: {  	[tilespmem:s20], [sflag:$0x1] =	stream.linear.gather [hbm4b:s25+s22], $0x80, $0x38;
	[tilespmem:$0x1E900] =	vst v63  }
0x5d: {  	_ =	swait.ge [sflag:s19], $0x80  }
0x5e: {  	s24 =	sshll.u32 s24, $0x8;
	[sflag:s19] =	ssyncset.done $0x0  }
0x5f: {  	s24 =	sadd.s32 s5, s24;
	[sflag:s19] =	ssyncadd.s32 $0xFFFFFF80  }
0x60: {  	[tilespmem:s21], [sflag:$0x1] =	stream.linear.gather [hbm4b:s24+s22], $0x800, $0x38;
	[tilespmem:$0x1E900] =	vst v63  }
0x61: {  	_ =	swait.ge [sflag:s19], $0x800  }
0x62: {  	[sflag:s19] =	ssyncset.done $0x0  }
.Ltmp5:
0x63: {  	[sflag:s19] =	ssyncadd.s32 $0xFFFFF800;
	(pc) =	sbr.rel @!p0 .LBB2_5-.Ltmp5, $4  }
0x64: {  	[tilespmem:s18], [sflag:$0x1] =	stream.indirect.gather [hbm4b:s4+s20], $0xA0, s22, s20, $0xb8;
	[tilespmem:$0x1E900] =	vst v63  }
0x65: {  	_ =	swait.ge [sflag:s19], $0x5000  }
0x66: {  	[sflag:s19] =	ssyncset.done $0x0  }
0x67: {  	s24 =	simm.s32 $0x950;
	[sflag:s19] =	ssyncadd.s32 $0xFFFFB000  }
0x68: {  	v6 =	vld [tilespmem:s24+$0x40]  }
0x69: {  	v5 =	vld [tilespmem:s24+$0xFFFFFFB0];
	s25 =	simm.s32 $0x0  }
0x6a: {  	v3 =	vld [tilespmem:s25+$0x100]  }
0x6b: {  	v10 =	vld [tilespmem:s24+$0x30]  }
0x6c: {  	v7 =	vld [tilespmem:s24+$0xFFFFFFC0]  }
0x6d: {  	v8 =	vld [tilespmem:s24+$0x10]  }
0x6e: {  	v12 =	vld [tilespmem:s24+$0xFFFFFFD0]  }
0x6f: {  	v1 =	vld [tilespmem:s24+$0xFFFFFFF0];
	v11 =	vbroadcast v3, $0x4;
	v13 =	vbroadcast v3, $0x7  }
0x70: {  	v2 =	vbroadcast v3, $0x5;
	v4 =	vbroadcast v3, $0x6;
	v3 =	vld [tilespmem:s24+$0xFFFFFFE0]  }
0x71: {  	v14 =	vmul.f32 v11, v5;
	v5 =	vld [tilespmem:s24+$0x20]  }
0x72: {  	v9 =	vmul.f32 v7, v11;
	v15 =	vsel vm0, v11, v2;
	v11 =	vmul.f32 v6, v13;
	v6 =	vld [tilespmem:s24+$0x0]  }
0x73: {  	v7 =	vmul.f32 v8, v4  }
0x74: {  	s26 =	simm.s32 $0x950;
	s25 =	simm.s32 $0x40;
	v10 =	vmul.f32 v10, v13;
	v8 =	vmul.f32 v12, v15;
	v12 =	vsel vm0, v4, v13;
	[tilespmem:s24+$0xFFFFFFB0] =	vst v14  }
.LBB2_9:
0x75: {  	p1 =	sne.s32 s25, $0x1FC0  }
0x76: {  	v3 =	vmul.f32 v3, v2;
	v5 =	vmul.f32 v5, v12;
	[tilespmem:s24+$0x40] =	vst v11;
	s26 =	sadd.s32 $0xA0, s26;
	s28 =	smov.u32 s25;
	s25 =	sadd.s32 $0x40, s25  }
0x77: {  	v2 =	vmul.f32 v1, v2;
	[tilespmem:s24+$0xFFFFFFC0] =	vst v9;
	v4 =	vmul.f32 v6, v4  }
0x78: {  	[tilespmem:s24+$0x30] =	vst v10  }
0x79: {  	[tilespmem:s24+$0x10] =	vst v7  }
0x7a: {  	[tilespmem:s24+$0xFFFFFFE0] =	vst v3  }
0x7b: {  	v1 =	vld [tilespmem:s26+$0xFFFFFFF0];
	[tilespmem:s24+$0xFFFFFFD0] =	vst v8  }
0x7c: {  	v8 =	vld [tilespmem:s26+$0x40];
	[tilespmem:s24+$0x0] =	vst v4  }
0x7d: {  	v7 =	vld [tilespmem:s26+$0xFFFFFFB0];
	[tilespmem:s24+$0xFFFFFFF0] =	vst v2  }
0x7e: {  	s28 =	sshra.s32 s28, $0x2;
	v10 =	vld [tilespmem:s26+$0x30];
	[tilespmem:s24+$0x20] =	vst v5;
	s24 =	smov.u32 s26  }
0x7f: {  	v4 =	vld [tilespmem:s28+$0x100]  }
0x80: {  	v3 =	vld [tilespmem:s26+$0xFFFFFFE0]  }
0x81: {  	v9 =	vld [tilespmem:s26+$0xFFFFFFC0]  }
0x82: {  	v11 =	vld [tilespmem:s26+$0x10]  }
0x83: {  	v12 =	vld [tilespmem:s26+$0xFFFFFFD0]  }
.Ltmp6:
0x84: {  	v13 =	vbroadcast v4, $0x4;
	v14 =	vbroadcast v4, $0x7;
	v5 =	vld [tilespmem:s26+$0x20];
	(pc) =	sbr.rel @p1 .LBB2_9-.Ltmp6, $4  }
0x85: {  	v2 =	vbroadcast v4, $0x5;
	v4 =	vbroadcast v4, $0x6;
	v6 =	vld [tilespmem:s26+$0x0]  }
0x86: {  	v15 =	vmul.f32 v13, v7;
	v9 =	vmul.f32 v9, v13  }
0x87: {  	v13 =	vsel vm0, v13, v2;
	v7 =	vmul.f32 v11, v4;
	v11 =	vmul.f32 v8, v14  }
0x88: {  	v10 =	vmul.f32 v10, v14;
	[tilespmem:s26+$0xFFFFFFB0] =	vst v15;
	v8 =	vmul.f32 v12, v13;
	v12 =	vsel vm0, v4, v14  }
0x89: {  	[tilespmem:s24+$0x40] =	vst v11  }
0x8a: {  	[tilespmem:s24+$0xFFFFFFC0] =	vst v9  }
0x8b: {  	[tilespmem:s24+$0x10] =	vst v7  }
0x8c: {  	v3 =	vmul.f32 v3, v2;
	[tilespmem:s24+$0x30] =	vst v10  }
.Ltmp7:
0x8d: {  	v1 =	vmul.f32 v1, v2;
	[tilespmem:s24+$0xFFFFFFD0] =	vst v8;
	(pc) =	sbr.rel .LBB2_11-.Ltmp7, $4  }
0x8e: {  	v2 =	vmul.f32 v5, v12;
	[tilespmem:s24+$0xFFFFFFE0] =	vst v3  }
0x8f: {  	v4 =	vmul.f32 v6, v4;
	[tilespmem:s24+$0xFFFFFFF0] =	vst v1  }
0x90: {  	[tilespmem:s24+$0x20] =	vst v2  }
0x91: {  	[tilespmem:s24+$0x0] =	vst v4  }
.LBB2_5:
0x92: {  	v6 =	vld [tilespmem:s24+$0x40]  }
0x93: {  	v5 =	vld [tilespmem:s24+$0xFFFFFFB0];
	s25 =	simm.s32 $0x0  }
0x94: {  	v3 =	vld [tilespmem:s25+$0x100]  }
0x95: {  	v10 =	vld [tilespmem:s24+$0x30]  }
0x96: {  	v7 =	vld [tilespmem:s24+$0xFFFFFFC0]  }
0x97: {  	v8 =	vld [tilespmem:s24+$0x10]  }
0x98: {  	v12 =	vld [tilespmem:s24+$0xFFFFFFD0]  }
0x99: {  	v1 =	vld [tilespmem:s24+$0xFFFFFFF0];
	v11 =	vbroadcast v3, $0x0;
	v13 =	vbroadcast v3, $0x3  }
0x9a: {  	v2 =	vbroadcast v3, $0x1;
	v4 =	vbroadcast v3, $0x2;
	v3 =	vld [tilespmem:s24+$0xFFFFFFE0]  }
0x9b: {  	v14 =	vmul.f32 v11, v5;
	v5 =	vld [tilespmem:s24+$0x20]  }
0x9c: {  	v9 =	vmul.f32 v7, v11;
	v15 =	vsel vm0, v11, v2;
	v11 =	vmul.f32 v6, v13;
	v6 =	vld [tilespmem:s24+$0x0]  }
0x9d: {  	v7 =	vmul.f32 v8, v4  }
0x9e: {  	s26 =	simm.s32 $0x950;
	s25 =	simm.s32 $0x40;
	v10 =	vmul.f32 v10, v13;
	v8 =	vmul.f32 v12, v15;
	v12 =	vsel vm0, v4, v13;
	[tilespmem:s24+$0xFFFFFFB0] =	vst v14  }
.LBB2_6:
0x9f: {  	p1 =	seq.s32 s25, $0x1FC0  }
0xa0: {  	v3 =	vmul.f32 v3, v2;
	v5 =	vmul.f32 v5, v12;
	[tilespmem:s24+$0x40] =	vst v11;
	s26 =	sadd.s32 $0xA0, s26;
	s28 =	smov.u32 s25;
	s25 =	sadd.s32 $0x40, s25  }
0xa1: {  	v2 =	vmul.f32 v1, v2;
	v4 =	vmul.f32 v6, v4;
	[tilespmem:s24+$0xFFFFFFC0] =	vst v9  }
0xa2: {  	[tilespmem:s24+$0x30] =	vst v10  }
0xa3: {  	[tilespmem:s24+$0x10] =	vst v7  }
0xa4: {  	[tilespmem:s24+$0xFFFFFFE0] =	vst v3  }
0xa5: {  	v1 =	vld [tilespmem:s26+$0xFFFFFFF0];
	[tilespmem:s24+$0xFFFFFFD0] =	vst v8  }
0xa6: {  	v8 =	vld [tilespmem:s26+$0x40];
	[tilespmem:s24+$0x0] =	vst v4  }
0xa7: {  	v7 =	vld [tilespmem:s26+$0xFFFFFFB0];
	[tilespmem:s24+$0xFFFFFFF0] =	vst v2  }
0xa8: {  	s28 =	sshra.s32 s28, $0x2;
	v10 =	vld [tilespmem:s26+$0x30];
	[tilespmem:s24+$0x20] =	vst v5;
	s24 =	smov.u32 s26  }
0xa9: {  	v4 =	vld [tilespmem:s28+$0x100]  }
0xaa: {  	v3 =	vld [tilespmem:s26+$0xFFFFFFE0]  }
0xab: {  	v9 =	vld [tilespmem:s26+$0xFFFFFFC0]  }
0xac: {  	v11 =	vld [tilespmem:s26+$0x10]  }
0xad: {  	v12 =	vld [tilespmem:s26+$0xFFFFFFD0]  }
.Ltmp8:
0xae: {  	v13 =	vbroadcast v4, $0x0;
	v14 =	vbroadcast v4, $0x3;
	v5 =	vld [tilespmem:s26+$0x20];
	(pc) =	sbr.rel @!p1 .LBB2_6-.Ltmp8, $4  }
0xaf: {  	v2 =	vbroadcast v4, $0x1;
	v4 =	vbroadcast v4, $0x2;
	v6 =	vld [tilespmem:s26+$0x0]  }
0xb0: {  	v15 =	vmul.f32 v13, v7;
	v9 =	vmul.f32 v9, v13  }
0xb1: {  	v13 =	vsel vm0, v13, v2;
	v7 =	vmul.f32 v11, v4;
	v11 =	vmul.f32 v8, v14  }
0xb2: {  	v10 =	vmul.f32 v10, v14;
	[tilespmem:s26+$0xFFFFFFB0] =	vst v15;
	v8 =	vmul.f32 v12, v13;
	v12 =	vsel vm0, v4, v14  }
.Ltmp9:
0xb3: {  	_ = 	snop;
	(pc) =	sbr.rel .LBB2_7-.Ltmp9, $1  }
0xb4: {  	_ =	sdelay $0x3  }
.LBB2_13:
0xb5: {  	_ =	sfence.sel $0x180000  }
0xb6: {  	[bflag:$0x0] =	sbarrier.arrive $0xFFFF  }
0xb7: {  	p0 =	sne.s32 s1, $0x0;
	_ =	strace $0x90000050  }
0xb8: {  	s0 =	sadd.s32 @!p0 $0x100000, s0;
	[bflag:$0x2] =	sbarrier.arrive $0xFFFF  }
0xb9: {  	[sflag:s0] =	ssyncadd.tile.s32 @!p0 $0x1;
	_ =	shalt  }
.Lfunc_end2:
_tile_overlayer_lowered:
.L_overlay_start_2:
0xba: {  	(tag) =	ssettag $0x2  }
0xbb: {  	s0 =	rddreg [dreg:$0x0];
	s2 =	stileid.u32  }
0xbc: {  	s1 =	rddreg [dreg:$0x1];
	p0 =	sne.s32 s2, $0x0  }
0xbd: {  	s3 =	rddreg [dreg:$0x2];
	[bflag:$0x3] =	sbarrier.arrive $0xFFFF;
	s2 =	simm.s32 @!p0 $0x1C01  }
0xbe: {  	[timem:s3], [sflag:s2] =	dma.local @!p0 [hbm:s0], s1  }
0xbf: {  	s0 =	simm.s32 @!p0 $0x1  }
0xc0: {  	_ =	swait.ge @!p0 [sflag:s0], s1  }
0xc1: {  	s1 =	ssub.s32 @!p0 $0x0, s1;
	[sflag:s0] =	ssyncset.done @!p0 $0x0  }
0xc2: {  	[sflag:s0] =	ssyncadd.s32 @!p0 s1  }
0xc3: {  	[bflag:$0x3] =	sbarrier.arrive $0xFFFF  }
0xc4: {  	_ =	shalt  }

</sc_bundles>
